<compile_context>
chip_gen: v7x
topology: tpu7x:2x2x1
jax: 0.10.2.dev20260603
libtpu: 0.0.44.dev20260713+nightly
codegen_flags: <defaults>
</compile_context>

<pallas_src>
import jax
import jax.numpy as jnp
from jax import lax
from jax.experimental import pallas as pl
from jax.experimental.pallas import tpu as pltpu
from jax.experimental.pallas import tpu_sc as plsc

_N = 131072
_NB = 36
_C = 8
_H = 65536
_V = _NB * _H
_VR = _V // 2
_OUT = 3 + _NB * _C

_NW = 32
_NPW = _N // _NW
_CH = 64
_NCH = _NPW // _CH


_PNB = 2048


def _prep_body(scales_ref, pts_ref, idx_ref, w1_ref):
    p3 = pts_ref[...]
    encs = []
    for f in range(6):
        s = scales_ref[f]
        fp = p3 * s
        encs.append(jnp.sin(fp))
        encs.append(jnp.cos(fp))
    enc = jnp.concatenate(encs, axis=0)
    iy = (enc + 1.0) * 32767.5
    iy0 = jnp.floor(iy)
    w1_ref[...] = iy - iy0
    i0 = jnp.clip(iy0, 0.0, 65535.0).astype(jnp.int32)
    boff = lax.broadcasted_iota(jnp.int32, (_NB, _PNB), 0) * _H
    idx_ref[...] = i0 + boff


def _prep(scales, points_t):
    return pl.pallas_call(
        _prep_body,
        grid=(_N // _PNB,),
        in_specs=[
            pl.BlockSpec(memory_space=pltpu.SMEM),
            pl.BlockSpec((3, _PNB), lambda i: (0, i)),
        ],
        out_specs=[
            pl.BlockSpec((_NB, _PNB), lambda i: (0, i)),
            pl.BlockSpec((_NB, _PNB), lambda i: (0, i)),
        ],
        out_shape=[
            jax.ShapeDtypeStruct((_NB, _N), jnp.int32),
            jax.ShapeDtypeStruct((_NB, _N), jnp.float32),
        ],
    )(scales, points_t)



_TW = 2048
_NU = _NB * (_H // _TW)
_UPW = _NU // _NW
_NWIN = _H // _TW
_TR = _TW // 2


def _tr_body(feat, table, xb, ob, isem, osem):
    wid = lax.axis_index("s") * 2 + lax.axis_index("c")
    iota = lax.iota(jnp.int32, 16)
    u0 = wid * _UPW
    lo8 = iota < 8
    cv8 = jnp.bitwise_and(iota, 7)

    def src(u):
        return feat.at[u // _NWIN, :, pl.ds((u % _NWIN) * _TW, _TW)]

    def srcx(u):
        return feat.at[u // _NWIN, :, pl.ds((u % _NWIN) * _TW + _TW, 2)]

    def dst(u):
        return table.at[pl.ds((u // _NWIN) * (_H // 2) + (u % _NWIN) * _TR, _TR), :]

    def fire_in(u, slot):
        pltpu.async_copy(src(u), xb.at[slot, :, pl.ds(0, _TW)], isem.at[slot])

        @pl.when(u % _NWIN < _NWIN - 1)
        def _x():
            pltpu.async_copy(srcx(u), xb.at[slot, :, pl.ds(_TW, 2)], isem.at[slot])

    def wait_in(u, slot):
        pltpu.make_async_copy(src(u), xb.at[slot, :, pl.ds(0, _TW)], isem.at[slot]).wait()

        @pl.when(u % _NWIN < _NWIN - 1)
        def _x():
            pltpu.make_async_copy(
                srcx(u), xb.at[slot, :, pl.ds(_TW, 2)], isem.at[slot]
            ).wait()

    fire_in(u0, 0)

    @pl.loop(0, _UPW)
    def _unit(j):
        u = u0 + j
        slot = lax.rem(j, 2)
        wait_in(u, slot)

        @pl.when(j + 1 < _UPW)
        def _next():
            fire_in(u + 1, 1 - slot)

        @pl.when(j >= 2)
        def _wo():
            pltpu.make_async_copy(ob.at[slot], dst(u), osem.at[slot]).wait()

        xf = xb.at[slot]
        of = ob.at[slot]

        @pl.when(u % _NWIN == _NWIN - 1)
        def _dup():
            v = plsc.load_gather(
                xf, [cv8, jnp.full((16,), _TW - 1, jnp.int32)], mask=lo8
            )
            plsc.store_scatter(xf, [cv8, jnp.full((16,), _TW, jnp.int32)], v, mask=lo8)
            plsc.store_scatter(
                xf, [cv8, jnp.full((16,), _TW + 1, jnp.int32)], v, mask=lo8
            )

        @pl.loop(0, _TR // 16)
        def _grp(eg):
            evec = iota + eg * 16
            col2 = evec * 2
            for t in range(4):
                for k in range(4):
                    va = plsc.load_gather(xf, [jnp.full((16,), 2 * k, jnp.int32), col2 + t])
                    vb = plsc.load_gather(
                        xf, [jnp.full((16,), 2 * k + 1, jnp.int32), col2 + t]
                    )
                    wd = plsc.bitcast(
                        plsc.pack(va, vb, format=plsc.PackFormat.INTERLEAVED), jnp.int32
                    )
                    plsc.store_scatter(
                        of, [evec, jnp.full((16,), t * 4 + k, jnp.int32)], wd
                    )

        pltpu.async_copy(ob.at[slot], dst(u), osem.at[slot])

    pltpu.make_async_copy(ob.at[0], dst(u0), osem.at[0]).wait()
    pltpu.make_async_copy(ob.at[1], dst(u0), osem.at[1]).wait()


def _table(feat):
    mesh = plsc.VectorSubcoreMesh(
        core_axis_name="c", subcore_axis_name="s", num_cores=2, num_subcores=16
    )
    return pl.kernel(
        _tr_body,
        out_type=jax.ShapeDtypeStruct((_VR, 16), jnp.int32),
        mesh=mesh,
        compiler_params=pltpu.CompilerParams(
            needs_layout_passes=False, use_tc_tiling_on_sc=False
        ),
        scratch_types=[
            pltpu.VMEM((2, _C, _TW + 2), jnp.float32),
            pltpu.VMEM((2, _TR, 16), jnp.int32),
            pltpu.SemaphoreType.DMA((2,)),
            pltpu.SemaphoreType.DMA((2,)),
        ],
    )(feat)




def _sc_body(table, idxT, w1T, pts, out, idxb, Ab, w1b, ptsb, R, O, isem, gsem, osem):
    wid = lax.axis_index("s") * 2 + lax.axis_index("c")
    base = wid * _NPW
    iota = lax.iota(jnp.int32, 16)

    def in_refs(j, s):
        n0 = base + j * _CH
        return (
            (idxT.at[:, pl.ds(n0, _CH)], idxb.at[s]),
            (w1T.at[:, pl.ds(n0, _CH)], w1b.at[s]),
            (pts.at[pl.ds(n0, _CH), :], ptsb.at[s]),
        )

    def fire_in(j, s):
        for src, dstb in in_refs(j, s):
            pltpu.async_copy(src, dstb, isem.at[s])

    def wait_in(j, s):
        for src, dstb in in_refs(j, s):
            pltpu.make_async_copy(src, dstb, isem.at[s]).wait()

    def derive_idx(s):
        @pl.loop(0, _NB)
        def _b(b):
            for qq in range(_CH // 16):
                g = idxb[s, b, pl.ds(qq * 16, 16)]
                Ab[s, b, pl.ds(qq * 16, 16)] = lax.shift_right_logical(g, 1)

    def fire_gathers(s):
        @pl.loop(0, _NB)
        def _f(b):
            pltpu.async_copy(table.at[Ab.at[s, b]], R.at[s, b], gsem.at[s])

    def wait_gathers(s):
        @pl.loop(0, _NB)
        def _d(b):
            pltpu.make_async_copy(table.at[Ab.at[s, b]], R.at[s, b], gsem.at[s]).wait()

    fire_in(0, 0)
    wait_in(0, 0)
    derive_idx(0)
    fire_gathers(0)
    fire_in(1, 1)

    @pl.loop(0, _NCH)
    def _chunk(j):
        s = lax.rem(j, 2)
        ns = 1 - s
        n0 = base + j * _CH
        wait_gathers(s)

        @pl.when(j + 1 < _NCH)
        def _pg():
            wait_in(j + 1, ns)
            derive_idx(ns)
            fire_gathers(ns)

        @pl.when(j >= 2)
        def _wo():
            pltpu.make_async_copy(O.at[s], out.at[pl.ds(n0, _CH), :], osem.at[s]).wait()

        for q in range(_CH // 16):
            prow = iota + q * 16
            for d in range(3):
                dd = jnp.full((16,), d, jnp.int32)
                v = plsc.load_gather(ptsb.at[s], [prow, dd])
                plsc.store_scatter(O.at[s], [prow, dd], v)

            @pl.loop(0, _NB)
            def _b(b):
                w1v = w1b[s, b, pl.ds(q * 16, 16)]
                g0v = idxb[s, b, pl.ds(q * 16, 16)]
                yv = ((g0v - b * _H).astype(jnp.float32) + w1v) * (1.0 / 32767.5) - 1.0
                par4 = lax.shift_left(jnp.bitwise_and(g0v, 1), 2)
                bs = jnp.full((16,), b, jnp.int32)
                for k in range(4):
                    w0 = plsc.load_gather(R.at[s], [bs, prow, par4 + k])
                    w1d = plsc.load_gather(R.at[s], [bs, prow, par4 + (k + 4)])
                    a0, b0 = plsc.unpack(
                        plsc.bitcast(w0, jnp.bfloat16), format=plsc.PackFormat.INTERLEAVED
                    )
                    a1, b1 = plsc.unpack(
                        plsc.bitcast(w1d, jnp.bfloat16), format=plsc.PackFormat.INTERLEAVED
                    )
                    a0 = a0.astype(jnp.float32)
                    b0 = b0.astype(jnp.float32)
                    a1 = a1.astype(jnp.float32)
                    b1 = b1.astype(jnp.float32)
                    oa = a0 + w1v * (a1 - a0) + yv
                    obv = b0 + w1v * (b1 - b0) + yv
                    ca = jnp.full((16,), 3 + (2 * k) * _NB, jnp.int32) + bs
                    cb = jnp.full((16,), 3 + (2 * k + 1) * _NB, jnp.int32) + bs
                    plsc.store_scatter(O.at[s], [prow, ca], oa)
                    plsc.store_scatter(O.at[s], [prow, cb], obv)

        pltpu.async_copy(O.at[s], out.at[pl.ds(n0, _CH), :], osem.at[s])

        @pl.when(j + 2 < _NCH)
        def _ni():
            fire_in(j + 2, s)

    pltpu.make_async_copy(O.at[0], out.at[pl.ds(base, _CH), :], osem.at[0]).wait()
    pltpu.make_async_copy(O.at[1], out.at[pl.ds(base, _CH), :], osem.at[1]).wait()


def _sc(table, idxT, w1T, pts):
    mesh = plsc.VectorSubcoreMesh(
        core_axis_name="c", subcore_axis_name="s", num_cores=2, num_subcores=16
    )
    return pl.kernel(
        _sc_body,
        out_type=jax.ShapeDtypeStruct((_N, _OUT), jnp.float32),
        mesh=mesh,
        compiler_params=pltpu.CompilerParams(
            needs_layout_passes=False, use_tc_tiling_on_sc=False
        ),
        scratch_types=[
            pltpu.VMEM((2, _NB, _CH), jnp.int32),
            pltpu.VMEM((2, _NB, _CH), jnp.int32),
            pltpu.VMEM((2, _NB, _CH), jnp.float32),
            pltpu.VMEM((2, _CH, 3), jnp.float32),
            pltpu.VMEM((2, _NB, _CH, 16), jnp.int32),
            pltpu.VMEM((2, _CH, _OUT), jnp.float32),
            pltpu.SemaphoreType.DMA((2,)),
            pltpu.SemaphoreType.DMA((2,)),
            pltpu.SemaphoreType.DMA((2,)),
        ],
    )(table, idxT, w1T, pts)


def kernel(points, features, scales):
    cv = features.reshape(_NB, _C, _H)
    table = _table(cv)
    idxT, w1T = _prep(scales, points.T)
    return _sc(table, idxT, w1T, points)

# --- scband reference (transcript-rebuilt; emitter-appended) ---
"""Pipeline reference for scband-freq-hash-o-8744553415211 (READ-ONLY COPY).

The authoritative reference and input builder live on the scoring server;
editing this copy changes nothing except your own understanding.
"""

import jax, jax.numpy as jnp
import numpy as np

X_DIM = 3
MIN_DEG = 0
MAX_DEG = 8
NUM_FREQS = 6
LOG2_RES = 16
NUM_FEATS = 8
STD = 0.1
N_POINTS = 131072


def setup_inputs(seed: int = 0) -> dict:
    key = jax.random.key(seed)
    k1, k2 = jax.random.split(key)
    points = jax.random.normal(k1, (N_POINTS, X_DIM), dtype=jnp.float32)
    res = 2 ** LOG2_RES
    features = jax.random.normal(k2, (NUM_FREQS * 2 * 3, NUM_FEATS, res, 1), dtype=jnp.float32) * STD
    scales = jnp.linspace(2.0 ** MIN_DEG, 2.0 ** MAX_DEG, NUM_FREQS, dtype=jnp.float32)
    return {"points": points, "features": features, "scales": scales}


def _pos_encode(points, scales):
    N = points.shape[0]
    fp = points.reshape(N, 1, -1) * scales.reshape(1, -1, 1)  # [N, NF, 3]
    enc = jnp.stack((jnp.sin(fp), jnp.cos(fp)), axis=-2).reshape(N, -1)  # [N, NF*2*3]
    return enc.T  # [NF*2*3, N]


def _grid_sample_1d(cv, y):
    # cv: [B, C, H], y: [B, N] in [-1, 1]. Bilinear, align_corners=True.
    # Matches torch.grid_sample with W=1 (x coord fixed at 0, zero weight on OOB).
    H = cv.shape[2]
    iy = (y + 1.0) * 0.5 * (H - 1)
    iy0 = jnp.floor(iy)
    w1 = iy - iy0
    w0 = 1.0 - w1
    i0 = jnp.clip(iy0, 0, H - 1).astype(jnp.int32)
    i1 = jnp.clip(iy0 + 1, 0, H - 1).astype(jnp.int32)
    v0 = jnp.take_along_axis(cv, i0[:, None, :], axis=2)  # [B, C, N]
    v1 = jnp.take_along_axis(cv, i1[:, None, :], axis=2)
    return v0 * w0[:, None, :] + v1 * w1[:, None, :]


def _encoder(encs, features):
    NF = NUM_FREQS
    N = encs.shape[-1]
    cv = features[..., 0]  # [NF*2*3, C, res]
    C = cv.shape[1]
    fs = _grid_sample_1d(cv, encs)  # [NF*2*3, C, N]
    fs = fs.reshape(NF, 2, 3, C, N)
    fs = fs + encs.reshape(NF, 2, 3, 1, N)
    fs = jnp.transpose(fs, (4, 3, 0, 1, 2))  # [N, C, NF, 2, 3]
    return fs.reshape(N, -1)


def reference(points, features, scales):
    enc = _pos_encode(points, scales)
    feats = _encoder(enc, features)
    return jnp.concatenate((points, feats), axis=1)

if __name__ == "__main__":
    import jax
    _d = setup_inputs()
    print(jax.jit(kernel)(*tuple(_d.values())))

</pallas_src>

<mosaic_0001>
#map = affine_map<(d0, d1) -> (0, 0)>
module attributes {stable_mosaic.version = 14 : i64} {
  func.func @_sc_body(%arg0: i32, %arg1: i32, %arg2: memref<1179648x16xi32, #tpu.memory_space<hbm>>, %arg3: memref<36x131072xi32, #tpu.memory_space<hbm>>, %arg4: memref<36x131072xf32, #tpu.memory_space<hbm>>, %arg5: memref<131072x3xf32, #tpu.memory_space<hbm>>, %arg6: memref<131072x291xf32, #tpu.memory_space<hbm>>, %arg7: memref<2x36x64xi32, #tpu.memory_space<vmem>>, %arg8: memref<2x36x64xi32, #tpu.memory_space<vmem>>, %arg9: memref<2x36x64xf32, #tpu.memory_space<vmem>>, %arg10: memref<2x64x3xf32, #tpu.memory_space<vmem>>, %arg11: memref<2x36x64x16xi32, #tpu.memory_space<vmem>>, %arg12: memref<2x64x291xf32, #tpu.memory_space<vmem>>, %arg13: memref<2x!tpu.dma_semaphore, #tpu.memory_space<semaphore_mem>>, %arg14: memref<2x!tpu.dma_semaphore, #tpu.memory_space<semaphore_mem>>, %arg15: memref<2x!tpu.dma_semaphore, #tpu.memory_space<semaphore_mem>>) attributes {dimension_semantics = [#tpu.dimension_semantics<core_parallel>, #tpu.dimension_semantics<subcore_parallel>], iteration_bounds = array<i64: 2, 16>, scalar_prefetch = 0 : i64, scratch_operands = 9 : i64, tpu.core_type = #tpu.core_type<sc_vector_subcore>, window_params = [{transform_indices = #map}, {transform_indices = #map}, {transform_indices = #map}, {transform_indices = #map}, {transform_indices = #map}]} {
    %mul3A = arith.constant 2 : i32
    %mul3A_0 = arith.muli %arg1, %mul3A : i32
    %add3A = arith.addi %mul3A_0, %arg0 : i32
    %mul3A_1 = arith.constant 4096 : i32
    %mul3A_2 = arith.muli %add3A, %mul3A_1 : i32
    %iota3A = tpu.iota {dimensions = array<i32: 0>} : vector<16xi32>
    %add3A_3 = arith.constant 0 : i32
    %add3A_4 = arith.addi %mul3A_2, %add3A_3 : i32
    %dma_start3A = arith.constant 0 : i32
    %dma_start3A_5 = arith.constant 0 : i32
    %dma_start3A_6 = arith.constant 0 : i32
    %dma_start3A_7 = arith.constant 0 : i32
    %dma_start3A_8 = tpu.memref_slice %arg7[%dma_start3A, %dma_start3A_6, %dma_start3A_7] : memref<2x36x64xi32, #tpu.memory_space<vmem>> -> memref<1x36x64xi32, #tpu.memory_space<vmem>>
    %dma_start3A_9 = tpu.memref_squeeze %dma_start3A_8 : memref<1x36x64xi32, #tpu.memory_space<vmem>> -> memref<36x64xi32, #tpu.memory_space<vmem>>
    %dma_start3A_10 = arith.constant 0 : i32
    %dma_start3A_11 = tpu.memref_slice %arg3[%dma_start3A_10, %add3A_4] : memref<36x131072xi32, #tpu.memory_space<hbm>> -> memref<36x64xi32, #tpu.memory_space<hbm>>
    %dma_start3A_12 = tpu.memref_slice %arg13[%dma_start3A_5] : memref<2x!tpu.dma_semaphore, #tpu.memory_space<semaphore_mem>> -> memref<1x!tpu.dma_semaphore, #tpu.memory_space<semaphore_mem>>
    %dma_start3A_13 = tpu.memref_squeeze %dma_start3A_12 : memref<1x!tpu.dma_semaphore, #tpu.memory_space<semaphore_mem>> -> memref<!tpu.dma_semaphore, #tpu.memory_space<semaphore_mem>>
    %dma_start3A_14 = arith.constant 0 : i32
    %dma_start3A_15 = arith.constant 0 : i32
    %dma_start3A_16 = tpu.memref_slice %arg7[%dma_start3A, %dma_start3A_14, %dma_start3A_15] : memref<2x36x64xi32, #tpu.memory_space<vmem>> -> memref<1x36x64xi32, #tpu.memory_space<vmem>>
    %dma_start3A_17 = tpu.memref_squeeze %dma_start3A_16 : memref<1x36x64xi32, #tpu.memory_space<vmem>> -> memref<36x64xi32, #tpu.memory_space<vmem>>
    %dma_start3A_18 = arith.constant 0 : i32
    %dma_start3A_19 = tpu.memref_slice %arg3[%dma_start3A_18, %add3A_4] : memref<36x131072xi32, #tpu.memory_space<hbm>> -> memref<36x64xi32, #tpu.memory_space<hbm>>
    tpu.enqueue_dma source(%dma_start3A_19 : memref<36x64xi32, #tpu.memory_space<hbm>>) target(%dma_start3A_17 : memref<36x64xi32, #tpu.memory_space<vmem>>) target_semaphore(%dma_start3A_13 : memref<!tpu.dma_semaphore, #tpu.memory_space<semaphore_mem>>)
    %dma_start3A_20 = arith.constant 0 : i32
    %dma_start3A_21 = arith.constant 0 : i32
    %dma_start3A_22 = arith.constant 0 : i32
    %dma_start3A_23 = arith.constant 0 : i32
    %dma_start3A_24 = tpu.memref_slice %arg9[%dma_start3A_20, %dma_start3A_22, %dma_start3A_23] : memref<2x36x64xf32, #tpu.memory_space<vmem>> -> memref<1x36x64xf32, #tpu.memory_space<vmem>>
    %dma_start3A_25 = tpu.memref_squeeze %dma_start3A_24 : memref<1x36x64xf32, #tpu.memory_space<vmem>> -> memref<36x64xf32, #tpu.memory_space<vmem>>
    %dma_start3A_26 = arith.constant 0 : i32
    %dma_start3A_27 = tpu.memref_slice %arg4[%dma_start3A_26, %add3A_4] : memref<36x131072xf32, #tpu.memory_space<hbm>> -> memref<36x64xf32, #tpu.memory_space<hbm>>
    %dma_start3A_28 = tpu.memref_slice %arg13[%dma_start3A_21] : memref<2x!tpu.dma_semaphore, #tpu.memory_space<semaphore_mem>> -> memref<1x!tpu.dma_semaphore, #tpu.memory_space<semaphore_mem>>
    %dma_start3A_29 = tpu.memref_squeeze %dma_start3A_28 : memref<1x!tpu.dma_semaphore, #tpu.memory_space<semaphore_mem>> -> memref<!tpu.dma_semaphore, #tpu.memory_space<semaphore_mem>>
    %dma_start3A_30 = arith.constant 0 : i32
    %dma_start3A_31 = arith.constant 0 : i32
    %dma_start3A_32 = tpu.memref_slice %arg9[%dma_start3A_20, %dma_start3A_30, %dma_start3A_31] : memref<2x36x64xf32, #tpu.memory_space<vmem>> -> memref<1x36x64xf32, #tpu.memory_space<vmem>>
    %dma_start3A_33 = tpu.memref_squeeze %dma_start3A_32 : memref<1x36x64xf32, #tpu.memory_space<vmem>> -> memref<36x64xf32, #tpu.memory_space<vmem>>
    %dma_start3A_34 = arith.constant 0 : i32
    %dma_start3A_35 = tpu.memref_slice %arg4[%dma_start3A_34, %add3A_4] : memref<36x131072xf32, #tpu.memory_space<hbm>> -> memref<36x64xf32, #tpu.memory_space<hbm>>
    tpu.enqueue_dma source(%dma_start3A_35 : memref<36x64xf32, #tpu.memory_space<hbm>>) target(%dma_start3A_33 : memref<36x64xf32, #tpu.memory_space<vmem>>) target_semaphore(%dma_start3A_29 : memref<!tpu.dma_semaphore, #tpu.memory_space<semaphore_mem>>)
    %dma_start3A_36 = arith.constant 0 : i32
    %dma_start3A_37 = arith.constant 0 : i32
    %dma_start3A_38 = arith.constant 0 : i32
    %dma_start3A_39 = arith.constant 0 : i32
    %dma_start3A_40 = tpu.memref_slice %arg10[%dma_start3A_36, %dma_start3A_38, %dma_start3A_39] : memref<2x64x3xf32, #tpu.memory_space<vmem>> -> memref<1x64x3xf32, #tpu.memory_space<vmem>>
    %dma_start3A_41 = tpu.memref_squeeze %dma_start3A_40 : memref<1x64x3xf32, #tpu.memory_space<vmem>> -> memref<64x3xf32, #tpu.memory_space<vmem>>
    %dma_start3A_42 = arith.constant 0 : i32
    %dma_start3A_43 = tpu.memref_slice %arg5[%add3A_4, %dma_start3A_42] : memref<131072x3xf32, #tpu.memory_space<hbm>> -> memref<64x3xf32, #tpu.memory_space<hbm>>
    %dma_start3A_44 = tpu.memref_slice %arg13[%dma_start3A_37] : memref<2x!tpu.dma_semaphore, #tpu.memory_space<semaphore_mem>> -> memref<1x!tpu.dma_semaphore, #tpu.memory_space<semaphore_mem>>
    %dma_start3A_45 = tpu.memref_squeeze %dma_start3A_44 : memref<1x!tpu.dma_semaphore, #tpu.memory_space<semaphore_mem>> -> memref<!tpu.dma_semaphore, #tpu.memory_space<semaphore_mem>>
    %dma_start3A_46 = arith.constant 0 : i32
    %dma_start3A_47 = arith.constant 0 : i32
    %dma_start3A_48 = tpu.memref_slice %arg10[%dma_start3A_36, %dma_start3A_46, %dma_start3A_47] : memref<2x64x3xf32, #tpu.memory_space<vmem>> -> memref<1x64x3xf32, #tpu.memory_space<vmem>>
    %dma_start3A_49 = tpu.memref_squeeze %dma_start3A_48 : memref<1x64x3xf32, #tpu.memory_space<vmem>> -> memref<64x3xf32, #tpu.memory_space<vmem>>
    %dma_start3A_50 = arith.constant 0 : i32
    %dma_start3A_51 = tpu.memref_slice %arg5[%add3A_4, %dma_start3A_50] : memref<131072x3xf32, #tpu.memory_space<hbm>> -> memref<64x3xf32, #tpu.memory_space<hbm>>
    tpu.enqueue_dma source(%dma_start3A_51 : memref<64x3xf32, #tpu.memory_space<hbm>>) target(%dma_start3A_49 : memref<64x3xf32, #tpu.memory_space<vmem>>) target_semaphore(%dma_start3A_45 : memref<!tpu.dma_semaphore, #tpu.memory_space<semaphore_mem>>)
    %add3A_52 = arith.constant 0 : i32
    %add3A_53 = arith.addi %mul3A_2, %add3A_52 : i32
    %dma_wait3A = arith.constant 0 : i32
    %dma_wait3A_54 = arith.constant 0 : i32
    %dma_wait3A_55 = arith.constant 0 : i32
    %dma_wait3A_56 = arith.constant 0 : i32
    %dma_wait3A_57 = tpu.memref_slice %arg7[%dma_wait3A, %dma_wait3A_55, %dma_wait3A_56] : memref<2x36x64xi32, #tpu.memory_space<vmem>> -> memref<1x36x64xi32, #tpu.memory_space<vmem>>
    %dma_wait3A_58 = tpu.memref_squeeze %dma_wait3A_57 : memref<1x36x64xi32, #tpu.memory_space<vmem>> -> memref<36x64xi32, #tpu.memory_space<vmem>>
    %dma_wait3A_59 = arith.constant 0 : i32
    %dma_wait3A_60 = tpu.memref_slice %arg3[%dma_wait3A_59, %add3A_53] : memref<36x131072xi32, #tpu.memory_space<hbm>> -> memref<36x64xi32, #tpu.memory_space<hbm>>
    %dma_wait3A_61 = tpu.memref_slice %arg13[%dma_wait3A_54] : memref<2x!tpu.dma_semaphore, #tpu.memory_space<semaphore_mem>> -> memref<1x!tpu.dma_semaphore, #tpu.memory_space<semaphore_mem>>
    %dma_wait3A_62 = tpu.memref_squeeze %dma_wait3A_61 : memref<1x!tpu.dma_semaphore, #tpu.memory_space<semaphore_mem>> -> memref<!tpu.dma_semaphore, #tpu.memory_space<semaphore_mem>>
    %dma_wait3A_63 = arith.constant 0 : i32
    %dma_wait3A_64 = arith.constant 0 : i32
    %dma_wait3A_65 = tpu.memref_slice %arg7[%dma_wait3A, %dma_wait3A_63, %dma_wait3A_64] : memref<2x36x64xi32, #tpu.memory_space<vmem>> -> memref<1x36x64xi32, #tpu.memory_space<vmem>>
    %dma_wait3A_66 = tpu.memref_squeeze %dma_wait3A_65 : memref<1x36x64xi32, #tpu.memory_space<vmem>> -> memref<36x64xi32, #tpu.memory_space<vmem>>
    %dma_wait3A_67 = arith.constant 0 : i32
    %dma_wait3A_68 = tpu.memref_slice %arg3[%dma_wait3A_67, %add3A_53] : memref<36x131072xi32, #tpu.memory_space<hbm>> -> memref<36x64xi32, #tpu.memory_space<hbm>>
    tpu.wait_dma2 semaphore(%dma_wait3A_62 : memref<!tpu.dma_semaphore, #tpu.memory_space<semaphore_mem>>) src(%dma_wait3A_68 : memref<36x64xi32, #tpu.memory_space<hbm>>) dst(%dma_wait3A_66 : memref<36x64xi32, #tpu.memory_space<vmem>>)
    %dma_wait3A_69 = arith.constant 0 : i32
    %dma_wait3A_70 = arith.constant 0 : i32
    %dma_wait3A_71 = arith.constant 0 : i32
    %dma_wait3A_72 = arith.constant 0 : i32
    %dma_wait3A_73 = tpu.memref_slice %arg9[%dma_wait3A_69, %dma_wait3A_71, %dma_wait3A_72] : memref<2x36x64xf32, #tpu.memory_space<vmem>> -> memref<1x36x64xf32, #tpu.memory_space<vmem>>
    %dma_wait3A_74 = tpu.memref_squeeze %dma_wait3A_73 : memref<1x36x64xf32, #tpu.memory_space<vmem>> -> memref<36x64xf32, #tpu.memory_space<vmem>>
    %dma_wait3A_75 = arith.constant 0 : i32
    %dma_wait3A_76 = tpu.memref_slice %arg4[%dma_wait3A_75, %add3A_53] : memref<36x131072xf32, #tpu.memory_space<hbm>> -> memref<36x64xf32, #tpu.memory_space<hbm>>
    %dma_wait3A_77 = tpu.memref_slice %arg13[%dma_wait3A_70] : memref<2x!tpu.dma_semaphore, #tpu.memory_space<semaphore_mem>> -> memref<1x!tpu.dma_semaphore, #tpu.memory_space<semaphore_mem>>
    %dma_wait3A_78 = tpu.memref_squeeze %dma_wait3A_77 : memref<1x!tpu.dma_semaphore, #tpu.memory_space<semaphore_mem>> -> memref<!tpu.dma_semaphore, #tpu.memory_space<semaphore_mem>>
    %dma_wait3A_79 = arith.constant 0 : i32
    %dma_wait3A_80 = arith.constant 0 : i32
    %dma_wait3A_81 = tpu.memref_slice %arg9[%dma_wait3A_69, %dma_wait3A_79, %dma_wait3A_80] : memref<2x36x64xf32, #tpu.memory_space<vmem>> -> memref<1x36x64xf32, #tpu.memory_space<vmem>>
    %dma_wait3A_82 = tpu.memref_squeeze %dma_wait3A_81 : memref<1x36x64xf32, #tpu.memory_space<vmem>> -> memref<36x64xf32, #tpu.memory_space<vmem>>
    %dma_wait3A_83 = arith.constant 0 : i32
    %dma_wait3A_84 = tpu.memref_slice %arg4[%dma_wait3A_83, %add3A_53] : memref<36x131072xf32, #tpu.memory_space<hbm>> -> memref<36x64xf32, #tpu.memory_space<hbm>>
    tpu.wait_dma2 semaphore(%dma_wait3A_78 : memref<!tpu.dma_semaphore, #tpu.memory_space<semaphore_mem>>) src(%dma_wait3A_84 : memref<36x64xf32, #tpu.memory_space<hbm>>) dst(%dma_wait3A_82 : memref<36x64xf32, #tpu.memory_space<vmem>>)
    %dma_wait3A_85 = arith.constant 0 : i32
    %dma_wait3A_86 = arith.constant 0 : i32
    %dma_wait3A_87 = arith.constant 0 : i32
    %dma_wait3A_88 = arith.constant 0 : i32
    %dma_wait3A_89 = tpu.memref_slice %arg10[%dma_wait3A_85, %dma_wait3A_87, %dma_wait3A_88] : memref<2x64x3xf32, #tpu.memory_space<vmem>> -> memref<1x64x3xf32, #tpu.memory_space<vmem>>
    %dma_wait3A_90 = tpu.memref_squeeze %dma_wait3A_89 : memref<1x64x3xf32, #tpu.memory_space<vmem>> -> memref<64x3xf32, #tpu.memory_space<vmem>>
    %dma_wait3A_91 = arith.constant 0 : i32
    %dma_wait3A_92 = tpu.memref_slice %arg5[%add3A_53, %dma_wait3A_91] : memref<131072x3xf32, #tpu.memory_space<hbm>> -> memref<64x3xf32, #tpu.memory_space<hbm>>
    %dma_wait3A_93 = tpu.memref_slice %arg13[%dma_wait3A_86] : memref<2x!tpu.dma_semaphore, #tpu.memory_space<semaphore_mem>> -> memref<1x!tpu.dma_semaphore, #tpu.memory_space<semaphore_mem>>
    %dma_wait3A_94 = tpu.memref_squeeze %dma_wait3A_93 : memref<1x!tpu.dma_semaphore, #tpu.memory_space<semaphore_mem>> -> memref<!tpu.dma_semaphore, #tpu.memory_space<semaphore_mem>>
    %dma_wait3A_95 = arith.constant 0 : i32
    %dma_wait3A_96 = arith.constant 0 : i32
    %dma_wait3A_97 = tpu.memref_slice %arg10[%dma_wait3A_85, %dma_wait3A_95, %dma_wait3A_96] : memref<2x64x3xf32, #tpu.memory_space<vmem>> -> memref<1x64x3xf32, #tpu.memory_space<vmem>>
    %dma_wait3A_98 = tpu.memref_squeeze %dma_wait3A_97 : memref<1x64x3xf32, #tpu.memory_space<vmem>> -> memref<64x3xf32, #tpu.memory_space<vmem>>
    %dma_wait3A_99 = arith.constant 0 : i32
    %dma_wait3A_100 = tpu.memref_slice %arg5[%add3A_53, %dma_wait3A_99] : memref<131072x3xf32, #tpu.memory_space<hbm>> -> memref<64x3xf32, #tpu.memory_space<hbm>>
    tpu.wait_dma2 semaphore(%dma_wait3A_94 : memref<!tpu.dma_semaphore, #tpu.memory_space<semaphore_mem>>) src(%dma_wait3A_100 : memref<64x3xf32, #tpu.memory_space<hbm>>) dst(%dma_wait3A_98 : memref<64x3xf32, #tpu.memory_space<vmem>>)
    %scan3A = arith.constant 0 : i32
    %scan3A_101 = arith.constant 36 : i32
    %scan3A_102 = arith.addi %scan3A, %scan3A_101 : i32
    %scan3A_103 = arith.constant 1 : i32
    scf.for %scan3A_197 = %scan3A to %scan3A_102 step %scan3A_103  : i32 {
      %mul3A_198 = arith.constant 1 : i32
      %mul3A_199 = arith.muli %scan3A_197, %mul3A_198 : i32
      %add3A_200 = arith.constant 0 : i32
      %add3A_201 = arith.addi %add3A_200, %mul3A_199 : i32
      %get3A = arith.constant 0 : i32
      %get3A_202 = arith.index_cast %get3A : i32 to index
      %get3A_203 = arith.index_cast %add3A_201 : i32 to index
      %get3A_204 = arith.constant 0 : index
      %get3A_205 = tpu.vector_load %arg7[%get3A_202, %get3A_203, %get3A_204] {strides = array<i32>} : memref<2x36x64xi32, #tpu.memory_space<vmem>>, vector<16xi32>,
      %shift_right_logical3A = arith.constant 1 : i32
      %shift_right_logical3A_206 = vector.broadcast %shift_right_logical3A : i32 to vector<16xi32>
      %shift_right_logical3A_207 = arith.shrui %get3A_205, %shift_right_logical3A_206 : vector<16xi32>
      %swap3A = arith.constant 0 : i32
      %swap3A_208 = arith.index_cast %swap3A : i32 to index
      %swap3A_209 = arith.index_cast %add3A_201 : i32 to index
      %swap3A_210 = arith.constant 0 : index
      %swap3A_211 = tpu.vector_load %arg8[%swap3A_208, %swap3A_209, %swap3A_210] {strides = array<i32>} : memref<2x36x64xi32, #tpu.memory_space<vmem>>, vector<16xi32>,
      tpu.vector_store %arg8[%swap3A_208, %swap3A_209, %swap3A_210], %shift_right_logical3A_207 {strides = array<i32>} : memref<2x36x64xi32, #tpu.memory_space<vmem>>, vector<16xi32>,
      %get3A_212 = arith.constant 0 : i32
      %get3A_213 = arith.index_cast %get3A_212 : i32 to index
      %get3A_214 = arith.index_cast %add3A_201 : i32 to index
      %get3A_215 = arith.constant 16 : index
      %get3A_216 = tpu.vector_load %arg7[%get3A_213, %get3A_214, %get3A_215] {strides = array<i32>} : memref<2x36x64xi32, #tpu.memory_space<vmem>>, vector<16xi32>,
      %shift_right_logical3A_217 = arith.constant 1 : i32
      %shift_right_logical3A_218 = vector.broadcast %shift_right_logical3A_217 : i32 to vector<16xi32>
      %shift_right_logical3A_219 = arith.shrui %get3A_216, %shift_right_logical3A_218 : vector<16xi32>
      %swap3A_220 = arith.constant 0 : i32
      %swap3A_221 = arith.index_cast %swap3A_220 : i32 to index
      %swap3A_222 = arith.index_cast %add3A_201 : i32 to index
      %swap3A_223 = arith.constant 16 : index
      %swap3A_224 = tpu.vector_load %arg8[%swap3A_221, %swap3A_222, %swap3A_223] {strides = array<i32>} : memref<2x36x64xi32, #tpu.memory_space<vmem>>, vector<16xi32>,
      tpu.vector_store %arg8[%swap3A_221, %swap3A_222, %swap3A_223], %shift_right_logical3A_219 {strides = array<i32>} : memref<2x36x64xi32, #tpu.memory_space<vmem>>, vector<16xi32>,
      %get3A_225 = arith.constant 0 : i32
      %get3A_226 = arith.index_cast %get3A_225 : i32 to index
      %get3A_227 = arith.index_cast %add3A_201 : i32 to index
      %get3A_228 = arith.constant 32 : index
      %get3A_229 = tpu.vector_load %arg7[%get3A_226, %get3A_227, %get3A_228] {strides = array<i32>} : memref<2x36x64xi32, #tpu.memory_space<vmem>>, vector<16xi32>,
      %shift_right_logical3A_230 = arith.constant 1 : i32
      %shift_right_logical3A_231 = vector.broadcast %shift_right_logical3A_230 : i32 to vector<16xi32>
      %shift_right_logical3A_232 = arith.shrui %get3A_229, %shift_right_logical3A_231 : vector<16xi32>
      %swap3A_233 = arith.constant 0 : i32
      %swap3A_234 = arith.index_cast %swap3A_233 : i32 to index
      %swap3A_235 = arith.index_cast %add3A_201 : i32 to index
      %swap3A_236 = arith.constant 32 : index
      %swap3A_237 = tpu.vector_load %arg8[%swap3A_234, %swap3A_235, %swap3A_236] {strides = array<i32>} : memref<2x36x64xi32, #tpu.memory_space<vmem>>, vector<16xi32>,
      tpu.vector_store %arg8[%swap3A_234, %swap3A_235, %swap3A_236], %shift_right_logical3A_232 {strides = array<i32>} : memref<2x36x64xi32, #tpu.memory_space<vmem>>, vector<16xi32>,
      %get3A_238 = arith.constant 0 : i32
      %get3A_239 = arith.index_cast %get3A_238 : i32 to index
      %get3A_240 = arith.index_cast %add3A_201 : i32 to index
      %get3A_241 = arith.constant 48 : index
      %get3A_242 = tpu.vector_load %arg7[%get3A_239, %get3A_240, %get3A_241] {strides = array<i32>} : memref<2x36x64xi32, #tpu.memory_space<vmem>>, vector<16xi32>,
      %shift_right_logical3A_243 = arith.constant 1 : i32
      %shift_right_logical3A_244 = vector.broadcast %shift_right_logical3A_243 : i32 to vector<16xi32>
      %shift_right_logical3A_245 = arith.shrui %get3A_242, %shift_right_logical3A_244 : vector<16xi32>
      %swap3A_246 = arith.constant 0 : i32
      %swap3A_247 = arith.index_cast %swap3A_246 : i32 to index
      %swap3A_248 = arith.index_cast %add3A_201 : i32 to index
      %swap3A_249 = arith.constant 48 : index
      %swap3A_250 = tpu.vector_load %arg8[%swap3A_247, %swap3A_248, %swap3A_249] {strides = array<i32>} : memref<2x36x64xi32, #tpu.memory_space<vmem>>, vector<16xi32>,
      tpu.vector_store %arg8[%swap3A_247, %swap3A_248, %swap3A_249], %shift_right_logical3A_245 {strides = array<i32>} : memref<2x36x64xi32, #tpu.memory_space<vmem>>, vector<16xi32>,
    }
    %scan3A_104 = arith.constant 36 : i32
    %scan3A_105 = arith.constant 0 : i32
    %scan3A_106 = arith.constant 36 : i32
    %scan3A_107 = arith.addi %scan3A_105, %scan3A_106 : i32
    %scan3A_108 = arith.constant 1 : i32
    scf.for %scan3A_197 = %scan3A_105 to %scan3A_107 step %scan3A_108  : i32 {
      %mul3A_198 = arith.constant 1 : i32
      %mul3A_199 = arith.muli %scan3A_197, %mul3A_198 : i32
      %add3A_200 = arith.constant 0 : i32
      %add3A_201 = arith.addi %add3A_200, %mul3A_199 : i32
      %dma_start3A_202 = arith.constant 0 : i32
      %dma_start3A_203 = arith.constant 0 : i32
      %dma_start3A_204 = arith.constant 0 : i32
      %dma_start3A_205 = arith.constant 0 : i32
      %dma_start3A_206 = arith.constant 0 : i32
      %dma_start3A_207 = tpu.memref_slice %arg11[%dma_start3A_203, %add3A_201, %dma_start3A_205, %dma_start3A_206] : memref<2x36x64x16xi32, #tpu.memory_space<vmem>> -> memref<1x1x64x16xi32, #tpu.memory_space<vmem>>
      %dma_start3A_208 = tpu.memref_squeeze %dma_start3A_207 : memref<1x1x64x16xi32, #tpu.memory_space<vmem>> -> memref<64x16xi32, #tpu.memory_space<vmem>>
      %dma_start3A_209 = arith.constant 0 : i32
      %dma_start3A_210 = tpu.memref_slice %arg8[%dma_start3A_202, %add3A_201, %dma_start3A_209] : memref<2x36x64xi32, #tpu.memory_space<vmem>> -> memref<1x1x64xi32, #tpu.memory_space<vmem>>
      %dma_start3A_211 = tpu.memref_squeeze %dma_start3A_210 : memref<1x1x64xi32, #tpu.memory_space<vmem>> -> memref<64xi32, #tpu.memory_space<vmem>>
      %dma_start3A_212 = arith.constant 0 : i32
      %dma_start3A_213 = arith.constant 0 : i32
      %dma_start3A_214 = tpu.memref_slice %arg2[%dma_start3A_212, %dma_start3A_213] : memref<1179648x16xi32, #tpu.memory_space<hbm>> -> memref<1179648x16xi32, #tpu.memory_space<hbm>>
      %dma_start3A_215 = tpu.memref_slice %arg14[%dma_start3A_204] : memref<2x!tpu.dma_semaphore, #tpu.memory_space<semaphore_mem>> -> memref<1x!tpu.dma_semaphore, #tpu.memory_space<semaphore_mem>>
      %dma_start3A_216 = tpu.memref_squeeze %dma_start3A_215 : memref<1x!tpu.dma_semaphore, #tpu.memory_space<semaphore_mem>> -> memref<!tpu.dma_semaphore, #tpu.memory_space<semaphore_mem>>
      tpu.enqueue_indirect_dma source(%dma_start3A_214 : memref<1179648x16xi32, #tpu.memory_space<hbm>>) target(%dma_start3A_208 : memref<64x16xi32, #tpu.memory_space<vmem>>) offsets(%dma_start3A_211 : memref<64xi32, #tpu.memory_space<vmem>>) semaphore(%dma_start3A_216 : memref<!tpu.dma_semaphore, #tpu.memory_space<semaphore_mem>>)
    }
    %scan3A_109 = arith.constant 36 : i32
    %add3A_110 = arith.constant 64 : i32
    %add3A_111 = arith.addi %mul3A_2, %add3A_110 : i32
    %dma_start3A_112 = arith.constant 1 : i32
    %dma_start3A_113 = arith.constant 1 : i32
    %dma_start3A_114 = arith.constant 0 : i32
    %dma_start3A_115 = arith.constant 0 : i32
    %dma_start3A_116 = tpu.memref_slice %arg7[%dma_start3A_112, %dma_start3A_114, %dma_start3A_115] : memref<2x36x64xi32, #tpu.memory_space<vmem>> -> memref<1x36x64xi32, #tpu.memory_space<vmem>>
    %dma_start3A_117 = tpu.memref_squeeze %dma_start3A_116 : memref<1x36x64xi32, #tpu.memory_space<vmem>> -> memref<36x64xi32, #tpu.memory_space<vmem>>
    %dma_start3A_118 = arith.constant 0 : i32
    %dma_start3A_119 = tpu.memref_slice %arg3[%dma_start3A_118, %add3A_111] : memref<36x131072xi32, #tpu.memory_space<hbm>> -> memref<36x64xi32, #tpu.memory_space<hbm>>
    %dma_start3A_120 = tpu.memref_slice %arg13[%dma_start3A_113] : memref<2x!tpu.dma_semaphore, #tpu.memory_space<semaphore_mem>> -> memref<1x!tpu.dma_semaphore, #tpu.memory_space<semaphore_mem>>
    %dma_start3A_121 = tpu.memref_squeeze %dma_start3A_120 : memref<1x!tpu.dma_semaphore, #tpu.memory_space<semaphore_mem>> -> memref<!tpu.dma_semaphore, #tpu.memory_space<semaphore_mem>>
    %dma_start3A_122 = arith.constant 0 : i32
    %dma_start3A_123 = arith.constant 0 : i32
    %dma_start3A_124 = tpu.memref_slice %arg7[%dma_start3A_112, %dma_start3A_122, %dma_start3A_123] : memref<2x36x64xi32, #tpu.memory_space<vmem>> -> memref<1x36x64xi32, #tpu.memory_space<vmem>>
    %dma_start3A_125 = tpu.memref_squeeze %dma_start3A_124 : memref<1x36x64xi32, #tpu.memory_space<vmem>> -> memref<36x64xi32, #tpu.memory_space<vmem>>
    %dma_start3A_126 = arith.constant 0 : i32
    %dma_start3A_127 = tpu.memref_slice %arg3[%dma_start3A_126, %add3A_111] : memref<36x131072xi32, #tpu.memory_space<hbm>> -> memref<36x64xi32, #tpu.memory_space<hbm>>
    tpu.enqueue_dma source(%dma_start3A_127 : memref<36x64xi32, #tpu.memory_space<hbm>>) target(%dma_start3A_125 : memref<36x64xi32, #tpu.memory_space<vmem>>) target_semaphore(%dma_start3A_121 : memref<!tpu.dma_semaphore, #tpu.memory_space<semaphore_mem>>)
    %dma_start3A_128 = arith.constant 1 : i32
    %dma_start3A_129 = arith.constant 1 : i32
    %dma_start3A_130 = arith.constant 0 : i32
    %dma_start3A_131 = arith.constant 0 : i32
    %dma_start3A_132 = tpu.memref_slice %arg9[%dma_start3A_128, %dma_start3A_130, %dma_start3A_131] : memref<2x36x64xf32, #tpu.memory_space<vmem>> -> memref<1x36x64xf32, #tpu.memory_space<vmem>>
    %dma_start3A_133 = tpu.memref_squeeze %dma_start3A_132 : memref<1x36x64xf32, #tpu.memory_space<vmem>> -> memref<36x64xf32, #tpu.memory_space<vmem>>
    %dma_start3A_134 = arith.constant 0 : i32
    %dma_start3A_135 = tpu.memref_slice %arg4[%dma_start3A_134, %add3A_111] : memref<36x131072xf32, #tpu.memory_space<hbm>> -> memref<36x64xf32, #tpu.memory_space<hbm>>
    %dma_start3A_136 = tpu.memref_slice %arg13[%dma_start3A_129] : memref<2x!tpu.dma_semaphore, #tpu.memory_space<semaphore_mem>> -> memref<1x!tpu.dma_semaphore, #tpu.memory_space<semaphore_mem>>
    %dma_start3A_137 = tpu.memref_squeeze %dma_start3A_136 : memref<1x!tpu.dma_semaphore, #tpu.memory_space<semaphore_mem>> -> memref<!tpu.dma_semaphore, #tpu.memory_space<semaphore_mem>>
    %dma_start3A_138 = arith.constant 0 : i32
    %dma_start3A_139 = arith.constant 0 : i32
    %dma_start3A_140 = tpu.memref_slice %arg9[%dma_start3A_128, %dma_start3A_138, %dma_start3A_139] : memref<2x36x64xf32, #tpu.memory_space<vmem>> -> memref<1x36x64xf32, #tpu.memory_space<vmem>>
    %dma_start3A_141 = tpu.memref_squeeze %dma_start3A_140 : memref<1x36x64xf32, #tpu.memory_space<vmem>> -> memref<36x64xf32, #tpu.memory_space<vmem>>
    %dma_start3A_142 = arith.constant 0 : i32
    %dma_start3A_143 = tpu.memref_slice %arg4[%dma_start3A_142, %add3A_111] : memref<36x131072xf32, #tpu.memory_space<hbm>> -> memref<36x64xf32, #tpu.memory_space<hbm>>
    tpu.enqueue_dma source(%dma_start3A_143 : memref<36x64xf32, #tpu.memory_space<hbm>>) target(%dma_start3A_141 : memref<36x64xf32, #tpu.memory_space<vmem>>) target_semaphore(%dma_start3A_137 : memref<!tpu.dma_semaphore, #tpu.memory_space<semaphore_mem>>)
    %dma_start3A_144 = arith.constant 1 : i32
    %dma_start3A_145 = arith.constant 1 : i32
    %dma_start3A_146 = arith.constant 0 : i32
    %dma_start3A_147 = arith.constant 0 : i32
    %dma_start3A_148 = tpu.memref_slice %arg10[%dma_start3A_144, %dma_start3A_146, %dma_start3A_147] : memref<2x64x3xf32, #tpu.memory_space<vmem>> -> memref<1x64x3xf32, #tpu.memory_space<vmem>>
    %dma_start3A_149 = tpu.memref_squeeze %dma_start3A_148 : memref<1x64x3xf32, #tpu.memory_space<vmem>> -> memref<64x3xf32, #tpu.memory_space<vmem>>
    %dma_start3A_150 = arith.constant 0 : i32
    %dma_start3A_151 = tpu.memref_slice %arg5[%add3A_111, %dma_start3A_150] : memref<131072x3xf32, #tpu.memory_space<hbm>> -> memref<64x3xf32, #tpu.memory_space<hbm>>
    %dma_start3A_152 = tpu.memref_slice %arg13[%dma_start3A_145] : memref<2x!tpu.dma_semaphore, #tpu.memory_space<semaphore_mem>> -> memref<1x!tpu.dma_semaphore, #tpu.memory_space<semaphore_mem>>
    %dma_start3A_153 = tpu.memref_squeeze %dma_start3A_152 : memref<1x!tpu.dma_semaphore, #tpu.memory_space<semaphore_mem>> -> memref<!tpu.dma_semaphore, #tpu.memory_space<semaphore_mem>>
    %dma_start3A_154 = arith.constant 0 : i32
    %dma_start3A_155 = arith.constant 0 : i32
    %dma_start3A_156 = tpu.memref_slice %arg10[%dma_start3A_144, %dma_start3A_154, %dma_start3A_155] : memref<2x64x3xf32, #tpu.memory_space<vmem>> -> memref<1x64x3xf32, #tpu.memory_space<vmem>>
    %dma_start3A_157 = tpu.memref_squeeze %dma_start3A_156 : memref<1x64x3xf32, #tpu.memory_space<vmem>> -> memref<64x3xf32, #tpu.memory_space<vmem>>
    %dma_start3A_158 = arith.constant 0 : i32
    %dma_start3A_159 = tpu.memref_slice %arg5[%add3A_111, %dma_start3A_158] : memref<131072x3xf32, #tpu.memory_space<hbm>> -> memref<64x3xf32, #tpu.memory_space<hbm>>
    tpu.enqueue_dma source(%dma_start3A_159 : memref<64x3xf32, #tpu.memory_space<hbm>>) target(%dma_start3A_157 : memref<64x3xf32, #tpu.memory_space<vmem>>) target_semaphore(%dma_start3A_153 : memref<!tpu.dma_semaphore, #tpu.memory_space<semaphore_mem>>)
    %scan3A_160 = arith.constant 0 : i32
    %scan3A_161 = arith.constant 64 : i32
    %scan3A_162 = arith.addi %scan3A_160, %scan3A_161 : i32
    %scan3A_163 = arith.constant 1 : i32
    scf.for %scan3A_197 = %scan3A_160 to %scan3A_162 step %scan3A_163  : i32 {
      %mul3A_198 = arith.constant 1 : i32
      %mul3A_199 = arith.muli %scan3A_197, %mul3A_198 : i32
      %add3A_200 = arith.constant 0 : i32
      %add3A_201 = arith.addi %add3A_200, %mul3A_199 : i32
      %rem3A = arith.constant 2 : i32
      %rem3A_202 = arith.remsi %add3A_201, %rem3A : i32
      %sub3A = arith.constant 1 : i32
      %sub3A_203 = arith.subi %sub3A, %rem3A_202 : i32
      %mul3A_204 = arith.constant 64 : i32
      %mul3A_205 = arith.muli %add3A_201, %mul3A_204 : i32
      %add3A_206 = arith.addi %mul3A_2, %mul3A_205 : i32
      %scan3A_207 = arith.constant 0 : i32
      %scan3A_208 = arith.constant 36 : i32
      %scan3A_209 = arith.addi %scan3A_207, %scan3A_208 : i32
      %scan3A_210 = arith.constant 1 : i32
      scf.for %scan3A_402 = %scan3A_207 to %scan3A_209 step %scan3A_210  : i32 {
        %mul3A_403 = arith.constant 1 : i32
        %mul3A_404 = arith.muli %scan3A_402, %mul3A_403 : i32
        %add3A_405 = arith.constant 0 : i32
        %add3A_406 = arith.addi %add3A_405, %mul3A_404 : i32
        %dma_wait3A_407 = arith.constant 0 : i32
        %dma_wait3A_408 = arith.constant 0 : i32
        %dma_wait3A_409 = tpu.memref_slice %arg11[%rem3A_202, %add3A_406, %dma_wait3A_407, %dma_wait3A_408] : memref<2x36x64x16xi32, #tpu.memory_space<vmem>> -> memref<1x1x64x16xi32, #tpu.memory_space<vmem>>
        %dma_wait3A_410 = tpu.memref_squeeze %dma_wait3A_409 : memref<1x1x64x16xi32, #tpu.memory_space<vmem>> -> memref<64x16xi32, #tpu.memory_space<vmem>>
        %dma_wait3A_411 = arith.constant 0 : i32
        %dma_wait3A_412 = tpu.memref_slice %arg8[%rem3A_202, %add3A_406, %dma_wait3A_411] : memref<2x36x64xi32, #tpu.memory_space<vmem>> -> memref<1x1x64xi32, #tpu.memory_space<vmem>>
        %dma_wait3A_413 = tpu.memref_squeeze %dma_wait3A_412 : memref<1x1x64xi32, #tpu.memory_space<vmem>> -> memref<64xi32, #tpu.memory_space<vmem>>
        %dma_wait3A_414 = arith.constant 0 : i32
        %dma_wait3A_415 = arith.constant 0 : i32
        %dma_wait3A_416 = tpu.memref_slice %arg2[%dma_wait3A_414, %dma_wait3A_415] : memref<1179648x16xi32, #tpu.memory_space<hbm>> -> memref<1179648x16xi32, #tpu.memory_space<hbm>>
        %dma_wait3A_417 = tpu.memref_slice %arg14[%rem3A_202] : memref<2x!tpu.dma_semaphore, #tpu.memory_space<semaphore_mem>> -> memref<1x!tpu.dma_semaphore, #tpu.memory_space<semaphore_mem>>
        %dma_wait3A_418 = tpu.memref_squeeze %dma_wait3A_417 : memref<1x!tpu.dma_semaphore, #tpu.memory_space<semaphore_mem>> -> memref<!tpu.dma_semaphore, #tpu.memory_space<semaphore_mem>>
        tpu.wait_indirect_dma semaphore(%dma_wait3A_418 : memref<!tpu.dma_semaphore, #tpu.memory_space<semaphore_mem>>) src(%dma_wait3A_416 : memref<1179648x16xi32, #tpu.memory_space<hbm>>) dst(%dma_wait3A_410 : memref<64x16xi32, #tpu.memory_space<vmem>>)
      }
      %scan3A_211 = arith.constant 36 : i32
      %add3A_212 = arith.constant 1 : i32
      %add3A_213 = arith.addi %add3A_201, %add3A_212 : i32
      %lt3A = arith.constant 64 : i32
      %lt3A_214 = arith.cmpi slt, %add3A_213, %lt3A : i32
      %convert_element_type3A = arith.extui %lt3A_214 : i1 to i32
      %cond3A = arith.constant 0 : i32
      %cond3A_215 = arith.cmpi ne, %convert_element_type3A, %cond3A : i32
      scf.if %cond3A_215 {
        %add3A_402 = arith.constant 1 : i32
        %add3A_403 = arith.addi %add3A_201, %add3A_402 : i32
        %mul3A_404 = arith.constant 64 : i32
        %mul3A_405 = arith.muli %add3A_403, %mul3A_404 : i32
        %add3A_406 = arith.addi %mul3A_2, %mul3A_405 : i32
        %dma_wait3A_407 = arith.constant 0 : i32
        %dma_wait3A_408 = arith.constant 0 : i32
        %dma_wait3A_409 = tpu.memref_slice %arg7[%sub3A_203, %dma_wait3A_407, %dma_wait3A_408] : memref<2x36x64xi32, #tpu.memory_space<vmem>> -> memref<1x36x64xi32, #tpu.memory_space<vmem>>
        %dma_wait3A_410 = tpu.memref_squeeze %dma_wait3A_409 : memref<1x36x64xi32, #tpu.memory_space<vmem>> -> memref<36x64xi32, #tpu.memory_space<vmem>>
        %dma_wait3A_411 = arith.constant 0 : i32
        %dma_wait3A_412 = tpu.memref_slice %arg3[%dma_wait3A_411, %add3A_406] : memref<36x131072xi32, #tpu.memory_space<hbm>> -> memref<36x64xi32, #tpu.memory_space<hbm>>
        %dma_wait3A_413 = tpu.memref_slice %arg13[%sub3A_203] : memref<2x!tpu.dma_semaphore, #tpu.memory_space<semaphore_mem>> -> memref<1x!tpu.dma_semaphore, #tpu.memory_space<semaphore_mem>>
        %dma_wait3A_414 = tpu.memref_squeeze %dma_wait3A_413 : memref<1x!tpu.dma_semaphore, #tpu.memory_space<semaphore_mem>> -> memref<!tpu.dma_semaphore, #tpu.memory_space<semaphore_mem>>
        %dma_wait3A_415 = arith.constant 0 : i32
        %dma_wait3A_416 = arith.constant 0 : i32
        %dma_wait3A_417 = tpu.memref_slice %arg7[%sub3A_203, %dma_wait3A_415, %dma_wait3A_416] : memref<2x36x64xi32, #tpu.memory_space<vmem>> -> memref<1x36x64xi32, #tpu.memory_space<vmem>>
        %dma_wait3A_418 = tpu.memref_squeeze %dma_wait3A_417 : memref<1x36x64xi32, #tpu.memory_space<vmem>> -> memref<36x64xi32, #tpu.memory_space<vmem>>
        %dma_wait3A_419 = arith.constant 0 : i32
        %dma_wait3A_420 = tpu.memref_slice %arg3[%dma_wait3A_419, %add3A_406] : memref<36x131072xi32, #tpu.memory_space<hbm>> -> memref<36x64xi32, #tpu.memory_space<hbm>>
        tpu.wait_dma2 semaphore(%dma_wait3A_414 : memref<!tpu.dma_semaphore, #tpu.memory_space<semaphore_mem>>) src(%dma_wait3A_420 : memref<36x64xi32, #tpu.memory_space<hbm>>) dst(%dma_wait3A_418 : memref<36x64xi32, #tpu.memory_space<vmem>>)
        %dma_wait3A_421 = arith.constant 0 : i32
        %dma_wait3A_422 = arith.constant 0 : i32
        %dma_wait3A_423 = tpu.memref_slice %arg9[%sub3A_203, %dma_wait3A_421, %dma_wait3A_422] : memref<2x36x64xf32, #tpu.memory_space<vmem>> -> memref<1x36x64xf32, #tpu.memory_space<vmem>>
        %dma_wait3A_424 = tpu.memref_squeeze %dma_wait3A_423 : memref<1x36x64xf32, #tpu.memory_space<vmem>> -> memref<36x64xf32, #tpu.memory_space<vmem>>
        %dma_wait3A_425 = arith.constant 0 : i32
        %dma_wait3A_426 = tpu.memref_slice %arg4[%dma_wait3A_425, %add3A_406] : memref<36x131072xf32, #tpu.memory_space<hbm>> -> memref<36x64xf32, #tpu.memory_space<hbm>>
        %dma_wait3A_427 = tpu.memref_slice %arg13[%sub3A_203] : memref<2x!tpu.dma_semaphore, #tpu.memory_space<semaphore_mem>> -> memref<1x!tpu.dma_semaphore, #tpu.memory_space<semaphore_mem>>
        %dma_wait3A_428 = tpu.memref_squeeze %dma_wait3A_427 : memref<1x!tpu.dma_semaphore, #tpu.memory_space<semaphore_mem>> -> memref<!tpu.dma_semaphore, #tpu.memory_space<semaphore_mem>>
        %dma_wait3A_429 = arith.constant 0 : i32
        %dma_wait3A_430 = arith.constant 0 : i32
        %dma_wait3A_431 = tpu.memref_slice %arg9[%sub3A_203, %dma_wait3A_429, %dma_wait3A_430] : memref<2x36x64xf32, #tpu.memory_space<vmem>> -> memref<1x36x64xf32, #tpu.memory_space<vmem>>
        %dma_wait3A_432 = tpu.memref_squeeze %dma_wait3A_431 : memref<1x36x64xf32, #tpu.memory_space<vmem>> -> memref<36x64xf32, #tpu.memory_space<vmem>>
        %dma_wait3A_433 = arith.constant 0 : i32
        %dma_wait3A_434 = tpu.memref_slice %arg4[%dma_wait3A_433, %add3A_406] : memref<36x131072xf32, #tpu.memory_space<hbm>> -> memref<36x64xf32, #tpu.memory_space<hbm>>
        tpu.wait_dma2 semaphore(%dma_wait3A_428 : memref<!tpu.dma_semaphore, #tpu.memory_space<semaphore_mem>>) src(%dma_wait3A_434 : memref<36x64xf32, #tpu.memory_space<hbm>>) dst(%dma_wait3A_432 : memref<36x64xf32, #tpu.memory_space<vmem>>)
        %dma_wait3A_435 = arith.constant 0 : i32
        %dma_wait3A_436 = arith.constant 0 : i32
        %dma_wait3A_437 = tpu.memref_slice %arg10[%sub3A_203, %dma_wait3A_435, %dma_wait3A_436] : memref<2x64x3xf32, #tpu.memory_space<vmem>> -> memref<1x64x3xf32, #tpu.memory_space<vmem>>
        %dma_wait3A_438 = tpu.memref_squeeze %dma_wait3A_437 : memref<1x64x3xf32, #tpu.memory_space<vmem>> -> memref<64x3xf32, #tpu.memory_space<vmem>>
        %dma_wait3A_439 = arith.constant 0 : i32
        %dma_wait3A_440 = tpu.memref_slice %arg5[%add3A_406, %dma_wait3A_439] : memref<131072x3xf32, #tpu.memory_space<hbm>> -> memref<64x3xf32, #tpu.memory_space<hbm>>
        %dma_wait3A_441 = tpu.memref_slice %arg13[%sub3A_203] : memref<2x!tpu.dma_semaphore, #tpu.memory_space<semaphore_mem>> -> memref<1x!tpu.dma_semaphore, #tpu.memory_space<semaphore_mem>>
        %dma_wait3A_442 = tpu.memref_squeeze %dma_wait3A_441 : memref<1x!tpu.dma_semaphore, #tpu.memory_space<semaphore_mem>> -> memref<!tpu.dma_semaphore, #tpu.memory_space<semaphore_mem>>
        %dma_wait3A_443 = arith.constant 0 : i32
        %dma_wait3A_444 = arith.constant 0 : i32
        %dma_wait3A_445 = tpu.memref_slice %arg10[%sub3A_203, %dma_wait3A_443, %dma_wait3A_444] : memref<2x64x3xf32, #tpu.memory_space<vmem>> -> memref<1x64x3xf32, #tpu.memory_space<vmem>>
        %dma_wait3A_446 = tpu.memref_squeeze %dma_wait3A_445 : memref<1x64x3xf32, #tpu.memory_space<vmem>> -> memref<64x3xf32, #tpu.memory_space<vmem>>
        %dma_wait3A_447 = arith.constant 0 : i32
        %dma_wait3A_448 = tpu.memref_slice %arg5[%add3A_406, %dma_wait3A_447] : memref<131072x3xf32, #tpu.memory_space<hbm>> -> memref<64x3xf32, #tpu.memory_space<hbm>>
        tpu.wait_dma2 semaphore(%dma_wait3A_442 : memref<!tpu.dma_semaphore, #tpu.memory_space<semaphore_mem>>) src(%dma_wait3A_448 : memref<64x3xf32, #tpu.memory_space<hbm>>) dst(%dma_wait3A_446 : memref<64x3xf32, #tpu.memory_space<vmem>>)
        %scan3A_449 = arith.constant 0 : i32
        %scan3A_450 = arith.constant 36 : i32
        %scan3A_451 = arith.addi %scan3A_449, %scan3A_450 : i32
        %scan3A_452 = arith.constant 1 : i32
        scf.for %scan3A_459 = %scan3A_449 to %scan3A_451 step %scan3A_452  : i32 {
          %mul3A_460 = arith.constant 1 : i32
          %mul3A_461 = arith.muli %scan3A_459, %mul3A_460 : i32
          %add3A_462 = arith.constant 0 : i32
          %add3A_463 = arith.addi %add3A_462, %mul3A_461 : i32
          %get3A = arith.index_cast %sub3A_203 : i32 to index
          %get3A_464 = arith.index_cast %add3A_463 : i32 to index
          %get3A_465 = arith.constant 0 : index
          %get3A_466 = tpu.vector_load %arg7[%get3A, %get3A_464, %get3A_465] {strides = array<i32>} : memref<2x36x64xi32, #tpu.memory_space<vmem>>, vector<16xi32>,
          %shift_right_logical3A = arith.constant 1 : i32
          %shift_right_logical3A_467 = vector.broadcast %shift_right_logical3A : i32 to vector<16xi32>
          %shift_right_logical3A_468 = arith.shrui %get3A_466, %shift_right_logical3A_467 : vector<16xi32>
          %swap3A = arith.index_cast %sub3A_203 : i32 to index
          %swap3A_469 = arith.index_cast %add3A_463 : i32 to index
          %swap3A_470 = arith.constant 0 : index
          %swap3A_471 = tpu.vector_load %arg8[%swap3A, %swap3A_469, %swap3A_470] {strides = array<i32>} : memref<2x36x64xi32, #tpu.memory_space<vmem>>, vector<16xi32>,
          tpu.vector_store %arg8[%swap3A, %swap3A_469, %swap3A_470], %shift_right_logical3A_468 {strides = array<i32>} : memref<2x36x64xi32, #tpu.memory_space<vmem>>, vector<16xi32>,
          %get3A_472 = arith.index_cast %sub3A_203 : i32 to index
          %get3A_473 = arith.index_cast %add3A_463 : i32 to index
          %get3A_474 = arith.constant 16 : index
          %get3A_475 = tpu.vector_load %arg7[%get3A_472, %get3A_473, %get3A_474] {strides = array<i32>} : memref<2x36x64xi32, #tpu.memory_space<vmem>>, vector<16xi32>,
          %shift_right_logical3A_476 = arith.constant 1 : i32
          %shift_right_logical3A_477 = vector.broadcast %shift_right_logical3A_476 : i32 to vector<16xi32>
          %shift_right_logical3A_478 = arith.shrui %get3A_475, %shift_right_logical3A_477 : vector<16xi32>
          %swap3A_479 = arith.index_cast %sub3A_203 : i32 to index
          %swap3A_480 = arith.index_cast %add3A_463 : i32 to index
          %swap3A_481 = arith.constant 16 : index
          %swap3A_482 = tpu.vector_load %arg8[%swap3A_479, %swap3A_480, %swap3A_481] {strides = array<i32>} : memref<2x36x64xi32, #tpu.memory_space<vmem>>, vector<16xi32>,
          tpu.vector_store %arg8[%swap3A_479, %swap3A_480, %swap3A_481], %shift_right_logical3A_478 {strides = array<i32>} : memref<2x36x64xi32, #tpu.memory_space<vmem>>, vector<16xi32>,
          %get3A_483 = arith.index_cast %sub3A_203 : i32 to index
          %get3A_484 = arith.index_cast %add3A_463 : i32 to index
          %get3A_485 = arith.constant 32 : index
          %get3A_486 = tpu.vector_load %arg7[%get3A_483, %get3A_484, %get3A_485] {strides = array<i32>} : memref<2x36x64xi32, #tpu.memory_space<vmem>>, vector<16xi32>,
          %shift_right_logical3A_487 = arith.constant 1 : i32
          %shift_right_logical3A_488 = vector.broadcast %shift_right_logical3A_487 : i32 to vector<16xi32>
          %shift_right_logical3A_489 = arith.shrui %get3A_486, %shift_right_logical3A_488 : vector<16xi32>
          %swap3A_490 = arith.index_cast %sub3A_203 : i32 to index
          %swap3A_491 = arith.index_cast %add3A_463 : i32 to index
          %swap3A_492 = arith.constant 32 : index
          %swap3A_493 = tpu.vector_load %arg8[%swap3A_490, %swap3A_491, %swap3A_492] {strides = array<i32>} : memref<2x36x64xi32, #tpu.memory_space<vmem>>, vector<16xi32>,
          tpu.vector_store %arg8[%swap3A_490, %swap3A_491, %swap3A_492], %shift_right_logical3A_489 {strides = array<i32>} : memref<2x36x64xi32, #tpu.memory_space<vmem>>, vector<16xi32>,
          %get3A_494 = arith.index_cast %sub3A_203 : i32 to index
          %get3A_495 = arith.index_cast %add3A_463 : i32 to index
          %get3A_496 = arith.constant 48 : index
          %get3A_497 = tpu.vector_load %arg7[%get3A_494, %get3A_495, %get3A_496] {strides = array<i32>} : memref<2x36x64xi32, #tpu.memory_space<vmem>>, vector<16xi32>,
          %shift_right_logical3A_498 = arith.constant 1 : i32
          %shift_right_logical3A_499 = vector.broadcast %shift_right_logical3A_498 : i32 to vector<16xi32>
          %shift_right_logical3A_500 = arith.shrui %get3A_497, %shift_right_logical3A_499 : vector<16xi32>
          %swap3A_501 = arith.index_cast %sub3A_203 : i32 to index
          %swap3A_502 = arith.index_cast %add3A_463 : i32 to index
          %swap3A_503 = arith.constant 48 : index
          %swap3A_504 = tpu.vector_load %arg8[%swap3A_501, %swap3A_502, %swap3A_503] {strides = array<i32>} : memref<2x36x64xi32, #tpu.memory_space<vmem>>, vector<16xi32>,
          tpu.vector_store %arg8[%swap3A_501, %swap3A_502, %swap3A_503], %shift_right_logical3A_500 {strides = array<i32>} : memref<2x36x64xi32, #tpu.memory_space<vmem>>, vector<16xi32>,
        }
        %scan3A_453 = arith.constant 36 : i32
        %scan3A_454 = arith.constant 0 : i32
        %scan3A_455 = arith.constant 36 : i32
        %scan3A_456 = arith.addi %scan3A_454, %scan3A_455 : i32
        %scan3A_457 = arith.constant 1 : i32
        scf.for %scan3A_459 = %scan3A_454 to %scan3A_456 step %scan3A_457  : i32 {
          %mul3A_460 = arith.constant 1 : i32
          %mul3A_461 = arith.muli %scan3A_459, %mul3A_460 : i32
          %add3A_462 = arith.constant 0 : i32
          %add3A_463 = arith.addi %add3A_462, %mul3A_461 : i32
          %dma_start3A_464 = arith.constant 0 : i32
          %dma_start3A_465 = arith.constant 0 : i32
          %dma_start3A_466 = tpu.memref_slice %arg11[%sub3A_203, %add3A_463, %dma_start3A_464, %dma_start3A_465] : memref<2x36x64x16xi32, #tpu.memory_space<vmem>> -> memref<1x1x64x16xi32, #tpu.memory_space<vmem>>
          %dma_start3A_467 = tpu.memref_squeeze %dma_start3A_466 : memref<1x1x64x16xi32, #tpu.memory_space<vmem>> -> memref<64x16xi32, #tpu.memory_space<vmem>>
          %dma_start3A_468 = arith.constant 0 : i32
          %dma_start3A_469 = tpu.memref_slice %arg8[%sub3A_203, %add3A_463, %dma_start3A_468] : memref<2x36x64xi32, #tpu.memory_space<vmem>> -> memref<1x1x64xi32, #tpu.memory_space<vmem>>
          %dma_start3A_470 = tpu.memref_squeeze %dma_start3A_469 : memref<1x1x64xi32, #tpu.memory_space<vmem>> -> memref<64xi32, #tpu.memory_space<vmem>>
          %dma_start3A_471 = arith.constant 0 : i32
          %dma_start3A_472 = arith.constant 0 : i32
          %dma_start3A_473 = tpu.memref_slice %arg2[%dma_start3A_471, %dma_start3A_472] : memref<1179648x16xi32, #tpu.memory_space<hbm>> -> memref<1179648x16xi32, #tpu.memory_space<hbm>>
          %dma_start3A_474 = tpu.memref_slice %arg14[%sub3A_203] : memref<2x!tpu.dma_semaphore, #tpu.memory_space<semaphore_mem>> -> memref<1x!tpu.dma_semaphore, #tpu.memory_space<semaphore_mem>>
          %dma_start3A_475 = tpu.memref_squeeze %dma_start3A_474 : memref<1x!tpu.dma_semaphore, #tpu.memory_space<semaphore_mem>> -> memref<!tpu.dma_semaphore, #tpu.memory_space<semaphore_mem>>
          tpu.enqueue_indirect_dma source(%dma_start3A_473 : memref<1179648x16xi32, #tpu.memory_space<hbm>>) target(%dma_start3A_467 : memref<64x16xi32, #tpu.memory_space<vmem>>) offsets(%dma_start3A_470 : memref<64xi32, #tpu.memory_space<vmem>>) semaphore(%dma_start3A_475 : memref<!tpu.dma_semaphore, #tpu.memory_space<semaphore_mem>>)
        }
        %scan3A_458 = arith.constant 36 : i32
      } else {
      }
      %ge3A = arith.constant 2 : i32
      %ge3A_216 = arith.cmpi sge, %add3A_201, %ge3A : i32
      %convert_element_type3A_217 = arith.extui %ge3A_216 : i1 to i32
      %cond3A_218 = arith.constant 0 : i32
      %cond3A_219 = arith.cmpi ne, %convert_element_type3A_217, %cond3A_218 : i32
      scf.if %cond3A_219 {
        %dma_wait3A_402 = arith.constant 0 : i32
        %dma_wait3A_403 = arith.constant 0 : i32
        %dma_wait3A_404 = tpu.memref_slice %arg12[%rem3A_202, %dma_wait3A_402, %dma_wait3A_403] : memref<2x64x291xf32, #tpu.memory_space<vmem>> -> memref<1x64x291xf32, #tpu.memory_space<vmem>>
        %dma_wait3A_405 = tpu.memref_squeeze %dma_wait3A_404 : memref<1x64x291xf32, #tpu.memory_space<vmem>> -> memref<64x291xf32, #tpu.memory_space<vmem>>
        %dma_wait3A_406 = arith.constant 0 : i32
        %dma_wait3A_407 = tpu.memref_slice %arg6[%add3A_206, %dma_wait3A_406] : memref<131072x291xf32, #tpu.memory_space<hbm>> -> memref<64x291xf32, #tpu.memory_space<hbm>>
        %dma_wait3A_408 = tpu.memref_slice %arg15[%rem3A_202] : memref<2x!tpu.dma_semaphore, #tpu.memory_space<semaphore_mem>> -> memref<1x!tpu.dma_semaphore, #tpu.memory_space<semaphore_mem>>
        %dma_wait3A_409 = tpu.memref_squeeze %dma_wait3A_408 : memref<1x!tpu.dma_semaphore, #tpu.memory_space<semaphore_mem>> -> memref<!tpu.dma_semaphore, #tpu.memory_space<semaphore_mem>>
        %dma_wait3A_410 = arith.constant 0 : i32
        %dma_wait3A_411 = tpu.memref_slice %arg6[%add3A_206, %dma_wait3A_410] : memref<131072x291xf32, #tpu.memory_space<hbm>> -> memref<64x291xf32, #tpu.memory_space<hbm>>
        %dma_wait3A_412 = arith.constant 0 : i32
        %dma_wait3A_413 = arith.constant 0 : i32
        %dma_wait3A_414 = tpu.memref_slice %arg12[%rem3A_202, %dma_wait3A_412, %dma_wait3A_413] : memref<2x64x291xf32, #tpu.memory_space<vmem>> -> memref<1x64x291xf32, #tpu.memory_space<vmem>>
        %dma_wait3A_415 = tpu.memref_squeeze %dma_wait3A_414 : memref<1x64x291xf32, #tpu.memory_space<vmem>> -> memref<64x291xf32, #tpu.memory_space<vmem>>
        tpu.wait_dma2 semaphore(%dma_wait3A_409 : memref<!tpu.dma_semaphore, #tpu.memory_space<semaphore_mem>>) src(%dma_wait3A_415 : memref<64x291xf32, #tpu.memory_space<vmem>>) dst(%dma_wait3A_411 : memref<64x291xf32, #tpu.memory_space<hbm>>)
      } else {
      }
      %add3A_220 = arith.constant 0 : i32
      %add3A_221 = vector.broadcast %add3A_220 : i32 to vector<16xi32>
      %add3A_222 = arith.addi %iota3A, %add3A_221 : vector<16xi32>
      %broadcast_in_dim3A = arith.constant 0 : i32
      %broadcast_in_dim3A_223 = vector.broadcast %broadcast_in_dim3A : i32 to vector<16xi32>
      %gather3A = arith.constant 0 : i32
      %gather3A_224 = arith.constant 0 : i32
      %gather3A_225 = tpu.memref_slice %arg10[%rem3A_202, %gather3A, %gather3A_224] : memref<2x64x3xf32, #tpu.memory_space<vmem>> -> memref<1x64x3xf32, #tpu.memory_space<vmem>>
      %gather3A_226 = tpu.memref_squeeze %gather3A_225 : memref<1x64x3xf32, #tpu.memory_space<vmem>> -> memref<64x3xf32, #tpu.memory_space<vmem>>
      %gather3A_227 = tpu.vector_load_idx %gather3A_226[%add3A_222, %broadcast_in_dim3A_223] : memref<64x3xf32, #tpu.memory_space<vmem>>[vector<16xi32>, vector<16xi32>], vector<16xf32>,
      %scatter3A = arith.constant 0 : i32
      %scatter3A_228 = arith.constant 0 : i32
      %scatter3A_229 = tpu.memref_slice %arg12[%rem3A_202, %scatter3A, %scatter3A_228] : memref<2x64x291xf32, #tpu.memory_space<vmem>> -> memref<1x64x291xf32, #tpu.memory_space<vmem>>
      %scatter3A_230 = tpu.memref_squeeze %scatter3A_229 : memref<1x64x291xf32, #tpu.memory_space<vmem>> -> memref<64x291xf32, #tpu.memory_space<vmem>>
      tpu.vector_store_idx %scatter3A_230[%add3A_222, %broadcast_in_dim3A_223], %gather3A_227 : memref<64x291xf32, #tpu.memory_space<vmem>>[vector<16xi32>, vector<16xi32>], vector<16xf32>,
      %broadcast_in_dim3A_231 = arith.constant 1 : i32
      %broadcast_in_dim3A_232 = vector.broadcast %broadcast_in_dim3A_231 : i32 to vector<16xi32>
      %gather3A_233 = arith.constant 0 : i32
      %gather3A_234 = arith.constant 0 : i32
      %gather3A_235 = tpu.memref_slice %arg10[%rem3A_202, %gather3A_233, %gather3A_234] : memref<2x64x3xf32, #tpu.memory_space<vmem>> -> memref<1x64x3xf32, #tpu.memory_space<vmem>>
      %gather3A_236 = tpu.memref_squeeze %gather3A_235 : memref<1x64x3xf32, #tpu.memory_space<vmem>> -> memref<64x3xf32, #tpu.memory_space<vmem>>
      %gather3A_237 = tpu.vector_load_idx %gather3A_236[%add3A_222, %broadcast_in_dim3A_232] : memref<64x3xf32, #tpu.memory_space<vmem>>[vector<16xi32>, vector<16xi32>], vector<16xf32>,
      %scatter3A_238 = arith.constant 0 : i32
      %scatter3A_239 = arith.constant 0 : i32
      %scatter3A_240 = tpu.memref_slice %arg12[%rem3A_202, %scatter3A_238, %scatter3A_239] : memref<2x64x291xf32, #tpu.memory_space<vmem>> -> memref<1x64x291xf32, #tpu.memory_space<vmem>>
      %scatter3A_241 = tpu.memref_squeeze %scatter3A_240 : memref<1x64x291xf32, #tpu.memory_space<vmem>> -> memref<64x291xf32, #tpu.memory_space<vmem>>
      tpu.vector_store_idx %scatter3A_241[%add3A_222, %broadcast_in_dim3A_232], %gather3A_237 : memref<64x291xf32, #tpu.memory_space<vmem>>[vector<16xi32>, vector<16xi32>], vector<16xf32>,
      %broadcast_in_dim3A_242 = arith.constant 2 : i32
      %broadcast_in_dim3A_243 = vector.broadcast %broadcast_in_dim3A_242 : i32 to vector<16xi32>
      %gather3A_244 = arith.constant 0 : i32
      %gather3A_245 = arith.constant 0 : i32
      %gather3A_246 = tpu.memref_slice %arg10[%rem3A_202, %gather3A_244, %gather3A_245] : memref<2x64x3xf32, #tpu.memory_space<vmem>> -> memref<1x64x3xf32, #tpu.memory_space<vmem>>
      %gather3A_247 = tpu.memref_squeeze %gather3A_246 : memref<1x64x3xf32, #tpu.memory_space<vmem>> -> memref<64x3xf32, #tpu.memory_space<vmem>>
      %gather3A_248 = tpu.vector_load_idx %gather3A_247[%add3A_222, %broadcast_in_dim3A_243] : memref<64x3xf32, #tpu.memory_space<vmem>>[vector<16xi32>, vector<16xi32>], vector<16xf32>,
      %scatter3A_249 = arith.constant 0 : i32
      %scatter3A_250 = arith.constant 0 : i32
      %scatter3A_251 = tpu.memref_slice %arg12[%rem3A_202, %scatter3A_249, %scatter3A_250] : memref<2x64x291xf32, #tpu.memory_space<vmem>> -> memref<1x64x291xf32, #tpu.memory_space<vmem>>
      %scatter3A_252 = tpu.memref_squeeze %scatter3A_251 : memref<1x64x291xf32, #tpu.memory_space<vmem>> -> memref<64x291xf32, #tpu.memory_space<vmem>>
      tpu.vector_store_idx %scatter3A_252[%add3A_222, %broadcast_in_dim3A_243], %gather3A_248 : memref<64x291xf32, #tpu.memory_space<vmem>>[vector<16xi32>, vector<16xi32>], vector<16xf32>,
      %scan3A_253 = arith.constant 0 : i32
      %scan3A_254 = arith.constant 36 : i32
      %scan3A_255 = arith.addi %scan3A_253, %scan3A_254 : i32
      %scan3A_256 = arith.constant 1 : i32
      scf.for %scan3A_402 = %scan3A_253 to %scan3A_255 step %scan3A_256  : i32 {
        %mul3A_403 = arith.constant 1 : i32
        %mul3A_404 = arith.muli %scan3A_402, %mul3A_403 : i32
        %add3A_405 = arith.constant 0 : i32
        %add3A_406 = arith.addi %add3A_405, %mul3A_404 : i32
        %get3A = arith.index_cast %rem3A_202 : i32 to index
        %get3A_407 = arith.index_cast %add3A_406 : i32 to index
        %get3A_408 = arith.constant 0 : index
        %get3A_409 = tpu.vector_load %arg9[%get3A, %get3A_407, %get3A_408] {strides = array<i32>} : memref<2x36x64xf32, #tpu.memory_space<vmem>>, vector<16xf32>,
        %get3A_410 = arith.index_cast %rem3A_202 : i32 to index
        %get3A_411 = arith.index_cast %add3A_406 : i32 to index
        %get3A_412 = arith.constant 0 : index
        %get3A_413 = tpu.vector_load %arg7[%get3A_410, %get3A_411, %get3A_412] {strides = array<i32>} : memref<2x36x64xi32, #tpu.memory_space<vmem>>, vector<16xi32>,
        %mul3A_414 = arith.constant 65536 : i32
        %mul3A_415 = arith.muli %add3A_406, %mul3A_414 : i32
        %sub3A_416 = vector.broadcast %mul3A_415 : i32 to vector<16xi32>
        %sub3A_417 = arith.subi %get3A_413, %sub3A_416 : vector<16xi32>
        %convert_element_type3A_418 = arith.sitofp %sub3A_417 : vector<16xi32> to vector<16xf32>
        %add3A_419 = arith.addf %convert_element_type3A_418, %get3A_409 : vector<16xf32>
        %mul3A_420 = arith.constant 3.05180438E-5 : f32
        %mul3A_421 = vector.broadcast %mul3A_420 : f32 to vector<16xf32>
        %mul3A_422 = arith.mulf %add3A_419, %mul3A_421 : vector<16xf32>
        %sub3A_423 = arith.constant 1.000000e+00 : f32
        %sub3A_424 = vector.broadcast %sub3A_423 : f32 to vector<16xf32>
        %sub3A_425 = arith.subf %mul3A_422, %sub3A_424 : vector<16xf32>
        %and3A = arith.constant 1 : i32
        %and3A_426 = vector.broadcast %and3A : i32 to vector<16xi32>
        %and3A_427 = arith.andi %get3A_413, %and3A_426 : vector<16xi32>
        %shift_left3A = arith.constant 2 : i32
        %shift_left3A_428 = vector.broadcast %shift_left3A : i32 to vector<16xi32>
        %shift_left3A_429 = arith.shli %and3A_427, %shift_left3A_428 : vector<16xi32>
        %broadcast_in_dim3A_430 = vector.broadcast %add3A_406 : i32 to vector<16xi32>
        %add3A_431 = arith.constant 0 : i32
        %add3A_432 = vector.broadcast %add3A_431 : i32 to vector<16xi32>
        %add3A_433 = arith.addi %shift_left3A_429, %add3A_432 : vector<16xi32>
        %gather3A_434 = arith.constant 0 : i32
        %gather3A_435 = arith.constant 0 : i32
        %gather3A_436 = arith.constant 0 : i32
        %gather3A_437 = tpu.memref_slice %arg11[%rem3A_202, %gather3A_434, %gather3A_435, %gather3A_436] : memref<2x36x64x16xi32, #tpu.memory_space<vmem>> -> memref<1x36x64x16xi32, #tpu.memory_space<vmem>>
        %gather3A_438 = tpu.memref_squeeze %gather3A_437 : memref<1x36x64x16xi32, #tpu.memory_space<vmem>> -> memref<36x64x16xi32, #tpu.memory_space<vmem>>
        %gather3A_439 = tpu.vector_load_idx %gather3A_438[%broadcast_in_dim3A_430, %add3A_222, %add3A_433] : memref<36x64x16xi32, #tpu.memory_space<vmem>>[vector<16xi32>, vector<16xi32>, vector<16xi32>], vector<16xi32>,
        %add3A_440 = arith.constant 4 : i32
        %add3A_441 = vector.broadcast %add3A_440 : i32 to vector<16xi32>
        %add3A_442 = arith.addi %shift_left3A_429, %add3A_441 : vector<16xi32>
        %gather3A_443 = arith.constant 0 : i32
        %gather3A_444 = arith.constant 0 : i32
        %gather3A_445 = arith.constant 0 : i32
        %gather3A_446 = tpu.memref_slice %arg11[%rem3A_202, %gather3A_443, %gather3A_444, %gather3A_445] : memref<2x36x64x16xi32, #tpu.memory_space<vmem>> -> memref<1x36x64x16xi32, #tpu.memory_space<vmem>>
        %gather3A_447 = tpu.memref_squeeze %gather3A_446 : memref<1x36x64x16xi32, #tpu.memory_space<vmem>> -> memref<36x64x16xi32, #tpu.memory_space<vmem>>
        %gather3A_448 = tpu.vector_load_idx %gather3A_447[%broadcast_in_dim3A_430, %add3A_222, %add3A_442] : memref<36x64x16xi32, #tpu.memory_space<vmem>>[vector<16xi32>, vector<16xi32>, vector<16xi32>], vector<16xi32>,
        %bitcast3A = vector.bitcast %gather3A_439 : vector<16xi32> to vector<32xbf16>
        %unpack3A = tpu.unpack_subelements %bitcast3A, 0 {pack_format = #tpu.pack_format<interleaved>} : vector<32xbf16> -> vector<16xf32>
        %unpack3A_449 = tpu.unpack_subelements %bitcast3A, 1 {pack_format = #tpu.pack_format<interleaved>} : vector<32xbf16> -> vector<16xf32>
        %bitcast3A_450 = vector.bitcast %gather3A_448 : vector<16xi32> to vector<32xbf16>
        %unpack3A_451 = tpu.unpack_subelements %bitcast3A_450, 0 {pack_format = #tpu.pack_format<interleaved>} : vector<32xbf16> -> vector<16xf32>
        %unpack3A_452 = tpu.unpack_subelements %bitcast3A_450, 1 {pack_format = #tpu.pack_format<interleaved>} : vector<32xbf16> -> vector<16xf32>
        %sub3A_453 = arith.subf %unpack3A_451, %unpack3A : vector<16xf32>
        %mul3A_454 = arith.mulf %get3A_409, %sub3A_453 : vector<16xf32>
        %add3A_455 = arith.addf %unpack3A, %mul3A_454 : vector<16xf32>
        %add3A_456 = arith.addf %add3A_455, %sub3A_425 : vector<16xf32>
        %sub3A_457 = arith.subf %unpack3A_452, %unpack3A_449 : vector<16xf32>
        %mul3A_458 = arith.mulf %get3A_409, %sub3A_457 : vector<16xf32>
        %add3A_459 = arith.addf %unpack3A_449, %mul3A_458 : vector<16xf32>
        %add3A_460 = arith.addf %add3A_459, %sub3A_425 : vector<16xf32>
        %broadcast_in_dim3A_461 = arith.constant 3 : i32
        %broadcast_in_dim3A_462 = vector.broadcast %broadcast_in_dim3A_461 : i32 to vector<16xi32>
        %add3A_463 = arith.addi %broadcast_in_dim3A_462, %broadcast_in_dim3A_430 : vector<16xi32>
        %broadcast_in_dim3A_464 = arith.constant 39 : i32
        %broadcast_in_dim3A_465 = vector.broadcast %broadcast_in_dim3A_464 : i32 to vector<16xi32>
        %add3A_466 = arith.addi %broadcast_in_dim3A_465, %broadcast_in_dim3A_430 : vector<16xi32>
        %scatter3A_467 = arith.constant 0 : i32
        %scatter3A_468 = arith.constant 0 : i32
        %scatter3A_469 = tpu.memref_slice %arg12[%rem3A_202, %scatter3A_467, %scatter3A_468] : memref<2x64x291xf32, #tpu.memory_space<vmem>> -> memref<1x64x291xf32, #tpu.memory_space<vmem>>
        %scatter3A_470 = tpu.memref_squeeze %scatter3A_469 : memref<1x64x291xf32, #tpu.memory_space<vmem>> -> memref<64x291xf32, #tpu.memory_space<vmem>>
        tpu.vector_store_idx %scatter3A_470[%add3A_222, %add3A_463], %add3A_456 : memref<64x291xf32, #tpu.memory_space<vmem>>[vector<16xi32>, vector<16xi32>], vector<16xf32>,
        %scatter3A_471 = arith.constant 0 : i32
        %scatter3A_472 = arith.constant 0 : i32
        %scatter3A_473 = tpu.memref_slice %arg12[%rem3A_202, %scatter3A_471, %scatter3A_472] : memref<2x64x291xf32, #tpu.memory_space<vmem>> -> memref<1x64x291xf32, #tpu.memory_space<vmem>>
        %scatter3A_474 = tpu.memref_squeeze %scatter3A_473 : memref<1x64x291xf32, #tpu.memory_space<vmem>> -> memref<64x291xf32, #tpu.memory_space<vmem>>
        tpu.vector_store_idx %scatter3A_474[%add3A_222, %add3A_466], %add3A_460 : memref<64x291xf32, #tpu.memory_space<vmem>>[vector<16xi32>, vector<16xi32>], vector<16xf32>,
        %add3A_475 = arith.constant 1 : i32
        %add3A_476 = vector.broadcast %add3A_475 : i32 to vector<16xi32>
        %add3A_477 = arith.addi %shift_left3A_429, %add3A_476 : vector<16xi32>
        %gather3A_478 = arith.constant 0 : i32
        %gather3A_479 = arith.constant 0 : i32
        %gather3A_480 = arith.constant 0 : i32
        %gather3A_481 = tpu.memref_slice %arg11[%rem3A_202, %gather3A_478, %gather3A_479, %gather3A_480] : memref<2x36x64x16xi32, #tpu.memory_space<vmem>> -> memref<1x36x64x16xi32, #tpu.memory_space<vmem>>
        %gather3A_482 = tpu.memref_squeeze %gather3A_481 : memref<1x36x64x16xi32, #tpu.memory_space<vmem>> -> memref<36x64x16xi32, #tpu.memory_space<vmem>>
        %gather3A_483 = tpu.vector_load_idx %gather3A_482[%broadcast_in_dim3A_430, %add3A_222, %add3A_477] : memref<36x64x16xi32, #tpu.memory_space<vmem>>[vector<16xi32>, vector<16xi32>, vector<16xi32>], vector<16xi32>,
        %add3A_484 = arith.constant 5 : i32
        %add3A_485 = vector.broadcast %add3A_484 : i32 to vector<16xi32>
        %add3A_486 = arith.addi %shift_left3A_429, %add3A_485 : vector<16xi32>
        %gather3A_487 = arith.constant 0 : i32
        %gather3A_488 = arith.constant 0 : i32
        %gather3A_489 = arith.constant 0 : i32
        %gather3A_490 = tpu.memref_slice %arg11[%rem3A_202, %gather3A_487, %gather3A_488, %gather3A_489] : memref<2x36x64x16xi32, #tpu.memory_space<vmem>> -> memref<1x36x64x16xi32, #tpu.memory_space<vmem>>
        %gather3A_491 = tpu.memref_squeeze %gather3A_490 : memref<1x36x64x16xi32, #tpu.memory_space<vmem>> -> memref<36x64x16xi32, #tpu.memory_space<vmem>>
        %gather3A_492 = tpu.vector_load_idx %gather3A_491[%broadcast_in_dim3A_430, %add3A_222, %add3A_486] : memref<36x64x16xi32, #tpu.memory_space<vmem>>[vector<16xi32>, vector<16xi32>, vector<16xi32>], vector<16xi32>,
        %bitcast3A_493 = vector.bitcast %gather3A_483 : vector<16xi32> to vector<32xbf16>
        %unpack3A_494 = tpu.unpack_subelements %bitcast3A_493, 0 {pack_format = #tpu.pack_format<interleaved>} : vector<32xbf16> -> vector<16xf32>
        %unpack3A_495 = tpu.unpack_subelements %bitcast3A_493, 1 {pack_format = #tpu.pack_format<interleaved>} : vector<32xbf16> -> vector<16xf32>
        %bitcast3A_496 = vector.bitcast %gather3A_492 : vector<16xi32> to vector<32xbf16>
        %unpack3A_497 = tpu.unpack_subelements %bitcast3A_496, 0 {pack_format = #tpu.pack_format<interleaved>} : vector<32xbf16> -> vector<16xf32>
        %unpack3A_498 = tpu.unpack_subelements %bitcast3A_496, 1 {pack_format = #tpu.pack_format<interleaved>} : vector<32xbf16> -> vector<16xf32>
        %sub3A_499 = arith.subf %unpack3A_497, %unpack3A_494 : vector<16xf32>
        %mul3A_500 = arith.mulf %get3A_409, %sub3A_499 : vector<16xf32>
        %add3A_501 = arith.addf %unpack3A_494, %mul3A_500 : vector<16xf32>
        %add3A_502 = arith.addf %add3A_501, %sub3A_425 : vector<16xf32>
        %sub3A_503 = arith.subf %unpack3A_498, %unpack3A_495 : vector<16xf32>
        %mul3A_504 = arith.mulf %get3A_409, %sub3A_503 : vector<16xf32>
        %add3A_505 = arith.addf %unpack3A_495, %mul3A_504 : vector<16xf32>
        %add3A_506 = arith.addf %add3A_505, %sub3A_425 : vector<16xf32>
        %broadcast_in_dim3A_507 = arith.constant 75 : i32
        %broadcast_in_dim3A_508 = vector.broadcast %broadcast_in_dim3A_507 : i32 to vector<16xi32>
        %add3A_509 = arith.addi %broadcast_in_dim3A_508, %broadcast_in_dim3A_430 : vector<16xi32>
        %broadcast_in_dim3A_510 = arith.constant 111 : i32
        %broadcast_in_dim3A_511 = vector.broadcast %broadcast_in_dim3A_510 : i32 to vector<16xi32>
        %add3A_512 = arith.addi %broadcast_in_dim3A_511, %broadcast_in_dim3A_430 : vector<16xi32>
        %scatter3A_513 = arith.constant 0 : i32
        %scatter3A_514 = arith.constant 0 : i32
        %scatter3A_515 = tpu.memref_slice %arg12[%rem3A_202, %scatter3A_513, %scatter3A_514] : memref<2x64x291xf32, #tpu.memory_space<vmem>> -> memref<1x64x291xf32, #tpu.memory_space<vmem>>
        %scatter3A_516 = tpu.memref_squeeze %scatter3A_515 : memref<1x64x291xf32, #tpu.memory_space<vmem>> -> memref<64x291xf32, #tpu.memory_space<vmem>>
        tpu.vector_store_idx %scatter3A_516[%add3A_222, %add3A_509], %add3A_502 : memref<64x291xf32, #tpu.memory_space<vmem>>[vector<16xi32>, vector<16xi32>], vector<16xf32>,
        %scatter3A_517 = arith.constant 0 : i32
        %scatter3A_518 = arith.constant 0 : i32
        %scatter3A_519 = tpu.memref_slice %arg12[%rem3A_202, %scatter3A_517, %scatter3A_518] : memref<2x64x291xf32, #tpu.memory_space<vmem>> -> memref<1x64x291xf32, #tpu.memory_space<vmem>>
        %scatter3A_520 = tpu.memref_squeeze %scatter3A_519 : memref<1x64x291xf32, #tpu.memory_space<vmem>> -> memref<64x291xf32, #tpu.memory_space<vmem>>
        tpu.vector_store_idx %scatter3A_520[%add3A_222, %add3A_512], %add3A_506 : memref<64x291xf32, #tpu.memory_space<vmem>>[vector<16xi32>, vector<16xi32>], vector<16xf32>,
        %add3A_521 = arith.constant 2 : i32
        %add3A_522 = vector.broadcast %add3A_521 : i32 to vector<16xi32>
        %add3A_523 = arith.addi %shift_left3A_429, %add3A_522 : vector<16xi32>
        %gather3A_524 = arith.constant 0 : i32
        %gather3A_525 = arith.constant 0 : i32
        %gather3A_526 = arith.constant 0 : i32
        %gather3A_527 = tpu.memref_slice %arg11[%rem3A_202, %gather3A_524, %gather3A_525, %gather3A_526] : memref<2x36x64x16xi32, #tpu.memory_space<vmem>> -> memref<1x36x64x16xi32, #tpu.memory_space<vmem>>
        %gather3A_528 = tpu.memref_squeeze %gather3A_527 : memref<1x36x64x16xi32, #tpu.memory_space<vmem>> -> memref<36x64x16xi32, #tpu.memory_space<vmem>>
        %gather3A_529 = tpu.vector_load_idx %gather3A_528[%broadcast_in_dim3A_430, %add3A_222, %add3A_523] : memref<36x64x16xi32, #tpu.memory_space<vmem>>[vector<16xi32>, vector<16xi32>, vector<16xi32>], vector<16xi32>,
        %add3A_530 = arith.constant 6 : i32
        %add3A_531 = vector.broadcast %add3A_530 : i32 to vector<16xi32>
        %add3A_532 = arith.addi %shift_left3A_429, %add3A_531 : vector<16xi32>
        %gather3A_533 = arith.constant 0 : i32
        %gather3A_534 = arith.constant 0 : i32
        %gather3A_535 = arith.constant 0 : i32
        %gather3A_536 = tpu.memref_slice %arg11[%rem3A_202, %gather3A_533, %gather3A_534, %gather3A_535] : memref<2x36x64x16xi32, #tpu.memory_space<vmem>> -> memref<1x36x64x16xi32, #tpu.memory_space<vmem>>
        %gather3A_537 = tpu.memref_squeeze %gather3A_536 : memref<1x36x64x16xi32, #tpu.memory_space<vmem>> -> memref<36x64x16xi32, #tpu.memory_space<vmem>>
        %gather3A_538 = tpu.vector_load_idx %gather3A_537[%broadcast_in_dim3A_430, %add3A_222, %add3A_532] : memref<36x64x16xi32, #tpu.memory_space<vmem>>[vector<16xi32>, vector<16xi32>, vector<16xi32>], vector<16xi32>,
        %bitcast3A_539 = vector.bitcast %gather3A_529 : vector<16xi32> to vector<32xbf16>
        %unpack3A_540 = tpu.unpack_subelements %bitcast3A_539, 0 {pack_format = #tpu.pack_format<interleaved>} : vector<32xbf16> -> vector<16xf32>
        %unpack3A_541 = tpu.unpack_subelements %bitcast3A_539, 1 {pack_format = #tpu.pack_format<interleaved>} : vector<32xbf16> -> vector<16xf32>
        %bitcast3A_542 = vector.bitcast %gather3A_538 : vector<16xi32> to vector<32xbf16>
        %unpack3A_543 = tpu.unpack_subelements %bitcast3A_542, 0 {pack_format = #tpu.pack_format<interleaved>} : vector<32xbf16> -> vector<16xf32>
        %unpack3A_544 = tpu.unpack_subelements %bitcast3A_542, 1 {pack_format = #tpu.pack_format<interleaved>} : vector<32xbf16> -> vector<16xf32>
        %sub3A_545 = arith.subf %unpack3A_543, %unpack3A_540 : vector<16xf32>
        %mul3A_546 = arith.mulf %get3A_409, %sub3A_545 : vector<16xf32>
        %add3A_547 = arith.addf %unpack3A_540, %mul3A_546 : vector<16xf32>
        %add3A_548 = arith.addf %add3A_547, %sub3A_425 : vector<16xf32>
        %sub3A_549 = arith.subf %unpack3A_544, %unpack3A_541 : vector<16xf32>
        %mul3A_550 = arith.mulf %get3A_409, %sub3A_549 : vector<16xf32>
        %add3A_551 = arith.addf %unpack3A_541, %mul3A_550 : vector<16xf32>
        %add3A_552 = arith.addf %add3A_551, %sub3A_425 : vector<16xf32>
        %broadcast_in_dim3A_553 = arith.constant 147 : i32
        %broadcast_in_dim3A_554 = vector.broadcast %broadcast_in_dim3A_553 : i32 to vector<16xi32>
        %add3A_555 = arith.addi %broadcast_in_dim3A_554, %broadcast_in_dim3A_430 : vector<16xi32>
        %broadcast_in_dim3A_556 = arith.constant 183 : i32
        %broadcast_in_dim3A_557 = vector.broadcast %broadcast_in_dim3A_556 : i32 to vector<16xi32>
        %add3A_558 = arith.addi %broadcast_in_dim3A_557, %broadcast_in_dim3A_430 : vector<16xi32>
        %scatter3A_559 = arith.constant 0 : i32
        %scatter3A_560 = arith.constant 0 : i32
        %scatter3A_561 = tpu.memref_slice %arg12[%rem3A_202, %scatter3A_559, %scatter3A_560] : memref<2x64x291xf32, #tpu.memory_space<vmem>> -> memref<1x64x291xf32, #tpu.memory_space<vmem>>
        %scatter3A_562 = tpu.memref_squeeze %scatter3A_561 : memref<1x64x291xf32, #tpu.memory_space<vmem>> -> memref<64x291xf32, #tpu.memory_space<vmem>>
        tpu.vector_store_idx %scatter3A_562[%add3A_222, %add3A_555], %add3A_548 : memref<64x291xf32, #tpu.memory_space<vmem>>[vector<16xi32>, vector<16xi32>], vector<16xf32>,
        %scatter3A_563 = arith.constant 0 : i32
        %scatter3A_564 = arith.constant 0 : i32
        %scatter3A_565 = tpu.memref_slice %arg12[%rem3A_202, %scatter3A_563, %scatter3A_564] : memref<2x64x291xf32, #tpu.memory_space<vmem>> -> memref<1x64x291xf32, #tpu.memory_space<vmem>>
        %scatter3A_566 = tpu.memref_squeeze %scatter3A_565 : memref<1x64x291xf32, #tpu.memory_space<vmem>> -> memref<64x291xf32, #tpu.memory_space<vmem>>
        tpu.vector_store_idx %scatter3A_566[%add3A_222, %add3A_558], %add3A_552 : memref<64x291xf32, #tpu.memory_space<vmem>>[vector<16xi32>, vector<16xi32>], vector<16xf32>,
        %add3A_567 = arith.constant 3 : i32
        %add3A_568 = vector.broadcast %add3A_567 : i32 to vector<16xi32>
        %add3A_569 = arith.addi %shift_left3A_429, %add3A_568 : vector<16xi32>
        %gather3A_570 = arith.constant 0 : i32
        %gather3A_571 = arith.constant 0 : i32
        %gather3A_572 = arith.constant 0 : i32
        %gather3A_573 = tpu.memref_slice %arg11[%rem3A_202, %gather3A_570, %gather3A_571, %gather3A_572] : memref<2x36x64x16xi32, #tpu.memory_space<vmem>> -> memref<1x36x64x16xi32, #tpu.memory_space<vmem>>
        %gather3A_574 = tpu.memref_squeeze %gather3A_573 : memref<1x36x64x16xi32, #tpu.memory_space<vmem>> -> memref<36x64x16xi32, #tpu.memory_space<vmem>>
        %gather3A_575 = tpu.vector_load_idx %gather3A_574[%broadcast_in_dim3A_430, %add3A_222, %add3A_569] : memref<36x64x16xi32, #tpu.memory_space<vmem>>[vector<16xi32>, vector<16xi32>, vector<16xi32>], vector<16xi32>,
        %add3A_576 = arith.constant 7 : i32
        %add3A_577 = vector.broadcast %add3A_576 : i32 to vector<16xi32>
        %add3A_578 = arith.addi %shift_left3A_429, %add3A_577 : vector<16xi32>
        %gather3A_579 = arith.constant 0 : i32
        %gather3A_580 = arith.constant 0 : i32
        %gather3A_581 = arith.constant 0 : i32
        %gather3A_582 = tpu.memref_slice %arg11[%rem3A_202, %gather3A_579, %gather3A_580, %gather3A_581] : memref<2x36x64x16xi32, #tpu.memory_space<vmem>> -> memref<1x36x64x16xi32, #tpu.memory_space<vmem>>
        %gather3A_583 = tpu.memref_squeeze %gather3A_582 : memref<1x36x64x16xi32, #tpu.memory_space<vmem>> -> memref<36x64x16xi32, #tpu.memory_space<vmem>>
        %gather3A_584 = tpu.vector_load_idx %gather3A_583[%broadcast_in_dim3A_430, %add3A_222, %add3A_578] : memref<36x64x16xi32, #tpu.memory_space<vmem>>[vector<16xi32>, vector<16xi32>, vector<16xi32>], vector<16xi32>,
        %bitcast3A_585 = vector.bitcast %gather3A_575 : vector<16xi32> to vector<32xbf16>
        %unpack3A_586 = tpu.unpack_subelements %bitcast3A_585, 0 {pack_format = #tpu.pack_format<interleaved>} : vector<32xbf16> -> vector<16xf32>
        %unpack3A_587 = tpu.unpack_subelements %bitcast3A_585, 1 {pack_format = #tpu.pack_format<interleaved>} : vector<32xbf16> -> vector<16xf32>
        %bitcast3A_588 = vector.bitcast %gather3A_584 : vector<16xi32> to vector<32xbf16>
        %unpack3A_589 = tpu.unpack_subelements %bitcast3A_588, 0 {pack_format = #tpu.pack_format<interleaved>} : vector<32xbf16> -> vector<16xf32>
        %unpack3A_590 = tpu.unpack_subelements %bitcast3A_588, 1 {pack_format = #tpu.pack_format<interleaved>} : vector<32xbf16> -> vector<16xf32>
        %sub3A_591 = arith.subf %unpack3A_589, %unpack3A_586 : vector<16xf32>
        %mul3A_592 = arith.mulf %get3A_409, %sub3A_591 : vector<16xf32>
        %add3A_593 = arith.addf %unpack3A_586, %mul3A_592 : vector<16xf32>
        %add3A_594 = arith.addf %add3A_593, %sub3A_425 : vector<16xf32>
        %sub3A_595 = arith.subf %unpack3A_590, %unpack3A_587 : vector<16xf32>
        %mul3A_596 = arith.mulf %get3A_409, %sub3A_595 : vector<16xf32>
        %add3A_597 = arith.addf %unpack3A_587, %mul3A_596 : vector<16xf32>
        %add3A_598 = arith.addf %add3A_597, %sub3A_425 : vector<16xf32>
        %broadcast_in_dim3A_599 = arith.constant 219 : i32
        %broadcast_in_dim3A_600 = vector.broadcast %broadcast_in_dim3A_599 : i32 to vector<16xi32>
        %add3A_601 = arith.addi %broadcast_in_dim3A_600, %broadcast_in_dim3A_430 : vector<16xi32>
        %broadcast_in_dim3A_602 = arith.constant 255 : i32
        %broadcast_in_dim3A_603 = vector.broadcast %broadcast_in_dim3A_602 : i32 to vector<16xi32>
        %add3A_604 = arith.addi %broadcast_in_dim3A_603, %broadcast_in_dim3A_430 : vector<16xi32>
        %scatter3A_605 = arith.constant 0 : i32
        %scatter3A_606 = arith.constant 0 : i32
        %scatter3A_607 = tpu.memref_slice %arg12[%rem3A_202, %scatter3A_605, %scatter3A_606] : memref<2x64x291xf32, #tpu.memory_space<vmem>> -> memref<1x64x291xf32, #tpu.memory_space<vmem>>
        %scatter3A_608 = tpu.memref_squeeze %scatter3A_607 : memref<1x64x291xf32, #tpu.memory_space<vmem>> -> memref<64x291xf32, #tpu.memory_space<vmem>>
        tpu.vector_store_idx %scatter3A_608[%add3A_222, %add3A_601], %add3A_594 : memref<64x291xf32, #tpu.memory_space<vmem>>[vector<16xi32>, vector<16xi32>], vector<16xf32>,
        %scatter3A_609 = arith.constant 0 : i32
        %scatter3A_610 = arith.constant 0 : i32
        %scatter3A_611 = tpu.memref_slice %arg12[%rem3A_202, %scatter3A_609, %scatter3A_610] : memref<2x64x291xf32, #tpu.memory_space<vmem>> -> memref<1x64x291xf32, #tpu.memory_space<vmem>>
        %scatter3A_612 = tpu.memref_squeeze %scatter3A_611 : memref<1x64x291xf32, #tpu.memory_space<vmem>> -> memref<64x291xf32, #tpu.memory_space<vmem>>
        tpu.vector_store_idx %scatter3A_612[%add3A_222, %add3A_604], %add3A_598 : memref<64x291xf32, #tpu.memory_space<vmem>>[vector<16xi32>, vector<16xi32>], vector<16xf32>,
      }
      %scan3A_257 = arith.constant 36 : i32
      %add3A_258 = arith.constant 16 : i32
      %add3A_259 = vector.broadcast %add3A_258 : i32 to vector<16xi32>
      %add3A_260 = arith.addi %iota3A, %add3A_259 : vector<16xi32>
      %broadcast_in_dim3A_261 = arith.constant 0 : i32
      %broadcast_in_dim3A_262 = vector.broadcast %broadcast_in_dim3A_261 : i32 to vector<16xi32>
      %gather3A_263 = arith.constant 0 : i32
      %gather3A_264 = arith.constant 0 : i32
      %gather3A_265 = tpu.memref_slice %arg10[%rem3A_202, %gather3A_263, %gather3A_264] : memref<2x64x3xf32, #tpu.memory_space<vmem>> -> memref<1x64x3xf32, #tpu.memory_space<vmem>>
      %gather3A_266 = tpu.memref_squeeze %gather3A_265 : memref<1x64x3xf32, #tpu.memory_space<vmem>> -> memref<64x3xf32, #tpu.memory_space<vmem>>
      %gather3A_267 = tpu.vector_load_idx %gather3A_266[%add3A_260, %broadcast_in_dim3A_262] : memref<64x3xf32, #tpu.memory_space<vmem>>[vector<16xi32>, vector<16xi32>], vector<16xf32>,
      %scatter3A_268 = arith.constant 0 : i32
      %scatter3A_269 = arith.constant 0 : i32
      %scatter3A_270 = tpu.memref_slice %arg12[%rem3A_202, %scatter3A_268, %scatter3A_269] : memref<2x64x291xf32, #tpu.memory_space<vmem>> -> memref<1x64x291xf32, #tpu.memory_space<vmem>>
      %scatter3A_271 = tpu.memref_squeeze %scatter3A_270 : memref<1x64x291xf32, #tpu.memory_space<vmem>> -> memref<64x291xf32, #tpu.memory_space<vmem>>
      tpu.vector_store_idx %scatter3A_271[%add3A_260, %broadcast_in_dim3A_262], %gather3A_267 : memref<64x291xf32, #tpu.memory_space<vmem>>[vector<16xi32>, vector<16xi32>], vector<16xf32>,
      %broadcast_in_dim3A_272 = arith.constant 1 : i32
      %broadcast_in_dim3A_273 = vector.broadcast %broadcast_in_dim3A_272 : i32 to vector<16xi32>
      %gather3A_274 = arith.constant 0 : i32
      %gather3A_275 = arith.constant 0 : i32
      %gather3A_276 = tpu.memref_slice %arg10[%rem3A_202, %gather3A_274, %gather3A_275] : memref<2x64x3xf32, #tpu.memory_space<vmem>> -> memref<1x64x3xf32, #tpu.memory_space<vmem>>
      %gather3A_277 = tpu.memref_squeeze %gather3A_276 : memref<1x64x3xf32, #tpu.memory_space<vmem>> -> memref<64x3xf32, #tpu.memory_space<vmem>>
      %gather3A_278 = tpu.vector_load_idx %gather3A_277[%add3A_260, %broadcast_in_dim3A_273] : memref<64x3xf32, #tpu.memory_space<vmem>>[vector<16xi32>, vector<16xi32>], vector<16xf32>,
      %scatter3A_279 = arith.constant 0 : i32
      %scatter3A_280 = arith.constant 0 : i32
      %scatter3A_281 = tpu.memref_slice %arg12[%rem3A_202, %scatter3A_279, %scatter3A_280] : memref<2x64x291xf32, #tpu.memory_space<vmem>> -> memref<1x64x291xf32, #tpu.memory_space<vmem>>
      %scatter3A_282 = tpu.memref_squeeze %scatter3A_281 : memref<1x64x291xf32, #tpu.memory_space<vmem>> -> memref<64x291xf32, #tpu.memory_space<vmem>>
      tpu.vector_store_idx %scatter3A_282[%add3A_260, %broadcast_in_dim3A_273], %gather3A_278 : memref<64x291xf32, #tpu.memory_space<vmem>>[vector<16xi32>, vector<16xi32>], vector<16xf32>,
      %broadcast_in_dim3A_283 = arith.constant 2 : i32
      %broadcast_in_dim3A_284 = vector.broadcast %broadcast_in_dim3A_283 : i32 to vector<16xi32>
      %gather3A_285 = arith.constant 0 : i32
      %gather3A_286 = arith.constant 0 : i32
      %gather3A_287 = tpu.memref_slice %arg10[%rem3A_202, %gather3A_285, %gather3A_286] : memref<2x64x3xf32, #tpu.memory_space<vmem>> -> memref<1x64x3xf32, #tpu.memory_space<vmem>>
      %gather3A_288 = tpu.memref_squeeze %gather3A_287 : memref<1x64x3xf32, #tpu.memory_space<vmem>> -> memref<64x3xf32, #tpu.memory_space<vmem>>
      %gather3A_289 = tpu.vector_load_idx %gather3A_288[%add3A_260, %broadcast_in_dim3A_284] : memref<64x3xf32, #tpu.memory_space<vmem>>[vector<16xi32>, vector<16xi32>], vector<16xf32>,
      %scatter3A_290 = arith.constant 0 : i32
      %scatter3A_291 = arith.constant 0 : i32
      %scatter3A_292 = tpu.memref_slice %arg12[%rem3A_202, %scatter3A_290, %scatter3A_291] : memref<2x64x291xf32, #tpu.memory_space<vmem>> -> memref<1x64x291xf32, #tpu.memory_space<vmem>>
      %scatter3A_293 = tpu.memref_squeeze %scatter3A_292 : memref<1x64x291xf32, #tpu.memory_space<vmem>> -> memref<64x291xf32, #tpu.memory_space<vmem>>
      tpu.vector_store_idx %scatter3A_293[%add3A_260, %broadcast_in_dim3A_284], %gather3A_289 : memref<64x291xf32, #tpu.memory_space<vmem>>[vector<16xi32>, vector<16xi32>], vector<16xf32>,
      %scan3A_294 = arith.constant 0 : i32
      %scan3A_295 = arith.constant 36 : i32
      %scan3A_296 = arith.addi %scan3A_294, %scan3A_295 : i32
      %scan3A_297 = arith.constant 1 : i32
      scf.for %scan3A_402 = %scan3A_294 to %scan3A_296 step %scan3A_297  : i32 {
        %mul3A_403 = arith.constant 1 : i32
        %mul3A_404 = arith.muli %scan3A_402, %mul3A_403 : i32
        %add3A_405 = arith.constant 0 : i32
        %add3A_406 = arith.addi %add3A_405, %mul3A_404 : i32
        %get3A = arith.index_cast %rem3A_202 : i32 to index
        %get3A_407 = arith.index_cast %add3A_406 : i32 to index
        %get3A_408 = arith.constant 16 : index
        %get3A_409 = tpu.vector_load %arg9[%get3A, %get3A_407, %get3A_408] {strides = array<i32>} : memref<2x36x64xf32, #tpu.memory_space<vmem>>, vector<16xf32>,
        %get3A_410 = arith.index_cast %rem3A_202 : i32 to index
        %get3A_411 = arith.index_cast %add3A_406 : i32 to index
        %get3A_412 = arith.constant 16 : index
        %get3A_413 = tpu.vector_load %arg7[%get3A_410, %get3A_411, %get3A_412] {strides = array<i32>} : memref<2x36x64xi32, #tpu.memory_space<vmem>>, vector<16xi32>,
        %mul3A_414 = arith.constant 65536 : i32
        %mul3A_415 = arith.muli %add3A_406, %mul3A_414 : i32
        %sub3A_416 = vector.broadcast %mul3A_415 : i32 to vector<16xi32>
        %sub3A_417 = arith.subi %get3A_413, %sub3A_416 : vector<16xi32>
        %convert_element_type3A_418 = arith.sitofp %sub3A_417 : vector<16xi32> to vector<16xf32>
        %add3A_419 = arith.addf %convert_element_type3A_418, %get3A_409 : vector<16xf32>
        %mul3A_420 = arith.constant 3.05180438E-5 : f32
        %mul3A_421 = vector.broadcast %mul3A_420 : f32 to vector<16xf32>
        %mul3A_422 = arith.mulf %add3A_419, %mul3A_421 : vector<16xf32>
        %sub3A_423 = arith.constant 1.000000e+00 : f32
        %sub3A_424 = vector.broadcast %sub3A_423 : f32 to vector<16xf32>
        %sub3A_425 = arith.subf %mul3A_422, %sub3A_424 : vector<16xf32>
        %and3A = arith.constant 1 : i32
        %and3A_426 = vector.broadcast %and3A : i32 to vector<16xi32>
        %and3A_427 = arith.andi %get3A_413, %and3A_426 : vector<16xi32>
        %shift_left3A = arith.constant 2 : i32
        %shift_left3A_428 = vector.broadcast %shift_left3A : i32 to vector<16xi32>
        %shift_left3A_429 = arith.shli %and3A_427, %shift_left3A_428 : vector<16xi32>
        %broadcast_in_dim3A_430 = vector.broadcast %add3A_406 : i32 to vector<16xi32>
        %add3A_431 = arith.constant 0 : i32
        %add3A_432 = vector.broadcast %add3A_431 : i32 to vector<16xi32>
        %add3A_433 = arith.addi %shift_left3A_429, %add3A_432 : vector<16xi32>
        %gather3A_434 = arith.constant 0 : i32
        %gather3A_435 = arith.constant 0 : i32
        %gather3A_436 = arith.constant 0 : i32
        %gather3A_437 = tpu.memref_slice %arg11[%rem3A_202, %gather3A_434, %gather3A_435, %gather3A_436] : memref<2x36x64x16xi32, #tpu.memory_space<vmem>> -> memref<1x36x64x16xi32, #tpu.memory_space<vmem>>
        %gather3A_438 = tpu.memref_squeeze %gather3A_437 : memref<1x36x64x16xi32, #tpu.memory_space<vmem>> -> memref<36x64x16xi32, #tpu.memory_space<vmem>>
        %gather3A_439 = tpu.vector_load_idx %gather3A_438[%broadcast_in_dim3A_430, %add3A_260, %add3A_433] : memref<36x64x16xi32, #tpu.memory_space<vmem>>[vector<16xi32>, vector<16xi32>, vector<16xi32>], vector<16xi32>,
        %add3A_440 = arith.constant 4 : i32
        %add3A_441 = vector.broadcast %add3A_440 : i32 to vector<16xi32>
        %add3A_442 = arith.addi %shift_left3A_429, %add3A_441 : vector<16xi32>
        %gather3A_443 = arith.constant 0 : i32
        %gather3A_444 = arith.constant 0 : i32
        %gather3A_445 = arith.constant 0 : i32
        %gather3A_446 = tpu.memref_slice %arg11[%rem3A_202, %gather3A_443, %gather3A_444, %gather3A_445] : memref<2x36x64x16xi32, #tpu.memory_space<vmem>> -> memref<1x36x64x16xi32, #tpu.memory_space<vmem>>
        %gather3A_447 = tpu.memref_squeeze %gather3A_446 : memref<1x36x64x16xi32, #tpu.memory_space<vmem>> -> memref<36x64x16xi32, #tpu.memory_space<vmem>>
        %gather3A_448 = tpu.vector_load_idx %gather3A_447[%broadcast_in_dim3A_430, %add3A_260, %add3A_442] : memref<36x64x16xi32, #tpu.memory_space<vmem>>[vector<16xi32>, vector<16xi32>, vector<16xi32>], vector<16xi32>,
        %bitcast3A = vector.bitcast %gather3A_439 : vector<16xi32> to vector<32xbf16>
        %unpack3A = tpu.unpack_subelements %bitcast3A, 0 {pack_format = #tpu.pack_format<interleaved>} : vector<32xbf16> -> vector<16xf32>
        %unpack3A_449 = tpu.unpack_subelements %bitcast3A, 1 {pack_format = #tpu.pack_format<interleaved>} : vector<32xbf16> -> vector<16xf32>
        %bitcast3A_450 = vector.bitcast %gather3A_448 : vector<16xi32> to vector<32xbf16>
        %unpack3A_451 = tpu.unpack_subelements %bitcast3A_450, 0 {pack_format = #tpu.pack_format<interleaved>} : vector<32xbf16> -> vector<16xf32>
        %unpack3A_452 = tpu.unpack_subelements %bitcast3A_450, 1 {pack_format = #tpu.pack_format<interleaved>} : vector<32xbf16> -> vector<16xf32>
        %sub3A_453 = arith.subf %unpack3A_451, %unpack3A : vector<16xf32>
        %mul3A_454 = arith.mulf %get3A_409, %sub3A_453 : vector<16xf32>
        %add3A_455 = arith.addf %unpack3A, %mul3A_454 : vector<16xf32>
        %add3A_456 = arith.addf %add3A_455, %sub3A_425 : vector<16xf32>
        %sub3A_457 = arith.subf %unpack3A_452, %unpack3A_449 : vector<16xf32>
        %mul3A_458 = arith.mulf %get3A_409, %sub3A_457 : vector<16xf32>
        %add3A_459 = arith.addf %unpack3A_449, %mul3A_458 : vector<16xf32>
        %add3A_460 = arith.addf %add3A_459, %sub3A_425 : vector<16xf32>
        %broadcast_in_dim3A_461 = arith.constant 3 : i32
        %broadcast_in_dim3A_462 = vector.broadcast %broadcast_in_dim3A_461 : i32 to vector<16xi32>
        %add3A_463 = arith.addi %broadcast_in_dim3A_462, %broadcast_in_dim3A_430 : vector<16xi32>
        %broadcast_in_dim3A_464 = arith.constant 39 : i32
        %broadcast_in_dim3A_465 = vector.broadcast %broadcast_in_dim3A_464 : i32 to vector<16xi32>
        %add3A_466 = arith.addi %broadcast_in_dim3A_465, %broadcast_in_dim3A_430 : vector<16xi32>
        %scatter3A_467 = arith.constant 0 : i32
        %scatter3A_468 = arith.constant 0 : i32
        %scatter3A_469 = tpu.memref_slice %arg12[%rem3A_202, %scatter3A_467, %scatter3A_468] : memref<2x64x291xf32, #tpu.memory_space<vmem>> -> memref<1x64x291xf32, #tpu.memory_space<vmem>>
        %scatter3A_470 = tpu.memref_squeeze %scatter3A_469 : memref<1x64x291xf32, #tpu.memory_space<vmem>> -> memref<64x291xf32, #tpu.memory_space<vmem>>
        tpu.vector_store_idx %scatter3A_470[%add3A_260, %add3A_463], %add3A_456 : memref<64x291xf32, #tpu.memory_space<vmem>>[vector<16xi32>, vector<16xi32>], vector<16xf32>,
        %scatter3A_471 = arith.constant 0 : i32
        %scatter3A_472 = arith.constant 0 : i32
        %scatter3A_473 = tpu.memref_slice %arg12[%rem3A_202, %scatter3A_471, %scatter3A_472] : memref<2x64x291xf32, #tpu.memory_space<vmem>> -> memref<1x64x291xf32, #tpu.memory_space<vmem>>
        %scatter3A_474 = tpu.memref_squeeze %scatter3A_473 : memref<1x64x291xf32, #tpu.memory_space<vmem>> -> memref<64x291xf32, #tpu.memory_space<vmem>>
        tpu.vector_store_idx %scatter3A_474[%add3A_260, %add3A_466], %add3A_460 : memref<64x291xf32, #tpu.memory_space<vmem>>[vector<16xi32>, vector<16xi32>], vector<16xf32>,
        %add3A_475 = arith.constant 1 : i32
        %add3A_476 = vector.broadcast %add3A_475 : i32 to vector<16xi32>
        %add3A_477 = arith.addi %shift_left3A_429, %add3A_476 : vector<16xi32>
        %gather3A_478 = arith.constant 0 : i32
        %gather3A_479 = arith.constant 0 : i32
        %gather3A_480 = arith.constant 0 : i32
        %gather3A_481 = tpu.memref_slice %arg11[%rem3A_202, %gather3A_478, %gather3A_479, %gather3A_480] : memref<2x36x64x16xi32, #tpu.memory_space<vmem>> -> memref<1x36x64x16xi32, #tpu.memory_space<vmem>>
        %gather3A_482 = tpu.memref_squeeze %gather3A_481 : memref<1x36x64x16xi32, #tpu.memory_space<vmem>> -> memref<36x64x16xi32, #tpu.memory_space<vmem>>
        %gather3A_483 = tpu.vector_load_idx %gather3A_482[%broadcast_in_dim3A_430, %add3A_260, %add3A_477] : memref<36x64x16xi32, #tpu.memory_space<vmem>>[vector<16xi32>, vector<16xi32>, vector<16xi32>], vector<16xi32>,
        %add3A_484 = arith.constant 5 : i32
        %add3A_485 = vector.broadcast %add3A_484 : i32 to vector<16xi32>
        %add3A_486 = arith.addi %shift_left3A_429, %add3A_485 : vector<16xi32>
        %gather3A_487 = arith.constant 0 : i32
        %gather3A_488 = arith.constant 0 : i32
        %gather3A_489 = arith.constant 0 : i32
        %gather3A_490 = tpu.memref_slice %arg11[%rem3A_202, %gather3A_487, %gather3A_488, %gather3A_489] : memref<2x36x64x16xi32, #tpu.memory_space<vmem>> -> memref<1x36x64x16xi32, #tpu.memory_space<vmem>>
        %gather3A_491 = tpu.memref_squeeze %gather3A_490 : memref<1x36x64x16xi32, #tpu.memory_space<vmem>> -> memref<36x64x16xi32, #tpu.memory_space<vmem>>
        %gather3A_492 = tpu.vector_load_idx %gather3A_491[%broadcast_in_dim3A_430, %add3A_260, %add3A_486] : memref<36x64x16xi32, #tpu.memory_space<vmem>>[vector<16xi32>, vector<16xi32>, vector<16xi32>], vector<16xi32>,
        %bitcast3A_493 = vector.bitcast %gather3A_483 : vector<16xi32> to vector<32xbf16>
        %unpack3A_494 = tpu.unpack_subelements %bitcast3A_493, 0 {pack_format = #tpu.pack_format<interleaved>} : vector<32xbf16> -> vector<16xf32>
        %unpack3A_495 = tpu.unpack_subelements %bitcast3A_493, 1 {pack_format = #tpu.pack_format<interleaved>} : vector<32xbf16> -> vector<16xf32>
        %bitcast3A_496 = vector.bitcast %gather3A_492 : vector<16xi32> to vector<32xbf16>
        %unpack3A_497 = tpu.unpack_subelements %bitcast3A_496, 0 {pack_format = #tpu.pack_format<interleaved>} : vector<32xbf16> -> vector<16xf32>
        %unpack3A_498 = tpu.unpack_subelements %bitcast3A_496, 1 {pack_format = #tpu.pack_format<interleaved>} : vector<32xbf16> -> vector<16xf32>
        %sub3A_499 = arith.subf %unpack3A_497, %unpack3A_494 : vector<16xf32>
        %mul3A_500 = arith.mulf %get3A_409, %sub3A_499 : vector<16xf32>
        %add3A_501 = arith.addf %unpack3A_494, %mul3A_500 : vector<16xf32>
        %add3A_502 = arith.addf %add3A_501, %sub3A_425 : vector<16xf32>
        %sub3A_503 = arith.subf %unpack3A_498, %unpack3A_495 : vector<16xf32>
        %mul3A_504 = arith.mulf %get3A_409, %sub3A_503 : vector<16xf32>
        %add3A_505 = arith.addf %unpack3A_495, %mul3A_504 : vector<16xf32>
        %add3A_506 = arith.addf %add3A_505, %sub3A_425 : vector<16xf32>
        %broadcast_in_dim3A_507 = arith.constant 75 : i32
        %broadcast_in_dim3A_508 = vector.broadcast %broadcast_in_dim3A_507 : i32 to vector<16xi32>
        %add3A_509 = arith.addi %broadcast_in_dim3A_508, %broadcast_in_dim3A_430 : vector<16xi32>
        %broadcast_in_dim3A_510 = arith.constant 111 : i32
        %broadcast_in_dim3A_511 = vector.broadcast %broadcast_in_dim3A_510 : i32 to vector<16xi32>
        %add3A_512 = arith.addi %broadcast_in_dim3A_511, %broadcast_in_dim3A_430 : vector<16xi32>
        %scatter3A_513 = arith.constant 0 : i32
        %scatter3A_514 = arith.constant 0 : i32
        %scatter3A_515 = tpu.memref_slice %arg12[%rem3A_202, %scatter3A_513, %scatter3A_514] : memref<2x64x291xf32, #tpu.memory_space<vmem>> -> memref<1x64x291xf32, #tpu.memory_space<vmem>>
        %scatter3A_516 = tpu.memref_squeeze %scatter3A_515 : memref<1x64x291xf32, #tpu.memory_space<vmem>> -> memref<64x291xf32, #tpu.memory_space<vmem>>
        tpu.vector_store_idx %scatter3A_516[%add3A_260, %add3A_509], %add3A_502 : memref<64x291xf32, #tpu.memory_space<vmem>>[vector<16xi32>, vector<16xi32>], vector<16xf32>,
        %scatter3A_517 = arith.constant 0 : i32
        %scatter3A_518 = arith.constant 0 : i32
        %scatter3A_519 = tpu.memref_slice %arg12[%rem3A_202, %scatter3A_517, %scatter3A_518] : memref<2x64x291xf32, #tpu.memory_space<vmem>> -> memref<1x64x291xf32, #tpu.memory_space<vmem>>
        %scatter3A_520 = tpu.memref_squeeze %scatter3A_519 : memref<1x64x291xf32, #tpu.memory_space<vmem>> -> memref<64x291xf32, #tpu.memory_space<vmem>>
        tpu.vector_store_idx %scatter3A_520[%add3A_260, %add3A_512], %add3A_506 : memref<64x291xf32, #tpu.memory_space<vmem>>[vector<16xi32>, vector<16xi32>], vector<16xf32>,
        %add3A_521 = arith.constant 2 : i32
        %add3A_522 = vector.broadcast %add3A_521 : i32 to vector<16xi32>
        %add3A_523 = arith.addi %shift_left3A_429, %add3A_522 : vector<16xi32>
        %gather3A_524 = arith.constant 0 : i32
        %gather3A_525 = arith.constant 0 : i32
        %gather3A_526 = arith.constant 0 : i32
        %gather3A_527 = tpu.memref_slice %arg11[%rem3A_202, %gather3A_524, %gather3A_525, %gather3A_526] : memref<2x36x64x16xi32, #tpu.memory_space<vmem>> -> memref<1x36x64x16xi32, #tpu.memory_space<vmem>>
        %gather3A_528 = tpu.memref_squeeze %gather3A_527 : memref<1x36x64x16xi32, #tpu.memory_space<vmem>> -> memref<36x64x16xi32, #tpu.memory_space<vmem>>
        %gather3A_529 = tpu.vector_load_idx %gather3A_528[%broadcast_in_dim3A_430, %add3A_260, %add3A_523] : memref<36x64x16xi32, #tpu.memory_space<vmem>>[vector<16xi32>, vector<16xi32>, vector<16xi32>], vector<16xi32>,
        %add3A_530 = arith.constant 6 : i32
        %add3A_531 = vector.broadcast %add3A_530 : i32 to vector<16xi32>
        %add3A_532 = arith.addi %shift_left3A_429, %add3A_531 : vector<16xi32>
        %gather3A_533 = arith.constant 0 : i32
        %gather3A_534 = arith.constant 0 : i32
        %gather3A_535 = arith.constant 0 : i32
        %gather3A_536 = tpu.memref_slice %arg11[%rem3A_202, %gather3A_533, %gather3A_534, %gather3A_535] : memref<2x36x64x16xi32, #tpu.memory_space<vmem>> -> memref<1x36x64x16xi32, #tpu.memory_space<vmem>>
        %gather3A_537 = tpu.memref_squeeze %gather3A_536 : memref<1x36x64x16xi32, #tpu.memory_space<vmem>> -> memref<36x64x16xi32, #tpu.memory_space<vmem>>
        %gather3A_538 = tpu.vector_load_idx %gather3A_537[%broadcast_in_dim3A_430, %add3A_260, %add3A_532] : memref<36x64x16xi32, #tpu.memory_space<vmem>>[vector<16xi32>, vector<16xi32>, vector<16xi32>], vector<16xi32>,
        %bitcast3A_539 = vector.bitcast %gather3A_529 : vector<16xi32> to vector<32xbf16>
        %unpack3A_540 = tpu.unpack_subelements %bitcast3A_539, 0 {pack_format = #tpu.pack_format<interleaved>} : vector<32xbf16> -> vector<16xf32>
        %unpack3A_541 = tpu.unpack_subelements %bitcast3A_539, 1 {pack_format = #tpu.pack_format<interleaved>} : vector<32xbf16> -> vector<16xf32>
        %bitcast3A_542 = vector.bitcast %gather3A_538 : vector<16xi32> to vector<32xbf16>
        %unpack3A_543 = tpu.unpack_subelements %bitcast3A_542, 0 {pack_format = #tpu.pack_format<interleaved>} : vector<32xbf16> -> vector<16xf32>
        %unpack3A_544 = tpu.unpack_subelements %bitcast3A_542, 1 {pack_format = #tpu.pack_format<interleaved>} : vector<32xbf16> -> vector<16xf32>
        %sub3A_545 = arith.subf %unpack3A_543, %unpack3A_540 : vector<16xf32>
        %mul3A_546 = arith.mulf %get3A_409, %sub3A_545 : vector<16xf32>
        %add3A_547 = arith.addf %unpack3A_540, %mul3A_546 : vector<16xf32>
        %add3A_548 = arith.addf %add3A_547, %sub3A_425 : vector<16xf32>
        %sub3A_549 = arith.subf %unpack3A_544, %unpack3A_541 : vector<16xf32>
        %mul3A_550 = arith.mulf %get3A_409, %sub3A_549 : vector<16xf32>
        %add3A_551 = arith.addf %unpack3A_541, %mul3A_550 : vector<16xf32>
        %add3A_552 = arith.addf %add3A_551, %sub3A_425 : vector<16xf32>
        %broadcast_in_dim3A_553 = arith.constant 147 : i32
        %broadcast_in_dim3A_554 = vector.broadcast %broadcast_in_dim3A_553 : i32 to vector<16xi32>
        %add3A_555 = arith.addi %broadcast_in_dim3A_554, %broadcast_in_dim3A_430 : vector<16xi32>
        %broadcast_in_dim3A_556 = arith.constant 183 : i32
        %broadcast_in_dim3A_557 = vector.broadcast %broadcast_in_dim3A_556 : i32 to vector<16xi32>
        %add3A_558 = arith.addi %broadcast_in_dim3A_557, %broadcast_in_dim3A_430 : vector<16xi32>
        %scatter3A_559 = arith.constant 0 : i32
        %scatter3A_560 = arith.constant 0 : i32
        %scatter3A_561 = tpu.memref_slice %arg12[%rem3A_202, %scatter3A_559, %scatter3A_560] : memref<2x64x291xf32, #tpu.memory_space<vmem>> -> memref<1x64x291xf32, #tpu.memory_space<vmem>>
        %scatter3A_562 = tpu.memref_squeeze %scatter3A_561 : memref<1x64x291xf32, #tpu.memory_space<vmem>> -> memref<64x291xf32, #tpu.memory_space<vmem>>
        tpu.vector_store_idx %scatter3A_562[%add3A_260, %add3A_555], %add3A_548 : memref<64x291xf32, #tpu.memory_space<vmem>>[vector<16xi32>, vector<16xi32>], vector<16xf32>,
        %scatter3A_563 = arith.constant 0 : i32
        %scatter3A_564 = arith.constant 0 : i32
        %scatter3A_565 = tpu.memref_slice %arg12[%rem3A_202, %scatter3A_563, %scatter3A_564] : memref<2x64x291xf32, #tpu.memory_space<vmem>> -> memref<1x64x291xf32, #tpu.memory_space<vmem>>
        %scatter3A_566 = tpu.memref_squeeze %scatter3A_565 : memref<1x64x291xf32, #tpu.memory_space<vmem>> -> memref<64x291xf32, #tpu.memory_space<vmem>>
        tpu.vector_store_idx %scatter3A_566[%add3A_260, %add3A_558], %add3A_552 : memref<64x291xf32, #tpu.memory_space<vmem>>[vector<16xi32>, vector<16xi32>], vector<16xf32>,
        %add3A_567 = arith.constant 3 : i32
        %add3A_568 = vector.broadcast %add3A_567 : i32 to vector<16xi32>
        %add3A_569 = arith.addi %shift_left3A_429, %add3A_568 : vector<16xi32>
        %gather3A_570 = arith.constant 0 : i32
        %gather3A_571 = arith.constant 0 : i32
        %gather3A_572 = arith.constant 0 : i32
        %gather3A_573 = tpu.memref_slice %arg11[%rem3A_202, %gather3A_570, %gather3A_571, %gather3A_572] : memref<2x36x64x16xi32, #tpu.memory_space<vmem>> -> memref<1x36x64x16xi32, #tpu.memory_space<vmem>>
        %gather3A_574 = tpu.memref_squeeze %gather3A_573 : memref<1x36x64x16xi32, #tpu.memory_space<vmem>> -> memref<36x64x16xi32, #tpu.memory_space<vmem>>
        %gather3A_575 = tpu.vector_load_idx %gather3A_574[%broadcast_in_dim3A_430, %add3A_260, %add3A_569] : memref<36x64x16xi32, #tpu.memory_space<vmem>>[vector<16xi32>, vector<16xi32>, vector<16xi32>], vector<16xi32>,
        %add3A_576 = arith.constant 7 : i32
        %add3A_577 = vector.broadcast %add3A_576 : i32 to vector<16xi32>
        %add3A_578 = arith.addi %shift_left3A_429, %add3A_577 : vector<16xi32>
        %gather3A_579 = arith.constant 0 : i32
        %gather3A_580 = arith.constant 0 : i32
        %gather3A_581 = arith.constant 0 : i32
        %gather3A_582 = tpu.memref_slice %arg11[%rem3A_202, %gather3A_579, %gather3A_580, %gather3A_581] : memref<2x36x64x16xi32, #tpu.memory_space<vmem>> -> memref<1x36x64x16xi32, #tpu.memory_space<vmem>>
        %gather3A_583 = tpu.memref_squeeze %gather3A_582 : memref<1x36x64x16xi32, #tpu.memory_space<vmem>> -> memref<36x64x16xi32, #tpu.memory_space<vmem>>
        %gather3A_584 = tpu.vector_load_idx %gather3A_583[%broadcast_in_dim3A_430, %add3A_260, %add3A_578] : memref<36x64x16xi32, #tpu.memory_space<vmem>>[vector<16xi32>, vector<16xi32>, vector<16xi32>], vector<16xi32>,
        %bitcast3A_585 = vector.bitcast %gather3A_575 : vector<16xi32> to vector<32xbf16>
        %unpack3A_586 = tpu.unpack_subelements %bitcast3A_585, 0 {pack_format = #tpu.pack_format<interleaved>} : vector<32xbf16> -> vector<16xf32>
        %unpack3A_587 = tpu.unpack_subelements %bitcast3A_585, 1 {pack_format = #tpu.pack_format<interleaved>} : vector<32xbf16> -> vector<16xf32>
        %bitcast3A_588 = vector.bitcast %gather3A_584 : vector<16xi32> to vector<32xbf16>
        %unpack3A_589 = tpu.unpack_subelements %bitcast3A_588, 0 {pack_format = #tpu.pack_format<interleaved>} : vector<32xbf16> -> vector<16xf32>
        %unpack3A_590 = tpu.unpack_subelements %bitcast3A_588, 1 {pack_format = #tpu.pack_format<interleaved>} : vector<32xbf16> -> vector<16xf32>
        %sub3A_591 = arith.subf %unpack3A_589, %unpack3A_586 : vector<16xf32>
        %mul3A_592 = arith.mulf %get3A_409, %sub3A_591 : vector<16xf32>
        %add3A_593 = arith.addf %unpack3A_586, %mul3A_592 : vector<16xf32>
        %add3A_594 = arith.addf %add3A_593, %sub3A_425 : vector<16xf32>
        %sub3A_595 = arith.subf %unpack3A_590, %unpack3A_587 : vector<16xf32>
        %mul3A_596 = arith.mulf %get3A_409, %sub3A_595 : vector<16xf32>
        %add3A_597 = arith.addf %unpack3A_587, %mul3A_596 : vector<16xf32>
        %add3A_598 = arith.addf %add3A_597, %sub3A_425 : vector<16xf32>
        %broadcast_in_dim3A_599 = arith.constant 219 : i32
        %broadcast_in_dim3A_600 = vector.broadcast %broadcast_in_dim3A_599 : i32 to vector<16xi32>
        %add3A_601 = arith.addi %broadcast_in_dim3A_600, %broadcast_in_dim3A_430 : vector<16xi32>
        %broadcast_in_dim3A_602 = arith.constant 255 : i32
        %broadcast_in_dim3A_603 = vector.broadcast %broadcast_in_dim3A_602 : i32 to vector<16xi32>
        %add3A_604 = arith.addi %broadcast_in_dim3A_603, %broadcast_in_dim3A_430 : vector<16xi32>
        %scatter3A_605 = arith.constant 0 : i32
        %scatter3A_606 = arith.constant 0 : i32
        %scatter3A_607 = tpu.memref_slice %arg12[%rem3A_202, %scatter3A_605, %scatter3A_606] : memref<2x64x291xf32, #tpu.memory_space<vmem>> -> memref<1x64x291xf32, #tpu.memory_space<vmem>>
        %scatter3A_608 = tpu.memref_squeeze %scatter3A_607 : memref<1x64x291xf32, #tpu.memory_space<vmem>> -> memref<64x291xf32, #tpu.memory_space<vmem>>
        tpu.vector_store_idx %scatter3A_608[%add3A_260, %add3A_601], %add3A_594 : memref<64x291xf32, #tpu.memory_space<vmem>>[vector<16xi32>, vector<16xi32>], vector<16xf32>,
        %scatter3A_609 = arith.constant 0 : i32
        %scatter3A_610 = arith.constant 0 : i32
        %scatter3A_611 = tpu.memref_slice %arg12[%rem3A_202, %scatter3A_609, %scatter3A_610] : memref<2x64x291xf32, #tpu.memory_space<vmem>> -> memref<1x64x291xf32, #tpu.memory_space<vmem>>
        %scatter3A_612 = tpu.memref_squeeze %scatter3A_611 : memref<1x64x291xf32, #tpu.memory_space<vmem>> -> memref<64x291xf32, #tpu.memory_space<vmem>>
        tpu.vector_store_idx %scatter3A_612[%add3A_260, %add3A_604], %add3A_598 : memref<64x291xf32, #tpu.memory_space<vmem>>[vector<16xi32>, vector<16xi32>], vector<16xf32>,
      }
      %scan3A_298 = arith.constant 36 : i32
      %add3A_299 = arith.constant 32 : i32
      %add3A_300 = vector.broadcast %add3A_299 : i32 to vector<16xi32>
      %add3A_301 = arith.addi %iota3A, %add3A_300 : vector<16xi32>
      %broadcast_in_dim3A_302 = arith.constant 0 : i32
      %broadcast_in_dim3A_303 = vector.broadcast %broadcast_in_dim3A_302 : i32 to vector<16xi32>
      %gather3A_304 = arith.constant 0 : i32
      %gather3A_305 = arith.constant 0 : i32
      %gather3A_306 = tpu.memref_slice %arg10[%rem3A_202, %gather3A_304, %gather3A_305] : memref<2x64x3xf32, #tpu.memory_space<vmem>> -> memref<1x64x3xf32, #tpu.memory_space<vmem>>
      %gather3A_307 = tpu.memref_squeeze %gather3A_306 : memref<1x64x3xf32, #tpu.memory_space<vmem>> -> memref<64x3xf32, #tpu.memory_space<vmem>>
      %gather3A_308 = tpu.vector_load_idx %gather3A_307[%add3A_301, %broadcast_in_dim3A_303] : memref<64x3xf32, #tpu.memory_space<vmem>>[vector<16xi32>, vector<16xi32>], vector<16xf32>,
      %scatter3A_309 = arith.constant 0 : i32
      %scatter3A_310 = arith.constant 0 : i32
      %scatter3A_311 = tpu.memref_slice %arg12[%rem3A_202, %scatter3A_309, %scatter3A_310] : memref<2x64x291xf32, #tpu.memory_space<vmem>> -> memref<1x64x291xf32, #tpu.memory_space<vmem>>
      %scatter3A_312 = tpu.memref_squeeze %scatter3A_311 : memref<1x64x291xf32, #tpu.memory_space<vmem>> -> memref<64x291xf32, #tpu.memory_space<vmem>>
      tpu.vector_store_idx %scatter3A_312[%add3A_301, %broadcast_in_dim3A_303], %gather3A_308 : memref<64x291xf32, #tpu.memory_space<vmem>>[vector<16xi32>, vector<16xi32>], vector<16xf32>,
      %broadcast_in_dim3A_313 = arith.constant 1 : i32
      %broadcast_in_dim3A_314 = vector.broadcast %broadcast_in_dim3A_313 : i32 to vector<16xi32>
      %gather3A_315 = arith.constant 0 : i32
      %gather3A_316 = arith.constant 0 : i32
      %gather3A_317 = tpu.memref_slice %arg10[%rem3A_202, %gather3A_315, %gather3A_316] : memref<2x64x3xf32, #tpu.memory_space<vmem>> -> memref<1x64x3xf32, #tpu.memory_space<vmem>>
      %gather3A_318 = tpu.memref_squeeze %gather3A_317 : memref<1x64x3xf32, #tpu.memory_space<vmem>> -> memref<64x3xf32, #tpu.memory_space<vmem>>
      %gather3A_319 = tpu.vector_load_idx %gather3A_318[%add3A_301, %broadcast_in_dim3A_314] : memref<64x3xf32, #tpu.memory_space<vmem>>[vector<16xi32>, vector<16xi32>], vector<16xf32>,
      %scatter3A_320 = arith.constant 0 : i32
      %scatter3A_321 = arith.constant 0 : i32
      %scatter3A_322 = tpu.memref_slice %arg12[%rem3A_202, %scatter3A_320, %scatter3A_321] : memref<2x64x291xf32, #tpu.memory_space<vmem>> -> memref<1x64x291xf32, #tpu.memory_space<vmem>>
      %scatter3A_323 = tpu.memref_squeeze %scatter3A_322 : memref<1x64x291xf32, #tpu.memory_space<vmem>> -> memref<64x291xf32, #tpu.memory_space<vmem>>
      tpu.vector_store_idx %scatter3A_323[%add3A_301, %broadcast_in_dim3A_314], %gather3A_319 : memref<64x291xf32, #tpu.memory_space<vmem>>[vector<16xi32>, vector<16xi32>], vector<16xf32>,
      %broadcast_in_dim3A_324 = arith.constant 2 : i32
      %broadcast_in_dim3A_325 = vector.broadcast %broadcast_in_dim3A_324 : i32 to vector<16xi32>
      %gather3A_326 = arith.constant 0 : i32
      %gather3A_327 = arith.constant 0 : i32
      %gather3A_328 = tpu.memref_slice %arg10[%rem3A_202, %gather3A_326, %gather3A_327] : memref<2x64x3xf32, #tpu.memory_space<vmem>> -> memref<1x64x3xf32, #tpu.memory_space<vmem>>
      %gather3A_329 = tpu.memref_squeeze %gather3A_328 : memref<1x64x3xf32, #tpu.memory_space<vmem>> -> memref<64x3xf32, #tpu.memory_space<vmem>>
      %gather3A_330 = tpu.vector_load_idx %gather3A_329[%add3A_301, %broadcast_in_dim3A_325] : memref<64x3xf32, #tpu.memory_space<vmem>>[vector<16xi32>, vector<16xi32>], vector<16xf32>,
      %scatter3A_331 = arith.constant 0 : i32
      %scatter3A_332 = arith.constant 0 : i32
      %scatter3A_333 = tpu.memref_slice %arg12[%rem3A_202, %scatter3A_331, %scatter3A_332] : memref<2x64x291xf32, #tpu.memory_space<vmem>> -> memref<1x64x291xf32, #tpu.memory_space<vmem>>
      %scatter3A_334 = tpu.memref_squeeze %scatter3A_333 : memref<1x64x291xf32, #tpu.memory_space<vmem>> -> memref<64x291xf32, #tpu.memory_space<vmem>>
      tpu.vector_store_idx %scatter3A_334[%add3A_301, %broadcast_in_dim3A_325], %gather3A_330 : memref<64x291xf32, #tpu.memory_space<vmem>>[vector<16xi32>, vector<16xi32>], vector<16xf32>,
      %scan3A_335 = arith.constant 0 : i32
      %scan3A_336 = arith.constant 36 : i32
      %scan3A_337 = arith.addi %scan3A_335, %scan3A_336 : i32
      %scan3A_338 = arith.constant 1 : i32
      scf.for %scan3A_402 = %scan3A_335 to %scan3A_337 step %scan3A_338  : i32 {
        %mul3A_403 = arith.constant 1 : i32
        %mul3A_404 = arith.muli %scan3A_402, %mul3A_403 : i32
        %add3A_405 = arith.constant 0 : i32
        %add3A_406 = arith.addi %add3A_405, %mul3A_404 : i32
        %get3A = arith.index_cast %rem3A_202 : i32 to index
        %get3A_407 = arith.index_cast %add3A_406 : i32 to index
        %get3A_408 = arith.constant 32 : index
        %get3A_409 = tpu.vector_load %arg9[%get3A, %get3A_407, %get3A_408] {strides = array<i32>} : memref<2x36x64xf32, #tpu.memory_space<vmem>>, vector<16xf32>,
        %get3A_410 = arith.index_cast %rem3A_202 : i32 to index
        %get3A_411 = arith.index_cast %add3A_406 : i32 to index
        %get3A_412 = arith.constant 32 : index
        %get3A_413 = tpu.vector_load %arg7[%get3A_410, %get3A_411, %get3A_412] {strides = array<i32>} : memref<2x36x64xi32, #tpu.memory_space<vmem>>, vector<16xi32>,
        %mul3A_414 = arith.constant 65536 : i32
        %mul3A_415 = arith.muli %add3A_406, %mul3A_414 : i32
        %sub3A_416 = vector.broadcast %mul3A_415 : i32 to vector<16xi32>
        %sub3A_417 = arith.subi %get3A_413, %sub3A_416 : vector<16xi32>
        %convert_element_type3A_418 = arith.sitofp %sub3A_417 : vector<16xi32> to vector<16xf32>
        %add3A_419 = arith.addf %convert_element_type3A_418, %get3A_409 : vector<16xf32>
        %mul3A_420 = arith.constant 3.05180438E-5 : f32
        %mul3A_421 = vector.broadcast %mul3A_420 : f32 to vector<16xf32>
        %mul3A_422 = arith.mulf %add3A_419, %mul3A_421 : vector<16xf32>
        %sub3A_423 = arith.constant 1.000000e+00 : f32
        %sub3A_424 = vector.broadcast %sub3A_423 : f32 to vector<16xf32>
        %sub3A_425 = arith.subf %mul3A_422, %sub3A_424 : vector<16xf32>
        %and3A = arith.constant 1 : i32
        %and3A_426 = vector.broadcast %and3A : i32 to vector<16xi32>
        %and3A_427 = arith.andi %get3A_413, %and3A_426 : vector<16xi32>
        %shift_left3A = arith.constant 2 : i32
        %shift_left3A_428 = vector.broadcast %shift_left3A : i32 to vector<16xi32>
        %shift_left3A_429 = arith.shli %and3A_427, %shift_left3A_428 : vector<16xi32>
        %broadcast_in_dim3A_430 = vector.broadcast %add3A_406 : i32 to vector<16xi32>
        %add3A_431 = arith.constant 0 : i32
        %add3A_432 = vector.broadcast %add3A_431 : i32 to vector<16xi32>
        %add3A_433 = arith.addi %shift_left3A_429, %add3A_432 : vector<16xi32>
        %gather3A_434 = arith.constant 0 : i32
        %gather3A_435 = arith.constant 0 : i32
        %gather3A_436 = arith.constant 0 : i32
        %gather3A_437 = tpu.memref_slice %arg11[%rem3A_202, %gather3A_434, %gather3A_435, %gather3A_436] : memref<2x36x64x16xi32, #tpu.memory_space<vmem>> -> memref<1x36x64x16xi32, #tpu.memory_space<vmem>>
        %gather3A_438 = tpu.memref_squeeze %gather3A_437 : memref<1x36x64x16xi32, #tpu.memory_space<vmem>> -> memref<36x64x16xi32, #tpu.memory_space<vmem>>
        %gather3A_439 = tpu.vector_load_idx %gather3A_438[%broadcast_in_dim3A_430, %add3A_301, %add3A_433] : memref<36x64x16xi32, #tpu.memory_space<vmem>>[vector<16xi32>, vector<16xi32>, vector<16xi32>], vector<16xi32>,
        %add3A_440 = arith.constant 4 : i32
        %add3A_441 = vector.broadcast %add3A_440 : i32 to vector<16xi32>
        %add3A_442 = arith.addi %shift_left3A_429, %add3A_441 : vector<16xi32>
        %gather3A_443 = arith.constant 0 : i32
        %gather3A_444 = arith.constant 0 : i32
        %gather3A_445 = arith.constant 0 : i32
        %gather3A_446 = tpu.memref_slice %arg11[%rem3A_202, %gather3A_443, %gather3A_444, %gather3A_445] : memref<2x36x64x16xi32, #tpu.memory_space<vmem>> -> memref<1x36x64x16xi32, #tpu.memory_space<vmem>>
        %gather3A_447 = tpu.memref_squeeze %gather3A_446 : memref<1x36x64x16xi32, #tpu.memory_space<vmem>> -> memref<36x64x16xi32, #tpu.memory_space<vmem>>
        %gather3A_448 = tpu.vector_load_idx %gather3A_447[%broadcast_in_dim3A_430, %add3A_301, %add3A_442] : memref<36x64x16xi32, #tpu.memory_space<vmem>>[vector<16xi32>, vector<16xi32>, vector<16xi32>], vector<16xi32>,
        %bitcast3A = vector.bitcast %gather3A_439 : vector<16xi32> to vector<32xbf16>
        %unpack3A = tpu.unpack_subelements %bitcast3A, 0 {pack_format = #tpu.pack_format<interleaved>} : vector<32xbf16> -> vector<16xf32>
        %unpack3A_449 = tpu.unpack_subelements %bitcast3A, 1 {pack_format = #tpu.pack_format<interleaved>} : vector<32xbf16> -> vector<16xf32>
        %bitcast3A_450 = vector.bitcast %gather3A_448 : vector<16xi32> to vector<32xbf16>
        %unpack3A_451 = tpu.unpack_subelements %bitcast3A_450, 0 {pack_format = #tpu.pack_format<interleaved>} : vector<32xbf16> -> vector<16xf32>
        %unpack3A_452 = tpu.unpack_subelements %bitcast3A_450, 1 {pack_format = #tpu.pack_format<interleaved>} : vector<32xbf16> -> vector<16xf32>
        %sub3A_453 = arith.subf %unpack3A_451, %unpack3A : vector<16xf32>
        %mul3A_454 = arith.mulf %get3A_409, %sub3A_453 : vector<16xf32>
        %add3A_455 = arith.addf %unpack3A, %mul3A_454 : vector<16xf32>
        %add3A_456 = arith.addf %add3A_455, %sub3A_425 : vector<16xf32>
        %sub3A_457 = arith.subf %unpack3A_452, %unpack3A_449 : vector<16xf32>
        %mul3A_458 = arith.mulf %get3A_409, %sub3A_457 : vector<16xf32>
        %add3A_459 = arith.addf %unpack3A_449, %mul3A_458 : vector<16xf32>
        %add3A_460 = arith.addf %add3A_459, %sub3A_425 : vector<16xf32>
        %broadcast_in_dim3A_461 = arith.constant 3 : i32
        %broadcast_in_dim3A_462 = vector.broadcast %broadcast_in_dim3A_461 : i32 to vector<16xi32>
        %add3A_463 = arith.addi %broadcast_in_dim3A_462, %broadcast_in_dim3A_430 : vector<16xi32>
        %broadcast_in_dim3A_464 = arith.constant 39 : i32
        %broadcast_in_dim3A_465 = vector.broadcast %broadcast_in_dim3A_464 : i32 to vector<16xi32>
        %add3A_466 = arith.addi %broadcast_in_dim3A_465, %broadcast_in_dim3A_430 : vector<16xi32>
        %scatter3A_467 = arith.constant 0 : i32
        %scatter3A_468 = arith.constant 0 : i32
        %scatter3A_469 = tpu.memref_slice %arg12[%rem3A_202, %scatter3A_467, %scatter3A_468] : memref<2x64x291xf32, #tpu.memory_space<vmem>> -> memref<1x64x291xf32, #tpu.memory_space<vmem>>
        %scatter3A_470 = tpu.memref_squeeze %scatter3A_469 : memref<1x64x291xf32, #tpu.memory_space<vmem>> -> memref<64x291xf32, #tpu.memory_space<vmem>>
        tpu.vector_store_idx %scatter3A_470[%add3A_301, %add3A_463], %add3A_456 : memref<64x291xf32, #tpu.memory_space<vmem>>[vector<16xi32>, vector<16xi32>], vector<16xf32>,
        %scatter3A_471 = arith.constant 0 : i32
        %scatter3A_472 = arith.constant 0 : i32
        %scatter3A_473 = tpu.memref_slice %arg12[%rem3A_202, %scatter3A_471, %scatter3A_472] : memref<2x64x291xf32, #tpu.memory_space<vmem>> -> memref<1x64x291xf32, #tpu.memory_space<vmem>>
        %scatter3A_474 = tpu.memref_squeeze %scatter3A_473 : memref<1x64x291xf32, #tpu.memory_space<vmem>> -> memref<64x291xf32, #tpu.memory_space<vmem>>
        tpu.vector_store_idx %scatter3A_474[%add3A_301, %add3A_466], %add3A_460 : memref<64x291xf32, #tpu.memory_space<vmem>>[vector<16xi32>, vector<16xi32>], vector<16xf32>,
        %add3A_475 = arith.constant 1 : i32
        %add3A_476 = vector.broadcast %add3A_475 : i32 to vector<16xi32>
        %add3A_477 = arith.addi %shift_left3A_429, %add3A_476 : vector<16xi32>
        %gather3A_478 = arith.constant 0 : i32
        %gather3A_479 = arith.constant 0 : i32
        %gather3A_480 = arith.constant 0 : i32
        %gather3A_481 = tpu.memref_slice %arg11[%rem3A_202, %gather3A_478, %gather3A_479, %gather3A_480] : memref<2x36x64x16xi32, #tpu.memory_space<vmem>> -> memref<1x36x64x16xi32, #tpu.memory_space<vmem>>
        %gather3A_482 = tpu.memref_squeeze %gather3A_481 : memref<1x36x64x16xi32, #tpu.memory_space<vmem>> -> memref<36x64x16xi32, #tpu.memory_space<vmem>>
        %gather3A_483 = tpu.vector_load_idx %gather3A_482[%broadcast_in_dim3A_430, %add3A_301, %add3A_477] : memref<36x64x16xi32, #tpu.memory_space<vmem>>[vector<16xi32>, vector<16xi32>, vector<16xi32>], vector<16xi32>,
        %add3A_484 = arith.constant 5 : i32
        %add3A_485 = vector.broadcast %add3A_484 : i32 to vector<16xi32>
        %add3A_486 = arith.addi %shift_left3A_429, %add3A_485 : vector<16xi32>
        %gather3A_487 = arith.constant 0 : i32
        %gather3A_488 = arith.constant 0 : i32
        %gather3A_489 = arith.constant 0 : i32
        %gather3A_490 = tpu.memref_slice %arg11[%rem3A_202, %gather3A_487, %gather3A_488, %gather3A_489] : memref<2x36x64x16xi32, #tpu.memory_space<vmem>> -> memref<1x36x64x16xi32, #tpu.memory_space<vmem>>
        %gather3A_491 = tpu.memref_squeeze %gather3A_490 : memref<1x36x64x16xi32, #tpu.memory_space<vmem>> -> memref<36x64x16xi32, #tpu.memory_space<vmem>>
        %gather3A_492 = tpu.vector_load_idx %gather3A_491[%broadcast_in_dim3A_430, %add3A_301, %add3A_486] : memref<36x64x16xi32, #tpu.memory_space<vmem>>[vector<16xi32>, vector<16xi32>, vector<16xi32>], vector<16xi32>,
        %bitcast3A_493 = vector.bitcast %gather3A_483 : vector<16xi32> to vector<32xbf16>
        %unpack3A_494 = tpu.unpack_subelements %bitcast3A_493, 0 {pack_format = #tpu.pack_format<interleaved>} : vector<32xbf16> -> vector<16xf32>
        %unpack3A_495 = tpu.unpack_subelements %bitcast3A_493, 1 {pack_format = #tpu.pack_format<interleaved>} : vector<32xbf16> -> vector<16xf32>
        %bitcast3A_496 = vector.bitcast %gather3A_492 : vector<16xi32> to vector<32xbf16>
        %unpack3A_497 = tpu.unpack_subelements %bitcast3A_496, 0 {pack_format = #tpu.pack_format<interleaved>} : vector<32xbf16> -> vector<16xf32>
        %unpack3A_498 = tpu.unpack_subelements %bitcast3A_496, 1 {pack_format = #tpu.pack_format<interleaved>} : vector<32xbf16> -> vector<16xf32>
        %sub3A_499 = arith.subf %unpack3A_497, %unpack3A_494 : vector<16xf32>
        %mul3A_500 = arith.mulf %get3A_409, %sub3A_499 : vector<16xf32>
        %add3A_501 = arith.addf %unpack3A_494, %mul3A_500 : vector<16xf32>
        %add3A_502 = arith.addf %add3A_501, %sub3A_425 : vector<16xf32>
        %sub3A_503 = arith.subf %unpack3A_498, %unpack3A_495 : vector<16xf32>
        %mul3A_504 = arith.mulf %get3A_409, %sub3A_503 : vector<16xf32>
        %add3A_505 = arith.addf %unpack3A_495, %mul3A_504 : vector<16xf32>
        %add3A_506 = arith.addf %add3A_505, %sub3A_425 : vector<16xf32>
        %broadcast_in_dim3A_507 = arith.constant 75 : i32
        %broadcast_in_dim3A_508 = vector.broadcast %broadcast_in_dim3A_507 : i32 to vector<16xi32>
        %add3A_509 = arith.addi %broadcast_in_dim3A_508, %broadcast_in_dim3A_430 : vector<16xi32>
        %broadcast_in_dim3A_510 = arith.constant 111 : i32
        %broadcast_in_dim3A_511 = vector.broadcast %broadcast_in_dim3A_510 : i32 to vector<16xi32>
        %add3A_512 = arith.addi %broadcast_in_dim3A_511, %broadcast_in_dim3A_430 : vector<16xi32>
        %scatter3A_513 = arith.constant 0 : i32
        %scatter3A_514 = arith.constant 0 : i32
        %scatter3A_515 = tpu.memref_slice %arg12[%rem3A_202, %scatter3A_513, %scatter3A_514] : memref<2x64x291xf32, #tpu.memory_space<vmem>> -> memref<1x64x291xf32, #tpu.memory_space<vmem>>
        %scatter3A_516 = tpu.memref_squeeze %scatter3A_515 : memref<1x64x291xf32, #tpu.memory_space<vmem>> -> memref<64x291xf32, #tpu.memory_space<vmem>>
        tpu.vector_store_idx %scatter3A_516[%add3A_301, %add3A_509], %add3A_502 : memref<64x291xf32, #tpu.memory_space<vmem>>[vector<16xi32>, vector<16xi32>], vector<16xf32>,
        %scatter3A_517 = arith.constant 0 : i32
        %scatter3A_518 = arith.constant 0 : i32
        %scatter3A_519 = tpu.memref_slice %arg12[%rem3A_202, %scatter3A_517, %scatter3A_518] : memref<2x64x291xf32, #tpu.memory_space<vmem>> -> memref<1x64x291xf32, #tpu.memory_space<vmem>>
        %scatter3A_520 = tpu.memref_squeeze %scatter3A_519 : memref<1x64x291xf32, #tpu.memory_space<vmem>> -> memref<64x291xf32, #tpu.memory_space<vmem>>
        tpu.vector_store_idx %scatter3A_520[%add3A_301, %add3A_512], %add3A_506 : memref<64x291xf32, #tpu.memory_space<vmem>>[vector<16xi32>, vector<16xi32>], vector<16xf32>,
        %add3A_521 = arith.constant 2 : i32
        %add3A_522 = vector.broadcast %add3A_521 : i32 to vector<16xi32>
        %add3A_523 = arith.addi %shift_left3A_429, %add3A_522 : vector<16xi32>
        %gather3A_524 = arith.constant 0 : i32
        %gather3A_525 = arith.constant 0 : i32
        %gather3A_526 = arith.constant 0 : i32
        %gather3A_527 = tpu.memref_slice %arg11[%rem3A_202, %gather3A_524, %gather3A_525, %gather3A_526] : memref<2x36x64x16xi32, #tpu.memory_space<vmem>> -> memref<1x36x64x16xi32, #tpu.memory_space<vmem>>
        %gather3A_528 = tpu.memref_squeeze %gather3A_527 : memref<1x36x64x16xi32, #tpu.memory_space<vmem>> -> memref<36x64x16xi32, #tpu.memory_space<vmem>>
        %gather3A_529 = tpu.vector_load_idx %gather3A_528[%broadcast_in_dim3A_430, %add3A_301, %add3A_523] : memref<36x64x16xi32, #tpu.memory_space<vmem>>[vector<16xi32>, vector<16xi32>, vector<16xi32>], vector<16xi32>,
        %add3A_530 = arith.constant 6 : i32
        %add3A_531 = vector.broadcast %add3A_530 : i32 to vector<16xi32>
        %add3A_532 = arith.addi %shift_left3A_429, %add3A_531 : vector<16xi32>
        %gather3A_533 = arith.constant 0 : i32
        %gather3A_534 = arith.constant 0 : i32
        %gather3A_535 = arith.constant 0 : i32
        %gather3A_536 = tpu.memref_slice %arg11[%rem3A_202, %gather3A_533, %gather3A_534, %gather3A_535] : memref<2x36x64x16xi32, #tpu.memory_space<vmem>> -> memref<1x36x64x16xi32, #tpu.memory_space<vmem>>
        %gather3A_537 = tpu.memref_squeeze %gather3A_536 : memref<1x36x64x16xi32, #tpu.memory_space<vmem>> -> memref<36x64x16xi32, #tpu.memory_space<vmem>>
        %gather3A_538 = tpu.vector_load_idx %gather3A_537[%broadcast_in_dim3A_430, %add3A_301, %add3A_532] : memref<36x64x16xi32, #tpu.memory_space<vmem>>[vector<16xi32>, vector<16xi32>, vector<16xi32>], vector<16xi32>,
        %bitcast3A_539 = vector.bitcast %gather3A_529 : vector<16xi32> to vector<32xbf16>
        %unpack3A_540 = tpu.unpack_subelements %bitcast3A_539, 0 {pack_format = #tpu.pack_format<interleaved>} : vector<32xbf16> -> vector<16xf32>
        %unpack3A_541 = tpu.unpack_subelements %bitcast3A_539, 1 {pack_format = #tpu.pack_format<interleaved>} : vector<32xbf16> -> vector<16xf32>
        %bitcast3A_542 = vector.bitcast %gather3A_538 : vector<16xi32> to vector<32xbf16>
        %unpack3A_543 = tpu.unpack_subelements %bitcast3A_542, 0 {pack_format = #tpu.pack_format<interleaved>} : vector<32xbf16> -> vector<16xf32>
        %unpack3A_544 = tpu.unpack_subelements %bitcast3A_542, 1 {pack_format = #tpu.pack_format<interleaved>} : vector<32xbf16> -> vector<16xf32>
        %sub3A_545 = arith.subf %unpack3A_543, %unpack3A_540 : vector<16xf32>
        %mul3A_546 = arith.mulf %get3A_409, %sub3A_545 : vector<16xf32>
        %add3A_547 = arith.addf %unpack3A_540, %mul3A_546 : vector<16xf32>
        %add3A_548 = arith.addf %add3A_547, %sub3A_425 : vector<16xf32>
        %sub3A_549 = arith.subf %unpack3A_544, %unpack3A_541 : vector<16xf32>
        %mul3A_550 = arith.mulf %get3A_409, %sub3A_549 : vector<16xf32>
        %add3A_551 = arith.addf %unpack3A_541, %mul3A_550 : vector<16xf32>
        %add3A_552 = arith.addf %add3A_551, %sub3A_425 : vector<16xf32>
        %broadcast_in_dim3A_553 = arith.constant 147 : i32
        %broadcast_in_dim3A_554 = vector.broadcast %broadcast_in_dim3A_553 : i32 to vector<16xi32>
        %add3A_555 = arith.addi %broadcast_in_dim3A_554, %broadcast_in_dim3A_430 : vector<16xi32>
        %broadcast_in_dim3A_556 = arith.constant 183 : i32
        %broadcast_in_dim3A_557 = vector.broadcast %broadcast_in_dim3A_556 : i32 to vector<16xi32>
        %add3A_558 = arith.addi %broadcast_in_dim3A_557, %broadcast_in_dim3A_430 : vector<16xi32>
        %scatter3A_559 = arith.constant 0 : i32
        %scatter3A_560 = arith.constant 0 : i32
        %scatter3A_561 = tpu.memref_slice %arg12[%rem3A_202, %scatter3A_559, %scatter3A_560] : memref<2x64x291xf32, #tpu.memory_space<vmem>> -> memref<1x64x291xf32, #tpu.memory_space<vmem>>
        %scatter3A_562 = tpu.memref_squeeze %scatter3A_561 : memref<1x64x291xf32, #tpu.memory_space<vmem>> -> memref<64x291xf32, #tpu.memory_space<vmem>>
        tpu.vector_store_idx %scatter3A_562[%add3A_301, %add3A_555], %add3A_548 : memref<64x291xf32, #tpu.memory_space<vmem>>[vector<16xi32>, vector<16xi32>], vector<16xf32>,
        %scatter3A_563 = arith.constant 0 : i32
        %scatter3A_564 = arith.constant 0 : i32
        %scatter3A_565 = tpu.memref_slice %arg12[%rem3A_202, %scatter3A_563, %scatter3A_564] : memref<2x64x291xf32, #tpu.memory_space<vmem>> -> memref<1x64x291xf32, #tpu.memory_space<vmem>>
        %scatter3A_566 = tpu.memref_squeeze %scatter3A_565 : memref<1x64x291xf32, #tpu.memory_space<vmem>> -> memref<64x291xf32, #tpu.memory_space<vmem>>
        tpu.vector_store_idx %scatter3A_566[%add3A_301, %add3A_558], %add3A_552 : memref<64x291xf32, #tpu.memory_space<vmem>>[vector<16xi32>, vector<16xi32>], vector<16xf32>,
        %add3A_567 = arith.constant 3 : i32
        %add3A_568 = vector.broadcast %add3A_567 : i32 to vector<16xi32>
        %add3A_569 = arith.addi %shift_left3A_429, %add3A_568 : vector<16xi32>
        %gather3A_570 = arith.constant 0 : i32
        %gather3A_571 = arith.constant 0 : i32
        %gather3A_572 = arith.constant 0 : i32
        %gather3A_573 = tpu.memref_slice %arg11[%rem3A_202, %gather3A_570, %gather3A_571, %gather3A_572] : memref<2x36x64x16xi32, #tpu.memory_space<vmem>> -> memref<1x36x64x16xi32, #tpu.memory_space<vmem>>
        %gather3A_574 = tpu.memref_squeeze %gather3A_573 : memref<1x36x64x16xi32, #tpu.memory_space<vmem>> -> memref<36x64x16xi32, #tpu.memory_space<vmem>>
        %gather3A_575 = tpu.vector_load_idx %gather3A_574[%broadcast_in_dim3A_430, %add3A_301, %add3A_569] : memref<36x64x16xi32, #tpu.memory_space<vmem>>[vector<16xi32>, vector<16xi32>, vector<16xi32>], vector<16xi32>,
        %add3A_576 = arith.constant 7 : i32
        %add3A_577 = vector.broadcast %add3A_576 : i32 to vector<16xi32>
        %add3A_578 = arith.addi %shift_left3A_429, %add3A_577 : vector<16xi32>
        %gather3A_579 = arith.constant 0 : i32
        %gather3A_580 = arith.constant 0 : i32
        %gather3A_581 = arith.constant 0 : i32
        %gather3A_582 = tpu.memref_slice %arg11[%rem3A_202, %gather3A_579, %gather3A_580, %gather3A_581] : memref<2x36x64x16xi32, #tpu.memory_space<vmem>> -> memref<1x36x64x16xi32, #tpu.memory_space<vmem>>
        %gather3A_583 = tpu.memref_squeeze %gather3A_582 : memref<1x36x64x16xi32, #tpu.memory_space<vmem>> -> memref<36x64x16xi32, #tpu.memory_space<vmem>>
        %gather3A_584 = tpu.vector_load_idx %gather3A_583[%broadcast_in_dim3A_430, %add3A_301, %add3A_578] : memref<36x64x16xi32, #tpu.memory_space<vmem>>[vector<16xi32>, vector<16xi32>, vector<16xi32>], vector<16xi32>,
        %bitcast3A_585 = vector.bitcast %gather3A_575 : vector<16xi32> to vector<32xbf16>
        %unpack3A_586 = tpu.unpack_subelements %bitcast3A_585, 0 {pack_format = #tpu.pack_format<interleaved>} : vector<32xbf16> -> vector<16xf32>
        %unpack3A_587 = tpu.unpack_subelements %bitcast3A_585, 1 {pack_format = #tpu.pack_format<interleaved>} : vector<32xbf16> -> vector<16xf32>
        %bitcast3A_588 = vector.bitcast %gather3A_584 : vector<16xi32> to vector<32xbf16>
        %unpack3A_589 = tpu.unpack_subelements %bitcast3A_588, 0 {pack_format = #tpu.pack_format<interleaved>} : vector<32xbf16> -> vector<16xf32>
        %unpack3A_590 = tpu.unpack_subelements %bitcast3A_588, 1 {pack_format = #tpu.pack_format<interleaved>} : vector<32xbf16> -> vector<16xf32>
        %sub3A_591 = arith.subf %unpack3A_589, %unpack3A_586 : vector<16xf32>
        %mul3A_592 = arith.mulf %get3A_409, %sub3A_591 : vector<16xf32>
        %add3A_593 = arith.addf %unpack3A_586, %mul3A_592 : vector<16xf32>
        %add3A_594 = arith.addf %add3A_593, %sub3A_425 : vector<16xf32>
        %sub3A_595 = arith.subf %unpack3A_590, %unpack3A_587 : vector<16xf32>
        %mul3A_596 = arith.mulf %get3A_409, %sub3A_595 : vector<16xf32>
        %add3A_597 = arith.addf %unpack3A_587, %mul3A_596 : vector<16xf32>
        %add3A_598 = arith.addf %add3A_597, %sub3A_425 : vector<16xf32>
        %broadcast_in_dim3A_599 = arith.constant 219 : i32
        %broadcast_in_dim3A_600 = vector.broadcast %broadcast_in_dim3A_599 : i32 to vector<16xi32>
        %add3A_601 = arith.addi %broadcast_in_dim3A_600, %broadcast_in_dim3A_430 : vector<16xi32>
        %broadcast_in_dim3A_602 = arith.constant 255 : i32
        %broadcast_in_dim3A_603 = vector.broadcast %broadcast_in_dim3A_602 : i32 to vector<16xi32>
        %add3A_604 = arith.addi %broadcast_in_dim3A_603, %broadcast_in_dim3A_430 : vector<16xi32>
        %scatter3A_605 = arith.constant 0 : i32
        %scatter3A_606 = arith.constant 0 : i32
        %scatter3A_607 = tpu.memref_slice %arg12[%rem3A_202, %scatter3A_605, %scatter3A_606] : memref<2x64x291xf32, #tpu.memory_space<vmem>> -> memref<1x64x291xf32, #tpu.memory_space<vmem>>
        %scatter3A_608 = tpu.memref_squeeze %scatter3A_607 : memref<1x64x291xf32, #tpu.memory_space<vmem>> -> memref<64x291xf32, #tpu.memory_space<vmem>>
        tpu.vector_store_idx %scatter3A_608[%add3A_301, %add3A_601], %add3A_594 : memref<64x291xf32, #tpu.memory_space<vmem>>[vector<16xi32>, vector<16xi32>], vector<16xf32>,
        %scatter3A_609 = arith.constant 0 : i32
        %scatter3A_610 = arith.constant 0 : i32
        %scatter3A_611 = tpu.memref_slice %arg12[%rem3A_202, %scatter3A_609, %scatter3A_610] : memref<2x64x291xf32, #tpu.memory_space<vmem>> -> memref<1x64x291xf32, #tpu.memory_space<vmem>>
        %scatter3A_612 = tpu.memref_squeeze %scatter3A_611 : memref<1x64x291xf32, #tpu.memory_space<vmem>> -> memref<64x291xf32, #tpu.memory_space<vmem>>
        tpu.vector_store_idx %scatter3A_612[%add3A_301, %add3A_604], %add3A_598 : memref<64x291xf32, #tpu.memory_space<vmem>>[vector<16xi32>, vector<16xi32>], vector<16xf32>,
      }
      %scan3A_339 = arith.constant 36 : i32
      %add3A_340 = arith.constant 48 : i32
      %add3A_341 = vector.broadcast %add3A_340 : i32 to vector<16xi32>
      %add3A_342 = arith.addi %iota3A, %add3A_341 : vector<16xi32>
      %broadcast_in_dim3A_343 = arith.constant 0 : i32
      %broadcast_in_dim3A_344 = vector.broadcast %broadcast_in_dim3A_343 : i32 to vector<16xi32>
      %gather3A_345 = arith.constant 0 : i32
      %gather3A_346 = arith.constant 0 : i32
      %gather3A_347 = tpu.memref_slice %arg10[%rem3A_202, %gather3A_345, %gather3A_346] : memref<2x64x3xf32, #tpu.memory_space<vmem>> -> memref<1x64x3xf32, #tpu.memory_space<vmem>>
      %gather3A_348 = tpu.memref_squeeze %gather3A_347 : memref<1x64x3xf32, #tpu.memory_space<vmem>> -> memref<64x3xf32, #tpu.memory_space<vmem>>
      %gather3A_349 = tpu.vector_load_idx %gather3A_348[%add3A_342, %broadcast_in_dim3A_344] : memref<64x3xf32, #tpu.memory_space<vmem>>[vector<16xi32>, vector<16xi32>], vector<16xf32>,
      %scatter3A_350 = arith.constant 0 : i32
      %scatter3A_351 = arith.constant 0 : i32
      %scatter3A_352 = tpu.memref_slice %arg12[%rem3A_202, %scatter3A_350, %scatter3A_351] : memref<2x64x291xf32, #tpu.memory_space<vmem>> -> memref<1x64x291xf32, #tpu.memory_space<vmem>>
      %scatter3A_353 = tpu.memref_squeeze %scatter3A_352 : memref<1x64x291xf32, #tpu.memory_space<vmem>> -> memref<64x291xf32, #tpu.memory_space<vmem>>
      tpu.vector_store_idx %scatter3A_353[%add3A_342, %broadcast_in_dim3A_344], %gather3A_349 : memref<64x291xf32, #tpu.memory_space<vmem>>[vector<16xi32>, vector<16xi32>], vector<16xf32>,
      %broadcast_in_dim3A_354 = arith.constant 1 : i32
      %broadcast_in_dim3A_355 = vector.broadcast %broadcast_in_dim3A_354 : i32 to vector<16xi32>
      %gather3A_356 = arith.constant 0 : i32
      %gather3A_357 = arith.constant 0 : i32
      %gather3A_358 = tpu.memref_slice %arg10[%rem3A_202, %gather3A_356, %gather3A_357] : memref<2x64x3xf32, #tpu.memory_space<vmem>> -> memref<1x64x3xf32, #tpu.memory_space<vmem>>
      %gather3A_359 = tpu.memref_squeeze %gather3A_358 : memref<1x64x3xf32, #tpu.memory_space<vmem>> -> memref<64x3xf32, #tpu.memory_space<vmem>>
      %gather3A_360 = tpu.vector_load_idx %gather3A_359[%add3A_342, %broadcast_in_dim3A_355] : memref<64x3xf32, #tpu.memory_space<vmem>>[vector<16xi32>, vector<16xi32>], vector<16xf32>,
      %scatter3A_361 = arith.constant 0 : i32
      %scatter3A_362 = arith.constant 0 : i32
      %scatter3A_363 = tpu.memref_slice %arg12[%rem3A_202, %scatter3A_361, %scatter3A_362] : memref<2x64x291xf32, #tpu.memory_space<vmem>> -> memref<1x64x291xf32, #tpu.memory_space<vmem>>
      %scatter3A_364 = tpu.memref_squeeze %scatter3A_363 : memref<1x64x291xf32, #tpu.memory_space<vmem>> -> memref<64x291xf32, #tpu.memory_space<vmem>>
      tpu.vector_store_idx %scatter3A_364[%add3A_342, %broadcast_in_dim3A_355], %gather3A_360 : memref<64x291xf32, #tpu.memory_space<vmem>>[vector<16xi32>, vector<16xi32>], vector<16xf32>,
      %broadcast_in_dim3A_365 = arith.constant 2 : i32
      %broadcast_in_dim3A_366 = vector.broadcast %broadcast_in_dim3A_365 : i32 to vector<16xi32>
      %gather3A_367 = arith.constant 0 : i32
      %gather3A_368 = arith.constant 0 : i32
      %gather3A_369 = tpu.memref_slice %arg10[%rem3A_202, %gather3A_367, %gather3A_368] : memref<2x64x3xf32, #tpu.memory_space<vmem>> -> memref<1x64x3xf32, #tpu.memory_space<vmem>>
      %gather3A_370 = tpu.memref_squeeze %gather3A_369 : memref<1x64x3xf32, #tpu.memory_space<vmem>> -> memref<64x3xf32, #tpu.memory_space<vmem>>
      %gather3A_371 = tpu.vector_load_idx %gather3A_370[%add3A_342, %broadcast_in_dim3A_366] : memref<64x3xf32, #tpu.memory_space<vmem>>[vector<16xi32>, vector<16xi32>], vector<16xf32>,
      %scatter3A_372 = arith.constant 0 : i32
      %scatter3A_373 = arith.constant 0 : i32
      %scatter3A_374 = tpu.memref_slice %arg12[%rem3A_202, %scatter3A_372, %scatter3A_373] : memref<2x64x291xf32, #tpu.memory_space<vmem>> -> memref<1x64x291xf32, #tpu.memory_space<vmem>>
      %scatter3A_375 = tpu.memref_squeeze %scatter3A_374 : memref<1x64x291xf32, #tpu.memory_space<vmem>> -> memref<64x291xf32, #tpu.memory_space<vmem>>
      tpu.vector_store_idx %scatter3A_375[%add3A_342, %broadcast_in_dim3A_366], %gather3A_371 : memref<64x291xf32, #tpu.memory_space<vmem>>[vector<16xi32>, vector<16xi32>], vector<16xf32>,
      %scan3A_376 = arith.constant 0 : i32
      %scan3A_377 = arith.constant 36 : i32
      %scan3A_378 = arith.addi %scan3A_376, %scan3A_377 : i32
      %scan3A_379 = arith.constant 1 : i32
      scf.for %scan3A_402 = %scan3A_376 to %scan3A_378 step %scan3A_379  : i32 {
        %mul3A_403 = arith.constant 1 : i32
        %mul3A_404 = arith.muli %scan3A_402, %mul3A_403 : i32
        %add3A_405 = arith.constant 0 : i32
        %add3A_406 = arith.addi %add3A_405, %mul3A_404 : i32
        %get3A = arith.index_cast %rem3A_202 : i32 to index
        %get3A_407 = arith.index_cast %add3A_406 : i32 to index
        %get3A_408 = arith.constant 48 : index
        %get3A_409 = tpu.vector_load %arg9[%get3A, %get3A_407, %get3A_408] {strides = array<i32>} : memref<2x36x64xf32, #tpu.memory_space<vmem>>, vector<16xf32>,
        %get3A_410 = arith.index_cast %rem3A_202 : i32 to index
        %get3A_411 = arith.index_cast %add3A_406 : i32 to index
        %get3A_412 = arith.constant 48 : index
        %get3A_413 = tpu.vector_load %arg7[%get3A_410, %get3A_411, %get3A_412] {strides = array<i32>} : memref<2x36x64xi32, #tpu.memory_space<vmem>>, vector<16xi32>,
        %mul3A_414 = arith.constant 65536 : i32
        %mul3A_415 = arith.muli %add3A_406, %mul3A_414 : i32
        %sub3A_416 = vector.broadcast %mul3A_415 : i32 to vector<16xi32>
        %sub3A_417 = arith.subi %get3A_413, %sub3A_416 : vector<16xi32>
        %convert_element_type3A_418 = arith.sitofp %sub3A_417 : vector<16xi32> to vector<16xf32>
        %add3A_419 = arith.addf %convert_element_type3A_418, %get3A_409 : vector<16xf32>
        %mul3A_420 = arith.constant 3.05180438E-5 : f32
        %mul3A_421 = vector.broadcast %mul3A_420 : f32 to vector<16xf32>
        %mul3A_422 = arith.mulf %add3A_419, %mul3A_421 : vector<16xf32>
        %sub3A_423 = arith.constant 1.000000e+00 : f32
        %sub3A_424 = vector.broadcast %sub3A_423 : f32 to vector<16xf32>
        %sub3A_425 = arith.subf %mul3A_422, %sub3A_424 : vector<16xf32>
        %and3A = arith.constant 1 : i32
        %and3A_426 = vector.broadcast %and3A : i32 to vector<16xi32>
        %and3A_427 = arith.andi %get3A_413, %and3A_426 : vector<16xi32>
        %shift_left3A = arith.constant 2 : i32
        %shift_left3A_428 = vector.broadcast %shift_left3A : i32 to vector<16xi32>
        %shift_left3A_429 = arith.shli %and3A_427, %shift_left3A_428 : vector<16xi32>
        %broadcast_in_dim3A_430 = vector.broadcast %add3A_406 : i32 to vector<16xi32>
        %add3A_431 = arith.constant 0 : i32
        %add3A_432 = vector.broadcast %add3A_431 : i32 to vector<16xi32>
        %add3A_433 = arith.addi %shift_left3A_429, %add3A_432 : vector<16xi32>
        %gather3A_434 = arith.constant 0 : i32
        %gather3A_435 = arith.constant 0 : i32
        %gather3A_436 = arith.constant 0 : i32
        %gather3A_437 = tpu.memref_slice %arg11[%rem3A_202, %gather3A_434, %gather3A_435, %gather3A_436] : memref<2x36x64x16xi32, #tpu.memory_space<vmem>> -> memref<1x36x64x16xi32, #tpu.memory_space<vmem>>
        %gather3A_438 = tpu.memref_squeeze %gather3A_437 : memref<1x36x64x16xi32, #tpu.memory_space<vmem>> -> memref<36x64x16xi32, #tpu.memory_space<vmem>>
        %gather3A_439 = tpu.vector_load_idx %gather3A_438[%broadcast_in_dim3A_430, %add3A_342, %add3A_433] : memref<36x64x16xi32, #tpu.memory_space<vmem>>[vector<16xi32>, vector<16xi32>, vector<16xi32>], vector<16xi32>,
        %add3A_440 = arith.constant 4 : i32
        %add3A_441 = vector.broadcast %add3A_440 : i32 to vector<16xi32>
        %add3A_442 = arith.addi %shift_left3A_429, %add3A_441 : vector<16xi32>
        %gather3A_443 = arith.constant 0 : i32
        %gather3A_444 = arith.constant 0 : i32
        %gather3A_445 = arith.constant 0 : i32
        %gather3A_446 = tpu.memref_slice %arg11[%rem3A_202, %gather3A_443, %gather3A_444, %gather3A_445] : memref<2x36x64x16xi32, #tpu.memory_space<vmem>> -> memref<1x36x64x16xi32, #tpu.memory_space<vmem>>
        %gather3A_447 = tpu.memref_squeeze %gather3A_446 : memref<1x36x64x16xi32, #tpu.memory_space<vmem>> -> memref<36x64x16xi32, #tpu.memory_space<vmem>>
        %gather3A_448 = tpu.vector_load_idx %gather3A_447[%broadcast_in_dim3A_430, %add3A_342, %add3A_442] : memref<36x64x16xi32, #tpu.memory_space<vmem>>[vector<16xi32>, vector<16xi32>, vector<16xi32>], vector<16xi32>,
        %bitcast3A = vector.bitcast %gather3A_439 : vector<16xi32> to vector<32xbf16>
        %unpack3A = tpu.unpack_subelements %bitcast3A, 0 {pack_format = #tpu.pack_format<interleaved>} : vector<32xbf16> -> vector<16xf32>
        %unpack3A_449 = tpu.unpack_subelements %bitcast3A, 1 {pack_format = #tpu.pack_format<interleaved>} : vector<32xbf16> -> vector<16xf32>
        %bitcast3A_450 = vector.bitcast %gather3A_448 : vector<16xi32> to vector<32xbf16>
        %unpack3A_451 = tpu.unpack_subelements %bitcast3A_450, 0 {pack_format = #tpu.pack_format<interleaved>} : vector<32xbf16> -> vector<16xf32>
        %unpack3A_452 = tpu.unpack_subelements %bitcast3A_450, 1 {pack_format = #tpu.pack_format<interleaved>} : vector<32xbf16> -> vector<16xf32>
        %sub3A_453 = arith.subf %unpack3A_451, %unpack3A : vector<16xf32>
        %mul3A_454 = arith.mulf %get3A_409, %sub3A_453 : vector<16xf32>
        %add3A_455 = arith.addf %unpack3A, %mul3A_454 : vector<16xf32>
        %add3A_456 = arith.addf %add3A_455, %sub3A_425 : vector<16xf32>
        %sub3A_457 = arith.subf %unpack3A_452, %unpack3A_449 : vector<16xf32>
        %mul3A_458 = arith.mulf %get3A_409, %sub3A_457 : vector<16xf32>
        %add3A_459 = arith.addf %unpack3A_449, %mul3A_458 : vector<16xf32>
        %add3A_460 = arith.addf %add3A_459, %sub3A_425 : vector<16xf32>
        %broadcast_in_dim3A_461 = arith.constant 3 : i32
        %broadcast_in_dim3A_462 = vector.broadcast %broadcast_in_dim3A_461 : i32 to vector<16xi32>
        %add3A_463 = arith.addi %broadcast_in_dim3A_462, %broadcast_in_dim3A_430 : vector<16xi32>
        %broadcast_in_dim3A_464 = arith.constant 39 : i32
        %broadcast_in_dim3A_465 = vector.broadcast %broadcast_in_dim3A_464 : i32 to vector<16xi32>
        %add3A_466 = arith.addi %broadcast_in_dim3A_465, %broadcast_in_dim3A_430 : vector<16xi32>
        %scatter3A_467 = arith.constant 0 : i32
        %scatter3A_468 = arith.constant 0 : i32
        %scatter3A_469 = tpu.memref_slice %arg12[%rem3A_202, %scatter3A_467, %scatter3A_468] : memref<2x64x291xf32, #tpu.memory_space<vmem>> -> memref<1x64x291xf32, #tpu.memory_space<vmem>>
        %scatter3A_470 = tpu.memref_squeeze %scatter3A_469 : memref<1x64x291xf32, #tpu.memory_space<vmem>> -> memref<64x291xf32, #tpu.memory_space<vmem>>
        tpu.vector_store_idx %scatter3A_470[%add3A_342, %add3A_463], %add3A_456 : memref<64x291xf32, #tpu.memory_space<vmem>>[vector<16xi32>, vector<16xi32>], vector<16xf32>,
        %scatter3A_471 = arith.constant 0 : i32
        %scatter3A_472 = arith.constant 0 : i32
        %scatter3A_473 = tpu.memref_slice %arg12[%rem3A_202, %scatter3A_471, %scatter3A_472] : memref<2x64x291xf32, #tpu.memory_space<vmem>> -> memref<1x64x291xf32, #tpu.memory_space<vmem>>
        %scatter3A_474 = tpu.memref_squeeze %scatter3A_473 : memref<1x64x291xf32, #tpu.memory_space<vmem>> -> memref<64x291xf32, #tpu.memory_space<vmem>>
        tpu.vector_store_idx %scatter3A_474[%add3A_342, %add3A_466], %add3A_460 : memref<64x291xf32, #tpu.memory_space<vmem>>[vector<16xi32>, vector<16xi32>], vector<16xf32>,
        %add3A_475 = arith.constant 1 : i32
        %add3A_476 = vector.broadcast %add3A_475 : i32 to vector<16xi32>
        %add3A_477 = arith.addi %shift_left3A_429, %add3A_476 : vector<16xi32>
        %gather3A_478 = arith.constant 0 : i32
        %gather3A_479 = arith.constant 0 : i32
        %gather3A_480 = arith.constant 0 : i32
        %gather3A_481 = tpu.memref_slice %arg11[%rem3A_202, %gather3A_478, %gather3A_479, %gather3A_480] : memref<2x36x64x16xi32, #tpu.memory_space<vmem>> -> memref<1x36x64x16xi32, #tpu.memory_space<vmem>>
        %gather3A_482 = tpu.memref_squeeze %gather3A_481 : memref<1x36x64x16xi32, #tpu.memory_space<vmem>> -> memref<36x64x16xi32, #tpu.memory_space<vmem>>
        %gather3A_483 = tpu.vector_load_idx %gather3A_482[%broadcast_in_dim3A_430, %add3A_342, %add3A_477] : memref<36x64x16xi32, #tpu.memory_space<vmem>>[vector<16xi32>, vector<16xi32>, vector<16xi32>], vector<16xi32>,
        %add3A_484 = arith.constant 5 : i32
        %add3A_485 = vector.broadcast %add3A_484 : i32 to vector<16xi32>
        %add3A_486 = arith.addi %shift_left3A_429, %add3A_485 : vector<16xi32>
        %gather3A_487 = arith.constant 0 : i32
        %gather3A_488 = arith.constant 0 : i32
        %gather3A_489 = arith.constant 0 : i32
        %gather3A_490 = tpu.memref_slice %arg11[%rem3A_202, %gather3A_487, %gather3A_488, %gather3A_489] : memref<2x36x64x16xi32, #tpu.memory_space<vmem>> -> memref<1x36x64x16xi32, #tpu.memory_space<vmem>>
        %gather3A_491 = tpu.memref_squeeze %gather3A_490 : memref<1x36x64x16xi32, #tpu.memory_space<vmem>> -> memref<36x64x16xi32, #tpu.memory_space<vmem>>
        %gather3A_492 = tpu.vector_load_idx %gather3A_491[%broadcast_in_dim3A_430, %add3A_342, %add3A_486] : memref<36x64x16xi32, #tpu.memory_space<vmem>>[vector<16xi32>, vector<16xi32>, vector<16xi32>], vector<16xi32>,
        %bitcast3A_493 = vector.bitcast %gather3A_483 : vector<16xi32> to vector<32xbf16>
        %unpack3A_494 = tpu.unpack_subelements %bitcast3A_493, 0 {pack_format = #tpu.pack_format<interleaved>} : vector<32xbf16> -> vector<16xf32>
        %unpack3A_495 = tpu.unpack_subelements %bitcast3A_493, 1 {pack_format = #tpu.pack_format<interleaved>} : vector<32xbf16> -> vector<16xf32>
        %bitcast3A_496 = vector.bitcast %gather3A_492 : vector<16xi32> to vector<32xbf16>
        %unpack3A_497 = tpu.unpack_subelements %bitcast3A_496, 0 {pack_format = #tpu.pack_format<interleaved>} : vector<32xbf16> -> vector<16xf32>
        %unpack3A_498 = tpu.unpack_subelements %bitcast3A_496, 1 {pack_format = #tpu.pack_format<interleaved>} : vector<32xbf16> -> vector<16xf32>
        %sub3A_499 = arith.subf %unpack3A_497, %unpack3A_494 : vector<16xf32>
        %mul3A_500 = arith.mulf %get3A_409, %sub3A_499 : vector<16xf32>
        %add3A_501 = arith.addf %unpack3A_494, %mul3A_500 : vector<16xf32>
        %add3A_502 = arith.addf %add3A_501, %sub3A_425 : vector<16xf32>
        %sub3A_503 = arith.subf %unpack3A_498, %unpack3A_495 : vector<16xf32>
        %mul3A_504 = arith.mulf %get3A_409, %sub3A_503 : vector<16xf32>
        %add3A_505 = arith.addf %unpack3A_495, %mul3A_504 : vector<16xf32>
        %add3A_506 = arith.addf %add3A_505, %sub3A_425 : vector<16xf32>
        %broadcast_in_dim3A_507 = arith.constant 75 : i32
        %broadcast_in_dim3A_508 = vector.broadcast %broadcast_in_dim3A_507 : i32 to vector<16xi32>
        %add3A_509 = arith.addi %broadcast_in_dim3A_508, %broadcast_in_dim3A_430 : vector<16xi32>
        %broadcast_in_dim3A_510 = arith.constant 111 : i32
        %broadcast_in_dim3A_511 = vector.broadcast %broadcast_in_dim3A_510 : i32 to vector<16xi32>
        %add3A_512 = arith.addi %broadcast_in_dim3A_511, %broadcast_in_dim3A_430 : vector<16xi32>
        %scatter3A_513 = arith.constant 0 : i32
        %scatter3A_514 = arith.constant 0 : i32
        %scatter3A_515 = tpu.memref_slice %arg12[%rem3A_202, %scatter3A_513, %scatter3A_514] : memref<2x64x291xf32, #tpu.memory_space<vmem>> -> memref<1x64x291xf32, #tpu.memory_space<vmem>>
        %scatter3A_516 = tpu.memref_squeeze %scatter3A_515 : memref<1x64x291xf32, #tpu.memory_space<vmem>> -> memref<64x291xf32, #tpu.memory_space<vmem>>
        tpu.vector_store_idx %scatter3A_516[%add3A_342, %add3A_509], %add3A_502 : memref<64x291xf32, #tpu.memory_space<vmem>>[vector<16xi32>, vector<16xi32>], vector<16xf32>,
        %scatter3A_517 = arith.constant 0 : i32
        %scatter3A_518 = arith.constant 0 : i32
        %scatter3A_519 = tpu.memref_slice %arg12[%rem3A_202, %scatter3A_517, %scatter3A_518] : memref<2x64x291xf32, #tpu.memory_space<vmem>> -> memref<1x64x291xf32, #tpu.memory_space<vmem>>
        %scatter3A_520 = tpu.memref_squeeze %scatter3A_519 : memref<1x64x291xf32, #tpu.memory_space<vmem>> -> memref<64x291xf32, #tpu.memory_space<vmem>>
        tpu.vector_store_idx %scatter3A_520[%add3A_342, %add3A_512], %add3A_506 : memref<64x291xf32, #tpu.memory_space<vmem>>[vector<16xi32>, vector<16xi32>], vector<16xf32>,
        %add3A_521 = arith.constant 2 : i32
        %add3A_522 = vector.broadcast %add3A_521 : i32 to vector<16xi32>
        %add3A_523 = arith.addi %shift_left3A_429, %add3A_522 : vector<16xi32>
        %gather3A_524 = arith.constant 0 : i32
        %gather3A_525 = arith.constant 0 : i32
        %gather3A_526 = arith.constant 0 : i32
        %gather3A_527 = tpu.memref_slice %arg11[%rem3A_202, %gather3A_524, %gather3A_525, %gather3A_526] : memref<2x36x64x16xi32, #tpu.memory_space<vmem>> -> memref<1x36x64x16xi32, #tpu.memory_space<vmem>>
        %gather3A_528 = tpu.memref_squeeze %gather3A_527 : memref<1x36x64x16xi32, #tpu.memory_space<vmem>> -> memref<36x64x16xi32, #tpu.memory_space<vmem>>
        %gather3A_529 = tpu.vector_load_idx %gather3A_528[%broadcast_in_dim3A_430, %add3A_342, %add3A_523] : memref<36x64x16xi32, #tpu.memory_space<vmem>>[vector<16xi32>, vector<16xi32>, vector<16xi32>], vector<16xi32>,
        %add3A_530 = arith.constant 6 : i32
        %add3A_531 = vector.broadcast %add3A_530 : i32 to vector<16xi32>
        %add3A_532 = arith.addi %shift_left3A_429, %add3A_531 : vector<16xi32>
        %gather3A_533 = arith.constant 0 : i32
        %gather3A_534 = arith.constant 0 : i32
        %gather3A_535 = arith.constant 0 : i32
        %gather3A_536 = tpu.memref_slice %arg11[%rem3A_202, %gather3A_533, %gather3A_534, %gather3A_535] : memref<2x36x64x16xi32, #tpu.memory_space<vmem>> -> memref<1x36x64x16xi32, #tpu.memory_space<vmem>>
        %gather3A_537 = tpu.memref_squeeze %gather3A_536 : memref<1x36x64x16xi32, #tpu.memory_space<vmem>> -> memref<36x64x16xi32, #tpu.memory_space<vmem>>
        %gather3A_538 = tpu.vector_load_idx %gather3A_537[%broadcast_in_dim3A_430, %add3A_342, %add3A_532] : memref<36x64x16xi32, #tpu.memory_space<vmem>>[vector<16xi32>, vector<16xi32>, vector<16xi32>], vector<16xi32>,
        %bitcast3A_539 = vector.bitcast %gather3A_529 : vector<16xi32> to vector<32xbf16>
        %unpack3A_540 = tpu.unpack_subelements %bitcast3A_539, 0 {pack_format = #tpu.pack_format<interleaved>} : vector<32xbf16> -> vector<16xf32>
        %unpack3A_541 = tpu.unpack_subelements %bitcast3A_539, 1 {pack_format = #tpu.pack_format<interleaved>} : vector<32xbf16> -> vector<16xf32>
        %bitcast3A_542 = vector.bitcast %gather3A_538 : vector<16xi32> to vector<32xbf16>
        %unpack3A_543 = tpu.unpack_subelements %bitcast3A_542, 0 {pack_format = #tpu.pack_format<interleaved>} : vector<32xbf16> -> vector<16xf32>
        %unpack3A_544 = tpu.unpack_subelements %bitcast3A_542, 1 {pack_format = #tpu.pack_format<interleaved>} : vector<32xbf16> -> vector<16xf32>
        %sub3A_545 = arith.subf %unpack3A_543, %unpack3A_540 : vector<16xf32>
        %mul3A_546 = arith.mulf %get3A_409, %sub3A_545 : vector<16xf32>
        %add3A_547 = arith.addf %unpack3A_540, %mul3A_546 : vector<16xf32>
        %add3A_548 = arith.addf %add3A_547, %sub3A_425 : vector<16xf32>
        %sub3A_549 = arith.subf %unpack3A_544, %unpack3A_541 : vector<16xf32>
        %mul3A_550 = arith.mulf %get3A_409, %sub3A_549 : vector<16xf32>
        %add3A_551 = arith.addf %unpack3A_541, %mul3A_550 : vector<16xf32>
        %add3A_552 = arith.addf %add3A_551, %sub3A_425 : vector<16xf32>
        %broadcast_in_dim3A_553 = arith.constant 147 : i32
        %broadcast_in_dim3A_554 = vector.broadcast %broadcast_in_dim3A_553 : i32 to vector<16xi32>
        %add3A_555 = arith.addi %broadcast_in_dim3A_554, %broadcast_in_dim3A_430 : vector<16xi32>
        %broadcast_in_dim3A_556 = arith.constant 183 : i32
        %broadcast_in_dim3A_557 = vector.broadcast %broadcast_in_dim3A_556 : i32 to vector<16xi32>
        %add3A_558 = arith.addi %broadcast_in_dim3A_557, %broadcast_in_dim3A_430 : vector<16xi32>
        %scatter3A_559 = arith.constant 0 : i32
        %scatter3A_560 = arith.constant 0 : i32
        %scatter3A_561 = tpu.memref_slice %arg12[%rem3A_202, %scatter3A_559, %scatter3A_560] : memref<2x64x291xf32, #tpu.memory_space<vmem>> -> memref<1x64x291xf32, #tpu.memory_space<vmem>>
        %scatter3A_562 = tpu.memref_squeeze %scatter3A_561 : memref<1x64x291xf32, #tpu.memory_space<vmem>> -> memref<64x291xf32, #tpu.memory_space<vmem>>
        tpu.vector_store_idx %scatter3A_562[%add3A_342, %add3A_555], %add3A_548 : memref<64x291xf32, #tpu.memory_space<vmem>>[vector<16xi32>, vector<16xi32>], vector<16xf32>,
        %scatter3A_563 = arith.constant 0 : i32
        %scatter3A_564 = arith.constant 0 : i32
        %scatter3A_565 = tpu.memref_slice %arg12[%rem3A_202, %scatter3A_563, %scatter3A_564] : memref<2x64x291xf32, #tpu.memory_space<vmem>> -> memref<1x64x291xf32, #tpu.memory_space<vmem>>
        %scatter3A_566 = tpu.memref_squeeze %scatter3A_565 : memref<1x64x291xf32, #tpu.memory_space<vmem>> -> memref<64x291xf32, #tpu.memory_space<vmem>>
        tpu.vector_store_idx %scatter3A_566[%add3A_342, %add3A_558], %add3A_552 : memref<64x291xf32, #tpu.memory_space<vmem>>[vector<16xi32>, vector<16xi32>], vector<16xf32>,
        %add3A_567 = arith.constant 3 : i32
        %add3A_568 = vector.broadcast %add3A_567 : i32 to vector<16xi32>
        %add3A_569 = arith.addi %shift_left3A_429, %add3A_568 : vector<16xi32>
        %gather3A_570 = arith.constant 0 : i32
        %gather3A_571 = arith.constant 0 : i32
        %gather3A_572 = arith.constant 0 : i32
        %gather3A_573 = tpu.memref_slice %arg11[%rem3A_202, %gather3A_570, %gather3A_571, %gather3A_572] : memref<2x36x64x16xi32, #tpu.memory_space<vmem>> -> memref<1x36x64x16xi32, #tpu.memory_space<vmem>>
        %gather3A_574 = tpu.memref_squeeze %gather3A_573 : memref<1x36x64x16xi32, #tpu.memory_space<vmem>> -> memref<36x64x16xi32, #tpu.memory_space<vmem>>
        %gather3A_575 = tpu.vector_load_idx %gather3A_574[%broadcast_in_dim3A_430, %add3A_342, %add3A_569] : memref<36x64x16xi32, #tpu.memory_space<vmem>>[vector<16xi32>, vector<16xi32>, vector<16xi32>], vector<16xi32>,
        %add3A_576 = arith.constant 7 : i32
        %add3A_577 = vector.broadcast %add3A_576 : i32 to vector<16xi32>
        %add3A_578 = arith.addi %shift_left3A_429, %add3A_577 : vector<16xi32>
        %gather3A_579 = arith.constant 0 : i32
        %gather3A_580 = arith.constant 0 : i32
        %gather3A_581 = arith.constant 0 : i32
        %gather3A_582 = tpu.memref_slice %arg11[%rem3A_202, %gather3A_579, %gather3A_580, %gather3A_581] : memref<2x36x64x16xi32, #tpu.memory_space<vmem>> -> memref<1x36x64x16xi32, #tpu.memory_space<vmem>>
        %gather3A_583 = tpu.memref_squeeze %gather3A_582 : memref<1x36x64x16xi32, #tpu.memory_space<vmem>> -> memref<36x64x16xi32, #tpu.memory_space<vmem>>
        %gather3A_584 = tpu.vector_load_idx %gather3A_583[%broadcast_in_dim3A_430, %add3A_342, %add3A_578] : memref<36x64x16xi32, #tpu.memory_space<vmem>>[vector<16xi32>, vector<16xi32>, vector<16xi32>], vector<16xi32>,
        %bitcast3A_585 = vector.bitcast %gather3A_575 : vector<16xi32> to vector<32xbf16>
        %unpack3A_586 = tpu.unpack_subelements %bitcast3A_585, 0 {pack_format = #tpu.pack_format<interleaved>} : vector<32xbf16> -> vector<16xf32>
        %unpack3A_587 = tpu.unpack_subelements %bitcast3A_585, 1 {pack_format = #tpu.pack_format<interleaved>} : vector<32xbf16> -> vector<16xf32>
        %bitcast3A_588 = vector.bitcast %gather3A_584 : vector<16xi32> to vector<32xbf16>
        %unpack3A_589 = tpu.unpack_subelements %bitcast3A_588, 0 {pack_format = #tpu.pack_format<interleaved>} : vector<32xbf16> -> vector<16xf32>
        %unpack3A_590 = tpu.unpack_subelements %bitcast3A_588, 1 {pack_format = #tpu.pack_format<interleaved>} : vector<32xbf16> -> vector<16xf32>
        %sub3A_591 = arith.subf %unpack3A_589, %unpack3A_586 : vector<16xf32>
        %mul3A_592 = arith.mulf %get3A_409, %sub3A_591 : vector<16xf32>
        %add3A_593 = arith.addf %unpack3A_586, %mul3A_592 : vector<16xf32>
        %add3A_594 = arith.addf %add3A_593, %sub3A_425 : vector<16xf32>
        %sub3A_595 = arith.subf %unpack3A_590, %unpack3A_587 : vector<16xf32>
        %mul3A_596 = arith.mulf %get3A_409, %sub3A_595 : vector<16xf32>
        %add3A_597 = arith.addf %unpack3A_587, %mul3A_596 : vector<16xf32>
        %add3A_598 = arith.addf %add3A_597, %sub3A_425 : vector<16xf32>
        %broadcast_in_dim3A_599 = arith.constant 219 : i32
        %broadcast_in_dim3A_600 = vector.broadcast %broadcast_in_dim3A_599 : i32 to vector<16xi32>
        %add3A_601 = arith.addi %broadcast_in_dim3A_600, %broadcast_in_dim3A_430 : vector<16xi32>
        %broadcast_in_dim3A_602 = arith.constant 255 : i32
        %broadcast_in_dim3A_603 = vector.broadcast %broadcast_in_dim3A_602 : i32 to vector<16xi32>
        %add3A_604 = arith.addi %broadcast_in_dim3A_603, %broadcast_in_dim3A_430 : vector<16xi32>
        %scatter3A_605 = arith.constant 0 : i32
        %scatter3A_606 = arith.constant 0 : i32
        %scatter3A_607 = tpu.memref_slice %arg12[%rem3A_202, %scatter3A_605, %scatter3A_606] : memref<2x64x291xf32, #tpu.memory_space<vmem>> -> memref<1x64x291xf32, #tpu.memory_space<vmem>>
        %scatter3A_608 = tpu.memref_squeeze %scatter3A_607 : memref<1x64x291xf32, #tpu.memory_space<vmem>> -> memref<64x291xf32, #tpu.memory_space<vmem>>
        tpu.vector_store_idx %scatter3A_608[%add3A_342, %add3A_601], %add3A_594 : memref<64x291xf32, #tpu.memory_space<vmem>>[vector<16xi32>, vector<16xi32>], vector<16xf32>,
        %scatter3A_609 = arith.constant 0 : i32
        %scatter3A_610 = arith.constant 0 : i32
        %scatter3A_611 = tpu.memref_slice %arg12[%rem3A_202, %scatter3A_609, %scatter3A_610] : memref<2x64x291xf32, #tpu.memory_space<vmem>> -> memref<1x64x291xf32, #tpu.memory_space<vmem>>
        %scatter3A_612 = tpu.memref_squeeze %scatter3A_611 : memref<1x64x291xf32, #tpu.memory_space<vmem>> -> memref<64x291xf32, #tpu.memory_space<vmem>>
        tpu.vector_store_idx %scatter3A_612[%add3A_342, %add3A_604], %add3A_598 : memref<64x291xf32, #tpu.memory_space<vmem>>[vector<16xi32>, vector<16xi32>], vector<16xf32>,
      }
      %scan3A_380 = arith.constant 36 : i32
      %dma_start3A_381 = arith.constant 0 : i32
      %dma_start3A_382 = arith.constant 0 : i32
      %dma_start3A_383 = tpu.memref_slice %arg12[%rem3A_202, %dma_start3A_381, %dma_start3A_382] : memref<2x64x291xf32, #tpu.memory_space<vmem>> -> memref<1x64x291xf32, #tpu.memory_space<vmem>>
      %dma_start3A_384 = tpu.memref_squeeze %dma_start3A_383 : memref<1x64x291xf32, #tpu.memory_space<vmem>> -> memref<64x291xf32, #tpu.memory_space<vmem>>
      %dma_start3A_385 = arith.constant 0 : i32
      %dma_start3A_386 = tpu.memref_slice %arg6[%add3A_206, %dma_start3A_385] : memref<131072x291xf32, #tpu.memory_space<hbm>> -> memref<64x291xf32, #tpu.memory_space<hbm>>
      %dma_start3A_387 = tpu.memref_slice %arg15[%rem3A_202] : memref<2x!tpu.dma_semaphore, #tpu.memory_space<semaphore_mem>> -> memref<1x!tpu.dma_semaphore, #tpu.memory_space<semaphore_mem>>
      %dma_start3A_388 = tpu.memref_squeeze %dma_start3A_387 : memref<1x!tpu.dma_semaphore, #tpu.memory_space<semaphore_mem>> -> memref<!tpu.dma_semaphore, #tpu.memory_space<semaphore_mem>>
      %dma_start3A_389 = arith.constant 0 : i32
      %dma_start3A_390 = tpu.memref_slice %arg6[%add3A_206, %dma_start3A_389] : memref<131072x291xf32, #tpu.memory_space<hbm>> -> memref<64x291xf32, #tpu.memory_space<hbm>>
      %dma_start3A_391 = arith.constant 0 : i32
      %dma_start3A_392 = arith.constant 0 : i32
      %dma_start3A_393 = tpu.memref_slice %arg12[%rem3A_202, %dma_start3A_391, %dma_start3A_392] : memref<2x64x291xf32, #tpu.memory_space<vmem>> -> memref<1x64x291xf32, #tpu.memory_space<vmem>>
      %dma_start3A_394 = tpu.memref_squeeze %dma_start3A_393 : memref<1x64x291xf32, #tpu.memory_space<vmem>> -> memref<64x291xf32, #tpu.memory_space<vmem>>
      tpu.enqueue_dma source(%dma_start3A_394 : memref<64x291xf32, #tpu.memory_space<vmem>>) target(%dma_start3A_390 : memref<64x291xf32, #tpu.memory_space<hbm>>) target_semaphore(%dma_start3A_388 : memref<!tpu.dma_semaphore, #tpu.memory_space<semaphore_mem>>)
      %add3A_395 = arith.constant 2 : i32
      %add3A_396 = arith.addi %add3A_201, %add3A_395 : i32
      %lt3A_397 = arith.constant 64 : i32
      %lt3A_398 = arith.cmpi slt, %add3A_396, %lt3A_397 : i32
      %convert_element_type3A_399 = arith.extui %lt3A_398 : i1 to i32
      %cond3A_400 = arith.constant 0 : i32
      %cond3A_401 = arith.cmpi ne, %convert_element_type3A_399, %cond3A_400 : i32
      scf.if %cond3A_401 {
        %add3A_402 = arith.constant 2 : i32
        %add3A_403 = arith.addi %add3A_201, %add3A_402 : i32
        %mul3A_404 = arith.constant 64 : i32
        %mul3A_405 = arith.muli %add3A_403, %mul3A_404 : i32
        %add3A_406 = arith.addi %mul3A_2, %mul3A_405 : i32
        %dma_start3A_407 = arith.constant 0 : i32
        %dma_start3A_408 = arith.constant 0 : i32
        %dma_start3A_409 = tpu.memref_slice %arg7[%rem3A_202, %dma_start3A_407, %dma_start3A_408] : memref<2x36x64xi32, #tpu.memory_space<vmem>> -> memref<1x36x64xi32, #tpu.memory_space<vmem>>
        %dma_start3A_410 = tpu.memref_squeeze %dma_start3A_409 : memref<1x36x64xi32, #tpu.memory_space<vmem>> -> memref<36x64xi32, #tpu.memory_space<vmem>>
        %dma_start3A_411 = arith.constant 0 : i32
        %dma_start3A_412 = tpu.memref_slice %arg3[%dma_start3A_411, %add3A_406] : memref<36x131072xi32, #tpu.memory_space<hbm>> -> memref<36x64xi32, #tpu.memory_space<hbm>>
        %dma_start3A_413 = tpu.memref_slice %arg13[%rem3A_202] : memref<2x!tpu.dma_semaphore, #tpu.memory_space<semaphore_mem>> -> memref<1x!tpu.dma_semaphore, #tpu.memory_space<semaphore_mem>>
        %dma_start3A_414 = tpu.memref_squeeze %dma_start3A_413 : memref<1x!tpu.dma_semaphore, #tpu.memory_space<semaphore_mem>> -> memref<!tpu.dma_semaphore, #tpu.memory_space<semaphore_mem>>
        %dma_start3A_415 = arith.constant 0 : i32
        %dma_start3A_416 = arith.constant 0 : i32
        %dma_start3A_417 = tpu.memref_slice %arg7[%rem3A_202, %dma_start3A_415, %dma_start3A_416] : memref<2x36x64xi32, #tpu.memory_space<vmem>> -> memref<1x36x64xi32, #tpu.memory_space<vmem>>
        %dma_start3A_418 = tpu.memref_squeeze %dma_start3A_417 : memref<1x36x64xi32, #tpu.memory_space<vmem>> -> memref<36x64xi32, #tpu.memory_space<vmem>>
        %dma_start3A_419 = arith.constant 0 : i32
        %dma_start3A_420 = tpu.memref_slice %arg3[%dma_start3A_419, %add3A_406] : memref<36x131072xi32, #tpu.memory_space<hbm>> -> memref<36x64xi32, #tpu.memory_space<hbm>>
        tpu.enqueue_dma source(%dma_start3A_420 : memref<36x64xi32, #tpu.memory_space<hbm>>) target(%dma_start3A_418 : memref<36x64xi32, #tpu.memory_space<vmem>>) target_semaphore(%dma_start3A_414 : memref<!tpu.dma_semaphore, #tpu.memory_space<semaphore_mem>>)
        %dma_start3A_421 = arith.constant 0 : i32
        %dma_start3A_422 = arith.constant 0 : i32
        %dma_start3A_423 = tpu.memref_slice %arg9[%rem3A_202, %dma_start3A_421, %dma_start3A_422] : memref<2x36x64xf32, #tpu.memory_space<vmem>> -> memref<1x36x64xf32, #tpu.memory_space<vmem>>
        %dma_start3A_424 = tpu.memref_squeeze %dma_start3A_423 : memref<1x36x64xf32, #tpu.memory_space<vmem>> -> memref<36x64xf32, #tpu.memory_space<vmem>>
        %dma_start3A_425 = arith.constant 0 : i32
        %dma_start3A_426 = tpu.memref_slice %arg4[%dma_start3A_425, %add3A_406] : memref<36x131072xf32, #tpu.memory_space<hbm>> -> memref<36x64xf32, #tpu.memory_space<hbm>>
        %dma_start3A_427 = tpu.memref_slice %arg13[%rem3A_202] : memref<2x!tpu.dma_semaphore, #tpu.memory_space<semaphore_mem>> -> memref<1x!tpu.dma_semaphore, #tpu.memory_space<semaphore_mem>>
        %dma_start3A_428 = tpu.memref_squeeze %dma_start3A_427 : memref<1x!tpu.dma_semaphore, #tpu.memory_space<semaphore_mem>> -> memref<!tpu.dma_semaphore, #tpu.memory_space<semaphore_mem>>
        %dma_start3A_429 = arith.constant 0 : i32
        %dma_start3A_430 = arith.constant 0 : i32
        %dma_start3A_431 = tpu.memref_slice %arg9[%rem3A_202, %dma_start3A_429, %dma_start3A_430] : memref<2x36x64xf32, #tpu.memory_space<vmem>> -> memref<1x36x64xf32, #tpu.memory_space<vmem>>
        %dma_start3A_432 = tpu.memref_squeeze %dma_start3A_431 : memref<1x36x64xf32, #tpu.memory_space<vmem>> -> memref<36x64xf32, #tpu.memory_space<vmem>>
        %dma_start3A_433 = arith.constant 0 : i32
        %dma_start3A_434 = tpu.memref_slice %arg4[%dma_start3A_433, %add3A_406] : memref<36x131072xf32, #tpu.memory_space<hbm>> -> memref<36x64xf32, #tpu.memory_space<hbm>>
        tpu.enqueue_dma source(%dma_start3A_434 : memref<36x64xf32, #tpu.memory_space<hbm>>) target(%dma_start3A_432 : memref<36x64xf32, #tpu.memory_space<vmem>>) target_semaphore(%dma_start3A_428 : memref<!tpu.dma_semaphore, #tpu.memory_space<semaphore_mem>>)
        %dma_start3A_435 = arith.constant 0 : i32
        %dma_start3A_436 = arith.constant 0 : i32
        %dma_start3A_437 = tpu.memref_slice %arg10[%rem3A_202, %dma_start3A_435, %dma_start3A_436] : memref<2x64x3xf32, #tpu.memory_space<vmem>> -> memref<1x64x3xf32, #tpu.memory_space<vmem>>
        %dma_start3A_438 = tpu.memref_squeeze %dma_start3A_437 : memref<1x64x3xf32, #tpu.memory_space<vmem>> -> memref<64x3xf32, #tpu.memory_space<vmem>>
        %dma_start3A_439 = arith.constant 0 : i32
        %dma_start3A_440 = tpu.memref_slice %arg5[%add3A_406, %dma_start3A_439] : memref<131072x3xf32, #tpu.memory_space<hbm>> -> memref<64x3xf32, #tpu.memory_space<hbm>>
        %dma_start3A_441 = tpu.memref_slice %arg13[%rem3A_202] : memref<2x!tpu.dma_semaphore, #tpu.memory_space<semaphore_mem>> -> memref<1x!tpu.dma_semaphore, #tpu.memory_space<semaphore_mem>>
        %dma_start3A_442 = tpu.memref_squeeze %dma_start3A_441 : memref<1x!tpu.dma_semaphore, #tpu.memory_space<semaphore_mem>> -> memref<!tpu.dma_semaphore, #tpu.memory_space<semaphore_mem>>
        %dma_start3A_443 = arith.constant 0 : i32
        %dma_start3A_444 = arith.constant 0 : i32
        %dma_start3A_445 = tpu.memref_slice %arg10[%rem3A_202, %dma_start3A_443, %dma_start3A_444] : memref<2x64x3xf32, #tpu.memory_space<vmem>> -> memref<1x64x3xf32, #tpu.memory_space<vmem>>
        %dma_start3A_446 = tpu.memref_squeeze %dma_start3A_445 : memref<1x64x3xf32, #tpu.memory_space<vmem>> -> memref<64x3xf32, #tpu.memory_space<vmem>>
        %dma_start3A_447 = arith.constant 0 : i32
        %dma_start3A_448 = tpu.memref_slice %arg5[%add3A_406, %dma_start3A_447] : memref<131072x3xf32, #tpu.memory_space<hbm>> -> memref<64x3xf32, #tpu.memory_space<hbm>>
        tpu.enqueue_dma source(%dma_start3A_448 : memref<64x3xf32, #tpu.memory_space<hbm>>) target(%dma_start3A_446 : memref<64x3xf32, #tpu.memory_space<vmem>>) target_semaphore(%dma_start3A_442 : memref<!tpu.dma_semaphore, #tpu.memory_space<semaphore_mem>>)
      } else {
      }
    }
    %scan3A_164 = arith.constant 64 : i32
    %dma_wait3A_165 = arith.constant 0 : i32
    %dma_wait3A_166 = arith.constant 0 : i32
    %dma_wait3A_167 = arith.constant 0 : i32
    %dma_wait3A_168 = arith.constant 0 : i32
    %dma_wait3A_169 = tpu.memref_slice %arg12[%dma_wait3A_165, %dma_wait3A_167, %dma_wait3A_168] : memref<2x64x291xf32, #tpu.memory_space<vmem>> -> memref<1x64x291xf32, #tpu.memory_space<vmem>>
    %dma_wait3A_170 = tpu.memref_squeeze %dma_wait3A_169 : memref<1x64x291xf32, #tpu.memory_space<vmem>> -> memref<64x291xf32, #tpu.memory_space<vmem>>
    %dma_wait3A_171 = arith.constant 0 : i32
    %dma_wait3A_172 = tpu.memref_slice %arg6[%mul3A_2, %dma_wait3A_171] : memref<131072x291xf32, #tpu.memory_space<hbm>> -> memref<64x291xf32, #tpu.memory_space<hbm>>
    %dma_wait3A_173 = tpu.memref_slice %arg15[%dma_wait3A_166] : memref<2x!tpu.dma_semaphore, #tpu.memory_space<semaphore_mem>> -> memref<1x!tpu.dma_semaphore, #tpu.memory_space<semaphore_mem>>
    %dma_wait3A_174 = tpu.memref_squeeze %dma_wait3A_173 : memref<1x!tpu.dma_semaphore, #tpu.memory_space<semaphore_mem>> -> memref<!tpu.dma_semaphore, #tpu.memory_space<semaphore_mem>>
    %dma_wait3A_175 = arith.constant 0 : i32
    %dma_wait3A_176 = tpu.memref_slice %arg6[%mul3A_2, %dma_wait3A_175] : memref<131072x291xf32, #tpu.memory_space<hbm>> -> memref<64x291xf32, #tpu.memory_space<hbm>>
    %dma_wait3A_177 = arith.constant 0 : i32
    %dma_wait3A_178 = arith.constant 0 : i32
    %dma_wait3A_179 = tpu.memref_slice %arg12[%dma_wait3A_165, %dma_wait3A_177, %dma_wait3A_178] : memref<2x64x291xf32, #tpu.memory_space<vmem>> -> memref<1x64x291xf32, #tpu.memory_space<vmem>>
    %dma_wait3A_180 = tpu.memref_squeeze %dma_wait3A_179 : memref<1x64x291xf32, #tpu.memory_space<vmem>> -> memref<64x291xf32, #tpu.memory_space<vmem>>
    tpu.wait_dma2 semaphore(%dma_wait3A_174 : memref<!tpu.dma_semaphore, #tpu.memory_space<semaphore_mem>>) src(%dma_wait3A_180 : memref<64x291xf32, #tpu.memory_space<vmem>>) dst(%dma_wait3A_176 : memref<64x291xf32, #tpu.memory_space<hbm>>)
    %dma_wait3A_181 = arith.constant 1 : i32
    %dma_wait3A_182 = arith.constant 1 : i32
    %dma_wait3A_183 = arith.constant 0 : i32
    %dma_wait3A_184 = arith.constant 0 : i32
    %dma_wait3A_185 = tpu.memref_slice %arg12[%dma_wait3A_181, %dma_wait3A_183, %dma_wait3A_184] : memref<2x64x291xf32, #tpu.memory_space<vmem>> -> memref<1x64x291xf32, #tpu.memory_space<vmem>>
    %dma_wait3A_186 = tpu.memref_squeeze %dma_wait3A_185 : memref<1x64x291xf32, #tpu.memory_space<vmem>> -> memref<64x291xf32, #tpu.memory_space<vmem>>
    %dma_wait3A_187 = arith.constant 0 : i32
    %dma_wait3A_188 = tpu.memref_slice %arg6[%mul3A_2, %dma_wait3A_187] : memref<131072x291xf32, #tpu.memory_space<hbm>> -> memref<64x291xf32, #tpu.memory_space<hbm>>
    %dma_wait3A_189 = tpu.memref_slice %arg15[%dma_wait3A_182] : memref<2x!tpu.dma_semaphore, #tpu.memory_space<semaphore_mem>> -> memref<1x!tpu.dma_semaphore, #tpu.memory_space<semaphore_mem>>
    %dma_wait3A_190 = tpu.memref_squeeze %dma_wait3A_189 : memref<1x!tpu.dma_semaphore, #tpu.memory_space<semaphore_mem>> -> memref<!tpu.dma_semaphore, #tpu.memory_space<semaphore_mem>>
    %dma_wait3A_191 = arith.constant 0 : i32
    %dma_wait3A_192 = tpu.memref_slice %arg6[%mul3A_2, %dma_wait3A_191] : memref<131072x291xf32, #tpu.memory_space<hbm>> -> memref<64x291xf32, #tpu.memory_space<hbm>>
    %dma_wait3A_193 = arith.constant 0 : i32
    %dma_wait3A_194 = arith.constant 0 : i32
    %dma_wait3A_195 = tpu.memref_slice %arg12[%dma_wait3A_181, %dma_wait3A_193, %dma_wait3A_194] : memref<2x64x291xf32, #tpu.memory_space<vmem>> -> memref<1x64x291xf32, #tpu.memory_space<vmem>>
    %dma_wait3A_196 = tpu.memref_squeeze %dma_wait3A_195 : memref<1x64x291xf32, #tpu.memory_space<vmem>> -> memref<64x291xf32, #tpu.memory_space<vmem>>
    tpu.wait_dma2 semaphore(%dma_wait3A_190 : memref<!tpu.dma_semaphore, #tpu.memory_space<semaphore_mem>>) src(%dma_wait3A_196 : memref<64x291xf32, #tpu.memory_space<vmem>>) dst(%dma_wait3A_192 : memref<64x291xf32, #tpu.memory_space<hbm>>)
    return
  }
}

#map = affine_map<(d0, d1) -> (0, 0, 0)>
#map1 = affine_map<(d0, d1) -> (0, 0)>
module attributes {stable_mosaic.version = 14 : i64} {
  func.func @_tr_body(%arg0: i32, %arg1: i32, %arg2: memref<36x8x65536xf32, #tpu.memory_space<hbm>>, %arg3: memref<1179648x16xi32, #tpu.memory_space<hbm>>, %arg4: memref<2x8x2050xf32, #tpu.memory_space<vmem>>, %arg5: memref<2x1024x16xi32, #tpu.memory_space<vmem>>, %arg6: memref<2x!tpu.dma_semaphore, #tpu.memory_space<semaphore_mem>>, %arg7: memref<2x!tpu.dma_semaphore, #tpu.memory_space<semaphore_mem>>) attributes {dimension_semantics = [#tpu.dimension_semantics<core_parallel>, #tpu.dimension_semantics<subcore_parallel>], iteration_bounds = array<i64: 2, 16>, scalar_prefetch = 0 : i64, scratch_operands = 4 : i64, tpu.core_type = #tpu.core_type<sc_vector_subcore>, window_params = [{transform_indices = #map}, {transform_indices = #map1}]} {
    %mul3A = arith.constant 2 : i32
    %mul3A_0 = arith.muli %arg1, %mul3A : i32
    %add3A = arith.addi %mul3A_0, %arg0 : i32
    %iota3A = tpu.iota {dimensions = array<i32: 0>} : vector<16xi32>
    %mul3A_1 = arith.constant 36 : i32
    %mul3A_2 = arith.muli %add3A, %mul3A_1 : i32
    %lt3A = arith.constant 8 : i32
    %lt3A_3 = vector.broadcast %lt3A : i32 to vector<16xi32>
    %lt3A_4 = arith.cmpi slt, %iota3A, %lt3A_3 : vector<16xi32>
    %and3A = arith.constant 7 : i32
    %and3A_5 = vector.broadcast %and3A : i32 to vector<16xi32>
    %and3A_6 = arith.andi %iota3A, %and3A_5 : vector<16xi32>
    %jit3A = arith.constant 32 : i32
    %div3A = arith.divsi %mul3A_2, %jit3A : i32
    %sign3A = arith.constant 0 : i32
    %sign3A_7 = arith.cmpi sgt, %mul3A_2, %sign3A : i32
    %sign3A_8 = arith.extui %sign3A_7 : i1 to i32
    %sign3A_9 = arith.constant 0 : i32
    %sign3A_10 = arith.cmpi slt, %mul3A_2, %sign3A_9 : i32
    %sign3A_11 = arith.extui %sign3A_10 : i1 to i32
    %sign3A_12 = arith.subi %sign3A_8, %sign3A_11 : i32
    %sign3A_13 = arith.constant 0 : i32
    %sign3A_14 = arith.cmpi sgt, %jit3A, %sign3A_13 : i32
    %sign3A_15 = arith.extui %sign3A_14 : i1 to i32
    %sign3A_16 = arith.constant 0 : i32
    %sign3A_17 = arith.cmpi slt, %jit3A, %sign3A_16 : i32
    %sign3A_18 = arith.extui %sign3A_17 : i1 to i32
    %sign3A_19 = arith.subi %sign3A_15, %sign3A_18 : i32
    %ne3A = arith.cmpi ne, %sign3A_12, %sign3A_19 : i32
    %rem3A = arith.remsi %mul3A_2, %jit3A : i32
    %ne3A_20 = arith.constant 0 : i32
    %ne3A_21 = arith.cmpi ne, %rem3A, %ne3A_20 : i32
    %and3A_22 = arith.andi %ne3A, %ne3A_21 : i1
    %sub3A = arith.constant 1 : i32
    %sub3A_23 = arith.subi %div3A, %sub3A : i32
    %select_n3A = arith.select %and3A_22, %sub3A_23, %div3A : i32
    %jit3A_24 = arith.constant 32 : i32
    %eq3A = arith.constant 0 : i32
    %eq3A_25 = arith.cmpi eq, %jit3A_24, %eq3A : i32
    %jit3A_26 = arith.constant 1 : i32
    %select_n3A_27 = arith.select %eq3A_25, %jit3A_26, %jit3A_24 : i32
    %rem3A_28 = arith.remsi %mul3A_2, %select_n3A_27 : i32
    %ne3A_29 = arith.constant 0 : i32
    %ne3A_30 = arith.cmpi ne, %rem3A_28, %ne3A_29 : i32
    %lt3A_31 = arith.constant 0 : i32
    %lt3A_32 = arith.cmpi slt, %rem3A_28, %lt3A_31 : i32
    %lt3A_33 = arith.constant 0 : i32
    %lt3A_34 = arith.cmpi slt, %select_n3A_27, %lt3A_33 : i32
    %ne3A_35 = arith.xori %lt3A_32, %lt3A_34 : i1
    %and3A_36 = arith.andi %ne3A_35, %ne3A_30 : i1
    %add3A_37 = arith.addi %rem3A_28, %select_n3A_27 : i32
    %select_n3A_38 = arith.select %and3A_36, %add3A_37, %rem3A_28 : i32
    %mul3A_39 = arith.constant 2048 : i32
    %mul3A_40 = arith.muli %select_n3A_38, %mul3A_39 : i32
    %dma_start3A = arith.constant 0 : i32
    %dma_start3A_41 = arith.constant 0 : i32
    %dma_start3A_42 = arith.constant 0 : i32
    %dma_start3A_43 = arith.constant 0 : i32
    %dma_start3A_44 = tpu.memref_slice %arg4[%dma_start3A, %dma_start3A_42, %dma_start3A_43] : memref<2x8x2050xf32, #tpu.memory_space<vmem>> -> memref<1x8x2048xf32, #tpu.memory_space<vmem>>
    %dma_start3A_45 = tpu.memref_squeeze %dma_start3A_44 : memref<1x8x2048xf32, #tpu.memory_space<vmem>> -> memref<8x2048xf32, #tpu.memory_space<vmem>>
    %dma_start3A_46 = arith.constant 0 : i32
    %dma_start3A_47 = tpu.memref_slice %arg2[%select_n3A, %dma_start3A_46, %mul3A_40] : memref<36x8x65536xf32, #tpu.memory_space<hbm>> -> memref<1x8x2048xf32, #tpu.memory_space<hbm>>
    %dma_start3A_48 = tpu.memref_squeeze %dma_start3A_47 : memref<1x8x2048xf32, #tpu.memory_space<hbm>> -> memref<8x2048xf32, #tpu.memory_space<hbm>>
    %dma_start3A_49 = tpu.memref_slice %arg6[%dma_start3A_41] : memref<2x!tpu.dma_semaphore, #tpu.memory_space<semaphore_mem>> -> memref<1x!tpu.dma_semaphore, #tpu.memory_space<semaphore_mem>>
    %dma_start3A_50 = tpu.memref_squeeze %dma_start3A_49 : memref<1x!tpu.dma_semaphore, #tpu.memory_space<semaphore_mem>> -> memref<!tpu.dma_semaphore, #tpu.memory_space<semaphore_mem>>
    %dma_start3A_51 = arith.constant 0 : i32
    %dma_start3A_52 = arith.constant 0 : i32
    %dma_start3A_53 = tpu.memref_slice %arg4[%dma_start3A, %dma_start3A_51, %dma_start3A_52] : memref<2x8x2050xf32, #tpu.memory_space<vmem>> -> memref<1x8x2048xf32, #tpu.memory_space<vmem>>
    %dma_start3A_54 = tpu.memref_squeeze %dma_start3A_53 : memref<1x8x2048xf32, #tpu.memory_space<vmem>> -> memref<8x2048xf32, #tpu.memory_space<vmem>>
    %dma_start3A_55 = arith.constant 0 : i32
    %dma_start3A_56 = tpu.memref_slice %arg2[%select_n3A, %dma_start3A_55, %mul3A_40] : memref<36x8x65536xf32, #tpu.memory_space<hbm>> -> memref<1x8x2048xf32, #tpu.memory_space<hbm>>
    %dma_start3A_57 = tpu.memref_squeeze %dma_start3A_56 : memref<1x8x2048xf32, #tpu.memory_space<hbm>> -> memref<8x2048xf32, #tpu.memory_space<hbm>>
    tpu.enqueue_dma source(%dma_start3A_57 : memref<8x2048xf32, #tpu.memory_space<hbm>>) target(%dma_start3A_54 : memref<8x2048xf32, #tpu.memory_space<vmem>>) target_semaphore(%dma_start3A_50 : memref<!tpu.dma_semaphore, #tpu.memory_space<semaphore_mem>>)
    %jit3A_58 = arith.constant 32 : i32
    %eq3A_59 = arith.constant 0 : i32
    %eq3A_60 = arith.cmpi eq, %jit3A_58, %eq3A_59 : i32
    %jit3A_61 = arith.constant 1 : i32
    %select_n3A_62 = arith.select %eq3A_60, %jit3A_61, %jit3A_58 : i32
    %rem3A_63 = arith.remsi %mul3A_2, %select_n3A_62 : i32
    %ne3A_64 = arith.constant 0 : i32
    %ne3A_65 = arith.cmpi ne, %rem3A_63, %ne3A_64 : i32
    %lt3A_66 = arith.constant 0 : i32
    %lt3A_67 = arith.cmpi slt, %rem3A_63, %lt3A_66 : i32
    %lt3A_68 = arith.constant 0 : i32
    %lt3A_69 = arith.cmpi slt, %select_n3A_62, %lt3A_68 : i32
    %ne3A_70 = arith.xori %lt3A_67, %lt3A_69 : i1
    %and3A_71 = arith.andi %ne3A_70, %ne3A_65 : i1
    %add3A_72 = arith.addi %rem3A_63, %select_n3A_62 : i32
    %select_n3A_73 = arith.select %and3A_71, %add3A_72, %rem3A_63 : i32
    %lt3A_74 = arith.constant 31 : i32
    %lt3A_75 = arith.cmpi slt, %select_n3A_73, %lt3A_74 : i32
    %convert_element_type3A = arith.extui %lt3A_75 : i1 to i32
    %cond3A = arith.constant 0 : i32
    %cond3A_76 = arith.cmpi ne, %convert_element_type3A, %cond3A : i32
    scf.if %cond3A_76 {
      %jit3A_202 = arith.constant 32 : i32
      %div3A_203 = arith.divsi %mul3A_2, %jit3A_202 : i32
      %sign3A_204 = arith.constant 0 : i32
      %sign3A_205 = arith.cmpi sgt, %mul3A_2, %sign3A_204 : i32
      %sign3A_206 = arith.extui %sign3A_205 : i1 to i32
      %sign3A_207 = arith.constant 0 : i32
      %sign3A_208 = arith.cmpi slt, %mul3A_2, %sign3A_207 : i32
      %sign3A_209 = arith.extui %sign3A_208 : i1 to i32
      %sign3A_210 = arith.subi %sign3A_206, %sign3A_209 : i32
      %sign3A_211 = arith.constant 0 : i32
      %sign3A_212 = arith.cmpi sgt, %jit3A_202, %sign3A_211 : i32
      %sign3A_213 = arith.extui %sign3A_212 : i1 to i32
      %sign3A_214 = arith.constant 0 : i32
      %sign3A_215 = arith.cmpi slt, %jit3A_202, %sign3A_214 : i32
      %sign3A_216 = arith.extui %sign3A_215 : i1 to i32
      %sign3A_217 = arith.subi %sign3A_213, %sign3A_216 : i32
      %ne3A_218 = arith.cmpi ne, %sign3A_210, %sign3A_217 : i32
      %rem3A_219 = arith.remsi %mul3A_2, %jit3A_202 : i32
      %ne3A_220 = arith.constant 0 : i32
      %ne3A_221 = arith.cmpi ne, %rem3A_219, %ne3A_220 : i32
      %and3A_222 = arith.andi %ne3A_218, %ne3A_221 : i1
      %sub3A_223 = arith.constant 1 : i32
      %sub3A_224 = arith.subi %div3A_203, %sub3A_223 : i32
      %select_n3A_225 = arith.select %and3A_222, %sub3A_224, %div3A_203 : i32
      %jit3A_226 = arith.constant 32 : i32
      %eq3A_227 = arith.constant 0 : i32
      %eq3A_228 = arith.cmpi eq, %jit3A_226, %eq3A_227 : i32
      %jit3A_229 = arith.constant 1 : i32
      %select_n3A_230 = arith.select %eq3A_228, %jit3A_229, %jit3A_226 : i32
      %rem3A_231 = arith.remsi %mul3A_2, %select_n3A_230 : i32
      %ne3A_232 = arith.constant 0 : i32
      %ne3A_233 = arith.cmpi ne, %rem3A_231, %ne3A_232 : i32
      %lt3A_234 = arith.constant 0 : i32
      %lt3A_235 = arith.cmpi slt, %rem3A_231, %lt3A_234 : i32
      %lt3A_236 = arith.constant 0 : i32
      %lt3A_237 = arith.cmpi slt, %select_n3A_230, %lt3A_236 : i32
      %ne3A_238 = arith.xori %lt3A_235, %lt3A_237 : i1
      %and3A_239 = arith.andi %ne3A_238, %ne3A_233 : i1
      %add3A_240 = arith.addi %rem3A_231, %select_n3A_230 : i32
      %select_n3A_241 = arith.select %and3A_239, %add3A_240, %rem3A_231 : i32
      %mul3A_242 = arith.constant 2048 : i32
      %mul3A_243 = arith.muli %select_n3A_241, %mul3A_242 : i32
      %add3A_244 = arith.constant 2048 : i32
      %add3A_245 = arith.addi %mul3A_243, %add3A_244 : i32
      %dma_start3A_246 = arith.constant 0 : i32
      %dma_start3A_247 = arith.constant 0 : i32
      %dma_start3A_248 = arith.constant 0 : i32
      %dma_start3A_249 = arith.constant 2048 : i32
      %dma_start3A_250 = tpu.memref_slice %arg4[%dma_start3A_246, %dma_start3A_248, %dma_start3A_249] : memref<2x8x2050xf32, #tpu.memory_space<vmem>> -> memref<1x8x2xf32, #tpu.memory_space<vmem>>
      %dma_start3A_251 = tpu.memref_squeeze %dma_start3A_250 : memref<1x8x2xf32, #tpu.memory_space<vmem>> -> memref<8x2xf32, #tpu.memory_space<vmem>>
      %dma_start3A_252 = arith.constant 0 : i32
      %dma_start3A_253 = tpu.memref_slice %arg2[%select_n3A_225, %dma_start3A_252, %add3A_245] : memref<36x8x65536xf32, #tpu.memory_space<hbm>> -> memref<1x8x2xf32, #tpu.memory_space<hbm>>
      %dma_start3A_254 = tpu.memref_squeeze %dma_start3A_253 : memref<1x8x2xf32, #tpu.memory_space<hbm>> -> memref<8x2xf32, #tpu.memory_space<hbm>>
      %dma_start3A_255 = tpu.memref_slice %arg6[%dma_start3A_247] : memref<2x!tpu.dma_semaphore, #tpu.memory_space<semaphore_mem>> -> memref<1x!tpu.dma_semaphore, #tpu.memory_space<semaphore_mem>>
      %dma_start3A_256 = tpu.memref_squeeze %dma_start3A_255 : memref<1x!tpu.dma_semaphore, #tpu.memory_space<semaphore_mem>> -> memref<!tpu.dma_semaphore, #tpu.memory_space<semaphore_mem>>
      %dma_start3A_257 = arith.constant 0 : i32
      %dma_start3A_258 = arith.constant 2048 : i32
      %dma_start3A_259 = tpu.memref_slice %arg4[%dma_start3A_246, %dma_start3A_257, %dma_start3A_258] : memref<2x8x2050xf32, #tpu.memory_space<vmem>> -> memref<1x8x2xf32, #tpu.memory_space<vmem>>
      %dma_start3A_260 = tpu.memref_squeeze %dma_start3A_259 : memref<1x8x2xf32, #tpu.memory_space<vmem>> -> memref<8x2xf32, #tpu.memory_space<vmem>>
      %dma_start3A_261 = arith.constant 0 : i32
      %dma_start3A_262 = tpu.memref_slice %arg2[%select_n3A_225, %dma_start3A_261, %add3A_245] : memref<36x8x65536xf32, #tpu.memory_space<hbm>> -> memref<1x8x2xf32, #tpu.memory_space<hbm>>
      %dma_start3A_263 = tpu.memref_squeeze %dma_start3A_262 : memref<1x8x2xf32, #tpu.memory_space<hbm>> -> memref<8x2xf32, #tpu.memory_space<hbm>>
      tpu.enqueue_dma source(%dma_start3A_263 : memref<8x2xf32, #tpu.memory_space<hbm>>) target(%dma_start3A_260 : memref<8x2xf32, #tpu.memory_space<vmem>>) target_semaphore(%dma_start3A_256 : memref<!tpu.dma_semaphore, #tpu.memory_space<semaphore_mem>>)
    } else {
    }
    %scan3A = arith.constant 0 : i32
    %scan3A_77 = arith.constant 36 : i32
    %scan3A_78 = arith.addi %scan3A, %scan3A_77 : i32
    %scan3A_79 = arith.constant 1 : i32
    scf.for %scan3A_202 = %scan3A to %scan3A_78 step %scan3A_79  : i32 {
      %mul3A_203 = arith.constant 1 : i32
      %mul3A_204 = arith.muli %scan3A_202, %mul3A_203 : i32
      %add3A_205 = arith.constant 0 : i32
      %add3A_206 = arith.addi %add3A_205, %mul3A_204 : i32
      %add3A_207 = arith.addi %mul3A_2, %add3A_206 : i32
      %rem3A_208 = arith.constant 2 : i32
      %rem3A_209 = arith.remsi %add3A_206, %rem3A_208 : i32
      %jit3A_210 = arith.constant 32 : i32
      %div3A_211 = arith.divsi %add3A_207, %jit3A_210 : i32
      %sign3A_212 = arith.constant 0 : i32
      %sign3A_213 = arith.cmpi sgt, %add3A_207, %sign3A_212 : i32
      %sign3A_214 = arith.extui %sign3A_213 : i1 to i32
      %sign3A_215 = arith.constant 0 : i32
      %sign3A_216 = arith.cmpi slt, %add3A_207, %sign3A_215 : i32
      %sign3A_217 = arith.extui %sign3A_216 : i1 to i32
      %sign3A_218 = arith.subi %sign3A_214, %sign3A_217 : i32
      %sign3A_219 = arith.constant 0 : i32
      %sign3A_220 = arith.cmpi sgt, %jit3A_210, %sign3A_219 : i32
      %sign3A_221 = arith.extui %sign3A_220 : i1 to i32
      %sign3A_222 = arith.constant 0 : i32
      %sign3A_223 = arith.cmpi slt, %jit3A_210, %sign3A_222 : i32
      %sign3A_224 = arith.extui %sign3A_223 : i1 to i32
      %sign3A_225 = arith.subi %sign3A_221, %sign3A_224 : i32
      %ne3A_226 = arith.cmpi ne, %sign3A_218, %sign3A_225 : i32
      %rem3A_227 = arith.remsi %add3A_207, %jit3A_210 : i32
      %ne3A_228 = arith.constant 0 : i32
      %ne3A_229 = arith.cmpi ne, %rem3A_227, %ne3A_228 : i32
      %and3A_230 = arith.andi %ne3A_226, %ne3A_229 : i1
      %sub3A_231 = arith.constant 1 : i32
      %sub3A_232 = arith.subi %div3A_211, %sub3A_231 : i32
      %select_n3A_233 = arith.select %and3A_230, %sub3A_232, %div3A_211 : i32
      %jit3A_234 = arith.constant 32 : i32
      %eq3A_235 = arith.constant 0 : i32
      %eq3A_236 = arith.cmpi eq, %jit3A_234, %eq3A_235 : i32
      %jit3A_237 = arith.constant 1 : i32
      %select_n3A_238 = arith.select %eq3A_236, %jit3A_237, %jit3A_234 : i32
      %rem3A_239 = arith.remsi %add3A_207, %select_n3A_238 : i32
      %ne3A_240 = arith.constant 0 : i32
      %ne3A_241 = arith.cmpi ne, %rem3A_239, %ne3A_240 : i32
      %lt3A_242 = arith.constant 0 : i32
      %lt3A_243 = arith.cmpi slt, %rem3A_239, %lt3A_242 : i32
      %lt3A_244 = arith.constant 0 : i32
      %lt3A_245 = arith.cmpi slt, %select_n3A_238, %lt3A_244 : i32
      %ne3A_246 = arith.xori %lt3A_243, %lt3A_245 : i1
      %and3A_247 = arith.andi %ne3A_246, %ne3A_241 : i1
      %add3A_248 = arith.addi %rem3A_239, %select_n3A_238 : i32
      %select_n3A_249 = arith.select %and3A_247, %add3A_248, %rem3A_239 : i32
      %mul3A_250 = arith.constant 2048 : i32
      %mul3A_251 = arith.muli %select_n3A_249, %mul3A_250 : i32
      %dma_wait3A_252 = arith.constant 0 : i32
      %dma_wait3A_253 = arith.constant 0 : i32
      %dma_wait3A_254 = tpu.memref_slice %arg4[%rem3A_209, %dma_wait3A_252, %dma_wait3A_253] : memref<2x8x2050xf32, #tpu.memory_space<vmem>> -> memref<1x8x2048xf32, #tpu.memory_space<vmem>>
      %dma_wait3A_255 = tpu.memref_squeeze %dma_wait3A_254 : memref<1x8x2048xf32, #tpu.memory_space<vmem>> -> memref<8x2048xf32, #tpu.memory_space<vmem>>
      %dma_wait3A_256 = arith.constant 0 : i32
      %dma_wait3A_257 = tpu.memref_slice %arg2[%select_n3A_233, %dma_wait3A_256, %mul3A_251] : memref<36x8x65536xf32, #tpu.memory_space<hbm>> -> memref<1x8x2048xf32, #tpu.memory_space<hbm>>
      %dma_wait3A_258 = tpu.memref_squeeze %dma_wait3A_257 : memref<1x8x2048xf32, #tpu.memory_space<hbm>> -> memref<8x2048xf32, #tpu.memory_space<hbm>>
      %dma_wait3A_259 = tpu.memref_slice %arg6[%rem3A_209] : memref<2x!tpu.dma_semaphore, #tpu.memory_space<semaphore_mem>> -> memref<1x!tpu.dma_semaphore, #tpu.memory_space<semaphore_mem>>
      %dma_wait3A_260 = tpu.memref_squeeze %dma_wait3A_259 : memref<1x!tpu.dma_semaphore, #tpu.memory_space<semaphore_mem>> -> memref<!tpu.dma_semaphore, #tpu.memory_space<semaphore_mem>>
      %dma_wait3A_261 = arith.constant 0 : i32
      %dma_wait3A_262 = arith.constant 0 : i32
      %dma_wait3A_263 = tpu.memref_slice %arg4[%rem3A_209, %dma_wait3A_261, %dma_wait3A_262] : memref<2x8x2050xf32, #tpu.memory_space<vmem>> -> memref<1x8x2048xf32, #tpu.memory_space<vmem>>
      %dma_wait3A_264 = tpu.memref_squeeze %dma_wait3A_263 : memref<1x8x2048xf32, #tpu.memory_space<vmem>> -> memref<8x2048xf32, #tpu.memory_space<vmem>>
      %dma_wait3A_265 = arith.constant 0 : i32
      %dma_wait3A_266 = tpu.memref_slice %arg2[%select_n3A_233, %dma_wait3A_265, %mul3A_251] : memref<36x8x65536xf32, #tpu.memory_space<hbm>> -> memref<1x8x2048xf32, #tpu.memory_space<hbm>>
      %dma_wait3A_267 = tpu.memref_squeeze %dma_wait3A_266 : memref<1x8x2048xf32, #tpu.memory_space<hbm>> -> memref<8x2048xf32, #tpu.memory_space<hbm>>
      tpu.wait_dma2 semaphore(%dma_wait3A_260 : memref<!tpu.dma_semaphore, #tpu.memory_space<semaphore_mem>>) src(%dma_wait3A_267 : memref<8x2048xf32, #tpu.memory_space<hbm>>) dst(%dma_wait3A_264 : memref<8x2048xf32, #tpu.memory_space<vmem>>)
      %jit3A_268 = arith.constant 32 : i32
      %eq3A_269 = arith.constant 0 : i32
      %eq3A_270 = arith.cmpi eq, %jit3A_268, %eq3A_269 : i32
      %jit3A_271 = arith.constant 1 : i32
      %select_n3A_272 = arith.select %eq3A_270, %jit3A_271, %jit3A_268 : i32
      %rem3A_273 = arith.remsi %add3A_207, %select_n3A_272 : i32
      %ne3A_274 = arith.constant 0 : i32
      %ne3A_275 = arith.cmpi ne, %rem3A_273, %ne3A_274 : i32
      %lt3A_276 = arith.constant 0 : i32
      %lt3A_277 = arith.cmpi slt, %rem3A_273, %lt3A_276 : i32
      %lt3A_278 = arith.constant 0 : i32
      %lt3A_279 = arith.cmpi slt, %select_n3A_272, %lt3A_278 : i32
      %ne3A_280 = arith.xori %lt3A_277, %lt3A_279 : i1
      %and3A_281 = arith.andi %ne3A_280, %ne3A_275 : i1
      %add3A_282 = arith.addi %rem3A_273, %select_n3A_272 : i32
      %select_n3A_283 = arith.select %and3A_281, %add3A_282, %rem3A_273 : i32
      %lt3A_284 = arith.constant 31 : i32
      %lt3A_285 = arith.cmpi slt, %select_n3A_283, %lt3A_284 : i32
      %convert_element_type3A_286 = arith.extui %lt3A_285 : i1 to i32
      %cond3A_287 = arith.constant 0 : i32
      %cond3A_288 = arith.cmpi ne, %convert_element_type3A_286, %cond3A_287 : i32
      scf.if %cond3A_288 {
        %jit3A_385 = arith.constant 32 : i32
        %div3A_386 = arith.divsi %add3A_207, %jit3A_385 : i32
        %sign3A_387 = arith.constant 0 : i32
        %sign3A_388 = arith.cmpi sgt, %add3A_207, %sign3A_387 : i32
        %sign3A_389 = arith.extui %sign3A_388 : i1 to i32
        %sign3A_390 = arith.constant 0 : i32
        %sign3A_391 = arith.cmpi slt, %add3A_207, %sign3A_390 : i32
        %sign3A_392 = arith.extui %sign3A_391 : i1 to i32
        %sign3A_393 = arith.subi %sign3A_389, %sign3A_392 : i32
        %sign3A_394 = arith.constant 0 : i32
        %sign3A_395 = arith.cmpi sgt, %jit3A_385, %sign3A_394 : i32
        %sign3A_396 = arith.extui %sign3A_395 : i1 to i32
        %sign3A_397 = arith.constant 0 : i32
        %sign3A_398 = arith.cmpi slt, %jit3A_385, %sign3A_397 : i32
        %sign3A_399 = arith.extui %sign3A_398 : i1 to i32
        %sign3A_400 = arith.subi %sign3A_396, %sign3A_399 : i32
        %ne3A_401 = arith.cmpi ne, %sign3A_393, %sign3A_400 : i32
        %rem3A_402 = arith.remsi %add3A_207, %jit3A_385 : i32
        %ne3A_403 = arith.constant 0 : i32
        %ne3A_404 = arith.cmpi ne, %rem3A_402, %ne3A_403 : i32
        %and3A_405 = arith.andi %ne3A_401, %ne3A_404 : i1
        %sub3A_406 = arith.constant 1 : i32
        %sub3A_407 = arith.subi %div3A_386, %sub3A_406 : i32
        %select_n3A_408 = arith.select %and3A_405, %sub3A_407, %div3A_386 : i32
        %jit3A_409 = arith.constant 32 : i32
        %eq3A_410 = arith.constant 0 : i32
        %eq3A_411 = arith.cmpi eq, %jit3A_409, %eq3A_410 : i32
        %jit3A_412 = arith.constant 1 : i32
        %select_n3A_413 = arith.select %eq3A_411, %jit3A_412, %jit3A_409 : i32
        %rem3A_414 = arith.remsi %add3A_207, %select_n3A_413 : i32
        %ne3A_415 = arith.constant 0 : i32
        %ne3A_416 = arith.cmpi ne, %rem3A_414, %ne3A_415 : i32
        %lt3A_417 = arith.constant 0 : i32
        %lt3A_418 = arith.cmpi slt, %rem3A_414, %lt3A_417 : i32
        %lt3A_419 = arith.constant 0 : i32
        %lt3A_420 = arith.cmpi slt, %select_n3A_413, %lt3A_419 : i32
        %ne3A_421 = arith.xori %lt3A_418, %lt3A_420 : i1
        %and3A_422 = arith.andi %ne3A_421, %ne3A_416 : i1
        %add3A_423 = arith.addi %rem3A_414, %select_n3A_413 : i32
        %select_n3A_424 = arith.select %and3A_422, %add3A_423, %rem3A_414 : i32
        %mul3A_425 = arith.constant 2048 : i32
        %mul3A_426 = arith.muli %select_n3A_424, %mul3A_425 : i32
        %add3A_427 = arith.constant 2048 : i32
        %add3A_428 = arith.addi %mul3A_426, %add3A_427 : i32
        %dma_wait3A_429 = arith.constant 0 : i32
        %dma_wait3A_430 = arith.constant 2048 : i32
        %dma_wait3A_431 = tpu.memref_slice %arg4[%rem3A_209, %dma_wait3A_429, %dma_wait3A_430] : memref<2x8x2050xf32, #tpu.memory_space<vmem>> -> memref<1x8x2xf32, #tpu.memory_space<vmem>>
        %dma_wait3A_432 = tpu.memref_squeeze %dma_wait3A_431 : memref<1x8x2xf32, #tpu.memory_space<vmem>> -> memref<8x2xf32, #tpu.memory_space<vmem>>
        %dma_wait3A_433 = arith.constant 0 : i32
        %dma_wait3A_434 = tpu.memref_slice %arg2[%select_n3A_408, %dma_wait3A_433, %add3A_428] : memref<36x8x65536xf32, #tpu.memory_space<hbm>> -> memref<1x8x2xf32, #tpu.memory_space<hbm>>
        %dma_wait3A_435 = tpu.memref_squeeze %dma_wait3A_434 : memref<1x8x2xf32, #tpu.memory_space<hbm>> -> memref<8x2xf32, #tpu.memory_space<hbm>>
        %dma_wait3A_436 = tpu.memref_slice %arg6[%rem3A_209] : memref<2x!tpu.dma_semaphore, #tpu.memory_space<semaphore_mem>> -> memref<1x!tpu.dma_semaphore, #tpu.memory_space<semaphore_mem>>
        %dma_wait3A_437 = tpu.memref_squeeze %dma_wait3A_436 : memref<1x!tpu.dma_semaphore, #tpu.memory_space<semaphore_mem>> -> memref<!tpu.dma_semaphore, #tpu.memory_space<semaphore_mem>>
        %dma_wait3A_438 = arith.constant 0 : i32
        %dma_wait3A_439 = arith.constant 2048 : i32
        %dma_wait3A_440 = tpu.memref_slice %arg4[%rem3A_209, %dma_wait3A_438, %dma_wait3A_439] : memref<2x8x2050xf32, #tpu.memory_space<vmem>> -> memref<1x8x2xf32, #tpu.memory_space<vmem>>
        %dma_wait3A_441 = tpu.memref_squeeze %dma_wait3A_440 : memref<1x8x2xf32, #tpu.memory_space<vmem>> -> memref<8x2xf32, #tpu.memory_space<vmem>>
        %dma_wait3A_442 = arith.constant 0 : i32
        %dma_wait3A_443 = tpu.memref_slice %arg2[%select_n3A_408, %dma_wait3A_442, %add3A_428] : memref<36x8x65536xf32, #tpu.memory_space<hbm>> -> memref<1x8x2xf32, #tpu.memory_space<hbm>>
        %dma_wait3A_444 = tpu.memref_squeeze %dma_wait3A_443 : memref<1x8x2xf32, #tpu.memory_space<hbm>> -> memref<8x2xf32, #tpu.memory_space<hbm>>
        tpu.wait_dma2 semaphore(%dma_wait3A_437 : memref<!tpu.dma_semaphore, #tpu.memory_space<semaphore_mem>>) src(%dma_wait3A_444 : memref<8x2xf32, #tpu.memory_space<hbm>>) dst(%dma_wait3A_441 : memref<8x2xf32, #tpu.memory_space<vmem>>)
      } else {
      }
      %add3A_289 = arith.constant 1 : i32
      %add3A_290 = arith.addi %add3A_206, %add3A_289 : i32
      %lt3A_291 = arith.constant 36 : i32
      %lt3A_292 = arith.cmpi slt, %add3A_290, %lt3A_291 : i32
      %convert_element_type3A_293 = arith.extui %lt3A_292 : i1 to i32
      %cond3A_294 = arith.constant 0 : i32
      %cond3A_295 = arith.cmpi ne, %convert_element_type3A_293, %cond3A_294 : i32
      scf.if %cond3A_295 {
        %add3A_385 = arith.constant 1 : i32
        %add3A_386 = arith.addi %add3A_207, %add3A_385 : i32
        %sub3A_387 = arith.constant 1 : i32
        %sub3A_388 = arith.subi %sub3A_387, %rem3A_209 : i32
        %jit3A_389 = arith.constant 32 : i32
        %div3A_390 = arith.divsi %add3A_386, %jit3A_389 : i32
        %sign3A_391 = arith.constant 0 : i32
        %sign3A_392 = arith.cmpi sgt, %add3A_386, %sign3A_391 : i32
        %sign3A_393 = arith.extui %sign3A_392 : i1 to i32
        %sign3A_394 = arith.constant 0 : i32
        %sign3A_395 = arith.cmpi slt, %add3A_386, %sign3A_394 : i32
        %sign3A_396 = arith.extui %sign3A_395 : i1 to i32
        %sign3A_397 = arith.subi %sign3A_393, %sign3A_396 : i32
        %sign3A_398 = arith.constant 0 : i32
        %sign3A_399 = arith.cmpi sgt, %jit3A_389, %sign3A_398 : i32
        %sign3A_400 = arith.extui %sign3A_399 : i1 to i32
        %sign3A_401 = arith.constant 0 : i32
        %sign3A_402 = arith.cmpi slt, %jit3A_389, %sign3A_401 : i32
        %sign3A_403 = arith.extui %sign3A_402 : i1 to i32
        %sign3A_404 = arith.subi %sign3A_400, %sign3A_403 : i32
        %ne3A_405 = arith.cmpi ne, %sign3A_397, %sign3A_404 : i32
        %rem3A_406 = arith.remsi %add3A_386, %jit3A_389 : i32
        %ne3A_407 = arith.constant 0 : i32
        %ne3A_408 = arith.cmpi ne, %rem3A_406, %ne3A_407 : i32
        %and3A_409 = arith.andi %ne3A_405, %ne3A_408 : i1
        %sub3A_410 = arith.constant 1 : i32
        %sub3A_411 = arith.subi %div3A_390, %sub3A_410 : i32
        %select_n3A_412 = arith.select %and3A_409, %sub3A_411, %div3A_390 : i32
        %jit3A_413 = arith.constant 32 : i32
        %eq3A_414 = arith.constant 0 : i32
        %eq3A_415 = arith.cmpi eq, %jit3A_413, %eq3A_414 : i32
        %jit3A_416 = arith.constant 1 : i32
        %select_n3A_417 = arith.select %eq3A_415, %jit3A_416, %jit3A_413 : i32
        %rem3A_418 = arith.remsi %add3A_386, %select_n3A_417 : i32
        %ne3A_419 = arith.constant 0 : i32
        %ne3A_420 = arith.cmpi ne, %rem3A_418, %ne3A_419 : i32
        %lt3A_421 = arith.constant 0 : i32
        %lt3A_422 = arith.cmpi slt, %rem3A_418, %lt3A_421 : i32
        %lt3A_423 = arith.constant 0 : i32
        %lt3A_424 = arith.cmpi slt, %select_n3A_417, %lt3A_423 : i32
        %ne3A_425 = arith.xori %lt3A_422, %lt3A_424 : i1
        %and3A_426 = arith.andi %ne3A_425, %ne3A_420 : i1
        %add3A_427 = arith.addi %rem3A_418, %select_n3A_417 : i32
        %select_n3A_428 = arith.select %and3A_426, %add3A_427, %rem3A_418 : i32
        %mul3A_429 = arith.constant 2048 : i32
        %mul3A_430 = arith.muli %select_n3A_428, %mul3A_429 : i32
        %dma_start3A_431 = arith.constant 0 : i32
        %dma_start3A_432 = arith.constant 0 : i32
        %dma_start3A_433 = tpu.memref_slice %arg4[%sub3A_388, %dma_start3A_431, %dma_start3A_432] : memref<2x8x2050xf32, #tpu.memory_space<vmem>> -> memref<1x8x2048xf32, #tpu.memory_space<vmem>>
        %dma_start3A_434 = tpu.memref_squeeze %dma_start3A_433 : memref<1x8x2048xf32, #tpu.memory_space<vmem>> -> memref<8x2048xf32, #tpu.memory_space<vmem>>
        %dma_start3A_435 = arith.constant 0 : i32
        %dma_start3A_436 = tpu.memref_slice %arg2[%select_n3A_412, %dma_start3A_435, %mul3A_430] : memref<36x8x65536xf32, #tpu.memory_space<hbm>> -> memref<1x8x2048xf32, #tpu.memory_space<hbm>>
        %dma_start3A_437 = tpu.memref_squeeze %dma_start3A_436 : memref<1x8x2048xf32, #tpu.memory_space<hbm>> -> memref<8x2048xf32, #tpu.memory_space<hbm>>
        %dma_start3A_438 = tpu.memref_slice %arg6[%sub3A_388] : memref<2x!tpu.dma_semaphore, #tpu.memory_space<semaphore_mem>> -> memref<1x!tpu.dma_semaphore, #tpu.memory_space<semaphore_mem>>
        %dma_start3A_439 = tpu.memref_squeeze %dma_start3A_438 : memref<1x!tpu.dma_semaphore, #tpu.memory_space<semaphore_mem>> -> memref<!tpu.dma_semaphore, #tpu.memory_space<semaphore_mem>>
        %dma_start3A_440 = arith.constant 0 : i32
        %dma_start3A_441 = arith.constant 0 : i32
        %dma_start3A_442 = tpu.memref_slice %arg4[%sub3A_388, %dma_start3A_440, %dma_start3A_441] : memref<2x8x2050xf32, #tpu.memory_space<vmem>> -> memref<1x8x2048xf32, #tpu.memory_space<vmem>>
        %dma_start3A_443 = tpu.memref_squeeze %dma_start3A_442 : memref<1x8x2048xf32, #tpu.memory_space<vmem>> -> memref<8x2048xf32, #tpu.memory_space<vmem>>
        %dma_start3A_444 = arith.constant 0 : i32
        %dma_start3A_445 = tpu.memref_slice %arg2[%select_n3A_412, %dma_start3A_444, %mul3A_430] : memref<36x8x65536xf32, #tpu.memory_space<hbm>> -> memref<1x8x2048xf32, #tpu.memory_space<hbm>>
        %dma_start3A_446 = tpu.memref_squeeze %dma_start3A_445 : memref<1x8x2048xf32, #tpu.memory_space<hbm>> -> memref<8x2048xf32, #tpu.memory_space<hbm>>
        tpu.enqueue_dma source(%dma_start3A_446 : memref<8x2048xf32, #tpu.memory_space<hbm>>) target(%dma_start3A_443 : memref<8x2048xf32, #tpu.memory_space<vmem>>) target_semaphore(%dma_start3A_439 : memref<!tpu.dma_semaphore, #tpu.memory_space<semaphore_mem>>)
        %jit3A_447 = arith.constant 32 : i32
        %eq3A_448 = arith.constant 0 : i32
        %eq3A_449 = arith.cmpi eq, %jit3A_447, %eq3A_448 : i32
        %jit3A_450 = arith.constant 1 : i32
        %select_n3A_451 = arith.select %eq3A_449, %jit3A_450, %jit3A_447 : i32
        %rem3A_452 = arith.remsi %add3A_386, %select_n3A_451 : i32
        %ne3A_453 = arith.constant 0 : i32
        %ne3A_454 = arith.cmpi ne, %rem3A_452, %ne3A_453 : i32
        %lt3A_455 = arith.constant 0 : i32
        %lt3A_456 = arith.cmpi slt, %rem3A_452, %lt3A_455 : i32
        %lt3A_457 = arith.constant 0 : i32
        %lt3A_458 = arith.cmpi slt, %select_n3A_451, %lt3A_457 : i32
        %ne3A_459 = arith.xori %lt3A_456, %lt3A_458 : i1
        %and3A_460 = arith.andi %ne3A_459, %ne3A_454 : i1
        %add3A_461 = arith.addi %rem3A_452, %select_n3A_451 : i32
        %select_n3A_462 = arith.select %and3A_460, %add3A_461, %rem3A_452 : i32
        %lt3A_463 = arith.constant 31 : i32
        %lt3A_464 = arith.cmpi slt, %select_n3A_462, %lt3A_463 : i32
        %convert_element_type3A_465 = arith.extui %lt3A_464 : i1 to i32
        %cond3A_466 = arith.constant 0 : i32
        %cond3A_467 = arith.cmpi ne, %convert_element_type3A_465, %cond3A_466 : i32
        scf.if %cond3A_467 {
          %jit3A_468 = arith.constant 32 : i32
          %div3A_469 = arith.divsi %add3A_386, %jit3A_468 : i32
          %sign3A_470 = arith.constant 0 : i32
          %sign3A_471 = arith.cmpi sgt, %add3A_386, %sign3A_470 : i32
          %sign3A_472 = arith.extui %sign3A_471 : i1 to i32
          %sign3A_473 = arith.constant 0 : i32
          %sign3A_474 = arith.cmpi slt, %add3A_386, %sign3A_473 : i32
          %sign3A_475 = arith.extui %sign3A_474 : i1 to i32
          %sign3A_476 = arith.subi %sign3A_472, %sign3A_475 : i32
          %sign3A_477 = arith.constant 0 : i32
          %sign3A_478 = arith.cmpi sgt, %jit3A_468, %sign3A_477 : i32
          %sign3A_479 = arith.extui %sign3A_478 : i1 to i32
          %sign3A_480 = arith.constant 0 : i32
          %sign3A_481 = arith.cmpi slt, %jit3A_468, %sign3A_480 : i32
          %sign3A_482 = arith.extui %sign3A_481 : i1 to i32
          %sign3A_483 = arith.subi %sign3A_479, %sign3A_482 : i32
          %ne3A_484 = arith.cmpi ne, %sign3A_476, %sign3A_483 : i32
          %rem3A_485 = arith.remsi %add3A_386, %jit3A_468 : i32
          %ne3A_486 = arith.constant 0 : i32
          %ne3A_487 = arith.cmpi ne, %rem3A_485, %ne3A_486 : i32
          %and3A_488 = arith.andi %ne3A_484, %ne3A_487 : i1
          %sub3A_489 = arith.constant 1 : i32
          %sub3A_490 = arith.subi %div3A_469, %sub3A_489 : i32
          %select_n3A_491 = arith.select %and3A_488, %sub3A_490, %div3A_469 : i32
          %jit3A_492 = arith.constant 32 : i32
          %eq3A_493 = arith.constant 0 : i32
          %eq3A_494 = arith.cmpi eq, %jit3A_492, %eq3A_493 : i32
          %jit3A_495 = arith.constant 1 : i32
          %select_n3A_496 = arith.select %eq3A_494, %jit3A_495, %jit3A_492 : i32
          %rem3A_497 = arith.remsi %add3A_386, %select_n3A_496 : i32
          %ne3A_498 = arith.constant 0 : i32
          %ne3A_499 = arith.cmpi ne, %rem3A_497, %ne3A_498 : i32
          %lt3A_500 = arith.constant 0 : i32
          %lt3A_501 = arith.cmpi slt, %rem3A_497, %lt3A_500 : i32
          %lt3A_502 = arith.constant 0 : i32
          %lt3A_503 = arith.cmpi slt, %select_n3A_496, %lt3A_502 : i32
          %ne3A_504 = arith.xori %lt3A_501, %lt3A_503 : i1
          %and3A_505 = arith.andi %ne3A_504, %ne3A_499 : i1
          %add3A_506 = arith.addi %rem3A_497, %select_n3A_496 : i32
          %select_n3A_507 = arith.select %and3A_505, %add3A_506, %rem3A_497 : i32
          %mul3A_508 = arith.constant 2048 : i32
          %mul3A_509 = arith.muli %select_n3A_507, %mul3A_508 : i32
          %add3A_510 = arith.constant 2048 : i32
          %add3A_511 = arith.addi %mul3A_509, %add3A_510 : i32
          %dma_start3A_512 = arith.constant 0 : i32
          %dma_start3A_513 = arith.constant 2048 : i32
          %dma_start3A_514 = tpu.memref_slice %arg4[%sub3A_388, %dma_start3A_512, %dma_start3A_513] : memref<2x8x2050xf32, #tpu.memory_space<vmem>> -> memref<1x8x2xf32, #tpu.memory_space<vmem>>
          %dma_start3A_515 = tpu.memref_squeeze %dma_start3A_514 : memref<1x8x2xf32, #tpu.memory_space<vmem>> -> memref<8x2xf32, #tpu.memory_space<vmem>>
          %dma_start3A_516 = arith.constant 0 : i32
          %dma_start3A_517 = tpu.memref_slice %arg2[%select_n3A_491, %dma_start3A_516, %add3A_511] : memref<36x8x65536xf32, #tpu.memory_space<hbm>> -> memref<1x8x2xf32, #tpu.memory_space<hbm>>
          %dma_start3A_518 = tpu.memref_squeeze %dma_start3A_517 : memref<1x8x2xf32, #tpu.memory_space<hbm>> -> memref<8x2xf32, #tpu.memory_space<hbm>>
          %dma_start3A_519 = tpu.memref_slice %arg6[%sub3A_388] : memref<2x!tpu.dma_semaphore, #tpu.memory_space<semaphore_mem>> -> memref<1x!tpu.dma_semaphore, #tpu.memory_space<semaphore_mem>>
          %dma_start3A_520 = tpu.memref_squeeze %dma_start3A_519 : memref<1x!tpu.dma_semaphore, #tpu.memory_space<semaphore_mem>> -> memref<!tpu.dma_semaphore, #tpu.memory_space<semaphore_mem>>
          %dma_start3A_521 = arith.constant 0 : i32
          %dma_start3A_522 = arith.constant 2048 : i32
          %dma_start3A_523 = tpu.memref_slice %arg4[%sub3A_388, %dma_start3A_521, %dma_start3A_522] : memref<2x8x2050xf32, #tpu.memory_space<vmem>> -> memref<1x8x2xf32, #tpu.memory_space<vmem>>
          %dma_start3A_524 = tpu.memref_squeeze %dma_start3A_523 : memref<1x8x2xf32, #tpu.memory_space<vmem>> -> memref<8x2xf32, #tpu.memory_space<vmem>>
          %dma_start3A_525 = arith.constant 0 : i32
          %dma_start3A_526 = tpu.memref_slice %arg2[%select_n3A_491, %dma_start3A_525, %add3A_511] : memref<36x8x65536xf32, #tpu.memory_space<hbm>> -> memref<1x8x2xf32, #tpu.memory_space<hbm>>
          %dma_start3A_527 = tpu.memref_squeeze %dma_start3A_526 : memref<1x8x2xf32, #tpu.memory_space<hbm>> -> memref<8x2xf32, #tpu.memory_space<hbm>>
          tpu.enqueue_dma source(%dma_start3A_527 : memref<8x2xf32, #tpu.memory_space<hbm>>) target(%dma_start3A_524 : memref<8x2xf32, #tpu.memory_space<vmem>>) target_semaphore(%dma_start3A_520 : memref<!tpu.dma_semaphore, #tpu.memory_space<semaphore_mem>>)
        } else {
        }
      } else {
      }
      %ge3A = arith.constant 2 : i32
      %ge3A_296 = arith.cmpi sge, %add3A_206, %ge3A : i32
      %convert_element_type3A_297 = arith.extui %ge3A_296 : i1 to i32
      %cond3A_298 = arith.constant 0 : i32
      %cond3A_299 = arith.cmpi ne, %convert_element_type3A_297, %cond3A_298 : i32
      scf.if %cond3A_299 {
        %jit3A_385 = arith.constant 32 : i32
        %div3A_386 = arith.divsi %add3A_207, %jit3A_385 : i32
        %sign3A_387 = arith.constant 0 : i32
        %sign3A_388 = arith.cmpi sgt, %add3A_207, %sign3A_387 : i32
        %sign3A_389 = arith.extui %sign3A_388 : i1 to i32
        %sign3A_390 = arith.constant 0 : i32
        %sign3A_391 = arith.cmpi slt, %add3A_207, %sign3A_390 : i32
        %sign3A_392 = arith.extui %sign3A_391 : i1 to i32
        %sign3A_393 = arith.subi %sign3A_389, %sign3A_392 : i32
        %sign3A_394 = arith.constant 0 : i32
        %sign3A_395 = arith.cmpi sgt, %jit3A_385, %sign3A_394 : i32
        %sign3A_396 = arith.extui %sign3A_395 : i1 to i32
        %sign3A_397 = arith.constant 0 : i32
        %sign3A_398 = arith.cmpi slt, %jit3A_385, %sign3A_397 : i32
        %sign3A_399 = arith.extui %sign3A_398 : i1 to i32
        %sign3A_400 = arith.subi %sign3A_396, %sign3A_399 : i32
        %ne3A_401 = arith.cmpi ne, %sign3A_393, %sign3A_400 : i32
        %rem3A_402 = arith.remsi %add3A_207, %jit3A_385 : i32
        %ne3A_403 = arith.constant 0 : i32
        %ne3A_404 = arith.cmpi ne, %rem3A_402, %ne3A_403 : i32
        %and3A_405 = arith.andi %ne3A_401, %ne3A_404 : i1
        %sub3A_406 = arith.constant 1 : i32
        %sub3A_407 = arith.subi %div3A_386, %sub3A_406 : i32
        %select_n3A_408 = arith.select %and3A_405, %sub3A_407, %div3A_386 : i32
        %mul3A_409 = arith.constant 32768 : i32
        %mul3A_410 = arith.muli %select_n3A_408, %mul3A_409 : i32
        %jit3A_411 = arith.constant 32 : i32
        %eq3A_412 = arith.constant 0 : i32
        %eq3A_413 = arith.cmpi eq, %jit3A_411, %eq3A_412 : i32
        %jit3A_414 = arith.constant 1 : i32
        %select_n3A_415 = arith.select %eq3A_413, %jit3A_414, %jit3A_411 : i32
        %rem3A_416 = arith.remsi %add3A_207, %select_n3A_415 : i32
        %ne3A_417 = arith.constant 0 : i32
        %ne3A_418 = arith.cmpi ne, %rem3A_416, %ne3A_417 : i32
        %lt3A_419 = arith.constant 0 : i32
        %lt3A_420 = arith.cmpi slt, %rem3A_416, %lt3A_419 : i32
        %lt3A_421 = arith.constant 0 : i32
        %lt3A_422 = arith.cmpi slt, %select_n3A_415, %lt3A_421 : i32
        %ne3A_423 = arith.xori %lt3A_420, %lt3A_422 : i1
        %and3A_424 = arith.andi %ne3A_423, %ne3A_418 : i1
        %add3A_425 = arith.addi %rem3A_416, %select_n3A_415 : i32
        %select_n3A_426 = arith.select %and3A_424, %add3A_425, %rem3A_416 : i32
        %mul3A_427 = arith.constant 1024 : i32
        %mul3A_428 = arith.muli %select_n3A_426, %mul3A_427 : i32
        %add3A_429 = arith.addi %mul3A_410, %mul3A_428 : i32
        %dma_wait3A_430 = arith.constant 0 : i32
        %dma_wait3A_431 = arith.constant 0 : i32
        %dma_wait3A_432 = tpu.memref_slice %arg5[%rem3A_209, %dma_wait3A_430, %dma_wait3A_431] : memref<2x1024x16xi32, #tpu.memory_space<vmem>> -> memref<1x1024x16xi32, #tpu.memory_space<vmem>>
        %dma_wait3A_433 = tpu.memref_squeeze %dma_wait3A_432 : memref<1x1024x16xi32, #tpu.memory_space<vmem>> -> memref<1024x16xi32, #tpu.memory_space<vmem>>
        %dma_wait3A_434 = arith.constant 0 : i32
        %dma_wait3A_435 = tpu.memref_slice %arg3[%add3A_429, %dma_wait3A_434] : memref<1179648x16xi32, #tpu.memory_space<hbm>> -> memref<1024x16xi32, #tpu.memory_space<hbm>>
        %dma_wait3A_436 = tpu.memref_slice %arg7[%rem3A_209] : memref<2x!tpu.dma_semaphore, #tpu.memory_space<semaphore_mem>> -> memref<1x!tpu.dma_semaphore, #tpu.memory_space<semaphore_mem>>
        %dma_wait3A_437 = tpu.memref_squeeze %dma_wait3A_436 : memref<1x!tpu.dma_semaphore, #tpu.memory_space<semaphore_mem>> -> memref<!tpu.dma_semaphore, #tpu.memory_space<semaphore_mem>>
        %dma_wait3A_438 = arith.constant 0 : i32
        %dma_wait3A_439 = tpu.memref_slice %arg3[%add3A_429, %dma_wait3A_438] : memref<1179648x16xi32, #tpu.memory_space<hbm>> -> memref<1024x16xi32, #tpu.memory_space<hbm>>
        %dma_wait3A_440 = arith.constant 0 : i32
        %dma_wait3A_441 = arith.constant 0 : i32
        %dma_wait3A_442 = tpu.memref_slice %arg5[%rem3A_209, %dma_wait3A_440, %dma_wait3A_441] : memref<2x1024x16xi32, #tpu.memory_space<vmem>> -> memref<1x1024x16xi32, #tpu.memory_space<vmem>>
        %dma_wait3A_443 = tpu.memref_squeeze %dma_wait3A_442 : memref<1x1024x16xi32, #tpu.memory_space<vmem>> -> memref<1024x16xi32, #tpu.memory_space<vmem>>
        tpu.wait_dma2 semaphore(%dma_wait3A_437 : memref<!tpu.dma_semaphore, #tpu.memory_space<semaphore_mem>>) src(%dma_wait3A_443 : memref<1024x16xi32, #tpu.memory_space<vmem>>) dst(%dma_wait3A_439 : memref<1024x16xi32, #tpu.memory_space<hbm>>)
      } else {
      }
      %jit3A_300 = arith.constant 32 : i32
      %eq3A_301 = arith.constant 0 : i32
      %eq3A_302 = arith.cmpi eq, %jit3A_300, %eq3A_301 : i32
      %jit3A_303 = arith.constant 1 : i32
      %select_n3A_304 = arith.select %eq3A_302, %jit3A_303, %jit3A_300 : i32
      %rem3A_305 = arith.remsi %add3A_207, %select_n3A_304 : i32
      %ne3A_306 = arith.constant 0 : i32
      %ne3A_307 = arith.cmpi ne, %rem3A_305, %ne3A_306 : i32
      %lt3A_308 = arith.constant 0 : i32
      %lt3A_309 = arith.cmpi slt, %rem3A_305, %lt3A_308 : i32
      %lt3A_310 = arith.constant 0 : i32
      %lt3A_311 = arith.cmpi slt, %select_n3A_304, %lt3A_310 : i32
      %ne3A_312 = arith.xori %lt3A_309, %lt3A_311 : i1
      %and3A_313 = arith.andi %ne3A_312, %ne3A_307 : i1
      %add3A_314 = arith.addi %rem3A_305, %select_n3A_304 : i32
      %select_n3A_315 = arith.select %and3A_313, %add3A_314, %rem3A_305 : i32
      %eq3A_316 = arith.constant 31 : i32
      %eq3A_317 = arith.cmpi eq, %select_n3A_315, %eq3A_316 : i32
      %convert_element_type3A_318 = arith.extui %eq3A_317 : i1 to i32
      %cond3A_319 = arith.constant 0 : i32
      %cond3A_320 = arith.cmpi ne, %convert_element_type3A_318, %cond3A_319 : i32
      scf.if %cond3A_320 {
        %broadcast_in_dim3A = arith.constant 2047 : i32
        %broadcast_in_dim3A_385 = vector.broadcast %broadcast_in_dim3A : i32 to vector<16xi32>
        %gather3A = arith.constant 0 : i32
        %gather3A_386 = arith.constant 0 : i32
        %gather3A_387 = tpu.memref_slice %arg4[%rem3A_209, %gather3A, %gather3A_386] : memref<2x8x2050xf32, #tpu.memory_space<vmem>> -> memref<1x8x2050xf32, #tpu.memory_space<vmem>>
        %gather3A_388 = tpu.memref_squeeze %gather3A_387 : memref<1x8x2050xf32, #tpu.memory_space<vmem>> -> memref<8x2050xf32, #tpu.memory_space<vmem>>
        %gather3A_389 = tpu.vector_load_idx %gather3A_388[%and3A_6, %broadcast_in_dim3A_385] masked %lt3A_4 : memref<8x2050xf32, #tpu.memory_space<vmem>>[vector<16xi32>, vector<16xi32>], vector<16xf32>, vector<16xi1>
        %broadcast_in_dim3A_390 = arith.constant 2048 : i32
        %broadcast_in_dim3A_391 = vector.broadcast %broadcast_in_dim3A_390 : i32 to vector<16xi32>
        %scatter3A = arith.constant 0 : i32
        %scatter3A_392 = arith.constant 0 : i32
        %scatter3A_393 = tpu.memref_slice %arg4[%rem3A_209, %scatter3A, %scatter3A_392] : memref<2x8x2050xf32, #tpu.memory_space<vmem>> -> memref<1x8x2050xf32, #tpu.memory_space<vmem>>
        %scatter3A_394 = tpu.memref_squeeze %scatter3A_393 : memref<1x8x2050xf32, #tpu.memory_space<vmem>> -> memref<8x2050xf32, #tpu.memory_space<vmem>>
        tpu.vector_store_idx %scatter3A_394[%and3A_6, %broadcast_in_dim3A_391], %gather3A_389 masked %lt3A_4 : memref<8x2050xf32, #tpu.memory_space<vmem>>[vector<16xi32>, vector<16xi32>], vector<16xf32>, vector<16xi1>
        %broadcast_in_dim3A_395 = arith.constant 2049 : i32
        %broadcast_in_dim3A_396 = vector.broadcast %broadcast_in_dim3A_395 : i32 to vector<16xi32>
        %scatter3A_397 = arith.constant 0 : i32
        %scatter3A_398 = arith.constant 0 : i32
        %scatter3A_399 = tpu.memref_slice %arg4[%rem3A_209, %scatter3A_397, %scatter3A_398] : memref<2x8x2050xf32, #tpu.memory_space<vmem>> -> memref<1x8x2050xf32, #tpu.memory_space<vmem>>
        %scatter3A_400 = tpu.memref_squeeze %scatter3A_399 : memref<1x8x2050xf32, #tpu.memory_space<vmem>> -> memref<8x2050xf32, #tpu.memory_space<vmem>>
        tpu.vector_store_idx %scatter3A_400[%and3A_6, %broadcast_in_dim3A_396], %gather3A_389 masked %lt3A_4 : memref<8x2050xf32, #tpu.memory_space<vmem>>[vector<16xi32>, vector<16xi32>], vector<16xf32>, vector<16xi1>
      } else {
      }
      %scan3A_321 = arith.constant 0 : i32
      %scan3A_322 = arith.constant 64 : i32
      %scan3A_323 = arith.addi %scan3A_321, %scan3A_322 : i32
      %scan3A_324 = arith.constant 1 : i32
      scf.for %scan3A_385 = %scan3A_321 to %scan3A_323 step %scan3A_324  : i32 {
        %mul3A_386 = arith.constant 1 : i32
        %mul3A_387 = arith.muli %scan3A_385, %mul3A_386 : i32
        %add3A_388 = arith.constant 0 : i32
        %add3A_389 = arith.addi %add3A_388, %mul3A_387 : i32
        %mul3A_390 = arith.constant 16 : i32
        %mul3A_391 = arith.muli %add3A_389, %mul3A_390 : i32
        %add3A_392 = vector.broadcast %mul3A_391 : i32 to vector<16xi32>
        %add3A_393 = arith.addi %iota3A, %add3A_392 : vector<16xi32>
        %mul3A_394 = arith.constant 2 : i32
        %mul3A_395 = vector.broadcast %mul3A_394 : i32 to vector<16xi32>
        %mul3A_396 = arith.muli %add3A_393, %mul3A_395 : vector<16xi32>
        %broadcast_in_dim3A = arith.constant 0 : i32
        %broadcast_in_dim3A_397 = vector.broadcast %broadcast_in_dim3A : i32 to vector<16xi32>
        %add3A_398 = arith.constant 0 : i32
        %add3A_399 = vector.broadcast %add3A_398 : i32 to vector<16xi32>
        %add3A_400 = arith.addi %mul3A_396, %add3A_399 : vector<16xi32>
        %gather3A = arith.constant 0 : i32
        %gather3A_401 = arith.constant 0 : i32
        %gather3A_402 = tpu.memref_slice %arg4[%rem3A_209, %gather3A, %gather3A_401] : memref<2x8x2050xf32, #tpu.memory_space<vmem>> -> memref<1x8x2050xf32, #tpu.memory_space<vmem>>
        %gather3A_403 = tpu.memref_squeeze %gather3A_402 : memref<1x8x2050xf32, #tpu.memory_space<vmem>> -> memref<8x2050xf32, #tpu.memory_space<vmem>>
        %gather3A_404 = tpu.vector_load_idx %gather3A_403[%broadcast_in_dim3A_397, %add3A_400] : memref<8x2050xf32, #tpu.memory_space<vmem>>[vector<16xi32>, vector<16xi32>], vector<16xf32>,
        %broadcast_in_dim3A_405 = arith.constant 1 : i32
        %broadcast_in_dim3A_406 = vector.broadcast %broadcast_in_dim3A_405 : i32 to vector<16xi32>
        %add3A_407 = arith.constant 0 : i32
        %add3A_408 = vector.broadcast %add3A_407 : i32 to vector<16xi32>
        %add3A_409 = arith.addi %mul3A_396, %add3A_408 : vector<16xi32>
        %gather3A_410 = arith.constant 0 : i32
        %gather3A_411 = arith.constant 0 : i32
        %gather3A_412 = tpu.memref_slice %arg4[%rem3A_209, %gather3A_410, %gather3A_411] : memref<2x8x2050xf32, #tpu.memory_space<vmem>> -> memref<1x8x2050xf32, #tpu.memory_space<vmem>>
        %gather3A_413 = tpu.memref_squeeze %gather3A_412 : memref<1x8x2050xf32, #tpu.memory_space<vmem>> -> memref<8x2050xf32, #tpu.memory_space<vmem>>
        %gather3A_414 = tpu.vector_load_idx %gather3A_413[%broadcast_in_dim3A_406, %add3A_409] : memref<8x2050xf32, #tpu.memory_space<vmem>>[vector<16xi32>, vector<16xi32>], vector<16xf32>,
        %pack3A = tpu.pack_subelements %gather3A_404, %gather3A_414 {pack_format = #tpu.pack_format<interleaved>, positions = array<i32: 0, 1>} : vector<16xf32>, vector<16xf32> -> vector<32xbf16>
        %bitcast3A = vector.bitcast %pack3A : vector<32xbf16> to vector<16xi32>
        %broadcast_in_dim3A_415 = arith.constant 0 : i32
        %broadcast_in_dim3A_416 = vector.broadcast %broadcast_in_dim3A_415 : i32 to vector<16xi32>
        %scatter3A = arith.constant 0 : i32
        %scatter3A_417 = arith.constant 0 : i32
        %scatter3A_418 = tpu.memref_slice %arg5[%rem3A_209, %scatter3A, %scatter3A_417] : memref<2x1024x16xi32, #tpu.memory_space<vmem>> -> memref<1x1024x16xi32, #tpu.memory_space<vmem>>
        %scatter3A_419 = tpu.memref_squeeze %scatter3A_418 : memref<1x1024x16xi32, #tpu.memory_space<vmem>> -> memref<1024x16xi32, #tpu.memory_space<vmem>>
        tpu.vector_store_idx %scatter3A_419[%add3A_393, %broadcast_in_dim3A_416], %bitcast3A : memref<1024x16xi32, #tpu.memory_space<vmem>>[vector<16xi32>, vector<16xi32>], vector<16xi32>,
        %broadcast_in_dim3A_420 = arith.constant 2 : i32
        %broadcast_in_dim3A_421 = vector.broadcast %broadcast_in_dim3A_420 : i32 to vector<16xi32>
        %add3A_422 = arith.constant 0 : i32
        %add3A_423 = vector.broadcast %add3A_422 : i32 to vector<16xi32>
        %add3A_424 = arith.addi %mul3A_396, %add3A_423 : vector<16xi32>
        %gather3A_425 = arith.constant 0 : i32
        %gather3A_426 = arith.constant 0 : i32
        %gather3A_427 = tpu.memref_slice %arg4[%rem3A_209, %gather3A_425, %gather3A_426] : memref<2x8x2050xf32, #tpu.memory_space<vmem>> -> memref<1x8x2050xf32, #tpu.memory_space<vmem>>
        %gather3A_428 = tpu.memref_squeeze %gather3A_427 : memref<1x8x2050xf32, #tpu.memory_space<vmem>> -> memref<8x2050xf32, #tpu.memory_space<vmem>>
        %gather3A_429 = tpu.vector_load_idx %gather3A_428[%broadcast_in_dim3A_421, %add3A_424] : memref<8x2050xf32, #tpu.memory_space<vmem>>[vector<16xi32>, vector<16xi32>], vector<16xf32>,
        %broadcast_in_dim3A_430 = arith.constant 3 : i32
        %broadcast_in_dim3A_431 = vector.broadcast %broadcast_in_dim3A_430 : i32 to vector<16xi32>
        %add3A_432 = arith.constant 0 : i32
        %add3A_433 = vector.broadcast %add3A_432 : i32 to vector<16xi32>
        %add3A_434 = arith.addi %mul3A_396, %add3A_433 : vector<16xi32>
        %gather3A_435 = arith.constant 0 : i32
        %gather3A_436 = arith.constant 0 : i32
        %gather3A_437 = tpu.memref_slice %arg4[%rem3A_209, %gather3A_435, %gather3A_436] : memref<2x8x2050xf32, #tpu.memory_space<vmem>> -> memref<1x8x2050xf32, #tpu.memory_space<vmem>>
        %gather3A_438 = tpu.memref_squeeze %gather3A_437 : memref<1x8x2050xf32, #tpu.memory_space<vmem>> -> memref<8x2050xf32, #tpu.memory_space<vmem>>
        %gather3A_439 = tpu.vector_load_idx %gather3A_438[%broadcast_in_dim3A_431, %add3A_434] : memref<8x2050xf32, #tpu.memory_space<vmem>>[vector<16xi32>, vector<16xi32>], vector<16xf32>,
        %pack3A_440 = tpu.pack_subelements %gather3A_429, %gather3A_439 {pack_format = #tpu.pack_format<interleaved>, positions = array<i32: 0, 1>} : vector<16xf32>, vector<16xf32> -> vector<32xbf16>
        %bitcast3A_441 = vector.bitcast %pack3A_440 : vector<32xbf16> to vector<16xi32>
        %broadcast_in_dim3A_442 = arith.constant 1 : i32
        %broadcast_in_dim3A_443 = vector.broadcast %broadcast_in_dim3A_442 : i32 to vector<16xi32>
        %scatter3A_444 = arith.constant 0 : i32
        %scatter3A_445 = arith.constant 0 : i32
        %scatter3A_446 = tpu.memref_slice %arg5[%rem3A_209, %scatter3A_444, %scatter3A_445] : memref<2x1024x16xi32, #tpu.memory_space<vmem>> -> memref<1x1024x16xi32, #tpu.memory_space<vmem>>
        %scatter3A_447 = tpu.memref_squeeze %scatter3A_446 : memref<1x1024x16xi32, #tpu.memory_space<vmem>> -> memref<1024x16xi32, #tpu.memory_space<vmem>>
        tpu.vector_store_idx %scatter3A_447[%add3A_393, %broadcast_in_dim3A_443], %bitcast3A_441 : memref<1024x16xi32, #tpu.memory_space<vmem>>[vector<16xi32>, vector<16xi32>], vector<16xi32>,
        %broadcast_in_dim3A_448 = arith.constant 4 : i32
        %broadcast_in_dim3A_449 = vector.broadcast %broadcast_in_dim3A_448 : i32 to vector<16xi32>
        %add3A_450 = arith.constant 0 : i32
        %add3A_451 = vector.broadcast %add3A_450 : i32 to vector<16xi32>
        %add3A_452 = arith.addi %mul3A_396, %add3A_451 : vector<16xi32>
        %gather3A_453 = arith.constant 0 : i32
        %gather3A_454 = arith.constant 0 : i32
        %gather3A_455 = tpu.memref_slice %arg4[%rem3A_209, %gather3A_453, %gather3A_454] : memref<2x8x2050xf32, #tpu.memory_space<vmem>> -> memref<1x8x2050xf32, #tpu.memory_space<vmem>>
        %gather3A_456 = tpu.memref_squeeze %gather3A_455 : memref<1x8x2050xf32, #tpu.memory_space<vmem>> -> memref<8x2050xf32, #tpu.memory_space<vmem>>
        %gather3A_457 = tpu.vector_load_idx %gather3A_456[%broadcast_in_dim3A_449, %add3A_452] : memref<8x2050xf32, #tpu.memory_space<vmem>>[vector<16xi32>, vector<16xi32>], vector<16xf32>,
        %broadcast_in_dim3A_458 = arith.constant 5 : i32
        %broadcast_in_dim3A_459 = vector.broadcast %broadcast_in_dim3A_458 : i32 to vector<16xi32>
        %add3A_460 = arith.constant 0 : i32
        %add3A_461 = vector.broadcast %add3A_460 : i32 to vector<16xi32>
        %add3A_462 = arith.addi %mul3A_396, %add3A_461 : vector<16xi32>
        %gather3A_463 = arith.constant 0 : i32
        %gather3A_464 = arith.constant 0 : i32
        %gather3A_465 = tpu.memref_slice %arg4[%rem3A_209, %gather3A_463, %gather3A_464] : memref<2x8x2050xf32, #tpu.memory_space<vmem>> -> memref<1x8x2050xf32, #tpu.memory_space<vmem>>
        %gather3A_466 = tpu.memref_squeeze %gather3A_465 : memref<1x8x2050xf32, #tpu.memory_space<vmem>> -> memref<8x2050xf32, #tpu.memory_space<vmem>>
        %gather3A_467 = tpu.vector_load_idx %gather3A_466[%broadcast_in_dim3A_459, %add3A_462] : memref<8x2050xf32, #tpu.memory_space<vmem>>[vector<16xi32>, vector<16xi32>], vector<16xf32>,
        %pack3A_468 = tpu.pack_subelements %gather3A_457, %gather3A_467 {pack_format = #tpu.pack_format<interleaved>, positions = array<i32: 0, 1>} : vector<16xf32>, vector<16xf32> -> vector<32xbf16>
        %bitcast3A_469 = vector.bitcast %pack3A_468 : vector<32xbf16> to vector<16xi32>
        %broadcast_in_dim3A_470 = arith.constant 2 : i32
        %broadcast_in_dim3A_471 = vector.broadcast %broadcast_in_dim3A_470 : i32 to vector<16xi32>
        %scatter3A_472 = arith.constant 0 : i32
        %scatter3A_473 = arith.constant 0 : i32
        %scatter3A_474 = tpu.memref_slice %arg5[%rem3A_209, %scatter3A_472, %scatter3A_473] : memref<2x1024x16xi32, #tpu.memory_space<vmem>> -> memref<1x1024x16xi32, #tpu.memory_space<vmem>>
        %scatter3A_475 = tpu.memref_squeeze %scatter3A_474 : memref<1x1024x16xi32, #tpu.memory_space<vmem>> -> memref<1024x16xi32, #tpu.memory_space<vmem>>
        tpu.vector_store_idx %scatter3A_475[%add3A_393, %broadcast_in_dim3A_471], %bitcast3A_469 : memref<1024x16xi32, #tpu.memory_space<vmem>>[vector<16xi32>, vector<16xi32>], vector<16xi32>,
        %broadcast_in_dim3A_476 = arith.constant 6 : i32
        %broadcast_in_dim3A_477 = vector.broadcast %broadcast_in_dim3A_476 : i32 to vector<16xi32>
        %add3A_478 = arith.constant 0 : i32
        %add3A_479 = vector.broadcast %add3A_478 : i32 to vector<16xi32>
        %add3A_480 = arith.addi %mul3A_396, %add3A_479 : vector<16xi32>
        %gather3A_481 = arith.constant 0 : i32
        %gather3A_482 = arith.constant 0 : i32
        %gather3A_483 = tpu.memref_slice %arg4[%rem3A_209, %gather3A_481, %gather3A_482] : memref<2x8x2050xf32, #tpu.memory_space<vmem>> -> memref<1x8x2050xf32, #tpu.memory_space<vmem>>
        %gather3A_484 = tpu.memref_squeeze %gather3A_483 : memref<1x8x2050xf32, #tpu.memory_space<vmem>> -> memref<8x2050xf32, #tpu.memory_space<vmem>>
        %gather3A_485 = tpu.vector_load_idx %gather3A_484[%broadcast_in_dim3A_477, %add3A_480] : memref<8x2050xf32, #tpu.memory_space<vmem>>[vector<16xi32>, vector<16xi32>], vector<16xf32>,
        %broadcast_in_dim3A_486 = arith.constant 7 : i32
        %broadcast_in_dim3A_487 = vector.broadcast %broadcast_in_dim3A_486 : i32 to vector<16xi32>
        %add3A_488 = arith.constant 0 : i32
        %add3A_489 = vector.broadcast %add3A_488 : i32 to vector<16xi32>
        %add3A_490 = arith.addi %mul3A_396, %add3A_489 : vector<16xi32>
        %gather3A_491 = arith.constant 0 : i32
        %gather3A_492 = arith.constant 0 : i32
        %gather3A_493 = tpu.memref_slice %arg4[%rem3A_209, %gather3A_491, %gather3A_492] : memref<2x8x2050xf32, #tpu.memory_space<vmem>> -> memref<1x8x2050xf32, #tpu.memory_space<vmem>>
        %gather3A_494 = tpu.memref_squeeze %gather3A_493 : memref<1x8x2050xf32, #tpu.memory_space<vmem>> -> memref<8x2050xf32, #tpu.memory_space<vmem>>
        %gather3A_495 = tpu.vector_load_idx %gather3A_494[%broadcast_in_dim3A_487, %add3A_490] : memref<8x2050xf32, #tpu.memory_space<vmem>>[vector<16xi32>, vector<16xi32>], vector<16xf32>,
        %pack3A_496 = tpu.pack_subelements %gather3A_485, %gather3A_495 {pack_format = #tpu.pack_format<interleaved>, positions = array<i32: 0, 1>} : vector<16xf32>, vector<16xf32> -> vector<32xbf16>
        %bitcast3A_497 = vector.bitcast %pack3A_496 : vector<32xbf16> to vector<16xi32>
        %broadcast_in_dim3A_498 = arith.constant 3 : i32
        %broadcast_in_dim3A_499 = vector.broadcast %broadcast_in_dim3A_498 : i32 to vector<16xi32>
        %scatter3A_500 = arith.constant 0 : i32
        %scatter3A_501 = arith.constant 0 : i32
        %scatter3A_502 = tpu.memref_slice %arg5[%rem3A_209, %scatter3A_500, %scatter3A_501] : memref<2x1024x16xi32, #tpu.memory_space<vmem>> -> memref<1x1024x16xi32, #tpu.memory_space<vmem>>
        %scatter3A_503 = tpu.memref_squeeze %scatter3A_502 : memref<1x1024x16xi32, #tpu.memory_space<vmem>> -> memref<1024x16xi32, #tpu.memory_space<vmem>>
        tpu.vector_store_idx %scatter3A_503[%add3A_393, %broadcast_in_dim3A_499], %bitcast3A_497 : memref<1024x16xi32, #tpu.memory_space<vmem>>[vector<16xi32>, vector<16xi32>], vector<16xi32>,
        %broadcast_in_dim3A_504 = arith.constant 0 : i32
        %broadcast_in_dim3A_505 = vector.broadcast %broadcast_in_dim3A_504 : i32 to vector<16xi32>
        %add3A_506 = arith.constant 1 : i32
        %add3A_507 = vector.broadcast %add3A_506 : i32 to vector<16xi32>
        %add3A_508 = arith.addi %mul3A_396, %add3A_507 : vector<16xi32>
        %gather3A_509 = arith.constant 0 : i32
        %gather3A_510 = arith.constant 0 : i32
        %gather3A_511 = tpu.memref_slice %arg4[%rem3A_209, %gather3A_509, %gather3A_510] : memref<2x8x2050xf32, #tpu.memory_space<vmem>> -> memref<1x8x2050xf32, #tpu.memory_space<vmem>>
        %gather3A_512 = tpu.memref_squeeze %gather3A_511 : memref<1x8x2050xf32, #tpu.memory_space<vmem>> -> memref<8x2050xf32, #tpu.memory_space<vmem>>
        %gather3A_513 = tpu.vector_load_idx %gather3A_512[%broadcast_in_dim3A_505, %add3A_508] : memref<8x2050xf32, #tpu.memory_space<vmem>>[vector<16xi32>, vector<16xi32>], vector<16xf32>,
        %broadcast_in_dim3A_514 = arith.constant 1 : i32
        %broadcast_in_dim3A_515 = vector.broadcast %broadcast_in_dim3A_514 : i32 to vector<16xi32>
        %add3A_516 = arith.constant 1 : i32
        %add3A_517 = vector.broadcast %add3A_516 : i32 to vector<16xi32>
        %add3A_518 = arith.addi %mul3A_396, %add3A_517 : vector<16xi32>
        %gather3A_519 = arith.constant 0 : i32
        %gather3A_520 = arith.constant 0 : i32
        %gather3A_521 = tpu.memref_slice %arg4[%rem3A_209, %gather3A_519, %gather3A_520] : memref<2x8x2050xf32, #tpu.memory_space<vmem>> -> memref<1x8x2050xf32, #tpu.memory_space<vmem>>
        %gather3A_522 = tpu.memref_squeeze %gather3A_521 : memref<1x8x2050xf32, #tpu.memory_space<vmem>> -> memref<8x2050xf32, #tpu.memory_space<vmem>>
        %gather3A_523 = tpu.vector_load_idx %gather3A_522[%broadcast_in_dim3A_515, %add3A_518] : memref<8x2050xf32, #tpu.memory_space<vmem>>[vector<16xi32>, vector<16xi32>], vector<16xf32>,
        %pack3A_524 = tpu.pack_subelements %gather3A_513, %gather3A_523 {pack_format = #tpu.pack_format<interleaved>, positions = array<i32: 0, 1>} : vector<16xf32>, vector<16xf32> -> vector<32xbf16>
        %bitcast3A_525 = vector.bitcast %pack3A_524 : vector<32xbf16> to vector<16xi32>
        %broadcast_in_dim3A_526 = arith.constant 4 : i32
        %broadcast_in_dim3A_527 = vector.broadcast %broadcast_in_dim3A_526 : i32 to vector<16xi32>
        %scatter3A_528 = arith.constant 0 : i32
        %scatter3A_529 = arith.constant 0 : i32
        %scatter3A_530 = tpu.memref_slice %arg5[%rem3A_209, %scatter3A_528, %scatter3A_529] : memref<2x1024x16xi32, #tpu.memory_space<vmem>> -> memref<1x1024x16xi32, #tpu.memory_space<vmem>>
        %scatter3A_531 = tpu.memref_squeeze %scatter3A_530 : memref<1x1024x16xi32, #tpu.memory_space<vmem>> -> memref<1024x16xi32, #tpu.memory_space<vmem>>
        tpu.vector_store_idx %scatter3A_531[%add3A_393, %broadcast_in_dim3A_527], %bitcast3A_525 : memref<1024x16xi32, #tpu.memory_space<vmem>>[vector<16xi32>, vector<16xi32>], vector<16xi32>,
        %broadcast_in_dim3A_532 = arith.constant 2 : i32
        %broadcast_in_dim3A_533 = vector.broadcast %broadcast_in_dim3A_532 : i32 to vector<16xi32>
        %add3A_534 = arith.constant 1 : i32
        %add3A_535 = vector.broadcast %add3A_534 : i32 to vector<16xi32>
        %add3A_536 = arith.addi %mul3A_396, %add3A_535 : vector<16xi32>
        %gather3A_537 = arith.constant 0 : i32
        %gather3A_538 = arith.constant 0 : i32
        %gather3A_539 = tpu.memref_slice %arg4[%rem3A_209, %gather3A_537, %gather3A_538] : memref<2x8x2050xf32, #tpu.memory_space<vmem>> -> memref<1x8x2050xf32, #tpu.memory_space<vmem>>
        %gather3A_540 = tpu.memref_squeeze %gather3A_539 : memref<1x8x2050xf32, #tpu.memory_space<vmem>> -> memref<8x2050xf32, #tpu.memory_space<vmem>>
        %gather3A_541 = tpu.vector_load_idx %gather3A_540[%broadcast_in_dim3A_533, %add3A_536] : memref<8x2050xf32, #tpu.memory_space<vmem>>[vector<16xi32>, vector<16xi32>], vector<16xf32>,
        %broadcast_in_dim3A_542 = arith.constant 3 : i32
        %broadcast_in_dim3A_543 = vector.broadcast %broadcast_in_dim3A_542 : i32 to vector<16xi32>
        %add3A_544 = arith.constant 1 : i32
        %add3A_545 = vector.broadcast %add3A_544 : i32 to vector<16xi32>
        %add3A_546 = arith.addi %mul3A_396, %add3A_545 : vector<16xi32>
        %gather3A_547 = arith.constant 0 : i32
        %gather3A_548 = arith.constant 0 : i32
        %gather3A_549 = tpu.memref_slice %arg4[%rem3A_209, %gather3A_547, %gather3A_548] : memref<2x8x2050xf32, #tpu.memory_space<vmem>> -> memref<1x8x2050xf32, #tpu.memory_space<vmem>>
        %gather3A_550 = tpu.memref_squeeze %gather3A_549 : memref<1x8x2050xf32, #tpu.memory_space<vmem>> -> memref<8x2050xf32, #tpu.memory_space<vmem>>
        %gather3A_551 = tpu.vector_load_idx %gather3A_550[%broadcast_in_dim3A_543, %add3A_546] : memref<8x2050xf32, #tpu.memory_space<vmem>>[vector<16xi32>, vector<16xi32>], vector<16xf32>,
        %pack3A_552 = tpu.pack_subelements %gather3A_541, %gather3A_551 {pack_format = #tpu.pack_format<interleaved>, positions = array<i32: 0, 1>} : vector<16xf32>, vector<16xf32> -> vector<32xbf16>
        %bitcast3A_553 = vector.bitcast %pack3A_552 : vector<32xbf16> to vector<16xi32>
        %broadcast_in_dim3A_554 = arith.constant 5 : i32
        %broadcast_in_dim3A_555 = vector.broadcast %broadcast_in_dim3A_554 : i32 to vector<16xi32>
        %scatter3A_556 = arith.constant 0 : i32
        %scatter3A_557 = arith.constant 0 : i32
        %scatter3A_558 = tpu.memref_slice %arg5[%rem3A_209, %scatter3A_556, %scatter3A_557] : memref<2x1024x16xi32, #tpu.memory_space<vmem>> -> memref<1x1024x16xi32, #tpu.memory_space<vmem>>
        %scatter3A_559 = tpu.memref_squeeze %scatter3A_558 : memref<1x1024x16xi32, #tpu.memory_space<vmem>> -> memref<1024x16xi32, #tpu.memory_space<vmem>>
        tpu.vector_store_idx %scatter3A_559[%add3A_393, %broadcast_in_dim3A_555], %bitcast3A_553 : memref<1024x16xi32, #tpu.memory_space<vmem>>[vector<16xi32>, vector<16xi32>], vector<16xi32>,
        %broadcast_in_dim3A_560 = arith.constant 4 : i32
        %broadcast_in_dim3A_561 = vector.broadcast %broadcast_in_dim3A_560 : i32 to vector<16xi32>
        %add3A_562 = arith.constant 1 : i32
        %add3A_563 = vector.broadcast %add3A_562 : i32 to vector<16xi32>
        %add3A_564 = arith.addi %mul3A_396, %add3A_563 : vector<16xi32>
        %gather3A_565 = arith.constant 0 : i32
        %gather3A_566 = arith.constant 0 : i32
        %gather3A_567 = tpu.memref_slice %arg4[%rem3A_209, %gather3A_565, %gather3A_566] : memref<2x8x2050xf32, #tpu.memory_space<vmem>> -> memref<1x8x2050xf32, #tpu.memory_space<vmem>>
        %gather3A_568 = tpu.memref_squeeze %gather3A_567 : memref<1x8x2050xf32, #tpu.memory_space<vmem>> -> memref<8x2050xf32, #tpu.memory_space<vmem>>
        %gather3A_569 = tpu.vector_load_idx %gather3A_568[%broadcast_in_dim3A_561, %add3A_564] : memref<8x2050xf32, #tpu.memory_space<vmem>>[vector<16xi32>, vector<16xi32>], vector<16xf32>,
        %broadcast_in_dim3A_570 = arith.constant 5 : i32
        %broadcast_in_dim3A_571 = vector.broadcast %broadcast_in_dim3A_570 : i32 to vector<16xi32>
        %add3A_572 = arith.constant 1 : i32
        %add3A_573 = vector.broadcast %add3A_572 : i32 to vector<16xi32>
        %add3A_574 = arith.addi %mul3A_396, %add3A_573 : vector<16xi32>
        %gather3A_575 = arith.constant 0 : i32
        %gather3A_576 = arith.constant 0 : i32
        %gather3A_577 = tpu.memref_slice %arg4[%rem3A_209, %gather3A_575, %gather3A_576] : memref<2x8x2050xf32, #tpu.memory_space<vmem>> -> memref<1x8x2050xf32, #tpu.memory_space<vmem>>
        %gather3A_578 = tpu.memref_squeeze %gather3A_577 : memref<1x8x2050xf32, #tpu.memory_space<vmem>> -> memref<8x2050xf32, #tpu.memory_space<vmem>>
        %gather3A_579 = tpu.vector_load_idx %gather3A_578[%broadcast_in_dim3A_571, %add3A_574] : memref<8x2050xf32, #tpu.memory_space<vmem>>[vector<16xi32>, vector<16xi32>], vector<16xf32>,
        %pack3A_580 = tpu.pack_subelements %gather3A_569, %gather3A_579 {pack_format = #tpu.pack_format<interleaved>, positions = array<i32: 0, 1>} : vector<16xf32>, vector<16xf32> -> vector<32xbf16>
        %bitcast3A_581 = vector.bitcast %pack3A_580 : vector<32xbf16> to vector<16xi32>
        %broadcast_in_dim3A_582 = arith.constant 6 : i32
        %broadcast_in_dim3A_583 = vector.broadcast %broadcast_in_dim3A_582 : i32 to vector<16xi32>
        %scatter3A_584 = arith.constant 0 : i32
        %scatter3A_585 = arith.constant 0 : i32
        %scatter3A_586 = tpu.memref_slice %arg5[%rem3A_209, %scatter3A_584, %scatter3A_585] : memref<2x1024x16xi32, #tpu.memory_space<vmem>> -> memref<1x1024x16xi32, #tpu.memory_space<vmem>>
        %scatter3A_587 = tpu.memref_squeeze %scatter3A_586 : memref<1x1024x16xi32, #tpu.memory_space<vmem>> -> memref<1024x16xi32, #tpu.memory_space<vmem>>
        tpu.vector_store_idx %scatter3A_587[%add3A_393, %broadcast_in_dim3A_583], %bitcast3A_581 : memref<1024x16xi32, #tpu.memory_space<vmem>>[vector<16xi32>, vector<16xi32>], vector<16xi32>,
        %broadcast_in_dim3A_588 = arith.constant 6 : i32
        %broadcast_in_dim3A_589 = vector.broadcast %broadcast_in_dim3A_588 : i32 to vector<16xi32>
        %add3A_590 = arith.constant 1 : i32
        %add3A_591 = vector.broadcast %add3A_590 : i32 to vector<16xi32>
        %add3A_592 = arith.addi %mul3A_396, %add3A_591 : vector<16xi32>
        %gather3A_593 = arith.constant 0 : i32
        %gather3A_594 = arith.constant 0 : i32
        %gather3A_595 = tpu.memref_slice %arg4[%rem3A_209, %gather3A_593, %gather3A_594] : memref<2x8x2050xf32, #tpu.memory_space<vmem>> -> memref<1x8x2050xf32, #tpu.memory_space<vmem>>
        %gather3A_596 = tpu.memref_squeeze %gather3A_595 : memref<1x8x2050xf32, #tpu.memory_space<vmem>> -> memref<8x2050xf32, #tpu.memory_space<vmem>>
        %gather3A_597 = tpu.vector_load_idx %gather3A_596[%broadcast_in_dim3A_589, %add3A_592] : memref<8x2050xf32, #tpu.memory_space<vmem>>[vector<16xi32>, vector<16xi32>], vector<16xf32>,
        %broadcast_in_dim3A_598 = arith.constant 7 : i32
        %broadcast_in_dim3A_599 = vector.broadcast %broadcast_in_dim3A_598 : i32 to vector<16xi32>
        %add3A_600 = arith.constant 1 : i32
        %add3A_601 = vector.broadcast %add3A_600 : i32 to vector<16xi32>
        %add3A_602 = arith.addi %mul3A_396, %add3A_601 : vector<16xi32>
        %gather3A_603 = arith.constant 0 : i32
        %gather3A_604 = arith.constant 0 : i32
        %gather3A_605 = tpu.memref_slice %arg4[%rem3A_209, %gather3A_603, %gather3A_604] : memref<2x8x2050xf32, #tpu.memory_space<vmem>> -> memref<1x8x2050xf32, #tpu.memory_space<vmem>>
        %gather3A_606 = tpu.memref_squeeze %gather3A_605 : memref<1x8x2050xf32, #tpu.memory_space<vmem>> -> memref<8x2050xf32, #tpu.memory_space<vmem>>
        %gather3A_607 = tpu.vector_load_idx %gather3A_606[%broadcast_in_dim3A_599, %add3A_602] : memref<8x2050xf32, #tpu.memory_space<vmem>>[vector<16xi32>, vector<16xi32>], vector<16xf32>,
        %pack3A_608 = tpu.pack_subelements %gather3A_597, %gather3A_607 {pack_format = #tpu.pack_format<interleaved>, positions = array<i32: 0, 1>} : vector<16xf32>, vector<16xf32> -> vector<32xbf16>
        %bitcast3A_609 = vector.bitcast %pack3A_608 : vector<32xbf16> to vector<16xi32>
        %broadcast_in_dim3A_610 = arith.constant 7 : i32
        %broadcast_in_dim3A_611 = vector.broadcast %broadcast_in_dim3A_610 : i32 to vector<16xi32>
        %scatter3A_612 = arith.constant 0 : i32
        %scatter3A_613 = arith.constant 0 : i32
        %scatter3A_614 = tpu.memref_slice %arg5[%rem3A_209, %scatter3A_612, %scatter3A_613] : memref<2x1024x16xi32, #tpu.memory_space<vmem>> -> memref<1x1024x16xi32, #tpu.memory_space<vmem>>
        %scatter3A_615 = tpu.memref_squeeze %scatter3A_614 : memref<1x1024x16xi32, #tpu.memory_space<vmem>> -> memref<1024x16xi32, #tpu.memory_space<vmem>>
        tpu.vector_store_idx %scatter3A_615[%add3A_393, %broadcast_in_dim3A_611], %bitcast3A_609 : memref<1024x16xi32, #tpu.memory_space<vmem>>[vector<16xi32>, vector<16xi32>], vector<16xi32>,
        %broadcast_in_dim3A_616 = arith.constant 0 : i32
        %broadcast_in_dim3A_617 = vector.broadcast %broadcast_in_dim3A_616 : i32 to vector<16xi32>
        %add3A_618 = arith.constant 2 : i32
        %add3A_619 = vector.broadcast %add3A_618 : i32 to vector<16xi32>
        %add3A_620 = arith.addi %mul3A_396, %add3A_619 : vector<16xi32>
        %gather3A_621 = arith.constant 0 : i32
        %gather3A_622 = arith.constant 0 : i32
        %gather3A_623 = tpu.memref_slice %arg4[%rem3A_209, %gather3A_621, %gather3A_622] : memref<2x8x2050xf32, #tpu.memory_space<vmem>> -> memref<1x8x2050xf32, #tpu.memory_space<vmem>>
        %gather3A_624 = tpu.memref_squeeze %gather3A_623 : memref<1x8x2050xf32, #tpu.memory_space<vmem>> -> memref<8x2050xf32, #tpu.memory_space<vmem>>
        %gather3A_625 = tpu.vector_load_idx %gather3A_624[%broadcast_in_dim3A_617, %add3A_620] : memref<8x2050xf32, #tpu.memory_space<vmem>>[vector<16xi32>, vector<16xi32>], vector<16xf32>,
        %broadcast_in_dim3A_626 = arith.constant 1 : i32
        %broadcast_in_dim3A_627 = vector.broadcast %broadcast_in_dim3A_626 : i32 to vector<16xi32>
        %add3A_628 = arith.constant 2 : i32
        %add3A_629 = vector.broadcast %add3A_628 : i32 to vector<16xi32>
        %add3A_630 = arith.addi %mul3A_396, %add3A_629 : vector<16xi32>
        %gather3A_631 = arith.constant 0 : i32
        %gather3A_632 = arith.constant 0 : i32
        %gather3A_633 = tpu.memref_slice %arg4[%rem3A_209, %gather3A_631, %gather3A_632] : memref<2x8x2050xf32, #tpu.memory_space<vmem>> -> memref<1x8x2050xf32, #tpu.memory_space<vmem>>
        %gather3A_634 = tpu.memref_squeeze %gather3A_633 : memref<1x8x2050xf32, #tpu.memory_space<vmem>> -> memref<8x2050xf32, #tpu.memory_space<vmem>>
        %gather3A_635 = tpu.vector_load_idx %gather3A_634[%broadcast_in_dim3A_627, %add3A_630] : memref<8x2050xf32, #tpu.memory_space<vmem>>[vector<16xi32>, vector<16xi32>], vector<16xf32>,
        %pack3A_636 = tpu.pack_subelements %gather3A_625, %gather3A_635 {pack_format = #tpu.pack_format<interleaved>, positions = array<i32: 0, 1>} : vector<16xf32>, vector<16xf32> -> vector<32xbf16>
        %bitcast3A_637 = vector.bitcast %pack3A_636 : vector<32xbf16> to vector<16xi32>
        %broadcast_in_dim3A_638 = arith.constant 8 : i32
        %broadcast_in_dim3A_639 = vector.broadcast %broadcast_in_dim3A_638 : i32 to vector<16xi32>
        %scatter3A_640 = arith.constant 0 : i32
        %scatter3A_641 = arith.constant 0 : i32
        %scatter3A_642 = tpu.memref_slice %arg5[%rem3A_209, %scatter3A_640, %scatter3A_641] : memref<2x1024x16xi32, #tpu.memory_space<vmem>> -> memref<1x1024x16xi32, #tpu.memory_space<vmem>>
        %scatter3A_643 = tpu.memref_squeeze %scatter3A_642 : memref<1x1024x16xi32, #tpu.memory_space<vmem>> -> memref<1024x16xi32, #tpu.memory_space<vmem>>
        tpu.vector_store_idx %scatter3A_643[%add3A_393, %broadcast_in_dim3A_639], %bitcast3A_637 : memref<1024x16xi32, #tpu.memory_space<vmem>>[vector<16xi32>, vector<16xi32>], vector<16xi32>,
        %broadcast_in_dim3A_644 = arith.constant 2 : i32
        %broadcast_in_dim3A_645 = vector.broadcast %broadcast_in_dim3A_644 : i32 to vector<16xi32>
        %add3A_646 = arith.constant 2 : i32
        %add3A_647 = vector.broadcast %add3A_646 : i32 to vector<16xi32>
        %add3A_648 = arith.addi %mul3A_396, %add3A_647 : vector<16xi32>
        %gather3A_649 = arith.constant 0 : i32
        %gather3A_650 = arith.constant 0 : i32
        %gather3A_651 = tpu.memref_slice %arg4[%rem3A_209, %gather3A_649, %gather3A_650] : memref<2x8x2050xf32, #tpu.memory_space<vmem>> -> memref<1x8x2050xf32, #tpu.memory_space<vmem>>
        %gather3A_652 = tpu.memref_squeeze %gather3A_651 : memref<1x8x2050xf32, #tpu.memory_space<vmem>> -> memref<8x2050xf32, #tpu.memory_space<vmem>>
        %gather3A_653 = tpu.vector_load_idx %gather3A_652[%broadcast_in_dim3A_645, %add3A_648] : memref<8x2050xf32, #tpu.memory_space<vmem>>[vector<16xi32>, vector<16xi32>], vector<16xf32>,
        %broadcast_in_dim3A_654 = arith.constant 3 : i32
        %broadcast_in_dim3A_655 = vector.broadcast %broadcast_in_dim3A_654 : i32 to vector<16xi32>
        %add3A_656 = arith.constant 2 : i32
        %add3A_657 = vector.broadcast %add3A_656 : i32 to vector<16xi32>
        %add3A_658 = arith.addi %mul3A_396, %add3A_657 : vector<16xi32>
        %gather3A_659 = arith.constant 0 : i32
        %gather3A_660 = arith.constant 0 : i32
        %gather3A_661 = tpu.memref_slice %arg4[%rem3A_209, %gather3A_659, %gather3A_660] : memref<2x8x2050xf32, #tpu.memory_space<vmem>> -> memref<1x8x2050xf32, #tpu.memory_space<vmem>>
        %gather3A_662 = tpu.memref_squeeze %gather3A_661 : memref<1x8x2050xf32, #tpu.memory_space<vmem>> -> memref<8x2050xf32, #tpu.memory_space<vmem>>
        %gather3A_663 = tpu.vector_load_idx %gather3A_662[%broadcast_in_dim3A_655, %add3A_658] : memref<8x2050xf32, #tpu.memory_space<vmem>>[vector<16xi32>, vector<16xi32>], vector<16xf32>,
        %pack3A_664 = tpu.pack_subelements %gather3A_653, %gather3A_663 {pack_format = #tpu.pack_format<interleaved>, positions = array<i32: 0, 1>} : vector<16xf32>, vector<16xf32> -> vector<32xbf16>
        %bitcast3A_665 = vector.bitcast %pack3A_664 : vector<32xbf16> to vector<16xi32>
        %broadcast_in_dim3A_666 = arith.constant 9 : i32
        %broadcast_in_dim3A_667 = vector.broadcast %broadcast_in_dim3A_666 : i32 to vector<16xi32>
        %scatter3A_668 = arith.constant 0 : i32
        %scatter3A_669 = arith.constant 0 : i32
        %scatter3A_670 = tpu.memref_slice %arg5[%rem3A_209, %scatter3A_668, %scatter3A_669] : memref<2x1024x16xi32, #tpu.memory_space<vmem>> -> memref<1x1024x16xi32, #tpu.memory_space<vmem>>
        %scatter3A_671 = tpu.memref_squeeze %scatter3A_670 : memref<1x1024x16xi32, #tpu.memory_space<vmem>> -> memref<1024x16xi32, #tpu.memory_space<vmem>>
        tpu.vector_store_idx %scatter3A_671[%add3A_393, %broadcast_in_dim3A_667], %bitcast3A_665 : memref<1024x16xi32, #tpu.memory_space<vmem>>[vector<16xi32>, vector<16xi32>], vector<16xi32>,
        %broadcast_in_dim3A_672 = arith.constant 4 : i32
        %broadcast_in_dim3A_673 = vector.broadcast %broadcast_in_dim3A_672 : i32 to vector<16xi32>
        %add3A_674 = arith.constant 2 : i32
        %add3A_675 = vector.broadcast %add3A_674 : i32 to vector<16xi32>
        %add3A_676 = arith.addi %mul3A_396, %add3A_675 : vector<16xi32>
        %gather3A_677 = arith.constant 0 : i32
        %gather3A_678 = arith.constant 0 : i32
        %gather3A_679 = tpu.memref_slice %arg4[%rem3A_209, %gather3A_677, %gather3A_678] : memref<2x8x2050xf32, #tpu.memory_space<vmem>> -> memref<1x8x2050xf32, #tpu.memory_space<vmem>>
        %gather3A_680 = tpu.memref_squeeze %gather3A_679 : memref<1x8x2050xf32, #tpu.memory_space<vmem>> -> memref<8x2050xf32, #tpu.memory_space<vmem>>
        %gather3A_681 = tpu.vector_load_idx %gather3A_680[%broadcast_in_dim3A_673, %add3A_676] : memref<8x2050xf32, #tpu.memory_space<vmem>>[vector<16xi32>, vector<16xi32>], vector<16xf32>,
        %broadcast_in_dim3A_682 = arith.constant 5 : i32
        %broadcast_in_dim3A_683 = vector.broadcast %broadcast_in_dim3A_682 : i32 to vector<16xi32>
        %add3A_684 = arith.constant 2 : i32
        %add3A_685 = vector.broadcast %add3A_684 : i32 to vector<16xi32>
        %add3A_686 = arith.addi %mul3A_396, %add3A_685 : vector<16xi32>
        %gather3A_687 = arith.constant 0 : i32
        %gather3A_688 = arith.constant 0 : i32
        %gather3A_689 = tpu.memref_slice %arg4[%rem3A_209, %gather3A_687, %gather3A_688] : memref<2x8x2050xf32, #tpu.memory_space<vmem>> -> memref<1x8x2050xf32, #tpu.memory_space<vmem>>
        %gather3A_690 = tpu.memref_squeeze %gather3A_689 : memref<1x8x2050xf32, #tpu.memory_space<vmem>> -> memref<8x2050xf32, #tpu.memory_space<vmem>>
        %gather3A_691 = tpu.vector_load_idx %gather3A_690[%broadcast_in_dim3A_683, %add3A_686] : memref<8x2050xf32, #tpu.memory_space<vmem>>[vector<16xi32>, vector<16xi32>], vector<16xf32>,
        %pack3A_692 = tpu.pack_subelements %gather3A_681, %gather3A_691 {pack_format = #tpu.pack_format<interleaved>, positions = array<i32: 0, 1>} : vector<16xf32>, vector<16xf32> -> vector<32xbf16>
        %bitcast3A_693 = vector.bitcast %pack3A_692 : vector<32xbf16> to vector<16xi32>
        %broadcast_in_dim3A_694 = arith.constant 10 : i32
        %broadcast_in_dim3A_695 = vector.broadcast %broadcast_in_dim3A_694 : i32 to vector<16xi32>
        %scatter3A_696 = arith.constant 0 : i32
        %scatter3A_697 = arith.constant 0 : i32
        %scatter3A_698 = tpu.memref_slice %arg5[%rem3A_209, %scatter3A_696, %scatter3A_697] : memref<2x1024x16xi32, #tpu.memory_space<vmem>> -> memref<1x1024x16xi32, #tpu.memory_space<vmem>>
        %scatter3A_699 = tpu.memref_squeeze %scatter3A_698 : memref<1x1024x16xi32, #tpu.memory_space<vmem>> -> memref<1024x16xi32, #tpu.memory_space<vmem>>
        tpu.vector_store_idx %scatter3A_699[%add3A_393, %broadcast_in_dim3A_695], %bitcast3A_693 : memref<1024x16xi32, #tpu.memory_space<vmem>>[vector<16xi32>, vector<16xi32>], vector<16xi32>,
        %broadcast_in_dim3A_700 = arith.constant 6 : i32
        %broadcast_in_dim3A_701 = vector.broadcast %broadcast_in_dim3A_700 : i32 to vector<16xi32>
        %add3A_702 = arith.constant 2 : i32
        %add3A_703 = vector.broadcast %add3A_702 : i32 to vector<16xi32>
        %add3A_704 = arith.addi %mul3A_396, %add3A_703 : vector<16xi32>
        %gather3A_705 = arith.constant 0 : i32
        %gather3A_706 = arith.constant 0 : i32
        %gather3A_707 = tpu.memref_slice %arg4[%rem3A_209, %gather3A_705, %gather3A_706] : memref<2x8x2050xf32, #tpu.memory_space<vmem>> -> memref<1x8x2050xf32, #tpu.memory_space<vmem>>
        %gather3A_708 = tpu.memref_squeeze %gather3A_707 : memref<1x8x2050xf32, #tpu.memory_space<vmem>> -> memref<8x2050xf32, #tpu.memory_space<vmem>>
        %gather3A_709 = tpu.vector_load_idx %gather3A_708[%broadcast_in_dim3A_701, %add3A_704] : memref<8x2050xf32, #tpu.memory_space<vmem>>[vector<16xi32>, vector<16xi32>], vector<16xf32>,
        %broadcast_in_dim3A_710 = arith.constant 7 : i32
        %broadcast_in_dim3A_711 = vector.broadcast %broadcast_in_dim3A_710 : i32 to vector<16xi32>
        %add3A_712 = arith.constant 2 : i32
        %add3A_713 = vector.broadcast %add3A_712 : i32 to vector<16xi32>
        %add3A_714 = arith.addi %mul3A_396, %add3A_713 : vector<16xi32>
        %gather3A_715 = arith.constant 0 : i32
        %gather3A_716 = arith.constant 0 : i32
        %gather3A_717 = tpu.memref_slice %arg4[%rem3A_209, %gather3A_715, %gather3A_716] : memref<2x8x2050xf32, #tpu.memory_space<vmem>> -> memref<1x8x2050xf32, #tpu.memory_space<vmem>>
        %gather3A_718 = tpu.memref_squeeze %gather3A_717 : memref<1x8x2050xf32, #tpu.memory_space<vmem>> -> memref<8x2050xf32, #tpu.memory_space<vmem>>
        %gather3A_719 = tpu.vector_load_idx %gather3A_718[%broadcast_in_dim3A_711, %add3A_714] : memref<8x2050xf32, #tpu.memory_space<vmem>>[vector<16xi32>, vector<16xi32>], vector<16xf32>,
        %pack3A_720 = tpu.pack_subelements %gather3A_709, %gather3A_719 {pack_format = #tpu.pack_format<interleaved>, positions = array<i32: 0, 1>} : vector<16xf32>, vector<16xf32> -> vector<32xbf16>
        %bitcast3A_721 = vector.bitcast %pack3A_720 : vector<32xbf16> to vector<16xi32>
        %broadcast_in_dim3A_722 = arith.constant 11 : i32
        %broadcast_in_dim3A_723 = vector.broadcast %broadcast_in_dim3A_722 : i32 to vector<16xi32>
        %scatter3A_724 = arith.constant 0 : i32
        %scatter3A_725 = arith.constant 0 : i32
        %scatter3A_726 = tpu.memref_slice %arg5[%rem3A_209, %scatter3A_724, %scatter3A_725] : memref<2x1024x16xi32, #tpu.memory_space<vmem>> -> memref<1x1024x16xi32, #tpu.memory_space<vmem>>
        %scatter3A_727 = tpu.memref_squeeze %scatter3A_726 : memref<1x1024x16xi32, #tpu.memory_space<vmem>> -> memref<1024x16xi32, #tpu.memory_space<vmem>>
        tpu.vector_store_idx %scatter3A_727[%add3A_393, %broadcast_in_dim3A_723], %bitcast3A_721 : memref<1024x16xi32, #tpu.memory_space<vmem>>[vector<16xi32>, vector<16xi32>], vector<16xi32>,
        %broadcast_in_dim3A_728 = arith.constant 0 : i32
        %broadcast_in_dim3A_729 = vector.broadcast %broadcast_in_dim3A_728 : i32 to vector<16xi32>
        %add3A_730 = arith.constant 3 : i32
        %add3A_731 = vector.broadcast %add3A_730 : i32 to vector<16xi32>
        %add3A_732 = arith.addi %mul3A_396, %add3A_731 : vector<16xi32>
        %gather3A_733 = arith.constant 0 : i32
        %gather3A_734 = arith.constant 0 : i32
        %gather3A_735 = tpu.memref_slice %arg4[%rem3A_209, %gather3A_733, %gather3A_734] : memref<2x8x2050xf32, #tpu.memory_space<vmem>> -> memref<1x8x2050xf32, #tpu.memory_space<vmem>>
        %gather3A_736 = tpu.memref_squeeze %gather3A_735 : memref<1x8x2050xf32, #tpu.memory_space<vmem>> -> memref<8x2050xf32, #tpu.memory_space<vmem>>
        %gather3A_737 = tpu.vector_load_idx %gather3A_736[%broadcast_in_dim3A_729, %add3A_732] : memref<8x2050xf32, #tpu.memory_space<vmem>>[vector<16xi32>, vector<16xi32>], vector<16xf32>,
        %broadcast_in_dim3A_738 = arith.constant 1 : i32
        %broadcast_in_dim3A_739 = vector.broadcast %broadcast_in_dim3A_738 : i32 to vector<16xi32>
        %add3A_740 = arith.constant 3 : i32
        %add3A_741 = vector.broadcast %add3A_740 : i32 to vector<16xi32>
        %add3A_742 = arith.addi %mul3A_396, %add3A_741 : vector<16xi32>
        %gather3A_743 = arith.constant 0 : i32
        %gather3A_744 = arith.constant 0 : i32
        %gather3A_745 = tpu.memref_slice %arg4[%rem3A_209, %gather3A_743, %gather3A_744] : memref<2x8x2050xf32, #tpu.memory_space<vmem>> -> memref<1x8x2050xf32, #tpu.memory_space<vmem>>
        %gather3A_746 = tpu.memref_squeeze %gather3A_745 : memref<1x8x2050xf32, #tpu.memory_space<vmem>> -> memref<8x2050xf32, #tpu.memory_space<vmem>>
        %gather3A_747 = tpu.vector_load_idx %gather3A_746[%broadcast_in_dim3A_739, %add3A_742] : memref<8x2050xf32, #tpu.memory_space<vmem>>[vector<16xi32>, vector<16xi32>], vector<16xf32>,
        %pack3A_748 = tpu.pack_subelements %gather3A_737, %gather3A_747 {pack_format = #tpu.pack_format<interleaved>, positions = array<i32: 0, 1>} : vector<16xf32>, vector<16xf32> -> vector<32xbf16>
        %bitcast3A_749 = vector.bitcast %pack3A_748 : vector<32xbf16> to vector<16xi32>
        %broadcast_in_dim3A_750 = arith.constant 12 : i32
        %broadcast_in_dim3A_751 = vector.broadcast %broadcast_in_dim3A_750 : i32 to vector<16xi32>
        %scatter3A_752 = arith.constant 0 : i32
        %scatter3A_753 = arith.constant 0 : i32
        %scatter3A_754 = tpu.memref_slice %arg5[%rem3A_209, %scatter3A_752, %scatter3A_753] : memref<2x1024x16xi32, #tpu.memory_space<vmem>> -> memref<1x1024x16xi32, #tpu.memory_space<vmem>>
        %scatter3A_755 = tpu.memref_squeeze %scatter3A_754 : memref<1x1024x16xi32, #tpu.memory_space<vmem>> -> memref<1024x16xi32, #tpu.memory_space<vmem>>
        tpu.vector_store_idx %scatter3A_755[%add3A_393, %broadcast_in_dim3A_751], %bitcast3A_749 : memref<1024x16xi32, #tpu.memory_space<vmem>>[vector<16xi32>, vector<16xi32>], vector<16xi32>,
        %broadcast_in_dim3A_756 = arith.constant 2 : i32
        %broadcast_in_dim3A_757 = vector.broadcast %broadcast_in_dim3A_756 : i32 to vector<16xi32>
        %add3A_758 = arith.constant 3 : i32
        %add3A_759 = vector.broadcast %add3A_758 : i32 to vector<16xi32>
        %add3A_760 = arith.addi %mul3A_396, %add3A_759 : vector<16xi32>
        %gather3A_761 = arith.constant 0 : i32
        %gather3A_762 = arith.constant 0 : i32
        %gather3A_763 = tpu.memref_slice %arg4[%rem3A_209, %gather3A_761, %gather3A_762] : memref<2x8x2050xf32, #tpu.memory_space<vmem>> -> memref<1x8x2050xf32, #tpu.memory_space<vmem>>
        %gather3A_764 = tpu.memref_squeeze %gather3A_763 : memref<1x8x2050xf32, #tpu.memory_space<vmem>> -> memref<8x2050xf32, #tpu.memory_space<vmem>>
        %gather3A_765 = tpu.vector_load_idx %gather3A_764[%broadcast_in_dim3A_757, %add3A_760] : memref<8x2050xf32, #tpu.memory_space<vmem>>[vector<16xi32>, vector<16xi32>], vector<16xf32>,
        %broadcast_in_dim3A_766 = arith.constant 3 : i32
        %broadcast_in_dim3A_767 = vector.broadcast %broadcast_in_dim3A_766 : i32 to vector<16xi32>
        %add3A_768 = arith.constant 3 : i32
        %add3A_769 = vector.broadcast %add3A_768 : i32 to vector<16xi32>
        %add3A_770 = arith.addi %mul3A_396, %add3A_769 : vector<16xi32>
        %gather3A_771 = arith.constant 0 : i32
        %gather3A_772 = arith.constant 0 : i32
        %gather3A_773 = tpu.memref_slice %arg4[%rem3A_209, %gather3A_771, %gather3A_772] : memref<2x8x2050xf32, #tpu.memory_space<vmem>> -> memref<1x8x2050xf32, #tpu.memory_space<vmem>>
        %gather3A_774 = tpu.memref_squeeze %gather3A_773 : memref<1x8x2050xf32, #tpu.memory_space<vmem>> -> memref<8x2050xf32, #tpu.memory_space<vmem>>
        %gather3A_775 = tpu.vector_load_idx %gather3A_774[%broadcast_in_dim3A_767, %add3A_770] : memref<8x2050xf32, #tpu.memory_space<vmem>>[vector<16xi32>, vector<16xi32>], vector<16xf32>,
        %pack3A_776 = tpu.pack_subelements %gather3A_765, %gather3A_775 {pack_format = #tpu.pack_format<interleaved>, positions = array<i32: 0, 1>} : vector<16xf32>, vector<16xf32> -> vector<32xbf16>
        %bitcast3A_777 = vector.bitcast %pack3A_776 : vector<32xbf16> to vector<16xi32>
        %broadcast_in_dim3A_778 = arith.constant 13 : i32
        %broadcast_in_dim3A_779 = vector.broadcast %broadcast_in_dim3A_778 : i32 to vector<16xi32>
        %scatter3A_780 = arith.constant 0 : i32
        %scatter3A_781 = arith.constant 0 : i32
        %scatter3A_782 = tpu.memref_slice %arg5[%rem3A_209, %scatter3A_780, %scatter3A_781] : memref<2x1024x16xi32, #tpu.memory_space<vmem>> -> memref<1x1024x16xi32, #tpu.memory_space<vmem>>
        %scatter3A_783 = tpu.memref_squeeze %scatter3A_782 : memref<1x1024x16xi32, #tpu.memory_space<vmem>> -> memref<1024x16xi32, #tpu.memory_space<vmem>>
        tpu.vector_store_idx %scatter3A_783[%add3A_393, %broadcast_in_dim3A_779], %bitcast3A_777 : memref<1024x16xi32, #tpu.memory_space<vmem>>[vector<16xi32>, vector<16xi32>], vector<16xi32>,
        %broadcast_in_dim3A_784 = arith.constant 4 : i32
        %broadcast_in_dim3A_785 = vector.broadcast %broadcast_in_dim3A_784 : i32 to vector<16xi32>
        %add3A_786 = arith.constant 3 : i32
        %add3A_787 = vector.broadcast %add3A_786 : i32 to vector<16xi32>
        %add3A_788 = arith.addi %mul3A_396, %add3A_787 : vector<16xi32>
        %gather3A_789 = arith.constant 0 : i32
        %gather3A_790 = arith.constant 0 : i32
        %gather3A_791 = tpu.memref_slice %arg4[%rem3A_209, %gather3A_789, %gather3A_790] : memref<2x8x2050xf32, #tpu.memory_space<vmem>> -> memref<1x8x2050xf32, #tpu.memory_space<vmem>>
        %gather3A_792 = tpu.memref_squeeze %gather3A_791 : memref<1x8x2050xf32, #tpu.memory_space<vmem>> -> memref<8x2050xf32, #tpu.memory_space<vmem>>
        %gather3A_793 = tpu.vector_load_idx %gather3A_792[%broadcast_in_dim3A_785, %add3A_788] : memref<8x2050xf32, #tpu.memory_space<vmem>>[vector<16xi32>, vector<16xi32>], vector<16xf32>,
        %broadcast_in_dim3A_794 = arith.constant 5 : i32
        %broadcast_in_dim3A_795 = vector.broadcast %broadcast_in_dim3A_794 : i32 to vector<16xi32>
        %add3A_796 = arith.constant 3 : i32
        %add3A_797 = vector.broadcast %add3A_796 : i32 to vector<16xi32>
        %add3A_798 = arith.addi %mul3A_396, %add3A_797 : vector<16xi32>
        %gather3A_799 = arith.constant 0 : i32
        %gather3A_800 = arith.constant 0 : i32
        %gather3A_801 = tpu.memref_slice %arg4[%rem3A_209, %gather3A_799, %gather3A_800] : memref<2x8x2050xf32, #tpu.memory_space<vmem>> -> memref<1x8x2050xf32, #tpu.memory_space<vmem>>
        %gather3A_802 = tpu.memref_squeeze %gather3A_801 : memref<1x8x2050xf32, #tpu.memory_space<vmem>> -> memref<8x2050xf32, #tpu.memory_space<vmem>>
        %gather3A_803 = tpu.vector_load_idx %gather3A_802[%broadcast_in_dim3A_795, %add3A_798] : memref<8x2050xf32, #tpu.memory_space<vmem>>[vector<16xi32>, vector<16xi32>], vector<16xf32>,
        %pack3A_804 = tpu.pack_subelements %gather3A_793, %gather3A_803 {pack_format = #tpu.pack_format<interleaved>, positions = array<i32: 0, 1>} : vector<16xf32>, vector<16xf32> -> vector<32xbf16>
        %bitcast3A_805 = vector.bitcast %pack3A_804 : vector<32xbf16> to vector<16xi32>
        %broadcast_in_dim3A_806 = arith.constant 14 : i32
        %broadcast_in_dim3A_807 = vector.broadcast %broadcast_in_dim3A_806 : i32 to vector<16xi32>
        %scatter3A_808 = arith.constant 0 : i32
        %scatter3A_809 = arith.constant 0 : i32
        %scatter3A_810 = tpu.memref_slice %arg5[%rem3A_209, %scatter3A_808, %scatter3A_809] : memref<2x1024x16xi32, #tpu.memory_space<vmem>> -> memref<1x1024x16xi32, #tpu.memory_space<vmem>>
        %scatter3A_811 = tpu.memref_squeeze %scatter3A_810 : memref<1x1024x16xi32, #tpu.memory_space<vmem>> -> memref<1024x16xi32, #tpu.memory_space<vmem>>
        tpu.vector_store_idx %scatter3A_811[%add3A_393, %broadcast_in_dim3A_807], %bitcast3A_805 : memref<1024x16xi32, #tpu.memory_space<vmem>>[vector<16xi32>, vector<16xi32>], vector<16xi32>,
        %broadcast_in_dim3A_812 = arith.constant 6 : i32
        %broadcast_in_dim3A_813 = vector.broadcast %broadcast_in_dim3A_812 : i32 to vector<16xi32>
        %add3A_814 = arith.constant 3 : i32
        %add3A_815 = vector.broadcast %add3A_814 : i32 to vector<16xi32>
        %add3A_816 = arith.addi %mul3A_396, %add3A_815 : vector<16xi32>
        %gather3A_817 = arith.constant 0 : i32
        %gather3A_818 = arith.constant 0 : i32
        %gather3A_819 = tpu.memref_slice %arg4[%rem3A_209, %gather3A_817, %gather3A_818] : memref<2x8x2050xf32, #tpu.memory_space<vmem>> -> memref<1x8x2050xf32, #tpu.memory_space<vmem>>
        %gather3A_820 = tpu.memref_squeeze %gather3A_819 : memref<1x8x2050xf32, #tpu.memory_space<vmem>> -> memref<8x2050xf32, #tpu.memory_space<vmem>>
        %gather3A_821 = tpu.vector_load_idx %gather3A_820[%broadcast_in_dim3A_813, %add3A_816] : memref<8x2050xf32, #tpu.memory_space<vmem>>[vector<16xi32>, vector<16xi32>], vector<16xf32>,
        %broadcast_in_dim3A_822 = arith.constant 7 : i32
        %broadcast_in_dim3A_823 = vector.broadcast %broadcast_in_dim3A_822 : i32 to vector<16xi32>
        %add3A_824 = arith.constant 3 : i32
        %add3A_825 = vector.broadcast %add3A_824 : i32 to vector<16xi32>
        %add3A_826 = arith.addi %mul3A_396, %add3A_825 : vector<16xi32>
        %gather3A_827 = arith.constant 0 : i32
        %gather3A_828 = arith.constant 0 : i32
        %gather3A_829 = tpu.memref_slice %arg4[%rem3A_209, %gather3A_827, %gather3A_828] : memref<2x8x2050xf32, #tpu.memory_space<vmem>> -> memref<1x8x2050xf32, #tpu.memory_space<vmem>>
        %gather3A_830 = tpu.memref_squeeze %gather3A_829 : memref<1x8x2050xf32, #tpu.memory_space<vmem>> -> memref<8x2050xf32, #tpu.memory_space<vmem>>
        %gather3A_831 = tpu.vector_load_idx %gather3A_830[%broadcast_in_dim3A_823, %add3A_826] : memref<8x2050xf32, #tpu.memory_space<vmem>>[vector<16xi32>, vector<16xi32>], vector<16xf32>,
        %pack3A_832 = tpu.pack_subelements %gather3A_821, %gather3A_831 {pack_format = #tpu.pack_format<interleaved>, positions = array<i32: 0, 1>} : vector<16xf32>, vector<16xf32> -> vector<32xbf16>
        %bitcast3A_833 = vector.bitcast %pack3A_832 : vector<32xbf16> to vector<16xi32>
        %broadcast_in_dim3A_834 = arith.constant 15 : i32
        %broadcast_in_dim3A_835 = vector.broadcast %broadcast_in_dim3A_834 : i32 to vector<16xi32>
        %scatter3A_836 = arith.constant 0 : i32
        %scatter3A_837 = arith.constant 0 : i32
        %scatter3A_838 = tpu.memref_slice %arg5[%rem3A_209, %scatter3A_836, %scatter3A_837] : memref<2x1024x16xi32, #tpu.memory_space<vmem>> -> memref<1x1024x16xi32, #tpu.memory_space<vmem>>
        %scatter3A_839 = tpu.memref_squeeze %scatter3A_838 : memref<1x1024x16xi32, #tpu.memory_space<vmem>> -> memref<1024x16xi32, #tpu.memory_space<vmem>>
        tpu.vector_store_idx %scatter3A_839[%add3A_393, %broadcast_in_dim3A_835], %bitcast3A_833 : memref<1024x16xi32, #tpu.memory_space<vmem>>[vector<16xi32>, vector<16xi32>], vector<16xi32>,
      }
      %scan3A_325 = arith.constant 64 : i32
      %jit3A_326 = arith.constant 32 : i32
      %div3A_327 = arith.divsi %add3A_207, %jit3A_326 : i32
      %sign3A_328 = arith.constant 0 : i32
      %sign3A_329 = arith.cmpi sgt, %add3A_207, %sign3A_328 : i32
      %sign3A_330 = arith.extui %sign3A_329 : i1 to i32
      %sign3A_331 = arith.constant 0 : i32
      %sign3A_332 = arith.cmpi slt, %add3A_207, %sign3A_331 : i32
      %sign3A_333 = arith.extui %sign3A_332 : i1 to i32
      %sign3A_334 = arith.subi %sign3A_330, %sign3A_333 : i32
      %sign3A_335 = arith.constant 0 : i32
      %sign3A_336 = arith.cmpi sgt, %jit3A_326, %sign3A_335 : i32
      %sign3A_337 = arith.extui %sign3A_336 : i1 to i32
      %sign3A_338 = arith.constant 0 : i32
      %sign3A_339 = arith.cmpi slt, %jit3A_326, %sign3A_338 : i32
      %sign3A_340 = arith.extui %sign3A_339 : i1 to i32
      %sign3A_341 = arith.subi %sign3A_337, %sign3A_340 : i32
      %ne3A_342 = arith.cmpi ne, %sign3A_334, %sign3A_341 : i32
      %rem3A_343 = arith.remsi %add3A_207, %jit3A_326 : i32
      %ne3A_344 = arith.constant 0 : i32
      %ne3A_345 = arith.cmpi ne, %rem3A_343, %ne3A_344 : i32
      %and3A_346 = arith.andi %ne3A_342, %ne3A_345 : i1
      %sub3A_347 = arith.constant 1 : i32
      %sub3A_348 = arith.subi %div3A_327, %sub3A_347 : i32
      %select_n3A_349 = arith.select %and3A_346, %sub3A_348, %div3A_327 : i32
      %mul3A_350 = arith.constant 32768 : i32
      %mul3A_351 = arith.muli %select_n3A_349, %mul3A_350 : i32
      %jit3A_352 = arith.constant 32 : i32
      %eq3A_353 = arith.constant 0 : i32
      %eq3A_354 = arith.cmpi eq, %jit3A_352, %eq3A_353 : i32
      %jit3A_355 = arith.constant 1 : i32
      %select_n3A_356 = arith.select %eq3A_354, %jit3A_355, %jit3A_352 : i32
      %rem3A_357 = arith.remsi %add3A_207, %select_n3A_356 : i32
      %ne3A_358 = arith.constant 0 : i32
      %ne3A_359 = arith.cmpi ne, %rem3A_357, %ne3A_358 : i32
      %lt3A_360 = arith.constant 0 : i32
      %lt3A_361 = arith.cmpi slt, %rem3A_357, %lt3A_360 : i32
      %lt3A_362 = arith.constant 0 : i32
      %lt3A_363 = arith.cmpi slt, %select_n3A_356, %lt3A_362 : i32
      %ne3A_364 = arith.xori %lt3A_361, %lt3A_363 : i1
      %and3A_365 = arith.andi %ne3A_364, %ne3A_359 : i1
      %add3A_366 = arith.addi %rem3A_357, %select_n3A_356 : i32
      %select_n3A_367 = arith.select %and3A_365, %add3A_366, %rem3A_357 : i32
      %mul3A_368 = arith.constant 1024 : i32
      %mul3A_369 = arith.muli %select_n3A_367, %mul3A_368 : i32
      %add3A_370 = arith.addi %mul3A_351, %mul3A_369 : i32
      %dma_start3A_371 = arith.constant 0 : i32
      %dma_start3A_372 = arith.constant 0 : i32
      %dma_start3A_373 = tpu.memref_slice %arg5[%rem3A_209, %dma_start3A_371, %dma_start3A_372] : memref<2x1024x16xi32, #tpu.memory_space<vmem>> -> memref<1x1024x16xi32, #tpu.memory_space<vmem>>
      %dma_start3A_374 = tpu.memref_squeeze %dma_start3A_373 : memref<1x1024x16xi32, #tpu.memory_space<vmem>> -> memref<1024x16xi32, #tpu.memory_space<vmem>>
      %dma_start3A_375 = arith.constant 0 : i32
      %dma_start3A_376 = tpu.memref_slice %arg3[%add3A_370, %dma_start3A_375] : memref<1179648x16xi32, #tpu.memory_space<hbm>> -> memref<1024x16xi32, #tpu.memory_space<hbm>>
      %dma_start3A_377 = tpu.memref_slice %arg7[%rem3A_209] : memref<2x!tpu.dma_semaphore, #tpu.memory_space<semaphore_mem>> -> memref<1x!tpu.dma_semaphore, #tpu.memory_space<semaphore_mem>>
      %dma_start3A_378 = tpu.memref_squeeze %dma_start3A_377 : memref<1x!tpu.dma_semaphore, #tpu.memory_space<semaphore_mem>> -> memref<!tpu.dma_semaphore, #tpu.memory_space<semaphore_mem>>
      %dma_start3A_379 = arith.constant 0 : i32
      %dma_start3A_380 = tpu.memref_slice %arg3[%add3A_370, %dma_start3A_379] : memref<1179648x16xi32, #tpu.memory_space<hbm>> -> memref<1024x16xi32, #tpu.memory_space<hbm>>
      %dma_start3A_381 = arith.constant 0 : i32
      %dma_start3A_382 = arith.constant 0 : i32
      %dma_start3A_383 = tpu.memref_slice %arg5[%rem3A_209, %dma_start3A_381, %dma_start3A_382] : memref<2x1024x16xi32, #tpu.memory_space<vmem>> -> memref<1x1024x16xi32, #tpu.memory_space<vmem>>
      %dma_start3A_384 = tpu.memref_squeeze %dma_start3A_383 : memref<1x1024x16xi32, #tpu.memory_space<vmem>> -> memref<1024x16xi32, #tpu.memory_space<vmem>>
      tpu.enqueue_dma source(%dma_start3A_384 : memref<1024x16xi32, #tpu.memory_space<vmem>>) target(%dma_start3A_380 : memref<1024x16xi32, #tpu.memory_space<hbm>>) target_semaphore(%dma_start3A_378 : memref<!tpu.dma_semaphore, #tpu.memory_space<semaphore_mem>>)
    }
    %scan3A_80 = arith.constant 36 : i32
    %jit3A_81 = arith.constant 32 : i32
    %div3A_82 = arith.divsi %mul3A_2, %jit3A_81 : i32
    %sign3A_83 = arith.constant 0 : i32
    %sign3A_84 = arith.cmpi sgt, %mul3A_2, %sign3A_83 : i32
    %sign3A_85 = arith.extui %sign3A_84 : i1 to i32
    %sign3A_86 = arith.constant 0 : i32
    %sign3A_87 = arith.cmpi slt, %mul3A_2, %sign3A_86 : i32
    %sign3A_88 = arith.extui %sign3A_87 : i1 to i32
    %sign3A_89 = arith.subi %sign3A_85, %sign3A_88 : i32
    %sign3A_90 = arith.constant 0 : i32
    %sign3A_91 = arith.cmpi sgt, %jit3A_81, %sign3A_90 : i32
    %sign3A_92 = arith.extui %sign3A_91 : i1 to i32
    %sign3A_93 = arith.constant 0 : i32
    %sign3A_94 = arith.cmpi slt, %jit3A_81, %sign3A_93 : i32
    %sign3A_95 = arith.extui %sign3A_94 : i1 to i32
    %sign3A_96 = arith.subi %sign3A_92, %sign3A_95 : i32
    %ne3A_97 = arith.cmpi ne, %sign3A_89, %sign3A_96 : i32
    %rem3A_98 = arith.remsi %mul3A_2, %jit3A_81 : i32
    %ne3A_99 = arith.constant 0 : i32
    %ne3A_100 = arith.cmpi ne, %rem3A_98, %ne3A_99 : i32
    %and3A_101 = arith.andi %ne3A_97, %ne3A_100 : i1
    %sub3A_102 = arith.constant 1 : i32
    %sub3A_103 = arith.subi %div3A_82, %sub3A_102 : i32
    %select_n3A_104 = arith.select %and3A_101, %sub3A_103, %div3A_82 : i32
    %mul3A_105 = arith.constant 32768 : i32
    %mul3A_106 = arith.muli %select_n3A_104, %mul3A_105 : i32
    %jit3A_107 = arith.constant 32 : i32
    %eq3A_108 = arith.constant 0 : i32
    %eq3A_109 = arith.cmpi eq, %jit3A_107, %eq3A_108 : i32
    %jit3A_110 = arith.constant 1 : i32
    %select_n3A_111 = arith.select %eq3A_109, %jit3A_110, %jit3A_107 : i32
    %rem3A_112 = arith.remsi %mul3A_2, %select_n3A_111 : i32
    %ne3A_113 = arith.constant 0 : i32
    %ne3A_114 = arith.cmpi ne, %rem3A_112, %ne3A_113 : i32
    %lt3A_115 = arith.constant 0 : i32
    %lt3A_116 = arith.cmpi slt, %rem3A_112, %lt3A_115 : i32
    %lt3A_117 = arith.constant 0 : i32
    %lt3A_118 = arith.cmpi slt, %select_n3A_111, %lt3A_117 : i32
    %ne3A_119 = arith.xori %lt3A_116, %lt3A_118 : i1
    %and3A_120 = arith.andi %ne3A_119, %ne3A_114 : i1
    %add3A_121 = arith.addi %rem3A_112, %select_n3A_111 : i32
    %select_n3A_122 = arith.select %and3A_120, %add3A_121, %rem3A_112 : i32
    %mul3A_123 = arith.constant 1024 : i32
    %mul3A_124 = arith.muli %select_n3A_122, %mul3A_123 : i32
    %add3A_125 = arith.addi %mul3A_106, %mul3A_124 : i32
    %dma_wait3A = arith.constant 0 : i32
    %dma_wait3A_126 = arith.constant 0 : i32
    %dma_wait3A_127 = arith.constant 0 : i32
    %dma_wait3A_128 = arith.constant 0 : i32
    %dma_wait3A_129 = tpu.memref_slice %arg5[%dma_wait3A, %dma_wait3A_127, %dma_wait3A_128] : memref<2x1024x16xi32, #tpu.memory_space<vmem>> -> memref<1x1024x16xi32, #tpu.memory_space<vmem>>
    %dma_wait3A_130 = tpu.memref_squeeze %dma_wait3A_129 : memref<1x1024x16xi32, #tpu.memory_space<vmem>> -> memref<1024x16xi32, #tpu.memory_space<vmem>>
    %dma_wait3A_131 = arith.constant 0 : i32
    %dma_wait3A_132 = tpu.memref_slice %arg3[%add3A_125, %dma_wait3A_131] : memref<1179648x16xi32, #tpu.memory_space<hbm>> -> memref<1024x16xi32, #tpu.memory_space<hbm>>
    %dma_wait3A_133 = tpu.memref_slice %arg7[%dma_wait3A_126] : memref<2x!tpu.dma_semaphore, #tpu.memory_space<semaphore_mem>> -> memref<1x!tpu.dma_semaphore, #tpu.memory_space<semaphore_mem>>
    %dma_wait3A_134 = tpu.memref_squeeze %dma_wait3A_133 : memref<1x!tpu.dma_semaphore, #tpu.memory_space<semaphore_mem>> -> memref<!tpu.dma_semaphore, #tpu.memory_space<semaphore_mem>>
    %dma_wait3A_135 = arith.constant 0 : i32
    %dma_wait3A_136 = tpu.memref_slice %arg3[%add3A_125, %dma_wait3A_135] : memref<1179648x16xi32, #tpu.memory_space<hbm>> -> memref<1024x16xi32, #tpu.memory_space<hbm>>
    %dma_wait3A_137 = arith.constant 0 : i32
    %dma_wait3A_138 = arith.constant 0 : i32
    %dma_wait3A_139 = tpu.memref_slice %arg5[%dma_wait3A, %dma_wait3A_137, %dma_wait3A_138] : memref<2x1024x16xi32, #tpu.memory_space<vmem>> -> memref<1x1024x16xi32, #tpu.memory_space<vmem>>
    %dma_wait3A_140 = tpu.memref_squeeze %dma_wait3A_139 : memref<1x1024x16xi32, #tpu.memory_space<vmem>> -> memref<1024x16xi32, #tpu.memory_space<vmem>>
    tpu.wait_dma2 semaphore(%dma_wait3A_134 : memref<!tpu.dma_semaphore, #tpu.memory_space<semaphore_mem>>) src(%dma_wait3A_140 : memref<1024x16xi32, #tpu.memory_space<vmem>>) dst(%dma_wait3A_136 : memref<1024x16xi32, #tpu.memory_space<hbm>>)
    %jit3A_141 = arith.constant 32 : i32
    %div3A_142 = arith.divsi %mul3A_2, %jit3A_141 : i32
    %sign3A_143 = arith.constant 0 : i32
    %sign3A_144 = arith.cmpi sgt, %mul3A_2, %sign3A_143 : i32
    %sign3A_145 = arith.extui %sign3A_144 : i1 to i32
    %sign3A_146 = arith.constant 0 : i32
    %sign3A_147 = arith.cmpi slt, %mul3A_2, %sign3A_146 : i32
    %sign3A_148 = arith.extui %sign3A_147 : i1 to i32
    %sign3A_149 = arith.subi %sign3A_145, %sign3A_148 : i32
    %sign3A_150 = arith.constant 0 : i32
    %sign3A_151 = arith.cmpi sgt, %jit3A_141, %sign3A_150 : i32
    %sign3A_152 = arith.extui %sign3A_151 : i1 to i32
    %sign3A_153 = arith.constant 0 : i32
    %sign3A_154 = arith.cmpi slt, %jit3A_141, %sign3A_153 : i32
    %sign3A_155 = arith.extui %sign3A_154 : i1 to i32
    %sign3A_156 = arith.subi %sign3A_152, %sign3A_155 : i32
    %ne3A_157 = arith.cmpi ne, %sign3A_149, %sign3A_156 : i32
    %rem3A_158 = arith.remsi %mul3A_2, %jit3A_141 : i32
    %ne3A_159 = arith.constant 0 : i32
    %ne3A_160 = arith.cmpi ne, %rem3A_158, %ne3A_159 : i32
    %and3A_161 = arith.andi %ne3A_157, %ne3A_160 : i1
    %sub3A_162 = arith.constant 1 : i32
    %sub3A_163 = arith.subi %div3A_142, %sub3A_162 : i32
    %select_n3A_164 = arith.select %and3A_161, %sub3A_163, %div3A_142 : i32
    %mul3A_165 = arith.constant 32768 : i32
    %mul3A_166 = arith.muli %select_n3A_164, %mul3A_165 : i32
    %jit3A_167 = arith.constant 32 : i32
    %eq3A_168 = arith.constant 0 : i32
    %eq3A_169 = arith.cmpi eq, %jit3A_167, %eq3A_168 : i32
    %jit3A_170 = arith.constant 1 : i32
    %select_n3A_171 = arith.select %eq3A_169, %jit3A_170, %jit3A_167 : i32
    %rem3A_172 = arith.remsi %mul3A_2, %select_n3A_171 : i32
    %ne3A_173 = arith.constant 0 : i32
    %ne3A_174 = arith.cmpi ne, %rem3A_172, %ne3A_173 : i32
    %lt3A_175 = arith.constant 0 : i32
    %lt3A_176 = arith.cmpi slt, %rem3A_172, %lt3A_175 : i32
    %lt3A_177 = arith.constant 0 : i32
    %lt3A_178 = arith.cmpi slt, %select_n3A_171, %lt3A_177 : i32
    %ne3A_179 = arith.xori %lt3A_176, %lt3A_178 : i1
    %and3A_180 = arith.andi %ne3A_179, %ne3A_174 : i1
    %add3A_181 = arith.addi %rem3A_172, %select_n3A_171 : i32
    %select_n3A_182 = arith.select %and3A_180, %add3A_181, %rem3A_172 : i32
    %mul3A_183 = arith.constant 1024 : i32
    %mul3A_184 = arith.muli %select_n3A_182, %mul3A_183 : i32
    %add3A_185 = arith.addi %mul3A_166, %mul3A_184 : i32
    %dma_wait3A_186 = arith.constant 1 : i32
    %dma_wait3A_187 = arith.constant 1 : i32
    %dma_wait3A_188 = arith.constant 0 : i32
    %dma_wait3A_189 = arith.constant 0 : i32
    %dma_wait3A_190 = tpu.memref_slice %arg5[%dma_wait3A_186, %dma_wait3A_188, %dma_wait3A_189] : memref<2x1024x16xi32, #tpu.memory_space<vmem>> -> memref<1x1024x16xi32, #tpu.memory_space<vmem>>
    %dma_wait3A_191 = tpu.memref_squeeze %dma_wait3A_190 : memref<1x1024x16xi32, #tpu.memory_space<vmem>> -> memref<1024x16xi32, #tpu.memory_space<vmem>>
    %dma_wait3A_192 = arith.constant 0 : i32
    %dma_wait3A_193 = tpu.memref_slice %arg3[%add3A_185, %dma_wait3A_192] : memref<1179648x16xi32, #tpu.memory_space<hbm>> -> memref<1024x16xi32, #tpu.memory_space<hbm>>
    %dma_wait3A_194 = tpu.memref_slice %arg7[%dma_wait3A_187] : memref<2x!tpu.dma_semaphore, #tpu.memory_space<semaphore_mem>> -> memref<1x!tpu.dma_semaphore, #tpu.memory_space<semaphore_mem>>
    %dma_wait3A_195 = tpu.memref_squeeze %dma_wait3A_194 : memref<1x!tpu.dma_semaphore, #tpu.memory_space<semaphore_mem>> -> memref<!tpu.dma_semaphore, #tpu.memory_space<semaphore_mem>>
    %dma_wait3A_196 = arith.constant 0 : i32
    %dma_wait3A_197 = tpu.memref_slice %arg3[%add3A_185, %dma_wait3A_196] : memref<1179648x16xi32, #tpu.memory_space<hbm>> -> memref<1024x16xi32, #tpu.memory_space<hbm>>
    %dma_wait3A_198 = arith.constant 0 : i32
    %dma_wait3A_199 = arith.constant 0 : i32
    %dma_wait3A_200 = tpu.memref_slice %arg5[%dma_wait3A_186, %dma_wait3A_198, %dma_wait3A_199] : memref<2x1024x16xi32, #tpu.memory_space<vmem>> -> memref<1x1024x16xi32, #tpu.memory_space<vmem>>
    %dma_wait3A_201 = tpu.memref_squeeze %dma_wait3A_200 : memref<1x1024x16xi32, #tpu.memory_space<vmem>> -> memref<1024x16xi32, #tpu.memory_space<vmem>>
    tpu.wait_dma2 semaphore(%dma_wait3A_195 : memref<!tpu.dma_semaphore, #tpu.memory_space<semaphore_mem>>) src(%dma_wait3A_201 : memref<1024x16xi32, #tpu.memory_space<vmem>>) dst(%dma_wait3A_197 : memref<1024x16xi32, #tpu.memory_space<hbm>>)
    return
  }
}

module attributes {stable_mosaic.version = 14 : i64} {
  func.func @_prep_body(%arg0: i32, %arg1: memref<6xf32, #tpu.memory_space<smem>>, %arg2: memref<3x2048xf32, #tpu.memory_space<vmem>>, %arg3: memref<36x2048xi32, #tpu.memory_space<vmem>>, %arg4: memref<36x2048xf32, #tpu.memory_space<vmem>>) attributes {dimension_semantics = [#tpu.dimension_semantics<arbitrary>], iteration_bounds = array<i64: 64>, scalar_prefetch = 0 : i64, scratch_operands = 0 : i64, tpu.core_type = #tpu.core_type<tc>, window_params = [{transform_indices = @transform_0, window_bounds = array<i64: 6>}, {transform_indices = @transform_1, window_bounds = array<i64: 3, 2048>}, {transform_indices = @transform_2, window_bounds = array<i64: 36, 2048>}, {transform_indices = @transform_3, window_bounds = array<i64: 36, 2048>}]} {
    %get3A = arith.constant 0 : index
    %get3A_0 = arith.constant 0 : index
    %get3A_1 = vector.load %arg2[%get3A, %get3A_0] : memref<3x2048xf32, #tpu.memory_space<vmem>>, vector<3x2048xf32>
    %get3A_2 = arith.constant 0 : index
    %get3A_3 = memref.load %arg1[%get3A_2] : memref<6xf32, #tpu.memory_space<smem>>
    %mul3A = vector.broadcast %get3A_3 : f32 to vector<3x2048xf32>
    %mul3A_4 = arith.mulf %get3A_1, %mul3A : vector<3x2048xf32>
    %sin3A = math.sin %mul3A_4 : vector<3x2048xf32>
    %cos3A = math.cos %mul3A_4 : vector<3x2048xf32>
    %get3A_5 = arith.constant 1 : index
    %get3A_6 = memref.load %arg1[%get3A_5] : memref<6xf32, #tpu.memory_space<smem>>
    %mul3A_7 = vector.broadcast %get3A_6 : f32 to vector<3x2048xf32>
    %mul3A_8 = arith.mulf %get3A_1, %mul3A_7 : vector<3x2048xf32>
    %sin3A_9 = math.sin %mul3A_8 : vector<3x2048xf32>
    %cos3A_10 = math.cos %mul3A_8 : vector<3x2048xf32>
    %get3A_11 = arith.constant 2 : index
    %get3A_12 = memref.load %arg1[%get3A_11] : memref<6xf32, #tpu.memory_space<smem>>
    %mul3A_13 = vector.broadcast %get3A_12 : f32 to vector<3x2048xf32>
    %mul3A_14 = arith.mulf %get3A_1, %mul3A_13 : vector<3x2048xf32>
    %sin3A_15 = math.sin %mul3A_14 : vector<3x2048xf32>
    %cos3A_16 = math.cos %mul3A_14 : vector<3x2048xf32>
    %get3A_17 = arith.constant 3 : index
    %get3A_18 = memref.load %arg1[%get3A_17] : memref<6xf32, #tpu.memory_space<smem>>
    %mul3A_19 = vector.broadcast %get3A_18 : f32 to vector<3x2048xf32>
    %mul3A_20 = arith.mulf %get3A_1, %mul3A_19 : vector<3x2048xf32>
    %sin3A_21 = math.sin %mul3A_20 : vector<3x2048xf32>
    %cos3A_22 = math.cos %mul3A_20 : vector<3x2048xf32>
    %get3A_23 = arith.constant 4 : index
    %get3A_24 = memref.load %arg1[%get3A_23] : memref<6xf32, #tpu.memory_space<smem>>
    %mul3A_25 = vector.broadcast %get3A_24 : f32 to vector<3x2048xf32>
    %mul3A_26 = arith.mulf %get3A_1, %mul3A_25 : vector<3x2048xf32>
    %sin3A_27 = math.sin %mul3A_26 : vector<3x2048xf32>
    %cos3A_28 = math.cos %mul3A_26 : vector<3x2048xf32>
    %get3A_29 = arith.constant 5 : index
    %get3A_30 = memref.load %arg1[%get3A_29] : memref<6xf32, #tpu.memory_space<smem>>
    %mul3A_31 = vector.broadcast %get3A_30 : f32 to vector<3x2048xf32>
    %mul3A_32 = arith.mulf %get3A_1, %mul3A_31 : vector<3x2048xf32>
    %sin3A_33 = math.sin %mul3A_32 : vector<3x2048xf32>
    %cos3A_34 = math.cos %mul3A_32 : vector<3x2048xf32>
    %concatenate3A = tpu.concatenate %sin3A, %cos3A, %sin3A_9, %cos3A_10, %sin3A_15, %cos3A_16, %sin3A_21, %cos3A_22, %sin3A_27, %cos3A_28, %sin3A_33, %cos3A_34 in 0 : vector<3x2048xf32>, vector<3x2048xf32>, vector<3x2048xf32>, vector<3x2048xf32>, vector<3x2048xf32>, vector<3x2048xf32>, vector<3x2048xf32>, vector<3x2048xf32>, vector<3x2048xf32>, vector<3x2048xf32>, vector<3x2048xf32>, vector<3x2048xf32> -> vector<36x2048xf32>
    %add3A = arith.constant 1.000000e+00 : f32
    %add3A_35 = vector.broadcast %add3A : f32 to vector<36x2048xf32>
    %add3A_36 = arith.addf %concatenate3A, %add3A_35 : vector<36x2048xf32>
    %mul3A_37 = arith.constant 3.276750e+04 : f32
    %mul3A_38 = vector.broadcast %mul3A_37 : f32 to vector<36x2048xf32>
    %mul3A_39 = arith.mulf %add3A_36, %mul3A_38 : vector<36x2048xf32>
    %floor3A = math.floor %mul3A_39 : vector<36x2048xf32>
    %sub3A = arith.subf %mul3A_39, %floor3A : vector<36x2048xf32>
    %swap3A = arith.constant 0 : index
    %swap3A_40 = arith.constant 0 : index
    %swap3A_41 = vector.load %arg4[%swap3A, %swap3A_40] : memref<36x2048xf32, #tpu.memory_space<vmem>>, vector<36x2048xf32>
    tpu.vector_store %arg4[%swap3A, %swap3A_40], %sub3A {strides = array<i32>} : memref<36x2048xf32, #tpu.memory_space<vmem>>, vector<36x2048xf32>,
    %jit3A = arith.constant 0.000000e+00 : f32
    %jit3A_42 = arith.constant 6.553500e+04 : f32
    %max3A = vector.broadcast %jit3A : f32 to vector<36x2048xf32>
    %max3A_43 = arith.maximumf %max3A, %floor3A : vector<36x2048xf32>
    %min3A = vector.broadcast %jit3A_42 : f32 to vector<36x2048xf32>
    %min3A_44 = arith.minimumf %min3A, %max3A_43 : vector<36x2048xf32>
    %convert_element_type3A = arith.fptosi %min3A_44 : vector<36x2048xf32> to vector<36x2048xi32>
    %iota3A = tpu.iota {dimensions = array<i32: 0>} : vector<36x2048xi32>
    %mul3A_45 = arith.constant 65536 : i32
    %mul3A_46 = vector.broadcast %mul3A_45 : i32 to vector<36x2048xi32>
    %mul3A_47 = arith.muli %iota3A, %mul3A_46 : vector<36x2048xi32>
    %add3A_48 = arith.addi %convert_element_type3A, %mul3A_47 : vector<36x2048xi32>
    %swap3A_49 = arith.constant 0 : index
    %swap3A_50 = arith.constant 0 : index
    %swap3A_51 = vector.load %arg3[%swap3A_49, %swap3A_50] : memref<36x2048xi32, #tpu.memory_space<vmem>>, vector<36x2048xi32>
    tpu.vector_store %arg3[%swap3A_49, %swap3A_50], %add3A_48 {strides = array<i32>} : memref<36x2048xi32, #tpu.memory_space<vmem>>, vector<36x2048xi32>,
    return
  }
  func.func @transform_0(%arg0: i32) -> i32 {
    %c0_i32 = arith.constant 0 : i32
    %c0_i32_0 = arith.constant 0 : i32
    return %c0_i32 : i32
  }
  func.func @transform_1(%arg0: i32) -> (i32, i32) {
    %c0_i32 = arith.constant 0 : i32
    %c0_i32_0 = arith.constant 0 : i32
    return %c0_i32, %arg0 : i32, i32
  }
  func.func @transform_2(%arg0: i32) -> (i32, i32) {
    %c0_i32 = arith.constant 0 : i32
    %c0_i32_0 = arith.constant 0 : i32
    return %c0_i32, %arg0 : i32, i32
  }
  func.func @transform_3(%arg0: i32) -> (i32, i32) {
    %c0_i32 = arith.constant 0 : i32
    %c0_i32_0 = arith.constant 0 : i32
    return %c0_i32, %arg0 : i32, i32
  }
}

</mosaic_0001>

<sc_bundles>
// kernel: kernel.5.cloned.1.call-start
scs
__scs_entry_jumppad:
0x0: {  	(pc) =	sbr.rel $0x88, $3  }
0x1: {  	(tag) =	ssettag $0x0;
	lr =	simm.s32 $0x1  }
0x2: {  	[smem:$0x3F9E] =	sst lr;
	_ =	strace $0xD0000000  }
0x3: {  	_ = 	snop  }
0x4: {  	_ = 	snop  }
0x5: {  	_ = 	snop  }
0x6: {  	_ = 	snop  }
0x7: {  	_ = 	snop  }
__scs_overlays_trampoline_lowered:
0x8: {  	[smem:$0x3FAD] =	sst s0  }
0x9: {  	[smem:$0x3FAE] =	sst s1  }
0xa: {  	[smem:$0x3FAF] =	sst s2  }
0xb: {  	[smem:$0x3FB0] =	sst s3  }
0xc: {  	[smem:$0x3FB1] =	sst s4  }
0xd: {  	[smem:$0x3FB2] =	sst s5  }
0xe: {  	[smem:$0x3FB3] =	sst s6  }
0xf: {  	[smem:$0x3FB4] =	sst s7  }
0x10: {  	[smem:$0x3FB5] =	sst s8  }
0x11: {  	[smem:$0x3FB6] =	sst s9;
	s0 =	simm.s32 @!p0 $0x0  }
0x12: {  	s1 =	sld [smem:$0x3F9C];
	s0 =	simm.s32 @p0 $0x1  }
0x13: {  	[smem:$0x3FB7] =	sst s0;
	s0 =	simm.s32 @!p1 $0x0  }
0x14: {  	s2 =	sld [smem:$0x3F9B];
	s0 =	simm.s32 @p1 $0x1  }
0x15: {  	[smem:$0x3FB8] =	sst s0;
	s0 =	simm.s32 @!p2 $0x0  }
0x16: {  	s3 =	sld [smem:$0x3FDB];
	s0 =	simm.s32 @p2 $0x1  }
0x17: {  	s4 =	simm.s32 $0x1BF5;
	[smem:$0x3FBA] =	sst s0  }
0x18: {  	s0 =	sld [smem:$0x3F9D];
	_ =	swait.ge [sflag:s4], $0x0  }
0x19: {  	s7 =	sld [smem:$0x3F9E]  }
0x1a: {  	s8 =	sadd.s32 $0xFFFFE003, lr  }
0x1b: {  	s9 =	sadd.s32 $0xFFFFFEF7, lr;
	s5 =	simm.s32 $0xFFFFFFFF;
	p2 =	slt.u32 s8, $0xFFFFF086  }
0x1c: {  	p1 =	slt.u32 s9, $0xF7A;
	s5 =	simm.s32 @!p2 $0x0  }
0x1d: {  	s5 =	simm.s32 @p1 $0x1;
	p0 =	seq.s32 s7, s2  }
0x1e: {  	s7 =	smul.u32 @!p0 $0xF7A, s2;
	p2 =	seq.s32 @!p0 s5, $0x0  }
0x1f: {  	s9 =	smul.u32 $0xF7A, s1;
	s8 =	simm.s32 @!p0 $0x1BF5;
	p2 =	por !p2, p0  }
0x20: {  	[sflag:s8] =	ssyncset.s32 @!p0 $0xFFFFF086;
	s6 =	sadd.s32 @!p0 s3, s7;
	s7 =	simm.s32 @!p0 $0x108  }
0x21: {  	s3 =	sadd.s32 s3, s9;
	s6 =	sadd.s32 @!p0 $0x88, s6;
	s7 =	simm.s32 @p2 $0x1082  }
0x22: {  	[simem:s7], [sflag:s8] =	dma.local @!p0 [hbm:s6], $0xF7A  }
0x23: {  	s9 =	sor.u32 $0xD0000000, s2;
	s6 =	simm.s32 $0x108;
	_ =	swait.ge @!p0 [sflag:s8], $0x0  }
0x24: {  	s3 =	sadd.s32 $0x88, s3;
	s6 =	simm.s32 @!p1 $0x1082;
	[sflag:s4] =	ssyncset.s32 $0xFFFFF086  }
0x25: {  	[simem:s6], [sflag:s4] =	dma.local [hbm:s3], $0xF7A  }
0x26: {  	[smem:$0x3F9E] =	sst s1;
	(tag) =	ssettag s2;
	_ =	strace s9  }
0x27: {  	s1 =	sld [smem:$0x3FAE]  }
0x28: {  	s2 =	sld [smem:$0x3FAF]  }
0x29: {  	s4 =	sld [smem:$0x3FB1]  }
0x2a: {  	p0 =	seq.s32 s5, $0x0;
	s5 =	sld [smem:$0x3FB2]  }
0x2b: {  	s6 =	sld [smem:$0x3FB3]  }
0x2c: {  	s7 =	sld [smem:$0x3FB4]  }
0x2d: {  	s3 =	simm.s32 $0x108;
	s8 =	sld [smem:$0x3FB5]  }
0x2e: {  	s3 =	simm.s32 @!p0 $0x1082;
	s9 =	sld [smem:$0x3FB6]  }
0x2f: {  	lr =	sadd.s32 s0, s3;
	s0 =	sld [smem:$0x3FAD]  }
0x30: {  	s3 =	sld [smem:$0x3FB0]  }
0x31: {  	[smem:$0x3FB9] =	sst s10  }
0x32: {  	s10 =	sld [smem:$0x3FB7];
	_ =	sdelay $0x3  }
0x33: {  	p0 =	seq.s32 s10, $0x1;
	s10 =	sld [smem:$0x3FB9];
	_ =	sdelay $0x3  }
0x34: {  	[smem:$0x3FB9] =	sst s10  }
0x35: {  	s10 =	sld [smem:$0x3FB8];
	_ =	sdelay $0x3  }
0x36: {  	p1 =	seq.s32 s10, $0x1;
	s10 =	sld [smem:$0x3FB9];
	_ =	sdelay $0x3  }
0x37: {  	[smem:$0x3FB9] =	sst s10  }
0x38: {  	s10 =	sld [smem:$0x3FBA]  }
0x39: {  	_ = 	snop;
	(pc) =	sbr.ind lr, $3  }
0x3a: {  	_ = 	snop  }
0x3b: {  	_ = 	snop  }
0x3c: {  	p2 =	seq.s32 s10, $0x1;
	s10 =	sld [smem:$0x3FB9]  }
0x3d: {  	_ =	shalt  }
0x3e: {  	_ =	shalt  }
0x3f: {  	_ =	shalt  }
0x40: {  	_ =	shalt  }
0x41: {  	_ =	shalt  }
0x42: {  	_ =	shalt  }
0x43: {  	_ =	shalt  }
0x44: {  	_ =	shalt  }
0x45: {  	_ =	shalt  }
0x46: {  	_ =	shalt  }
0x47: {  	_ =	shalt  }
0x48: {  	_ =	shalt  }
0x49: {  	_ =	shalt  }
0x4a: {  	_ =	shalt  }
0x4b: {  	_ =	shalt  }
0x4c: {  	_ =	shalt  }
0x4d: {  	_ =	shalt  }
0x4e: {  	_ =	shalt  }
0x4f: {  	_ =	shalt  }
0x50: {  	_ =	shalt  }
0x51: {  	_ =	shalt  }
0x52: {  	_ =	shalt  }
0x53: {  	_ =	shalt  }
0x54: {  	_ =	shalt  }
0x55: {  	_ =	shalt  }
0x56: {  	_ =	shalt  }
0x57: {  	_ =	shalt  }
0x58: {  	_ =	shalt  }
0x59: {  	_ =	shalt  }
0x5a: {  	_ =	shalt  }
0x5b: {  	_ =	shalt  }
0x5c: {  	_ =	shalt  }
0x5d: {  	_ =	shalt  }
0x5e: {  	_ =	shalt  }
0x5f: {  	_ =	shalt  }
0x60: {  	_ =	shalt  }
0x61: {  	_ =	shalt  }
0x62: {  	_ =	shalt  }
0x63: {  	_ =	shalt  }
0x64: {  	_ =	shalt  }
0x65: {  	_ =	shalt  }
0x66: {  	_ =	shalt  }
0x67: {  	_ =	shalt  }
0x68: {  	_ =	shalt  }
0x69: {  	_ =	shalt  }
0x6a: {  	_ =	shalt  }
0x6b: {  	_ =	shalt  }
0x6c: {  	_ =	shalt  }
0x6d: {  	_ =	shalt  }
0x6e: {  	_ =	shalt  }
0x6f: {  	_ =	shalt  }
0x70: {  	_ =	shalt  }
0x71: {  	_ =	shalt  }
0x72: {  	_ =	shalt  }
0x73: {  	_ =	shalt  }
0x74: {  	_ =	shalt  }
0x75: {  	_ =	shalt  }
0x76: {  	_ =	shalt  }
0x77: {  	_ =	shalt  }
0x78: {  	_ =	shalt  }
0x79: {  	_ =	shalt  }
0x7a: {  	_ =	shalt  }
0x7b: {  	_ =	shalt  }
0x7c: {  	_ =	shalt  }
0x7d: {  	_ =	shalt  }
0x7e: {  	_ =	shalt  }
0x7f: {  	_ =	shalt  }
0x80: {  	_ =	shalt  }
0x81: {  	_ =	shalt  }
0x82: {  	_ =	shalt  }
0x83: {  	_ =	shalt  }
0x84: {  	_ =	shalt  }
0x85: {  	_ =	shalt  }
0x86: {  	_ =	shalt  }
0x87: {  	_ =	shalt  }
.Lfunc_end0:
.L_simem_size_0:
called_computation.1_lowered:
.L_overlay_start_0:
0x88: {  	s2 =	sld [smem:$0x3FD9]  }
0x89: {  	s3 =	sld [smem:$0x3FFE];
	_ =	sdelay $0x1  }
0x8a: {  	s1 =	srdreg.scid  }
0x8b: {  	s0 =	sand.u32 $0x1, s1  }
0x8c: {  	s17 =	sshll.u32 s0, $0xA;
	s2 =	sadd.s32 s3, s2  }
0x8d: {  	s2 =	sadd.s32 s2, s17  }
0x8e: {  	[smem:$0x3FC5] =	sst s2  }
0x8f: {  	_ = 	snop  }
0x90: {  	s2 =	sld [smem:$0x3FC8];
	(tm) =	ssettm $0x1  }
0x91: {  	s18 =	sld [smem:$0x3FFB];
	_ =	sdelay $0x3  }
0x92: {  	_ =	strace s18  }
0x93: {  	s3 =	sld [smem:$0x3FFC];
	_ =	sdelay $0x3  }
0x94: {  	_ =	strace s3  }
0x95: {  	s3 =	sld [smem:$0x3FFD];
	_ =	sdelay $0x3  }
0x96: {  	_ =	strace s3  }
0x97: {  	_ =	strace $0x8FFFFFFF  }
0x98: {  	s19 =	sld [smem:$0x3FDB];
	_ =	sdelay $0x1  }
0x99: {  	s4 =	simm.s32 $_scs_section_size  }
0x9a: {  	s5 =	simm.s32 $_size__tile_overlayer_lowered;
	s6 =	simm.s32 $_tile_overlayer_lowered  }
0x9b: {  	s22 =	simm.s32 $0x1BFF;
	s21 =	sshll.u32 s6, $0x1;
	s3 =	sadd.s32 s4, s19  }
0x9c: {  	s7 =	simm.s32 $0x0;
	s20 =	sshll.u32 s5, $0x1;
	s5 =	sadd.s32 s21, s3  }
0x9d: {  	[timem:s7], [sflag:s22] =	dma.local [hbm:s5], s20  }
0x9e: {  	_ =	swait.ge [sflag:s22], s20  }
0x9f: {  	s4 =	ssub.s32 $0x0, s20;
	[sflag:s22] =	ssyncset.done $0x0  }
0xa0: {  	[sflag:s22] =	ssyncadd.s32 s4;
	_ =	sdelay $0x1  }
0xa1: {  	s23 =	simm.s32 $0x1B8B  }
0xa2: {  	_ =	swait.ge [sflag:s23], $0x1  }
0xa3: {  	[sflag:s23] =	ssyncset.done $0x0  }
0xa4: {  	s25 =	simm.s32 $0x1B8E;
	s24 =	sld [smem:$0x3FFE];
	[sflag:s23] =	ssyncadd.s32 $0xFFFFFFFF  }
0xa5: {  	s26 =	simm.s32 $execute0_lowered;
	[smem:$0x3FD2] =	sst s25  }
0xa6: {  	s5 =	sshll.u32 s26, $0x1;
	_ =	strace $0x80000046;
	[dreg:$0x1] =	wrdreg $0xFFFFFFFF  }
0xa7: {  	s28 =	simm.s32 $_size_execute0_lowered;
	s3 =	sadd.s32 s3, s5;
	[dreg:$0x0] =	wrdreg $0x0  }
0xa8: {  	s5 =	sshll.u32 s28, $0x1;
	[dreg:$0x2] =	wrdreg s3  }
0xa9: {  	[dreg:$0x3] =	wrdreg s5  }
0xaa: {  	[dreg:$0x4] =	wrdreg $0xC0  }
0xab: {  	_ =	task [dreg:s7], $0x5FFFF  }
0xac: {  	[dreg:$0x1] =	wrdreg $0xFFFFFFFF  }
0xad: {  	[dreg:$0x0] =	wrdreg $0x60  }
0xae: {  	[dreg:$0x2] =	wrdreg s2  }
0xaf: {  	[dreg:$0x3] =	wrdreg s24  }
0xb0: {  	[dreg:$0x4] =	wrdreg $0x9  }
0xb1: {  	_ =	task.clear_ibuf [dreg:s7], $0x5FFFF;
	_ =	strace $0x90000046  }
0xb2: {  	s29 =	simm.s32 $0x9;
	_ =	strace $0x80000048  }
0xb3: {  	_ =	swait.ge [sflag:s29], $0x1  }
0xb4: {  	[sflag:s29] =	ssyncadd.s32 $0xFFFFFFFF  }
0xb5: {  	_ =	strace $0x90000048  }
0xb6: {  	_ =	sfence  }
0xb7: {  	s30 =	sld [smem:$0x0];
	_ =	sdelay $0x2  }
0xb8: {  	s31 =	sshll.u32 s1, $0xD;
	s1 =	sshrl.u32 s1, $0x2  }
0xb9: {  	s3 =	sand.u32 $0x4000, s31;
	s1 =	sadd.s32 s1, s30  }
0xba: {  	s0 =	sor.u32 s3, s0;
	s1 =	sshll.u32 s1, $0x11  }
0xbb: {  	s0 =	sor.u32 s1, s0  }
0xbc: {  	s0 =	sadd.s32 $0x8F2B, s0  }
0xbd: {  	[sflag:s0] =	ssyncadd.remote.s32 $0x1  }
0xbe: {  	_ =	sfence.sel $0xFFFF  }
0xbf: {  	[dreg:$0x0] =	wrdreg $0xFFFFFFFF;
	(pc) =	sbr.abs _section_cstart, $3  }
0xc0: {  	[dreg:$0x1] =	wrdreg $0xFFFFFFFF  }
0xc1: {  	_ =	task.clear_ibuf [dreg:s7], $0x2FFFF;
	_ =	strace $0x9FFFFFFF  }
0xc2: {  	(tm) =	ssettm $0x7FFFFFFF  }
0xc3: {  	_ =	shalt  }
tec
execute0_lowered:
.L_overlay_start_1:
0x0: {  	(tag) =	ssettag $0x1  }
0x1: {  	s0 =	srdreg.scid;
	s1 =	stileid.u32  }
0x2: {  	s2 =	rddreg [dreg:$0x0];
	s0 =	sand.u32 $0x1, s0;
	s1 =	sshll.u32 s1, $0x1  }
0x3: {  	s5 =	rddreg [dreg:$0x1];
	s1 =	sor.u32 s0, s1  }
0x4: {  	s3 =	simm.s32 $0x0;
	s29 =	simm.s32 $0x3;
	s4 =	smul.u32 $0x90000, s1  }
0x5: {  	s30 =	simm.s32 $0x4;
	s31 =	simm.s32 $0x0;
	s6 =	sshll.u32 s1, $0xD  }
0x6: {  	[smem:$0x7FF] =	sst s3;
	s0 =	ssub.s32 $0x2, s0;
	s4 =	sor.u32 s6, s4  }
0x7: {  	_ =	strace $0x80000047;
	s7 =	sshrl.u32 s0, $0x1;
	s4 =	sand.u32 $0x1F8E000, s4  }
0x8: {  	s0 =	ssub.s32 s0, s7;
	s6 =	smul.u32 $0x24, s1;
	s22 =	sshrl.u32 s4, $0x3  }
0x9: {  	s0 =	smax.u32 s0, $0x1;
	s4 =	sadd.s32 $0x1200, s5;
	s5 =	sadd.s32 s2, s22  }
0xa: {  	[dreg:$0x4] =	wrdreg s0;
	s23 =	sadd.s32 $0x100, s5;
	s24 =	sadd.s32 $0x2000, s5  }
0xb: {  	s25 =	sadd.s32 $0x4000, s5;
	s26 =	sadd.s32 $0x6000, s5;
	s28 =	sadd.s32 $0x8000, s5  }
0xc: {  	s13 =	sadd.s32 $0xA000, s5;
	s14 =	sadd.s32 $0xC000, s5;
	[dreg:$0x3] =	wrdreg s23  }
0xd: {  	s15 =	sadd.s32 $0xE000, s5;
	s16 =	sadd.s32 $0x2100, s5;
	[dreg:$0x5] =	wrdreg s24  }
0xe: {  	s17 =	sadd.s32 $0x4100, s5;
	s18 =	sadd.s32 $0x6100, s5;
	[dreg:$0x6] =	wrdreg s25  }
0xf: {  	s19 =	sadd.s32 $0x8100, s5;
	s20 =	sadd.s32 $0xA100, s5;
	[dreg:$0x7] =	wrdreg s26  }
0x10: {  	v0 =	vlaneseq.u32;
	s21 =	sadd.s32 $0xC100, s5;
	s22 =	sadd.s32 $0xE100, s5;
	[dreg:$0x8] =	wrdreg s28  }
.LBB2_1:
0x11: {  	[tilespmem:s3], [sflag:$0x1] =	stream.linear.gather [hbm4b:s5+s3], $0x800, $0x38;
	[tilespmem:$0x10080] =	vst v63  }
0x12: {  	s0 =	rddreg [dreg:$0x5];
	s1 =	simm.s32 $0x808  }
0x13: {  	[tilespmem:s1], [sflag:$0x1] =	stream.linear.gather [hbm4b:s0+s3], $0x800, $0x38;
	[tilespmem:$0x10080] =	vst v63  }
0x14: {  	s12 =	rddreg [dreg:$0x6];
	s23 =	simm.s32 $0x1010  }
0x15: {  	[tilespmem:s23], [sflag:$0x1] =	stream.linear.gather [hbm4b:s12+s3], $0x800, $0x38;
	[tilespmem:$0x10080] =	vst v63  }
0x16: {  	s24 =	rddreg [dreg:$0x7];
	s25 =	simm.s32 $0x1818  }
0x17: {  	[tilespmem:s25], [sflag:$0x1] =	stream.linear.gather [hbm4b:s24+s3], $0x800, $0x38;
	[tilespmem:$0x10080] =	vst v63  }
0x18: {  	s26 =	rddreg [dreg:$0x8];
	s28 =	simm.s32 $0x2020  }
0x19: {  	[tilespmem:s28], [sflag:$0x1] =	stream.linear.gather [hbm4b:s26+s3], $0x800, $0x38;
	[tilespmem:$0x10080] =	vst v63  }
0x1a: {  	s1 =	simm.s32 $0x2828  }
0x1b: {  	[tilespmem:s1], [sflag:$0x1] =	stream.linear.gather [hbm4b:s13+s3], $0x800, $0x38;
	[tilespmem:$0x10080] =	vst v63  }
0x1c: {  	s7 =	simm.s32 $0x3030  }
0x1d: {  	[tilespmem:s7], [sflag:$0x1] =	stream.linear.gather [hbm4b:s14+s3], $0x800, $0x38;
	[tilespmem:$0x10080] =	vst v63  }
0x1e: {  	s8 =	simm.s32 $0x3838  }
0x1f: {  	[tilespmem:s8], [sflag:$0x1] =	stream.linear.gather [hbm4b:s15+s3], $0x800, $0x38;
	[tilespmem:$0x10080] =	vst v63  }
0x20: {  	s9 =	rddreg [dreg:$0x3];
	s10 =	simm.s32 $0x800  }
0x21: {  	[tilespmem:s10], [sflag:$0x1] =	stream.linear.gather [hbm4b:s9+s3], $0x2, $0x38;
	[tilespmem:$0x10080] =	vst v63  }
0x22: {  	s11 =	simm.s32 $0x1008  }
0x23: {  	[tilespmem:s11], [sflag:$0x1] =	stream.linear.gather [hbm4b:s16+s3], $0x2, $0x38;
	[tilespmem:$0x10080] =	vst v63  }
0x24: {  	s12 =	simm.s32 $0x1810  }
0x25: {  	[tilespmem:s12], [sflag:$0x1] =	stream.linear.gather [hbm4b:s17+s3], $0x2, $0x38;
	[tilespmem:$0x10080] =	vst v63  }
0x26: {  	s23 =	simm.s32 $0x2018  }
0x27: {  	[tilespmem:s23], [sflag:$0x1] =	stream.linear.gather [hbm4b:s18+s3], $0x2, $0x38;
	[tilespmem:$0x10080] =	vst v63  }
0x28: {  	s24 =	simm.s32 $0x2820  }
0x29: {  	[tilespmem:s24], [sflag:$0x1] =	stream.linear.gather [hbm4b:s19+s3], $0x2, $0x38;
	[tilespmem:$0x10080] =	vst v63  }
0x2a: {  	s25 =	simm.s32 $0x3028  }
0x2b: {  	[tilespmem:s25], [sflag:$0x1] =	stream.linear.gather [hbm4b:s20+s3], $0x2, $0x38;
	[tilespmem:$0x10080] =	vst v63  }
0x2c: {  	s26 =	simm.s32 $0x3830  }
0x2d: {  	[tilespmem:s26], [sflag:$0x1] =	stream.linear.gather [hbm4b:s21+s3], $0x2, $0x38;
	[tilespmem:$0x10080] =	vst v63  }
0x2e: {  	s28 =	simm.s32 $0x4038;
	s1 =	simm.s32 $0x0  }
0x2f: {  	[tilespmem:s28], [sflag:$0x1] =	stream.linear.gather [hbm4b:s22+s3], $0x2, $0x38;
	[tilespmem:$0x10080] =	vst v63  }
.LBB2_2:
0x30: {  	s25 =	sand.u32 $0x1, s1  }
0x31: {  	s0 =	sadd.s32 s6, s1;
	p0 =	seq.s32 s1, $0x23;
	s23 =	sadd.s32 $0x1, s25  }
0x32: {  	s24 =	sand.u32 $0x1F, s0;
	s26 =	sadd.s32 @!p0 $0x1, s0;
	s7 =	sxor.u32 @!p0 $0x1, s25  }
0x33: {  	_ =	swait.ge [sflag:s23], $0x4000;
	p1 =	seq.s32 s24, $0x1F;
	s28 =	sand.u32 @!p0 $0x1F, s26  }
0x34: {  	s26 =	sshll.u32 @!p0 s26, $0xE;
	s9 =	smul.u32 @!p0 $0x10100, s7;
	[sflag:s23] =	ssyncset.done $0x0  }
0x35: {  	s8 =	sshll.u32 @!p0 s28, $0xB;
	s26 =	sand.u32 @!p0 $0x7FF80000, s26;
	[sflag:s23] =	ssyncadd.s32 $0xFFFFC000  }
0x36: {  	s7 =	sadd.s32 @!p0 $0x1, s7;
	s10 =	sor.u32 @!p0 s8, s26;
	_ =	swait.ge @!p1 [sflag:s23], $0x10  }
0x37: {  	s9 =	sshrl.u32 @!p0 s9, $0x2;
	s10 =	sshrl.u32 @!p0 s10, $0x3;
	[sflag:s23] =	ssyncset.done @!p1 $0x0  }
0x38: {  	s10 =	sadd.s32 @!p0 s2, s10;
	[sflag:s23] =	ssyncadd.s32 @!p1 $0xFFFFFFF0;
	s23 =	simm.s32 @!p0 $0x0  }
0x39: {  	[tilespmem:s9], [sflag:s7] =	stream.linear.gather @!p0 [hbm4b:s10+s23], $0x800, $0x38;
	[tilespmem:$0x10080] =	vst v63  }
0x3a: {  	s12 =	sadd.s32 @!p0 $0x808, s9;
	s11 =	sadd.s32 @!p0 $0x2000, s10  }
0x3b: {  	[tilespmem:s12], [sflag:s7] =	stream.linear.gather @!p0 [hbm4b:s11+s23], $0x800, $0x38;
	[tilespmem:$0x10080] =	vst v63  }
0x3c: {  	s11 =	sadd.s32 @!p0 $0x4000, s10;
	s12 =	sadd.s32 @!p0 $0x1010, s9  }
0x3d: {  	[tilespmem:s12], [sflag:s7] =	stream.linear.gather @!p0 [hbm4b:s11+s23], $0x800, $0x38;
	[tilespmem:$0x10080] =	vst v63  }
0x3e: {  	p1 =	seq.s32 @!p0 s28, $0x1F;
	s11 =	sadd.s32 @!p0 $0x6000, s10;
	s12 =	sadd.s32 @!p0 $0x1818, s9  }
0x3f: {  	[tilespmem:s12], [sflag:s7] =	stream.linear.gather @!p0 [hbm4b:s11+s23], $0x800, $0x38;
	[tilespmem:$0x10080] =	vst v63  }
0x40: {  	p1 =	por p1, p0;
	s11 =	sadd.s32 @!p0 $0x8000, s10;
	s12 =	sadd.s32 @!p0 $0x2020, s9  }
0x41: {  	[tilespmem:s12], [sflag:s7] =	stream.linear.gather @!p0 [hbm4b:s11+s23], $0x800, $0x38;
	[tilespmem:$0x10080] =	vst v63  }
0x42: {  	s8 =	sadd.s32 @!p1 s26, s8;
	s11 =	sadd.s32 @!p0 $0xA000, s10;
	s12 =	sadd.s32 @!p0 $0x2828, s9  }
0x43: {  	[tilespmem:s12], [sflag:s7] =	stream.linear.gather @!p0 [hbm4b:s11+s23], $0x800, $0x38;
	[tilespmem:$0x10080] =	vst v63  }
0x44: {  	s8 =	sadd.s32 @!p1 $0x800, s8;
	s11 =	sadd.s32 @!p0 $0xC000, s10;
	s12 =	sadd.s32 @!p0 $0x3030, s9  }
0x45: {  	[tilespmem:s12], [sflag:s7] =	stream.linear.gather @!p0 [hbm4b:s11+s23], $0x800, $0x38;
	[tilespmem:$0x10080] =	vst v63  }
0x46: {  	s8 =	sshrl.u32 @!p1 s8, $0x3;
	s10 =	sadd.s32 @!p0 $0xE000, s10;
	s11 =	sadd.s32 @!p0 $0x3838, s9  }
0x47: {  	[tilespmem:s11], [sflag:s7] =	stream.linear.gather @!p0 [hbm4b:s10+s23], $0x800, $0x38;
	[tilespmem:$0x10080] =	vst v63  }
0x48: {  	s8 =	sadd.s32 @!p1 s2, s8;
	s10 =	sadd.s32 @!p1 $0x800, s9;
	s11 =	simm.s32 @!p1 $0x0  }
0x49: {  	[tilespmem:s10], [sflag:s7] =	stream.linear.gather @!p1 [hbm4b:s8+s11], $0x2, $0x38;
	[tilespmem:$0x10080] =	vst v63  }
0x4a: {  	s12 =	sadd.s32 @!p1 $0x1008, s9;
	s10 =	sadd.s32 @!p1 $0x2000, s8  }
0x4b: {  	[tilespmem:s12], [sflag:s7] =	stream.linear.gather @!p1 [hbm4b:s10+s11], $0x2, $0x38;
	[tilespmem:$0x10080] =	vst v63  }
0x4c: {  	s10 =	sadd.s32 @!p1 $0x4000, s8;
	s12 =	sadd.s32 @!p1 $0x1810, s9  }
0x4d: {  	[tilespmem:s12], [sflag:s7] =	stream.linear.gather @!p1 [hbm4b:s10+s11], $0x2, $0x38;
	[tilespmem:$0x10080] =	vst v63  }
0x4e: {  	s10 =	sadd.s32 @!p1 $0x6000, s8;
	s12 =	sadd.s32 @!p1 $0x2018, s9  }
0x4f: {  	[tilespmem:s12], [sflag:s7] =	stream.linear.gather @!p1 [hbm4b:s10+s11], $0x2, $0x38;
	[tilespmem:$0x10080] =	vst v63  }
0x50: {  	s10 =	sadd.s32 @!p1 $0x8000, s8;
	s12 =	sadd.s32 @!p1 $0x2820, s9  }
0x51: {  	[tilespmem:s12], [sflag:s7] =	stream.linear.gather @!p1 [hbm4b:s10+s11], $0x2, $0x38;
	[tilespmem:$0x10080] =	vst v63  }
0x52: {  	s10 =	sadd.s32 @!p1 $0xA000, s8;
	s12 =	sadd.s32 @!p1 $0x3028, s9  }
0x53: {  	[tilespmem:s12], [sflag:s7] =	stream.linear.gather @!p1 [hbm4b:s10+s11], $0x2, $0x38;
	[tilespmem:$0x10080] =	vst v63  }
0x54: {  	s10 =	sadd.s32 @!p1 $0xC000, s8;
	s12 =	sadd.s32 @!p1 $0x3830, s9  }
0x55: {  	[tilespmem:s12], [sflag:s7] =	stream.linear.gather @!p1 [hbm4b:s10+s11], $0x2, $0x38;
	[tilespmem:$0x10080] =	vst v63  }
0x56: {  	s8 =	sadd.s32 @!p1 $0xE000, s8;
	s9 =	sadd.s32 @!p1 $0x4038, s9  }
0x57: {  	[tilespmem:s9], [sflag:s7] =	stream.linear.gather @!p1 [hbm4b:s8+s11], $0x2, $0x38;
	[tilespmem:$0x10080] =	vst v63  }
0x58: {  	p1 =	slt.u32 @!p0 s1, $0x2  }
0x59: {  	s23 =	sadd.s32 $0x3, s25;
	p0 =	por p0, !p1  }
0x5a: {  	_ =	swait.ge @p0 [sflag:s23], $0x4000  }
0x5b: {  	[sflag:s23] =	ssyncset.done @p0 $0x0  }
0x5c: {  	[sflag:s23] =	ssyncadd.s32 @p0 $0xFFFFC000;
	p0 =	sne.s32 s24, $0x1F  }
0x5d: {  	v1 =	vlaneseq.u32 @!p0  }
0x5e: {  	v1 =	vand.u32 @!p0 $0x7, v1  }
0x5f: {  	v2 =	vmul.u32 @!p0 $0x808, v1;
	_ =	sdelay $0x1  }
0x60: {  	v1 =	vadd.s32 @!p0 $0x7FF, v2;
	_ =	sdelay $0x1  }
0x61: {  	s7 =	smul.u32 $0x10100, s25  }
0x62: {  	s26 =	simm.s32 $0x0  }
0x63: {  	v3 =	vor.u32 s26, v0;
	s9 =	sshrl.u32 @!p0 s7, $0x2  }
0x64: {  	v5 =	vadd.s32 @!p0 $0x800, v2;
	v4 =	vld.idx.msk @!p0 [tilespmem:v1+s9+$0x0], $0xff;
	v1 =	vshll.u32 v3, $0x1  }
0x65: {  	v2 =	vadd.s32 @!p0 $0x801, v2;
	v6 =	vand.u32 $0x7F8, v1  }
0x66: {  	v7 =	vand.u32 $0x6, v1;
	v8 =	vadd.s32 $0x808, v6  }
0x67: {  	v9 =	vor.u32 v7, v8;
	_ =	sdelay $0x1  }
0x68: {  	[tilespmem:v5+s9+$0x0] =	vst.idx.msk @!p0 $0xff, v4  }
0x69: {  	s24 =	sshrl.u32 s7, $0x2;
	[tilespmem:v2+s9+$0x0] =	vst.idx.msk @!p0 $0xff, v4  }
0x6a: {  	v2 =	vld.idx.msk [tilespmem:v1+s24+$0x0], $0xffff  }
0x6b: {  	v4 =	vld.idx.msk [tilespmem:v9+s24+$0x0], $0xffff  }
0x6c: {  	v57 =	vshll.u32 v3, $0x4;
	v5 =	vadd.s32 $0x1010, v6  }
0x6d: {  	v10 =	vadd.s32 $0x1818, v6;
	v3 =	vor.u32 v7, v5  }
0x6e: {  	v11 =	vor.u32 v7, v10  }
0x6f: {  	s28 =	sshll.u32 s25, $0xE  }
0x70: {  	s25 =	sor.u32 $0x8080, s28;
	v2 =	vpack.i.f32.bf16 v4, v2  }
0x71: {  	[tilespmem:v57+s25+$0x0] =	vst.idx.msk $0xffff, v2  }
0x72: {  	v2 =	vld.idx.msk [tilespmem:v3+s24+$0x0], $0xffff  }
0x73: {  	v3 =	vld.idx.msk [tilespmem:v11+s24+$0x0], $0xffff  }
0x74: {  	v58 =	vor.u32 $0x1, v57;
	v4 =	vadd.s32 $0x2020, v6  }
0x75: {  	v13 =	vadd.s32 $0x2828, v6;
	v12 =	vor.u32 v7, v4  }
0x76: {  	v14 =	vor.u32 v7, v13;
	_ =	sdelay $0x1  }
0x77: {  	v2 =	vpack.i.f32.bf16 v3, v2  }
0x78: {  	[tilespmem:v58+s25+$0x0] =	vst.idx.msk $0xffff, v2  }
0x79: {  	v2 =	vld.idx.msk [tilespmem:v12+s24+$0x0], $0xffff  }
0x7a: {  	v3 =	vld.idx.msk [tilespmem:v14+s24+$0x0], $0xffff  }
0x7b: {  	v60 =	vor.u32 $0x2, v57;
	v59 =	vadd.s32 $0x3030, v6  }
0x7c: {  	v15 =	vadd.s32 $0x3838, v6;
	v61 =	vor.u32 v7, v59  }
0x7d: {  	v16 =	vor.u32 v7, v15;
	_ =	sdelay $0x1  }
0x7e: {  	v2 =	vpack.i.f32.bf16 v3, v2  }
0x7f: {  	[tilespmem:v60+s25+$0x0] =	vst.idx.msk $0xffff, v2  }
0x80: {  	v2 =	vld.idx.msk [tilespmem:v61+s24+$0x0], $0xffff  }
0x81: {  	v3 =	vld.idx.msk [tilespmem:v16+s24+$0x0], $0xffff  }
0x82: {  	v62 =	vor.u32 $0x3, v57;
	v7 =	vor.u32 $0x1, v7  }
0x83: {  	v6 =	vor.u32 v6, v7  }
0x84: {  	v8 =	vor.u32 v7, v8;
	_ =	sdelay $0x1  }
0x85: {  	v2 =	vpack.i.f32.bf16 v3, v2  }
0x86: {  	[tilespmem:v62+s25+$0x0] =	vst.idx.msk $0xffff, v2  }
0x87: {  	v2 =	vld.idx.msk [tilespmem:v6+s24+$0x0], $0xffff  }
0x88: {  	v3 =	vld.idx.msk [tilespmem:v8+s24+$0x0], $0xffff  }
0x89: {  	v6 =	vor.u32 $0x4, v57  }
0x8a: {  	v5 =	vor.u32 v7, v5  }
0x8b: {  	v63 =	vor.u32 v7, v10;
	_ =	sdelay $0x1  }
0x8c: {  	v2 =	vpack.i.f32.bf16 v3, v2  }
0x8d: {  	[tilespmem:v6+s25+$0x0] =	vst.idx.msk $0xffff, v2  }
0x8e: {  	v2 =	vld.idx.msk [tilespmem:v5+s24+$0x0], $0xffff  }
0x8f: {  	v3 =	vld.idx.msk [tilespmem:v63+s24+$0x0], $0xffff  }
0x90: {  	v5 =	vor.u32 $0x5, v57  }
0x91: {  	v4 =	vor.u32 v7, v4  }
0x92: {  	v6 =	vor.u32 v7, v13;
	_ =	sdelay $0x1  }
0x93: {  	v2 =	vpack.i.f32.bf16 v3, v2  }
0x94: {  	[tilespmem:v5+s25+$0x0] =	vst.idx.msk $0xffff, v2  }
0x95: {  	v2 =	vld.idx.msk [tilespmem:v4+s24+$0x0], $0xffff  }
0x96: {  	v3 =	vld.idx.msk [tilespmem:v6+s24+$0x0], $0xffff  }
0x97: {  	v4 =	vor.u32 $0x6, v57  }
0x98: {  	v5 =	vor.u32 v7, v59  }
0x99: {  	v6 =	vor.u32 v7, v15;
	_ =	sdelay $0x1  }
0x9a: {  	v2 =	vpack.i.f32.bf16 v3, v2  }
0x9b: {  	[tilespmem:v4+s25+$0x0] =	vst.idx.msk $0xffff, v2  }
0x9c: {  	v2 =	vld.idx.msk [tilespmem:v5+s24+$0x0], $0xffff  }
0x9d: {  	v3 =	vld.idx.msk [tilespmem:v6+s24+$0x0], $0xffff  }
0x9e: {  	v4 =	vor.u32 $0x7, v57  }
0x9f: {  	v5 =	vadd.s32 $0x2, v1  }
0xa0: {  	v6 =	vadd.s32 $0x80A, v1;
	_ =	sdelay $0x1  }
0xa1: {  	v2 =	vpack.i.f32.bf16 v3, v2  }
0xa2: {  	[tilespmem:v4+s25+$0x0] =	vst.idx.msk $0xffff, v2  }
0xa3: {  	v2 =	vld.idx.msk [tilespmem:v5+s24+$0x0], $0xffff  }
0xa4: {  	v3 =	vld.idx.msk [tilespmem:v6+s24+$0x0], $0xffff  }
0xa5: {  	v4 =	vor.u32 $0x8, v57  }
0xa6: {  	v5 =	vadd.s32 $0x1012, v1  }
0xa7: {  	v6 =	vadd.s32 $0x181A, v1;
	_ =	sdelay $0x1  }
0xa8: {  	v2 =	vpack.i.f32.bf16 v3, v2  }
0xa9: {  	[tilespmem:v4+s25+$0x0] =	vst.idx.msk $0xffff, v2  }
0xaa: {  	v2 =	vld.idx.msk [tilespmem:v5+s24+$0x0], $0xffff  }
0xab: {  	v3 =	vld.idx.msk [tilespmem:v6+s24+$0x0], $0xffff  }
0xac: {  	v4 =	vor.u32 $0x9, v57  }
0xad: {  	v5 =	vadd.s32 $0x2022, v1  }
0xae: {  	v6 =	vadd.s32 $0x282A, v1;
	_ =	sdelay $0x1  }
0xaf: {  	v2 =	vpack.i.f32.bf16 v3, v2  }
0xb0: {  	[tilespmem:v4+s25+$0x0] =	vst.idx.msk $0xffff, v2  }
0xb1: {  	v2 =	vld.idx.msk [tilespmem:v5+s24+$0x0], $0xffff  }
0xb2: {  	v3 =	vld.idx.msk [tilespmem:v6+s24+$0x0], $0xffff  }
0xb3: {  	v4 =	vor.u32 $0xA, v57  }
0xb4: {  	v5 =	vadd.s32 $0x3032, v1  }
0xb5: {  	v6 =	vadd.s32 $0x383A, v1;
	_ =	sdelay $0x1  }
0xb6: {  	v2 =	vpack.i.f32.bf16 v3, v2  }
0xb7: {  	[tilespmem:v4+s25+$0x0] =	vst.idx.msk $0xffff, v2  }
0xb8: {  	v2 =	vld.idx.msk [tilespmem:v5+s24+$0x0], $0xffff  }
0xb9: {  	v3 =	vld.idx.msk [tilespmem:v6+s24+$0x0], $0xffff  }
0xba: {  	v4 =	vor.u32 $0xB, v57  }
0xbb: {  	v5 =	vadd.s32 $0x3, v1  }
0xbc: {  	v6 =	vadd.s32 $0x80B, v1;
	_ =	sdelay $0x1  }
0xbd: {  	v2 =	vpack.i.f32.bf16 v3, v2  }
0xbe: {  	[tilespmem:v4+s25+$0x0] =	vst.idx.msk $0xffff, v2  }
0xbf: {  	v2 =	vld.idx.msk [tilespmem:v5+s24+$0x0], $0xffff  }
0xc0: {  	v3 =	vld.idx.msk [tilespmem:v6+s24+$0x0], $0xffff  }
0xc1: {  	v4 =	vor.u32 $0xC, v57  }
0xc2: {  	v5 =	vadd.s32 $0x1013, v1  }
0xc3: {  	v6 =	vadd.s32 $0x181B, v1;
	_ =	sdelay $0x1  }
0xc4: {  	v2 =	vpack.i.f32.bf16 v3, v2  }
0xc5: {  	[tilespmem:v4+s25+$0x0] =	vst.idx.msk $0xffff, v2  }
0xc6: {  	v2 =	vld.idx.msk [tilespmem:v5+s24+$0x0], $0xffff  }
0xc7: {  	v3 =	vld.idx.msk [tilespmem:v6+s24+$0x0], $0xffff  }
0xc8: {  	v4 =	vor.u32 $0xD, v57  }
0xc9: {  	v5 =	vadd.s32 $0x2023, v1  }
0xca: {  	v6 =	vadd.s32 $0x282B, v1;
	_ =	sdelay $0x1  }
0xcb: {  	v2 =	vpack.i.f32.bf16 v3, v2  }
0xcc: {  	[tilespmem:v4+s25+$0x0] =	vst.idx.msk $0xffff, v2  }
0xcd: {  	v4 =	vld.idx.msk [tilespmem:v5+s24+$0x0], $0xffff  }
0xce: {  	s26 =	simm.s32 $0x10;
	s1 =	sadd.s32 $0x1, s1;
	v3 =	vor.u32 $0xE, v57;
	v2 =	vor.u32 $0xF, v57;
	v5 =	vld.idx.msk [tilespmem:v6+s24+$0x0], $0xffff  }
.LBB2_3:
0xcf: {  	p0 =	sne.s32 s26, $0x3F0;
	s7 =	smov.u32 s26;
	s26 =	sadd.s32 $0x10, s26  }
0xd0: {  	_ = 	snop  }
0xd1: {  	v6 =	vadd.s32 $0x3033, v1;
	v1 =	vadd.s32 $0x383B, v1;
	_ =	sdelay $0x2  }
0xd2: {  	v4 =	vpack.i.f32.bf16 v5, v4  }
0xd3: {  	[tilespmem:v3+s25+$0x0] =	vst.idx.msk $0xffff, v4  }
0xd4: {  	v3 =	vld.idx.msk [tilespmem:v6+s24+$0x0], $0xffff  }
0xd5: {  	v4 =	vor.u32 s7, v0;
	v5 =	vld.idx.msk [tilespmem:v1+s24+$0x0], $0xffff  }
0xd6: {  	v1 =	vshll.u32 v4, $0x1  }
0xd7: {  	v6 =	vand.u32 $0x7F8, v1  }
0xd8: {  	v7 =	vand.u32 $0x6, v1;
	v8 =	vadd.s32 $0x808, v6;
	v9 =	vadd.s32 $0x1010, v6  }
0xd9: {  	v12 =	vadd.s32 $0x2020, v6;
	v10 =	vor.u32 v7, v8;
	v11 =	vor.u32 v7, v9  }
0xda: {  	v14 =	vadd.s32 $0x3030, v6;
	v15 =	vor.u32 $0x1, v7;
	v13 =	vor.u32 v7, v12  }
0xdb: {  	v16 =	vor.u32 v7, v14;
	v17 =	vor.u32 v6, v15;
	v3 =	vpack.i.f32.bf16 v5, v3  }
0xdc: {  	v5 =	vor.u32 v15, v8;
	v8 =	vor.u32 v15, v9;
	[tilespmem:v2+s25+$0x0] =	vst.idx.msk $0xffff, v3  }
0xdd: {  	v9 =	vor.u32 v15, v12;
	v12 =	vor.u32 v15, v14;
	v3 =	vld.idx.msk [tilespmem:v1+s24+$0x0], $0xffff  }
0xde: {  	v10 =	vld.idx.msk [tilespmem:v10+s24+$0x0], $0xffff;
	_ =	sdelay $0x1  }
0xdf: {  	v2 =	vshll.u32 v4, $0x4;
	v4 =	vadd.s32 $0x1818, v6  }
0xe0: {  	v14 =	vor.u32 v7, v4;
	v4 =	vor.u32 v15, v4;
	_ =	sdelay $0x2  }
0xe1: {  	v3 =	vpack.i.f32.bf16 v10, v3  }
0xe2: {  	[tilespmem:v2+s25+$0x0] =	vst.idx.msk $0xffff, v3  }
0xe3: {  	v3 =	vld.idx.msk [tilespmem:v11+s24+$0x0], $0xffff  }
0xe4: {  	v10 =	vld.idx.msk [tilespmem:v14+s24+$0x0], $0xffff  }
0xe5: {  	v11 =	vor.u32 $0x1, v2  }
0xe6: {  	v14 =	vadd.s32 $0x2828, v6  }
0xe7: {  	v18 =	vor.u32 v7, v14;
	v14 =	vor.u32 v15, v14;
	_ =	sdelay $0x2  }
0xe8: {  	v3 =	vpack.i.f32.bf16 v10, v3  }
0xe9: {  	[tilespmem:v11+s25+$0x0] =	vst.idx.msk $0xffff, v3  }
0xea: {  	v3 =	vld.idx.msk [tilespmem:v13+s24+$0x0], $0xffff  }
0xeb: {  	v11 =	vor.u32 $0x2, v2;
	v10 =	vld.idx.msk [tilespmem:v18+s24+$0x0], $0xffff;
	_ =	sdelay $0x1  }
0xec: {  	v6 =	vadd.s32 $0x3838, v6  }
0xed: {  	v7 =	vor.u32 v7, v6;
	v6 =	vor.u32 v15, v6;
	_ =	sdelay $0x2  }
0xee: {  	v3 =	vpack.i.f32.bf16 v10, v3  }
0xef: {  	[tilespmem:v11+s25+$0x0] =	vst.idx.msk $0xffff, v3  }
0xf0: {  	v10 =	vor.u32 $0x3, v2;
	v3 =	vld.idx.msk [tilespmem:v16+s24+$0x0], $0xffff  }
0xf1: {  	v7 =	vld.idx.msk [tilespmem:v7+s24+$0x0], $0xffff;
	_ =	sdelay $0x5  }
0xf2: {  	v3 =	vpack.i.f32.bf16 v7, v3  }
0xf3: {  	[tilespmem:v10+s25+$0x0] =	vst.idx.msk $0xffff, v3;
	v3 =	vor.u32 $0x4, v2  }
0xf4: {  	v7 =	vld.idx.msk [tilespmem:v17+s24+$0x0], $0xffff  }
0xf5: {  	v5 =	vld.idx.msk [tilespmem:v5+s24+$0x0], $0xffff;
	_ =	sdelay $0x5  }
0xf6: {  	v5 =	vpack.i.f32.bf16 v5, v7;
	v7 =	vor.u32 $0x5, v2  }
0xf7: {  	[tilespmem:v3+s25+$0x0] =	vst.idx.msk $0xffff, v5  }
0xf8: {  	v3 =	vld.idx.msk [tilespmem:v8+s24+$0x0], $0xffff  }
0xf9: {  	v4 =	vld.idx.msk [tilespmem:v4+s24+$0x0], $0xffff;
	_ =	sdelay $0x4  }
0xfa: {  	v5 =	vor.u32 $0x6, v2  }
0xfb: {  	v3 =	vpack.i.f32.bf16 v4, v3  }
0xfc: {  	[tilespmem:v7+s25+$0x0] =	vst.idx.msk $0xffff, v3  }
0xfd: {  	v3 =	vld.idx.msk [tilespmem:v9+s24+$0x0], $0xffff  }
0xfe: {  	v4 =	vld.idx.msk [tilespmem:v14+s24+$0x0], $0xffff;
	_ =	sdelay $0x3  }
0xff: {  	v7 =	vor.u32 $0x7, v2;
	_ =	sdelay $0x1  }
0x100: {  	v3 =	vpack.i.f32.bf16 v4, v3  }
0x101: {  	[tilespmem:v5+s25+$0x0] =	vst.idx.msk $0xffff, v3  }
0x102: {  	v3 =	vld.idx.msk [tilespmem:v12+s24+$0x0], $0xffff  }
0x103: {  	v4 =	vld.idx.msk [tilespmem:v6+s24+$0x0], $0xffff;
	_ =	sdelay $0x2  }
0x104: {  	v8 =	vor.u32 $0x8, v2;
	v5 =	vadd.s32 $0x2, v1;
	v6 =	vadd.s32 $0x80A, v1;
	_ =	sdelay $0x2  }
0x105: {  	v3 =	vpack.i.f32.bf16 v4, v3  }
0x106: {  	[tilespmem:v7+s25+$0x0] =	vst.idx.msk $0xffff, v3  }
0x107: {  	v3 =	vld.idx.msk [tilespmem:v5+s24+$0x0], $0xffff  }
0x108: {  	v4 =	vld.idx.msk [tilespmem:v6+s24+$0x0], $0xffff;
	_ =	sdelay $0x1  }
0x109: {  	v5 =	vor.u32 $0x9, v2  }
0x10a: {  	v7 =	vadd.s32 $0x181A, v1;
	v6 =	vadd.s32 $0x1012, v1;
	_ =	sdelay $0x2  }
0x10b: {  	v3 =	vpack.i.f32.bf16 v4, v3  }
0x10c: {  	[tilespmem:v8+s25+$0x0] =	vst.idx.msk $0xffff, v3  }
0x10d: {  	v3 =	vld.idx.msk [tilespmem:v6+s24+$0x0], $0xffff  }
0x10e: {  	v4 =	vld.idx.msk [tilespmem:v7+s24+$0x0], $0xffff  }
0x10f: {  	v6 =	vor.u32 $0xA, v2;
	_ =	sdelay $0x1  }
0x110: {  	v8 =	vadd.s32 $0x282A, v1;
	v7 =	vadd.s32 $0x2022, v1;
	_ =	sdelay $0x2  }
0x111: {  	v3 =	vpack.i.f32.bf16 v4, v3  }
0x112: {  	[tilespmem:v5+s25+$0x0] =	vst.idx.msk $0xffff, v3  }
0x113: {  	v3 =	vld.idx.msk [tilespmem:v7+s24+$0x0], $0xffff  }
0x114: {  	v5 =	vor.u32 $0xB, v2;
	v4 =	vld.idx.msk [tilespmem:v8+s24+$0x0], $0xffff;
	_ =	sdelay $0x2  }
0x115: {  	v7 =	vadd.s32 $0x3032, v1;
	v8 =	vadd.s32 $0x383A, v1;
	_ =	sdelay $0x2  }
0x116: {  	v3 =	vpack.i.f32.bf16 v4, v3  }
0x117: {  	[tilespmem:v6+s25+$0x0] =	vst.idx.msk $0xffff, v3  }
0x118: {  	v4 =	vor.u32 $0xC, v2;
	v3 =	vld.idx.msk [tilespmem:v7+s24+$0x0], $0xffff  }
0x119: {  	v6 =	vld.idx.msk [tilespmem:v8+s24+$0x0], $0xffff;
	_ =	sdelay $0x2  }
0x11a: {  	v7 =	vadd.s32 $0x3, v1;
	v8 =	vadd.s32 $0x80B, v1;
	_ =	sdelay $0x2  }
0x11b: {  	v3 =	vpack.i.f32.bf16 v6, v3  }
0x11c: {  	[tilespmem:v5+s25+$0x0] =	vst.idx.msk $0xffff, v3;
	v5 =	vor.u32 $0xD, v2  }
0x11d: {  	v3 =	vld.idx.msk [tilespmem:v7+s24+$0x0], $0xffff  }
0x11e: {  	v6 =	vld.idx.msk [tilespmem:v8+s24+$0x0], $0xffff;
	_ =	sdelay $0x2  }
0x11f: {  	v7 =	vadd.s32 $0x1013, v1;
	v8 =	vadd.s32 $0x181B, v1;
	_ =	sdelay $0x2  }
0x120: {  	v6 =	vpack.i.f32.bf16 v6, v3;
	v3 =	vor.u32 $0xE, v2  }
0x121: {  	[tilespmem:v4+s25+$0x0] =	vst.idx.msk $0xffff, v6  }
0x122: {  	v4 =	vld.idx.msk [tilespmem:v7+s24+$0x0], $0xffff  }
0x123: {  	v6 =	vld.idx.msk [tilespmem:v8+s24+$0x0], $0xffff;
	_ =	sdelay $0x2  }
0x124: {  	v7 =	vadd.s32 $0x2023, v1;
	v8 =	vadd.s32 $0x282B, v1;
	_ =	sdelay $0x1  }
.Ltmp0:
0x125: {  	v2 =	vor.u32 $0xF, v2;
	(pc) =	sbr.rel @p0 .LBB2_3-.Ltmp0, $4  }
0x126: {  	v4 =	vpack.i.f32.bf16 v6, v4  }
0x127: {  	[tilespmem:v5+s25+$0x0] =	vst.idx.msk $0xffff, v4  }
0x128: {  	v4 =	vld.idx.msk [tilespmem:v7+s24+$0x0], $0xffff  }
0x129: {  	v5 =	vld.idx.msk [tilespmem:v8+s24+$0x0], $0xffff  }
0x12a: {  	_ = 	snop  }
0x12b: {  	v6 =	vadd.s32 $0x3033, v1  }
0x12c: {  	v1 =	vadd.s32 $0x383B, v1;
	_ =	sdelay $0x1  }
0x12d: {  	v4 =	vpack.i.f32.bf16 v5, v4  }
0x12e: {  	[tilespmem:v3+s25+$0x0] =	vst.idx.msk $0xffff, v4  }
0x12f: {  	v3 =	vld.idx.msk [tilespmem:v6+s24+$0x0], $0xffff  }
0x130: {  	v1 =	vld.idx.msk [tilespmem:v1+s24+$0x0], $0xffff;
	_ =	sdelay $0x1  }
0x131: {  	p0 =	sne.s32 s1, $0x24  }
.Ltmp1:
0x132: {  	_ = 	snop;
	(pc) =	sbr.rel @p0 .LBB2_2-.Ltmp1, $4  }
0x133: {  	_ = 	snop  }
0x134: {  	s0 =	sshll.u32 s0, $0xB;
	v1 =	vpack.i.f32.bf16 v1, v3  }
0x135: {  	s0 =	sadd.s32 s4, s0;
	[tilespmem:v2+s25+$0x0] =	vst.idx.msk $0xffff, v1  }
0x136: {  	[hbm4b:s0+s3] =	stream.linear.scatter [tilespmem:s25], [sflag:s23], $0x4000, $0x38;
	[tilespmem:$0x10080] =	vst v63  }
0x137: {  	_ =	swait.ge [sflag:s29], $0x4000  }
0x138: {  	[sflag:s29] =	ssyncset.done $0x0  }
0x139: {  	[sflag:s29] =	ssyncadd.s32 $0xFFFFC000  }
0x13a: {  	_ =	swait.ge [sflag:s30], $0x4000  }
0x13b: {  	s31 =	sadd.s32 $0x1, s31;
	s0 =	rddreg [dreg:$0x4]  }
0x13c: {  	p0 =	sne.s32 s31, s0  }
.Ltmp2:
0x13d: {  	_ = 	snop;
	(pc) =	sbr.rel @p0 .LBB2_1-.Ltmp2, $3  }
0x13e: {  	_ =	sdelay $0x1  }
0x13f: {  	[sflag:s30] =	ssyncset.done $0x0  }
0x140: {  	[sflag:s30] =	ssyncadd.s32 $0xFFFFC000  }
0x141: {  	_ =	sfence.sel $0x180000  }
0x142: {  	[bflag:$0x0] =	sbarrier.arrive $0xFFFF  }
0x143: {  	_ =	strace $0x90000047  }
0x144: {  	s0 =	stileid.u32;
	[bflag:$0x2] =	sbarrier.arrive $0xFFFF  }
0x145: {  	p0 =	sne.s32 s0, $0x0;
	s0 =	rddreg [dreg:$0x2]  }
0x146: {  	s0 =	sadd.s32 @!p0 $0x100000, s0  }
0x147: {  	[sflag:s0] =	ssyncadd.tile.s32 @!p0 $0x1;
	_ =	shalt  }
.Lfunc_end2:
_tile_overlayer_lowered:
.L_overlay_start_2:
0x148: {  	(tag) =	ssettag $0x2  }
0x149: {  	s0 =	rddreg [dreg:$0x0];
	s2 =	stileid.u32  }
0x14a: {  	s1 =	rddreg [dreg:$0x1];
	p0 =	sne.s32 s2, $0x0  }
0x14b: {  	s3 =	rddreg [dreg:$0x2];
	[bflag:$0x3] =	sbarrier.arrive $0xFFFF;
	s2 =	simm.s32 @!p0 $0x1C05  }
0x14c: {  	[timem:s3], [sflag:s2] =	dma.local @!p0 [hbm:s0], s1  }
0x14d: {  	s0 =	simm.s32 @!p0 $0x5  }
0x14e: {  	_ =	swait.ge @!p0 [sflag:s0], s1  }
0x14f: {  	s1 =	ssub.s32 @!p0 $0x0, s1;
	[sflag:s0] =	ssyncset.done @!p0 $0x0  }
0x150: {  	[sflag:s0] =	ssyncadd.s32 @!p0 s1  }
0x151: {  	[bflag:$0x3] =	sbarrier.arrive $0xFFFF  }
0x152: {  	_ =	shalt  }

// kernel: kernel.8.cloned.1.call-start
scs
__scs_entry_jumppad:
0x0: {  	(pc) =	sbr.rel $0x88, $3  }
0x1: {  	(tag) =	ssettag $0x0;
	lr =	simm.s32 $0x1  }
0x2: {  	[smem:$0x3F9E] =	sst lr;
	_ =	strace $0xD0000000  }
0x3: {  	_ = 	snop  }
0x4: {  	_ = 	snop  }
0x5: {  	_ = 	snop  }
0x6: {  	_ = 	snop  }
0x7: {  	_ = 	snop  }
__scs_overlays_trampoline_lowered:
0x8: {  	[smem:$0x3FAD] =	sst s0  }
0x9: {  	[smem:$0x3FAE] =	sst s1  }
0xa: {  	[smem:$0x3FAF] =	sst s2  }
0xb: {  	[smem:$0x3FB0] =	sst s3  }
0xc: {  	[smem:$0x3FB1] =	sst s4  }
0xd: {  	[smem:$0x3FB2] =	sst s5  }
0xe: {  	[smem:$0x3FB3] =	sst s6  }
0xf: {  	[smem:$0x3FB4] =	sst s7  }
0x10: {  	[smem:$0x3FB5] =	sst s8  }
0x11: {  	[smem:$0x3FB6] =	sst s9;
	s0 =	simm.s32 @!p0 $0x0  }
0x12: {  	s1 =	sld [smem:$0x3F9C];
	s0 =	simm.s32 @p0 $0x1  }
0x13: {  	[smem:$0x3FB7] =	sst s0;
	s0 =	simm.s32 @!p1 $0x0  }
0x14: {  	s2 =	sld [smem:$0x3F9B];
	s0 =	simm.s32 @p1 $0x1  }
0x15: {  	[smem:$0x3FB8] =	sst s0;
	s0 =	simm.s32 @!p2 $0x0  }
0x16: {  	s3 =	sld [smem:$0x3FDB];
	s0 =	simm.s32 @p2 $0x1  }
0x17: {  	s4 =	simm.s32 $0x1BF5;
	[smem:$0x3FBA] =	sst s0  }
0x18: {  	s0 =	sld [smem:$0x3F9D];
	_ =	swait.ge [sflag:s4], $0x0  }
0x19: {  	s7 =	sld [smem:$0x3F9E]  }
0x1a: {  	s8 =	sadd.s32 $0xFFFFE003, lr  }
0x1b: {  	s9 =	sadd.s32 $0xFFFFFEF7, lr;
	s5 =	simm.s32 $0xFFFFFFFF;
	p2 =	slt.u32 s8, $0xFFFFF086  }
0x1c: {  	p1 =	slt.u32 s9, $0xF7A;
	s5 =	simm.s32 @!p2 $0x0  }
0x1d: {  	s5 =	simm.s32 @p1 $0x1;
	p0 =	seq.s32 s7, s2  }
0x1e: {  	s7 =	smul.u32 @!p0 $0xF7A, s2;
	p2 =	seq.s32 @!p0 s5, $0x0  }
0x1f: {  	s9 =	smul.u32 $0xF7A, s1;
	s8 =	simm.s32 @!p0 $0x1BF5;
	p2 =	por !p2, p0  }
0x20: {  	[sflag:s8] =	ssyncset.s32 @!p0 $0xFFFFF086;
	s6 =	sadd.s32 @!p0 s3, s7;
	s7 =	simm.s32 @!p0 $0x108  }
0x21: {  	s3 =	sadd.s32 s3, s9;
	s6 =	sadd.s32 @!p0 $0x88, s6;
	s7 =	simm.s32 @p2 $0x1082  }
0x22: {  	[simem:s7], [sflag:s8] =	dma.local @!p0 [hbm:s6], $0xF7A  }
0x23: {  	s9 =	sor.u32 $0xD0000000, s2;
	s6 =	simm.s32 $0x108;
	_ =	swait.ge @!p0 [sflag:s8], $0x0  }
0x24: {  	s3 =	sadd.s32 $0x88, s3;
	s6 =	simm.s32 @!p1 $0x1082;
	[sflag:s4] =	ssyncset.s32 $0xFFFFF086  }
0x25: {  	[simem:s6], [sflag:s4] =	dma.local [hbm:s3], $0xF7A  }
0x26: {  	[smem:$0x3F9E] =	sst s1;
	(tag) =	ssettag s2;
	_ =	strace s9  }
0x27: {  	s1 =	sld [smem:$0x3FAE]  }
0x28: {  	s2 =	sld [smem:$0x3FAF]  }
0x29: {  	s4 =	sld [smem:$0x3FB1]  }
0x2a: {  	p0 =	seq.s32 s5, $0x0;
	s5 =	sld [smem:$0x3FB2]  }
0x2b: {  	s6 =	sld [smem:$0x3FB3]  }
0x2c: {  	s7 =	sld [smem:$0x3FB4]  }
0x2d: {  	s3 =	simm.s32 $0x108;
	s8 =	sld [smem:$0x3FB5]  }
0x2e: {  	s3 =	simm.s32 @!p0 $0x1082;
	s9 =	sld [smem:$0x3FB6]  }
0x2f: {  	lr =	sadd.s32 s0, s3;
	s0 =	sld [smem:$0x3FAD]  }
0x30: {  	s3 =	sld [smem:$0x3FB0]  }
0x31: {  	[smem:$0x3FB9] =	sst s10  }
0x32: {  	s10 =	sld [smem:$0x3FB7];
	_ =	sdelay $0x3  }
0x33: {  	p0 =	seq.s32 s10, $0x1;
	s10 =	sld [smem:$0x3FB9];
	_ =	sdelay $0x3  }
0x34: {  	[smem:$0x3FB9] =	sst s10  }
0x35: {  	s10 =	sld [smem:$0x3FB8];
	_ =	sdelay $0x3  }
0x36: {  	p1 =	seq.s32 s10, $0x1;
	s10 =	sld [smem:$0x3FB9];
	_ =	sdelay $0x3  }
0x37: {  	[smem:$0x3FB9] =	sst s10  }
0x38: {  	s10 =	sld [smem:$0x3FBA]  }
0x39: {  	_ = 	snop;
	(pc) =	sbr.ind lr, $3  }
0x3a: {  	_ = 	snop  }
0x3b: {  	_ = 	snop  }
0x3c: {  	p2 =	seq.s32 s10, $0x1;
	s10 =	sld [smem:$0x3FB9]  }
0x3d: {  	_ =	shalt  }
0x3e: {  	_ =	shalt  }
0x3f: {  	_ =	shalt  }
0x40: {  	_ =	shalt  }
0x41: {  	_ =	shalt  }
0x42: {  	_ =	shalt  }
0x43: {  	_ =	shalt  }
0x44: {  	_ =	shalt  }
0x45: {  	_ =	shalt  }
0x46: {  	_ =	shalt  }
0x47: {  	_ =	shalt  }
0x48: {  	_ =	shalt  }
0x49: {  	_ =	shalt  }
0x4a: {  	_ =	shalt  }
0x4b: {  	_ =	shalt  }
0x4c: {  	_ =	shalt  }
0x4d: {  	_ =	shalt  }
0x4e: {  	_ =	shalt  }
0x4f: {  	_ =	shalt  }
0x50: {  	_ =	shalt  }
0x51: {  	_ =	shalt  }
0x52: {  	_ =	shalt  }
0x53: {  	_ =	shalt  }
0x54: {  	_ =	shalt  }
0x55: {  	_ =	shalt  }
0x56: {  	_ =	shalt  }
0x57: {  	_ =	shalt  }
0x58: {  	_ =	shalt  }
0x59: {  	_ =	shalt  }
0x5a: {  	_ =	shalt  }
0x5b: {  	_ =	shalt  }
0x5c: {  	_ =	shalt  }
0x5d: {  	_ =	shalt  }
0x5e: {  	_ =	shalt  }
0x5f: {  	_ =	shalt  }
0x60: {  	_ =	shalt  }
0x61: {  	_ =	shalt  }
0x62: {  	_ =	shalt  }
0x63: {  	_ =	shalt  }
0x64: {  	_ =	shalt  }
0x65: {  	_ =	shalt  }
0x66: {  	_ =	shalt  }
0x67: {  	_ =	shalt  }
0x68: {  	_ =	shalt  }
0x69: {  	_ =	shalt  }
0x6a: {  	_ =	shalt  }
0x6b: {  	_ =	shalt  }
0x6c: {  	_ =	shalt  }
0x6d: {  	_ =	shalt  }
0x6e: {  	_ =	shalt  }
0x6f: {  	_ =	shalt  }
0x70: {  	_ =	shalt  }
0x71: {  	_ =	shalt  }
0x72: {  	_ =	shalt  }
0x73: {  	_ =	shalt  }
0x74: {  	_ =	shalt  }
0x75: {  	_ =	shalt  }
0x76: {  	_ =	shalt  }
0x77: {  	_ =	shalt  }
0x78: {  	_ =	shalt  }
0x79: {  	_ =	shalt  }
0x7a: {  	_ =	shalt  }
0x7b: {  	_ =	shalt  }
0x7c: {  	_ =	shalt  }
0x7d: {  	_ =	shalt  }
0x7e: {  	_ =	shalt  }
0x7f: {  	_ =	shalt  }
0x80: {  	_ =	shalt  }
0x81: {  	_ =	shalt  }
0x82: {  	_ =	shalt  }
0x83: {  	_ =	shalt  }
0x84: {  	_ =	shalt  }
0x85: {  	_ =	shalt  }
0x86: {  	_ =	shalt  }
0x87: {  	_ =	shalt  }
.Lfunc_end0:
.L_simem_size_0:
called_computation.2_lowered:
.L_overlay_start_0:
0x88: {  	s2 =	sld [smem:$0x3FD9]  }
0x89: {  	s3 =	sld [smem:$0x3FFE];
	_ =	sdelay $0x1  }
0x8a: {  	s1 =	srdreg.scid  }
0x8b: {  	s0 =	sand.u32 $0x1, s1  }
0x8c: {  	s17 =	sshll.u32 s0, $0xA;
	s2 =	sadd.s32 s3, s2  }
0x8d: {  	s2 =	sadd.s32 s2, s17  }
0x8e: {  	[smem:$0x3FC5] =	sst s2  }
0x8f: {  	_ = 	snop  }
0x90: {  	s2 =	sld [smem:$0x3FD0];
	(tm) =	ssettm $0x1  }
0x91: {  	s18 =	sld [smem:$0x3FFB];
	_ =	sdelay $0x3  }
0x92: {  	_ =	strace s18  }
0x93: {  	s3 =	sld [smem:$0x3FFC];
	_ =	sdelay $0x3  }
0x94: {  	_ =	strace s3  }
0x95: {  	s3 =	sld [smem:$0x3FFD];
	_ =	sdelay $0x3  }
0x96: {  	_ =	strace s3  }
0x97: {  	_ =	strace $0x8FFFFFFF  }
0x98: {  	s19 =	sld [smem:$0x3FDB];
	_ =	sdelay $0x1  }
0x99: {  	s4 =	simm.s32 $_scs_section_size  }
0x9a: {  	s5 =	simm.s32 $_size__tile_overlayer_lowered;
	s6 =	simm.s32 $_tile_overlayer_lowered  }
0x9b: {  	s22 =	simm.s32 $0x1BFF;
	s21 =	sshll.u32 s6, $0x1;
	s3 =	sadd.s32 s4, s19  }
0x9c: {  	s7 =	simm.s32 $0x0;
	s20 =	sshll.u32 s5, $0x1;
	s5 =	sadd.s32 s21, s3  }
0x9d: {  	[timem:s7], [sflag:s22] =	dma.local [hbm:s5], s20  }
0x9e: {  	_ =	swait.ge [sflag:s22], s20  }
0x9f: {  	s4 =	ssub.s32 $0x0, s20;
	[sflag:s22] =	ssyncset.done $0x0  }
0xa0: {  	[sflag:s22] =	ssyncadd.s32 s4;
	_ =	sdelay $0x1  }
0xa1: {  	s23 =	simm.s32 $0x1B8B  }
0xa2: {  	_ =	swait.ge [sflag:s23], $0x1  }
0xa3: {  	[sflag:s23] =	ssyncset.done $0x0  }
0xa4: {  	s25 =	simm.s32 $0x1B8E;
	s24 =	sld [smem:$0x3FFE];
	[sflag:s23] =	ssyncadd.s32 $0xFFFFFFFF  }
0xa5: {  	s26 =	simm.s32 $execute0_lowered;
	[smem:$0x3FD2] =	sst s25  }
0xa6: {  	s5 =	sshll.u32 s26, $0x1;
	_ =	strace $0x80000049;
	[dreg:$0x1] =	wrdreg $0xFFFFFFFF  }
0xa7: {  	s28 =	simm.s32 $_size_execute0_lowered;
	s3 =	sadd.s32 s3, s5;
	[dreg:$0x0] =	wrdreg $0x0  }
0xa8: {  	s5 =	sshll.u32 s28, $0x1;
	[dreg:$0x2] =	wrdreg s3  }
0xa9: {  	[dreg:$0x3] =	wrdreg s5  }
0xaa: {  	[dreg:$0x4] =	wrdreg $0xC0  }
0xab: {  	_ =	task [dreg:s7], $0x5FFFF  }
0xac: {  	[dreg:$0x1] =	wrdreg $0xFFFFFFFF  }
0xad: {  	[dreg:$0x0] =	wrdreg $0x60  }
0xae: {  	[dreg:$0x2] =	wrdreg s24  }
0xaf: {  	[dreg:$0x3] =	wrdreg s2  }
0xb0: {  	[dreg:$0x4] =	wrdreg $0x9  }
0xb1: {  	_ =	task.clear_ibuf [dreg:s7], $0x5FFFF;
	_ =	strace $0x90000049  }
0xb2: {  	s29 =	simm.s32 $0x9;
	_ =	strace $0x8000004B  }
0xb3: {  	_ =	swait.ge [sflag:s29], $0x1  }
0xb4: {  	[sflag:s29] =	ssyncadd.s32 $0xFFFFFFFF  }
0xb5: {  	_ =	strace $0x9000004B  }
0xb6: {  	_ =	sfence  }
0xb7: {  	s30 =	sld [smem:$0x0];
	_ =	sdelay $0x2  }
0xb8: {  	s31 =	sshll.u32 s1, $0xD;
	s1 =	sshrl.u32 s1, $0x2  }
0xb9: {  	s3 =	sand.u32 $0x4000, s31;
	s1 =	sadd.s32 s1, s30  }
0xba: {  	s0 =	sor.u32 s3, s0;
	s1 =	sshll.u32 s1, $0x11  }
0xbb: {  	s0 =	sor.u32 s1, s0  }
0xbc: {  	s0 =	sadd.s32 $0x8F2B, s0  }
0xbd: {  	[sflag:s0] =	ssyncadd.remote.s32 $0x1  }
0xbe: {  	_ =	sfence.sel $0xFFFF  }
0xbf: {  	[dreg:$0x0] =	wrdreg $0xFFFFFFFF;
	(pc) =	sbr.abs _section_cstart, $3  }
0xc0: {  	[dreg:$0x1] =	wrdreg $0xFFFFFFFF  }
0xc1: {  	_ =	task.clear_ibuf [dreg:s7], $0x2FFFF;
	_ =	strace $0x9FFFFFFF  }
0xc2: {  	(tm) =	ssettm $0x7FFFFFFF  }
0xc3: {  	_ =	shalt  }
tec
execute0_lowered:
.L_overlay_start_1:
0x0: {  	(tag) =	ssettag $0x1  }
0x1: {  	s0 =	rddreg [dreg:$0x0]  }
0x2: {  	s1 =	rddreg [dreg:$0x1];
	s2 =	simm.s32 $0x0;
	s3 =	srdreg.scid;
	v2 =	vlaneseq.u32  }
0x3: {  	s7 =	stileid.u32;
	s17 =	simm.s32 $0x40;
	[smem:$0x7FF] =	sst s2;
	v0 =	vmul.u32 $0x8, v2;
	v1 =	vmul.u32 $0x128, v2  }
0x4: {  	s4 =	sadd.s32 $0x1200, s0;
	s5 =	sadd.s32 $0x381200, s0;
	s3 =	sand.u32 $0x1, s3;
	v2 =	vmul.u32 $0x10, v2  }
0x5: {  	s6 =	sadd.s32 $0x241200, s0;
	s8 =	sshll.u32 s7, $0xD;
	s9 =	sshll.u32 s3, $0xC;
	v3 =	vor.u32 $0x1, v0;
	v4 =	vor.u32 $0x1, v1;
	v5 =	vor.u32 $0x2, v0  }
0x6: {  	s7 =	sadd.s32 $0x2D1200, s0;
	_ =	strace $0x8000004A;
	s8 =	sor.u32 s9, s8;
	v6 =	vor.u32 $0x2, v1;
	v7 =	vor.u32 $0x4, v2;
	v8 =	vor.u32 $0x1, v2  }
0x7: {  	s25 =	ssub.s32 $0x2, s3;
	v9 =	vor.u32 $0x2, v2;
	v10 =	vor.u32 $0x3, v2;
	v11 =	vor.u32 $0x80, v0;
	s9 =	sshrl.u32 s8, $0x3;
	s29 =	sadd.s32 s7, s8  }
0x8: {  	s3 =	sshrl.u32 s25, $0x1;
	v12 =	vadd.s32 $0x1280, v1;
	v13 =	vor.u32 $0x81, v0;
	v14 =	vadd.s32 $0x1281, v1;
	s26 =	sadd.s32 s5, s9;
	[dreg:$0x5] =	wrdreg s29  }
0x9: {  	v15 =	vor.u32 $0x82, v0;
	v16 =	vadd.s32 $0x1282, v1;
	v17 =	vor.u32 $0x100, v2;
	s10 =	sor.u32 $0x40, s8;
	s9 =	sadd.s32 s6, s9;
	[dreg:$0x3] =	wrdreg s26  }
0xa: {  	v18 =	vor.u32 $0x104, v2;
	v19 =	vor.u32 $0x101, v2;
	v20 =	vor.u32 $0x102, v2;
	s0 =	ssub.s32 s25, s3;
	s31 =	sadd.s32 s7, s10;
	[dreg:$0x4] =	wrdreg s9  }
0xb: {  	v21 =	vor.u32 $0x103, v2;
	v22 =	vor.u32 $0x100, v0;
	v23 =	vadd.s32 $0x2500, v1;
	s28 =	sshrl.u32 s10, $0x3;
	s0 =	smax.u32 s0, $0x1;
	[dreg:$0x8] =	wrdreg s31  }
0xc: {  	s21 =	simm.s32 $0x1;
	v24 =	vor.u32 $0x101, v0;
	v25 =	vadd.s32 $0x2501, v1;
	v26 =	vor.u32 $0x102, v0;
	s30 =	sadd.s32 s5, s28;
	[dreg:$0x9] =	wrdreg s0  }
0xd: {  	s20 =	simm.s32 $0x0;
	v27 =	vadd.s32 $0x2502, v1;
	v28 =	vor.u32 $0x200, v2;
	v29 =	vor.u32 $0x204, v2;
	s3 =	sadd.s32 s6, s28;
	[dreg:$0x6] =	wrdreg s30  }
0xe: {  	v30 =	vor.u32 $0x201, v2;
	v31 =	vor.u32 $0x202, v2;
	v32 =	vor.u32 $0x203, v2;
	s15 =	sor.u32 $0x80, s8;
	s10 =	simm.s32 $0x20000;
	[dreg:$0x7] =	wrdreg s3  }
.LBB2_1:
0xf: {  	s0 =	rddreg [dreg:$0x3]  }
0x10: {  	[tilespmem:s2], [sflag:$0x1] =	stream.strided.gather [hbm4b:s0+s17], $0x900, s10, s17, $0x38;
	[tilespmem:$0x1EE00] =	vst v63  }
0x11: {  	s29 =	rddreg [dreg:$0x4];
	s3 =	simm.s32 $0x2400  }
0x12: {  	[tilespmem:s3], [sflag:$0x1] =	stream.strided.gather [hbm4b:s29+s17], $0x900, s10, s17, $0x38;
	[tilespmem:$0x1EE00] =	vst v63  }
0x13: {  	s30 =	rddreg [dreg:$0x5];
	s31 =	simm.s32 $0x3600  }
0x14: {  	[tilespmem:s31], [sflag:$0x1] =	stream.linear.gather [hbm4b:s30+s2], $0x200, $0x38;
	[tilespmem:$0x1EE00] =	vst v63  }
0x15: {  	_ =	swait.ge [sflag:s21], $0x900  }
0x16: {  	[sflag:s21] =	ssyncset.done $0x0  }
0x17: {  	[sflag:s21] =	ssyncadd.s32 $0xFFFFF700  }
0x18: {  	_ =	swait.ge [sflag:s21], $0x900  }
0x19: {  	[sflag:s21] =	ssyncset.done $0x0  }
0x1a: {  	[sflag:s21] =	ssyncadd.s32 $0xFFFFF700  }
0x1b: {  	_ =	swait.ge [sflag:s21], $0x200  }
0x1c: {  	[sflag:s21] =	ssyncset.done $0x0  }
0x1d: {  	s0 =	simm.s32 $0x0;
	[sflag:s21] =	ssyncadd.s32 $0xFFFFFE00  }
0x1e: {  	v35 =	vld [tilespmem:s0+$0x30]  }
0x1f: {  	v36 =	vld [tilespmem:s0+$0x0]  }
0x20: {  	v33 =	vld [tilespmem:s0+$0x10]  }
0x21: {  	s3 =	simm.s32 $0x100;
	v34 =	vld [tilespmem:s0+$0x20]  }
.LBB2_2:
0x22: {  	p0 =	sne.s32 s3, $0x2300  }
.Ltmp0:
0x23: {  	s9 =	sshra.s32 s3, $0x2;
	s3 =	sadd.s32 $0x100, s3;
	v37 =	vshrl.u32 v35, $0x1;
	(pc) =	sbr.rel @p0 .LBB2_2-.Ltmp0, $4  }
0x24: {  	v35 =	vld [tilespmem:s9+$0x30];
	v38 =	vshrl.u32 v36, $0x1;
	[tilespmem:s0+$0x1230] =	vst v37  }
0x25: {  	v36 =	vld [tilespmem:s9+$0x0];
	[tilespmem:s0+$0x1200] =	vst v38;
	v37 =	vshrl.u32 v33, $0x1  }
0x26: {  	v33 =	vld [tilespmem:s9+$0x10];
	[tilespmem:s0+$0x1210] =	vst v37;
	v37 =	vshrl.u32 v34, $0x1  }
0x27: {  	v34 =	vld [tilespmem:s9+$0x20];
	[tilespmem:s0+$0x1220] =	vst v37;
	s0 =	smov.u32 s9  }
0x28: {  	_ = 	snop  }
0x29: {  	v35 =	vshrl.u32 v35, $0x1  }
0x2a: {  	v36 =	vshrl.u32 v36, $0x1;
	[tilespmem:s0+$0x1230] =	vst v35  }
0x2b: {  	[tilespmem:s0+$0x1200] =	vst v36;
	v33 =	vshrl.u32 v33, $0x1  }
0x2c: {  	[tilespmem:s0+$0x1210] =	vst v33;
	v63 =	vshrl.u32 v34, $0x1  }
0x2d: {  	s26 =	simm.s32 $0x1200;
	s3 =	simm.s32 $0x3A00;
	[tilespmem:s0+$0x1220] =	vst v63  }
0x2e: {  	[tilespmem:s3], [sflag:$0x3] =	stream.indirect.gather [hbm4b:s4+s17], $0x10, s26, s17, $0xb8;
	[tilespmem:$0x1EE00] =	vst v63  }
0x2f: {  	s28 =	simm.s32 $0x1240;
	s29 =	simm.s32 $0x3E00  }
0x30: {  	[tilespmem:s29], [sflag:$0x3] =	stream.indirect.gather [hbm4b:s4+s17], $0x10, s28, s17, $0xb8;
	[tilespmem:$0x1EE00] =	vst v63  }
0x31: {  	s30 =	simm.s32 $0x1280;
	s31 =	simm.s32 $0x4200  }
0x32: {  	[tilespmem:s31], [sflag:$0x3] =	stream.indirect.gather [hbm4b:s4+s17], $0x10, s30, s17, $0xb8;
	[tilespmem:$0x1EE00] =	vst v63  }
0x33: {  	s9 =	simm.s32 $0x4600;
	s3 =	simm.s32 $0x12C0  }
0x34: {  	[tilespmem:s9], [sflag:$0x3] =	stream.indirect.gather [hbm4b:s4+s17], $0x10, s3, s17, $0xb8;
	[tilespmem:$0x1EE00] =	vst v63  }
0x35: {  	s11 =	simm.s32 $0x1300;
	s12 =	simm.s32 $0x4A00  }
0x36: {  	[tilespmem:s12], [sflag:$0x3] =	stream.indirect.gather [hbm4b:s4+s17], $0x10, s11, s17, $0xb8;
	[tilespmem:$0x1EE00] =	vst v63  }
0x37: {  	s13 =	simm.s32 $0x1340;
	s14 =	simm.s32 $0x4E00  }
0x38: {  	[tilespmem:s14], [sflag:$0x3] =	stream.indirect.gather [hbm4b:s4+s17], $0x10, s13, s17, $0xb8;
	[tilespmem:$0x1EE00] =	vst v63  }
0x39: {  	s16 =	simm.s32 $0x1380;
	s18 =	simm.s32 $0x5200  }
0x3a: {  	[tilespmem:s18], [sflag:$0x3] =	stream.indirect.gather [hbm4b:s4+s17], $0x10, s16, s17, $0xb8;
	[tilespmem:$0x1EE00] =	vst v63  }
0x3b: {  	s19 =	simm.s32 $0x13C0;
	s22 =	simm.s32 $0x5600  }
0x3c: {  	[tilespmem:s22], [sflag:$0x3] =	stream.indirect.gather [hbm4b:s4+s17], $0x10, s19, s17, $0xb8;
	[tilespmem:$0x1EE00] =	vst v63  }
0x3d: {  	s23 =	simm.s32 $0x1400;
	s24 =	simm.s32 $0x5A00  }
0x3e: {  	[tilespmem:s24], [sflag:$0x3] =	stream.indirect.gather [hbm4b:s4+s17], $0x10, s23, s17, $0xb8;
	[tilespmem:$0x1EE00] =	vst v63  }
0x3f: {  	s25 =	simm.s32 $0x1440;
	s26 =	simm.s32 $0x5E00  }
0x40: {  	[tilespmem:s26], [sflag:$0x3] =	stream.indirect.gather [hbm4b:s4+s17], $0x10, s25, s17, $0xb8;
	[tilespmem:$0x1EE00] =	vst v63  }
0x41: {  	s28 =	simm.s32 $0x1480;
	s29 =	simm.s32 $0x6200  }
0x42: {  	[tilespmem:s29], [sflag:$0x3] =	stream.indirect.gather [hbm4b:s4+s17], $0x10, s28, s17, $0xb8;
	[tilespmem:$0x1EE00] =	vst v63  }
0x43: {  	s30 =	simm.s32 $0x14C0;
	s31 =	simm.s32 $0x6600  }
0x44: {  	[tilespmem:s31], [sflag:$0x3] =	stream.indirect.gather [hbm4b:s4+s17], $0x10, s30, s17, $0xb8;
	[tilespmem:$0x1EE00] =	vst v63  }
0x45: {  	s3 =	simm.s32 $0x1500;
	s9 =	simm.s32 $0x6A00  }
0x46: {  	[tilespmem:s9], [sflag:$0x3] =	stream.indirect.gather [hbm4b:s4+s17], $0x10, s3, s17, $0xb8;
	[tilespmem:$0x1EE00] =	vst v63  }
0x47: {  	s11 =	simm.s32 $0x1540;
	s12 =	simm.s32 $0x6E00  }
0x48: {  	[tilespmem:s12], [sflag:$0x3] =	stream.indirect.gather [hbm4b:s4+s17], $0x10, s11, s17, $0xb8;
	[tilespmem:$0x1EE00] =	vst v63  }
0x49: {  	s13 =	simm.s32 $0x1580;
	s14 =	simm.s32 $0x7200  }
0x4a: {  	[tilespmem:s14], [sflag:$0x3] =	stream.indirect.gather [hbm4b:s4+s17], $0x10, s13, s17, $0xb8;
	[tilespmem:$0x1EE00] =	vst v63  }
0x4b: {  	s16 =	simm.s32 $0x15C0;
	s18 =	simm.s32 $0x7600  }
0x4c: {  	[tilespmem:s18], [sflag:$0x3] =	stream.indirect.gather [hbm4b:s4+s17], $0x10, s16, s17, $0xb8;
	[tilespmem:$0x1EE00] =	vst v63  }
0x4d: {  	s19 =	simm.s32 $0x1600;
	s22 =	simm.s32 $0x7A00  }
0x4e: {  	[tilespmem:s22], [sflag:$0x3] =	stream.indirect.gather [hbm4b:s4+s17], $0x10, s19, s17, $0xb8;
	[tilespmem:$0x1EE00] =	vst v63  }
0x4f: {  	s23 =	simm.s32 $0x1640;
	s24 =	simm.s32 $0x7E00  }
0x50: {  	[tilespmem:s24], [sflag:$0x3] =	stream.indirect.gather [hbm4b:s4+s17], $0x10, s23, s17, $0xb8;
	[tilespmem:$0x1EE00] =	vst v63  }
0x51: {  	s25 =	simm.s32 $0x1680;
	s26 =	simm.s32 $0x8200  }
0x52: {  	[tilespmem:s26], [sflag:$0x3] =	stream.indirect.gather [hbm4b:s4+s17], $0x10, s25, s17, $0xb8;
	[tilespmem:$0x1EE00] =	vst v63  }
0x53: {  	s28 =	simm.s32 $0x16C0;
	s29 =	simm.s32 $0x8600  }
0x54: {  	[tilespmem:s29], [sflag:$0x3] =	stream.indirect.gather [hbm4b:s4+s17], $0x10, s28, s17, $0xb8;
	[tilespmem:$0x1EE00] =	vst v63  }
0x55: {  	s30 =	simm.s32 $0x1700;
	s31 =	simm.s32 $0x8A00  }
0x56: {  	[tilespmem:s31], [sflag:$0x3] =	stream.indirect.gather [hbm4b:s4+s17], $0x10, s30, s17, $0xb8;
	[tilespmem:$0x1EE00] =	vst v63  }
0x57: {  	s3 =	simm.s32 $0x1740;
	s9 =	simm.s32 $0x8E00  }
0x58: {  	[tilespmem:s9], [sflag:$0x3] =	stream.indirect.gather [hbm4b:s4+s17], $0x10, s3, s17, $0xb8;
	[tilespmem:$0x1EE00] =	vst v63  }
0x59: {  	s11 =	simm.s32 $0x1780;
	s12 =	simm.s32 $0x9200  }
0x5a: {  	[tilespmem:s12], [sflag:$0x3] =	stream.indirect.gather [hbm4b:s4+s17], $0x10, s11, s17, $0xb8;
	[tilespmem:$0x1EE00] =	vst v63  }
0x5b: {  	s13 =	simm.s32 $0x17C0;
	s14 =	simm.s32 $0x9600  }
0x5c: {  	[tilespmem:s14], [sflag:$0x3] =	stream.indirect.gather [hbm4b:s4+s17], $0x10, s13, s17, $0xb8;
	[tilespmem:$0x1EE00] =	vst v63  }
0x5d: {  	s16 =	simm.s32 $0x1800;
	s18 =	simm.s32 $0x9A00  }
0x5e: {  	[tilespmem:s18], [sflag:$0x3] =	stream.indirect.gather [hbm4b:s4+s17], $0x10, s16, s17, $0xb8;
	[tilespmem:$0x1EE00] =	vst v63  }
0x5f: {  	s19 =	simm.s32 $0x1840;
	s22 =	simm.s32 $0x9E00  }
0x60: {  	[tilespmem:s22], [sflag:$0x3] =	stream.indirect.gather [hbm4b:s4+s17], $0x10, s19, s17, $0xb8;
	[tilespmem:$0x1EE00] =	vst v63  }
0x61: {  	s23 =	simm.s32 $0x1880;
	s24 =	simm.s32 $0xA200  }
0x62: {  	[tilespmem:s24], [sflag:$0x3] =	stream.indirect.gather [hbm4b:s4+s17], $0x10, s23, s17, $0xb8;
	[tilespmem:$0x1EE00] =	vst v63  }
0x63: {  	s25 =	simm.s32 $0x18C0;
	s26 =	simm.s32 $0xA600  }
0x64: {  	[tilespmem:s26], [sflag:$0x3] =	stream.indirect.gather [hbm4b:s4+s17], $0x10, s25, s17, $0xb8;
	[tilespmem:$0x1EE00] =	vst v63  }
0x65: {  	s28 =	simm.s32 $0x1900;
	s29 =	simm.s32 $0xAA00  }
0x66: {  	[tilespmem:s29], [sflag:$0x3] =	stream.indirect.gather [hbm4b:s4+s17], $0x10, s28, s17, $0xb8;
	[tilespmem:$0x1EE00] =	vst v63  }
0x67: {  	s30 =	simm.s32 $0x1940;
	s31 =	simm.s32 $0xAE00  }
0x68: {  	[tilespmem:s31], [sflag:$0x3] =	stream.indirect.gather [hbm4b:s4+s17], $0x10, s30, s17, $0xb8;
	[tilespmem:$0x1EE00] =	vst v63  }
0x69: {  	s3 =	simm.s32 $0x1980;
	s9 =	simm.s32 $0xB200  }
0x6a: {  	[tilespmem:s9], [sflag:$0x3] =	stream.indirect.gather [hbm4b:s4+s17], $0x10, s3, s17, $0xb8;
	[tilespmem:$0x1EE00] =	vst v63  }
0x6b: {  	s11 =	simm.s32 $0x19C0;
	s12 =	simm.s32 $0xB600  }
0x6c: {  	[tilespmem:s12], [sflag:$0x3] =	stream.indirect.gather [hbm4b:s4+s17], $0x10, s11, s17, $0xb8;
	[tilespmem:$0x1EE00] =	vst v63  }
0x6d: {  	s13 =	simm.s32 $0x1A00;
	s14 =	simm.s32 $0xBA00  }
0x6e: {  	[tilespmem:s14], [sflag:$0x3] =	stream.indirect.gather [hbm4b:s4+s17], $0x10, s13, s17, $0xb8;
	[tilespmem:$0x1EE00] =	vst v63  }
0x6f: {  	s16 =	simm.s32 $0x1A40;
	s18 =	simm.s32 $0xBE00  }
0x70: {  	[tilespmem:s18], [sflag:$0x3] =	stream.indirect.gather [hbm4b:s4+s17], $0x10, s16, s17, $0xb8;
	[tilespmem:$0x1EE00] =	vst v63  }
0x71: {  	s19 =	simm.s32 $0x1A80;
	s22 =	simm.s32 $0xC200  }
0x72: {  	[tilespmem:s22], [sflag:$0x3] =	stream.indirect.gather [hbm4b:s4+s17], $0x10, s19, s17, $0xb8;
	[tilespmem:$0x1EE00] =	vst v63  }
0x73: {  	s23 =	simm.s32 $0x1AC0;
	s24 =	simm.s32 $0xC600  }
0x74: {  	[tilespmem:s24], [sflag:$0x3] =	stream.indirect.gather [hbm4b:s4+s17], $0x10, s23, s17, $0xb8;
	[tilespmem:$0x1EE00] =	vst v63  }
0x75: {  	p0 =	por $0x1, $0x1;
	s25 =	rddreg [dreg:$0x6];
	s26 =	simm.s32 $0x900  }
0x76: {  	[tilespmem:s26], [sflag:$0x2] =	stream.strided.gather [hbm4b:s25+s17], $0x900, s10, s17, $0x38;
	[tilespmem:$0x1EE00] =	vst v63  }
0x77: {  	p1 =	por $0x0, $0x0;
	s28 =	rddreg [dreg:$0x7];
	s29 =	simm.s32 $0x2D00  }
0x78: {  	[tilespmem:s29], [sflag:$0x2] =	stream.strided.gather [hbm4b:s28+s17], $0x900, s10, s17, $0x38;
	[tilespmem:$0x1EE00] =	vst v63  }
0x79: {  	s30 =	rddreg [dreg:$0x8];
	s31 =	simm.s32 $0x3800;
	s22 =	simm.s32 $0x0  }
0x7a: {  	[tilespmem:s31], [sflag:$0x2] =	stream.linear.gather [hbm4b:s30+s22], $0x200, $0x38;
	[tilespmem:$0x1EE00] =	vst v63  }
.LBB2_4:
0x7b: {  	s23 =	sand.u32 $0x1, s22  }
0x7c: {  	s0 =	sadd.s32 $0x3, s23  }
0x7d: {  	_ =	swait.ge [sflag:s0], $0x400  }
0x7e: {  	[sflag:s0] =	ssyncset.done $0x0  }
0x7f: {  	[sflag:s0] =	ssyncadd.s32 $0xFFFFFC00  }
0x80: {  	_ =	swait.ge [sflag:s0], $0x400  }
0x81: {  	[sflag:s0] =	ssyncset.done $0x0  }
0x82: {  	[sflag:s0] =	ssyncadd.s32 $0xFFFFFC00  }
0x83: {  	_ =	swait.ge [sflag:s0], $0x400  }
0x84: {  	[sflag:s0] =	ssyncset.done $0x0  }
0x85: {  	[sflag:s0] =	ssyncadd.s32 $0xFFFFFC00  }
0x86: {  	_ =	swait.ge [sflag:s0], $0x400  }
0x87: {  	[sflag:s0] =	ssyncset.done $0x0  }
0x88: {  	[sflag:s0] =	ssyncadd.s32 $0xFFFFFC00  }
0x89: {  	_ =	swait.ge [sflag:s0], $0x400  }
0x8a: {  	[sflag:s0] =	ssyncset.done $0x0  }
0x8b: {  	[sflag:s0] =	ssyncadd.s32 $0xFFFFFC00  }
0x8c: {  	_ =	swait.ge [sflag:s0], $0x400  }
0x8d: {  	[sflag:s0] =	ssyncset.done $0x0  }
0x8e: {  	[sflag:s0] =	ssyncadd.s32 $0xFFFFFC00  }
0x8f: {  	_ =	swait.ge [sflag:s0], $0x400  }
0x90: {  	[sflag:s0] =	ssyncset.done $0x0  }
0x91: {  	[sflag:s0] =	ssyncadd.s32 $0xFFFFFC00  }
0x92: {  	_ =	swait.ge [sflag:s0], $0x400  }
0x93: {  	[sflag:s0] =	ssyncset.done $0x0  }
0x94: {  	[sflag:s0] =	ssyncadd.s32 $0xFFFFFC00  }
0x95: {  	_ =	swait.ge [sflag:s0], $0x400  }
0x96: {  	[sflag:s0] =	ssyncset.done $0x0  }
0x97: {  	[sflag:s0] =	ssyncadd.s32 $0xFFFFFC00  }
0x98: {  	_ =	swait.ge [sflag:s0], $0x400  }
0x99: {  	[sflag:s0] =	ssyncset.done $0x0  }
0x9a: {  	[sflag:s0] =	ssyncadd.s32 $0xFFFFFC00  }
0x9b: {  	_ =	swait.ge [sflag:s0], $0x400  }
0x9c: {  	[sflag:s0] =	ssyncset.done $0x0  }
0x9d: {  	[sflag:s0] =	ssyncadd.s32 $0xFFFFFC00  }
0x9e: {  	_ =	swait.ge [sflag:s0], $0x400  }
0x9f: {  	[sflag:s0] =	ssyncset.done $0x0  }
0xa0: {  	[sflag:s0] =	ssyncadd.s32 $0xFFFFFC00  }
0xa1: {  	_ =	swait.ge [sflag:s0], $0x400  }
0xa2: {  	[sflag:s0] =	ssyncset.done $0x0  }
0xa3: {  	[sflag:s0] =	ssyncadd.s32 $0xFFFFFC00  }
0xa4: {  	_ =	swait.ge [sflag:s0], $0x400  }
0xa5: {  	[sflag:s0] =	ssyncset.done $0x0  }
0xa6: {  	[sflag:s0] =	ssyncadd.s32 $0xFFFFFC00  }
0xa7: {  	_ =	swait.ge [sflag:s0], $0x400  }
0xa8: {  	[sflag:s0] =	ssyncset.done $0x0  }
0xa9: {  	[sflag:s0] =	ssyncadd.s32 $0xFFFFFC00  }
0xaa: {  	_ =	swait.ge [sflag:s0], $0x400  }
0xab: {  	[sflag:s0] =	ssyncset.done $0x0  }
0xac: {  	[sflag:s0] =	ssyncadd.s32 $0xFFFFFC00  }
0xad: {  	_ =	swait.ge [sflag:s0], $0x400  }
0xae: {  	[sflag:s0] =	ssyncset.done $0x0  }
0xaf: {  	[sflag:s0] =	ssyncadd.s32 $0xFFFFFC00  }
0xb0: {  	_ =	swait.ge [sflag:s0], $0x400  }
0xb1: {  	[sflag:s0] =	ssyncset.done $0x0  }
0xb2: {  	[sflag:s0] =	ssyncadd.s32 $0xFFFFFC00  }
0xb3: {  	_ =	swait.ge [sflag:s0], $0x400  }
0xb4: {  	[sflag:s0] =	ssyncset.done $0x0  }
0xb5: {  	[sflag:s0] =	ssyncadd.s32 $0xFFFFFC00  }
0xb6: {  	_ =	swait.ge [sflag:s0], $0x400  }
0xb7: {  	[sflag:s0] =	ssyncset.done $0x0  }
0xb8: {  	[sflag:s0] =	ssyncadd.s32 $0xFFFFFC00  }
0xb9: {  	_ =	swait.ge [sflag:s0], $0x400  }
0xba: {  	[sflag:s0] =	ssyncset.done $0x0  }
0xbb: {  	[sflag:s0] =	ssyncadd.s32 $0xFFFFFC00  }
0xbc: {  	_ =	swait.ge [sflag:s0], $0x400  }
0xbd: {  	[sflag:s0] =	ssyncset.done $0x0  }
0xbe: {  	[sflag:s0] =	ssyncadd.s32 $0xFFFFFC00  }
0xbf: {  	_ =	swait.ge [sflag:s0], $0x400  }
0xc0: {  	[sflag:s0] =	ssyncset.done $0x0  }
0xc1: {  	[sflag:s0] =	ssyncadd.s32 $0xFFFFFC00  }
0xc2: {  	_ =	swait.ge [sflag:s0], $0x400  }
0xc3: {  	[sflag:s0] =	ssyncset.done $0x0  }
0xc4: {  	[sflag:s0] =	ssyncadd.s32 $0xFFFFFC00  }
0xc5: {  	_ =	swait.ge [sflag:s0], $0x400  }
0xc6: {  	[sflag:s0] =	ssyncset.done $0x0  }
0xc7: {  	[sflag:s0] =	ssyncadd.s32 $0xFFFFFC00  }
0xc8: {  	_ =	swait.ge [sflag:s0], $0x400  }
0xc9: {  	[sflag:s0] =	ssyncset.done $0x0  }
0xca: {  	[sflag:s0] =	ssyncadd.s32 $0xFFFFFC00  }
0xcb: {  	_ =	swait.ge [sflag:s0], $0x400  }
0xcc: {  	[sflag:s0] =	ssyncset.done $0x0  }
0xcd: {  	[sflag:s0] =	ssyncadd.s32 $0xFFFFFC00  }
0xce: {  	_ =	swait.ge [sflag:s0], $0x400  }
0xcf: {  	[sflag:s0] =	ssyncset.done $0x0  }
0xd0: {  	[sflag:s0] =	ssyncadd.s32 $0xFFFFFC00  }
0xd1: {  	_ =	swait.ge [sflag:s0], $0x400  }
0xd2: {  	[sflag:s0] =	ssyncset.done $0x0  }
0xd3: {  	[sflag:s0] =	ssyncadd.s32 $0xFFFFFC00  }
0xd4: {  	_ =	swait.ge [sflag:s0], $0x400  }
0xd5: {  	[sflag:s0] =	ssyncset.done $0x0  }
0xd6: {  	[sflag:s0] =	ssyncadd.s32 $0xFFFFFC00  }
0xd7: {  	_ =	swait.ge [sflag:s0], $0x400  }
0xd8: {  	[sflag:s0] =	ssyncset.done $0x0  }
0xd9: {  	[sflag:s0] =	ssyncadd.s32 $0xFFFFFC00  }
0xda: {  	_ =	swait.ge [sflag:s0], $0x400  }
0xdb: {  	[sflag:s0] =	ssyncset.done $0x0  }
0xdc: {  	[sflag:s0] =	ssyncadd.s32 $0xFFFFFC00  }
0xdd: {  	_ =	swait.ge [sflag:s0], $0x400  }
0xde: {  	[sflag:s0] =	ssyncset.done $0x0  }
0xdf: {  	[sflag:s0] =	ssyncadd.s32 $0xFFFFFC00  }
0xe0: {  	_ =	swait.ge [sflag:s0], $0x400  }
0xe1: {  	[sflag:s0] =	ssyncset.done $0x0  }
0xe2: {  	[sflag:s0] =	ssyncadd.s32 $0xFFFFFC00  }
0xe3: {  	p2 =	seq.s32 s22, $0x3F;
	_ =	swait.ge [sflag:s0], $0x400  }
.Ltmp1:
0xe4: {  	[sflag:s0] =	ssyncset.done $0x0;
	(pc) =	sbr.rel @p2 .LBB2_8-.Ltmp1, $4  }
0xe5: {  	[sflag:s0] =	ssyncadd.s32 $0xFFFFFC00  }
0xe6: {  	_ =	swait.ge [sflag:s0], $0x400  }
0xe7: {  	[sflag:s0] =	ssyncset.done $0x0  }
0xe8: {  	[sflag:s0] =	ssyncadd.s32 $0xFFFFFC00  }
0xe9: {  	s0 =	sxor.u32 $0x1, s23;
	s9 =	simm.s32 $0x1  }
0xea: {  	s3 =	sadd.s32 $0x1, s0;
	s9 =	simm.s32 @!p0 $0x0  }
0xeb: {  	_ =	swait.ge [sflag:s3], $0x900;
	s9 =	smul.u32 $0x2400, s9  }
0xec: {  	[sflag:s3] =	ssyncset.done $0x0  }
0xed: {  	[sflag:s3] =	ssyncadd.s32 $0xFFFFF700;
	s9 =	sshrl.u32 s9, $0x2  }
0xee: {  	_ =	swait.ge [sflag:s3], $0x900;
	s10 =	sor.u32 $0x20, s9  }
0xef: {  	[sflag:s3] =	ssyncset.done $0x0;
	v34 =	vmov s10  }
0xf0: {  	[sflag:s3] =	ssyncadd.s32 $0xFFFFF700  }
0xf1: {  	_ =	swait.ge [sflag:s3], $0x200  }
0xf2: {  	[sflag:s3] =	ssyncset.done $0x0  }
0xf3: {  	[sflag:s3] =	ssyncadd.s32 $0xFFFFFE00;
	s3 =	simm.s32 $0x0  }
0xf4: {  	s9 =	sadd.s32 $0x1230, s9;
	v35 =	vld.idx.msk [tilespmem:v34+s3+$0xFFFFFFE0 ss:$0x1], $0xffff  }
0xf5: {  	v33 =	vmov s9;
	_ =	sdelay $0x3  }
0xf6: {  	v35 =	vshrl.u32 v35, $0x1  }
0xf7: {  	[tilespmem:v33+s3+$0xFFFFFFD0 ss:$0x1] =	vst.idx.msk $0xffff, v35  }
0xf8: {  	v35 =	vld.idx.msk [tilespmem:v34+s3+$0xFFFFFFF0 ss:$0x1], $0xffff;
	_ =	sdelay $0x4  }
0xf9: {  	v35 =	vshrl.u32 v35, $0x1  }
0xfa: {  	[tilespmem:v33+s3+$0xFFFFFFE0 ss:$0x1] =	vst.idx.msk $0xffff, v35  }
0xfb: {  	v35 =	vld.idx.msk [tilespmem:v34+s3+$0x0 ss:$0x1], $0xffff;
	_ =	sdelay $0x4  }
0xfc: {  	v35 =	vshrl.u32 v35, $0x1  }
0xfd: {  	[tilespmem:v33+s3+$0xFFFFFFF0 ss:$0x1] =	vst.idx.msk $0xffff, v35  }
0xfe: {  	v35 =	vld.idx.msk [tilespmem:v34+s3+$0x10 ss:$0x1], $0xffff;
	_ =	sdelay $0x4  }
0xff: {  	s9 =	simm.s32 $0x100;
	s10 =	simm.s32 $0x200;
	v35 =	vshrl.u32 v35, $0x1  }
.LBB2_6:
0x100: {  	p2 =	seq.s32 s10, $0x2300  }
0x101: {  	[tilespmem:v33+s3+$0x0 ss:$0x1] =	vst.idx.msk $0xffff, v35;
	s3 =	sshra.s32 s9, $0x2;
	s9 =	smov.u32 s10;
	s10 =	sadd.s32 $0x100, s10  }
0x102: {  	v35 =	vld.idx.msk [tilespmem:v34+s3+$0xFFFFFFE0 ss:$0x1], $0xffff;
	_ =	sdelay $0x5  }
0x103: {  	v35 =	vshrl.u32 v35, $0x1  }
0x104: {  	[tilespmem:v33+s3+$0xFFFFFFD0 ss:$0x1] =	vst.idx.msk $0xffff, v35  }
0x105: {  	v35 =	vld.idx.msk [tilespmem:v34+s3+$0xFFFFFFF0 ss:$0x1], $0xffff;
	_ =	sdelay $0x5  }
0x106: {  	v35 =	vshrl.u32 v35, $0x1  }
0x107: {  	[tilespmem:v33+s3+$0xFFFFFFE0 ss:$0x1] =	vst.idx.msk $0xffff, v35  }
0x108: {  	v35 =	vld.idx.msk [tilespmem:v34+s3+$0x0 ss:$0x1], $0xffff;
	_ =	sdelay $0x5  }
0x109: {  	v35 =	vshrl.u32 v35, $0x1  }
0x10a: {  	[tilespmem:v33+s3+$0xFFFFFFF0 ss:$0x1] =	vst.idx.msk $0xffff, v35  }
0x10b: {  	v35 =	vld.idx.msk [tilespmem:v34+s3+$0x10 ss:$0x1], $0xffff;
	_ =	sdelay $0x1  }
.Ltmp2:
0x10c: {  	(pc) =	sbr.rel @!p2 .LBB2_6-.Ltmp2, $2  }
0x10d: {  	_ =	sdelay $0x2  }
0x10e: {  	v35 =	vshrl.u32 v35, $0x1  }
0x10f: {  	_ =	sdelay $0x3  }
0x110: {  	s9 =	sshra.s32 s9, $0x2;
	[tilespmem:v33+s3+$0x0 ss:$0x1] =	vst.idx.msk $0xffff, v35  }
0x111: {  	v35 =	vld.idx.msk [tilespmem:v34+s9+$0xFFFFFFE0 ss:$0x1], $0xffff;
	_ =	sdelay $0x4  }
0x112: {  	v35 =	vshrl.u32 v35, $0x1  }
0x113: {  	[tilespmem:v33+s9+$0xFFFFFFD0 ss:$0x1] =	vst.idx.msk $0xffff, v35  }
0x114: {  	v35 =	vld.idx.msk [tilespmem:v34+s9+$0xFFFFFFF0 ss:$0x1], $0xffff;
	_ =	sdelay $0x4  }
0x115: {  	v35 =	vshrl.u32 v35, $0x1  }
0x116: {  	[tilespmem:v33+s9+$0xFFFFFFE0 ss:$0x1] =	vst.idx.msk $0xffff, v35  }
0x117: {  	v35 =	vld.idx.msk [tilespmem:v34+s9+$0x0 ss:$0x1], $0xffff;
	_ =	sdelay $0x4  }
0x118: {  	v35 =	vshrl.u32 v35, $0x1  }
0x119: {  	[tilespmem:v33+s9+$0xFFFFFFF0 ss:$0x1] =	vst.idx.msk $0xffff, v35  }
0x11a: {  	v63 =	vld.idx.msk [tilespmem:v34+s9+$0x10 ss:$0x1], $0xffff;
	_ =	sdelay $0x2  }
0x11b: {  	s11 =	smul.u32 $0x24000, s0  }
0x11c: {  	s12 =	smul.u32 $0x2400, s0  }
0x11d: {  	v34 =	vshrl.u32 v63, $0x1  }
0x11e: {  	s3 =	sshrl.u32 s11, $0x2;
	[tilespmem:v33+s9+$0x0 ss:$0x1] =	vst.idx.msk $0xffff, v34;
	s9 =	sshrl.u32 s12, $0x2  }
0x11f: {  	s0 =	sadd.s32 $0x3, s0;
	s10 =	sadd.s32 $0x3A00, s3;
	s11 =	sadd.s32 $0x1200, s9  }
0x120: {  	[tilespmem:s10], [sflag:s0] =	stream.indirect.gather [hbm4b:s4+s17], $0x10, s11, s17, $0xb8;
	[tilespmem:$0x1EE00] =	vst v63  }
0x121: {  	s13 =	sadd.s32 $0x3E00, s3;
	s14 =	sadd.s32 $0x1240, s9  }
0x122: {  	[tilespmem:s13], [sflag:s0] =	stream.indirect.gather [hbm4b:s4+s17], $0x10, s14, s17, $0xb8;
	[tilespmem:$0x1EE00] =	vst v63  }
0x123: {  	s16 =	sadd.s32 $0x4200, s3;
	s18 =	sadd.s32 $0x1280, s9  }
0x124: {  	[tilespmem:s16], [sflag:s0] =	stream.indirect.gather [hbm4b:s4+s17], $0x10, s18, s17, $0xb8;
	[tilespmem:$0x1EE00] =	vst v63  }
0x125: {  	s19 =	sadd.s32 $0x4600, s3;
	s24 =	sadd.s32 $0x12C0, s9  }
0x126: {  	[tilespmem:s19], [sflag:s0] =	stream.indirect.gather [hbm4b:s4+s17], $0x10, s24, s17, $0xb8;
	[tilespmem:$0x1EE00] =	vst v63  }
0x127: {  	s25 =	sadd.s32 $0x4A00, s3;
	s26 =	sadd.s32 $0x1300, s9  }
0x128: {  	[tilespmem:s25], [sflag:s0] =	stream.indirect.gather [hbm4b:s4+s17], $0x10, s26, s17, $0xb8;
	[tilespmem:$0x1EE00] =	vst v63  }
0x129: {  	s28 =	sadd.s32 $0x4E00, s3;
	s29 =	sadd.s32 $0x1340, s9  }
0x12a: {  	[tilespmem:s28], [sflag:s0] =	stream.indirect.gather [hbm4b:s4+s17], $0x10, s29, s17, $0xb8;
	[tilespmem:$0x1EE00] =	vst v63  }
0x12b: {  	s30 =	sadd.s32 $0x5200, s3;
	s31 =	sadd.s32 $0x1380, s9  }
0x12c: {  	[tilespmem:s30], [sflag:s0] =	stream.indirect.gather [hbm4b:s4+s17], $0x10, s31, s17, $0xb8;
	[tilespmem:$0x1EE00] =	vst v63  }
0x12d: {  	s12 =	sadd.s32 $0x13C0, s9;
	s11 =	sadd.s32 $0x5600, s3  }
0x12e: {  	[tilespmem:s11], [sflag:s0] =	stream.indirect.gather [hbm4b:s4+s17], $0x10, s12, s17, $0xb8;
	[tilespmem:$0x1EE00] =	vst v63  }
0x12f: {  	s13 =	sadd.s32 $0x5A00, s3;
	s14 =	sadd.s32 $0x1400, s9  }
0x130: {  	[tilespmem:s13], [sflag:s0] =	stream.indirect.gather [hbm4b:s4+s17], $0x10, s14, s17, $0xb8;
	[tilespmem:$0x1EE00] =	vst v63  }
0x131: {  	s16 =	sadd.s32 $0x5E00, s3;
	s18 =	sadd.s32 $0x1440, s9  }
0x132: {  	[tilespmem:s16], [sflag:s0] =	stream.indirect.gather [hbm4b:s4+s17], $0x10, s18, s17, $0xb8;
	[tilespmem:$0x1EE00] =	vst v63  }
0x133: {  	s19 =	sadd.s32 $0x6200, s3;
	s24 =	sadd.s32 $0x1480, s9  }
0x134: {  	[tilespmem:s19], [sflag:s0] =	stream.indirect.gather [hbm4b:s4+s17], $0x10, s24, s17, $0xb8;
	[tilespmem:$0x1EE00] =	vst v63  }
0x135: {  	s25 =	sadd.s32 $0x6600, s3;
	s26 =	sadd.s32 $0x14C0, s9  }
0x136: {  	[tilespmem:s25], [sflag:s0] =	stream.indirect.gather [hbm4b:s4+s17], $0x10, s26, s17, $0xb8;
	[tilespmem:$0x1EE00] =	vst v63  }
0x137: {  	s28 =	sadd.s32 $0x6A00, s3;
	s29 =	sadd.s32 $0x1500, s9  }
0x138: {  	[tilespmem:s28], [sflag:s0] =	stream.indirect.gather [hbm4b:s4+s17], $0x10, s29, s17, $0xb8;
	[tilespmem:$0x1EE00] =	vst v63  }
0x139: {  	s30 =	sadd.s32 $0x6E00, s3;
	s31 =	sadd.s32 $0x1540, s9  }
0x13a: {  	[tilespmem:s30], [sflag:s0] =	stream.indirect.gather [hbm4b:s4+s17], $0x10, s31, s17, $0xb8;
	[tilespmem:$0x1EE00] =	vst v63  }
0x13b: {  	s11 =	sadd.s32 $0x7200, s3;
	s12 =	sadd.s32 $0x1580, s9  }
0x13c: {  	[tilespmem:s11], [sflag:s0] =	stream.indirect.gather [hbm4b:s4+s17], $0x10, s12, s17, $0xb8;
	[tilespmem:$0x1EE00] =	vst v63  }
0x13d: {  	s13 =	sadd.s32 $0x7600, s3;
	s14 =	sadd.s32 $0x15C0, s9  }
0x13e: {  	[tilespmem:s13], [sflag:s0] =	stream.indirect.gather [hbm4b:s4+s17], $0x10, s14, s17, $0xb8;
	[tilespmem:$0x1EE00] =	vst v63  }
0x13f: {  	s16 =	sadd.s32 $0x7A00, s3;
	s18 =	sadd.s32 $0x1600, s9  }
0x140: {  	[tilespmem:s16], [sflag:s0] =	stream.indirect.gather [hbm4b:s4+s17], $0x10, s18, s17, $0xb8;
	[tilespmem:$0x1EE00] =	vst v63  }
0x141: {  	s19 =	sadd.s32 $0x7E00, s3;
	s24 =	sadd.s32 $0x1640, s9  }
0x142: {  	[tilespmem:s19], [sflag:s0] =	stream.indirect.gather [hbm4b:s4+s17], $0x10, s24, s17, $0xb8;
	[tilespmem:$0x1EE00] =	vst v63  }
0x143: {  	s25 =	sadd.s32 $0x8200, s3;
	s26 =	sadd.s32 $0x1680, s9  }
0x144: {  	[tilespmem:s25], [sflag:s0] =	stream.indirect.gather [hbm4b:s4+s17], $0x10, s26, s17, $0xb8;
	[tilespmem:$0x1EE00] =	vst v63  }
0x145: {  	s28 =	sadd.s32 $0x8600, s3;
	s29 =	sadd.s32 $0x16C0, s9  }
0x146: {  	[tilespmem:s28], [sflag:s0] =	stream.indirect.gather [hbm4b:s4+s17], $0x10, s29, s17, $0xb8;
	[tilespmem:$0x1EE00] =	vst v63  }
0x147: {  	s30 =	sadd.s32 $0x8A00, s3;
	s31 =	sadd.s32 $0x1700, s9  }
0x148: {  	[tilespmem:s30], [sflag:s0] =	stream.indirect.gather [hbm4b:s4+s17], $0x10, s31, s17, $0xb8;
	[tilespmem:$0x1EE00] =	vst v63  }
0x149: {  	s11 =	sadd.s32 $0x8E00, s3;
	s12 =	sadd.s32 $0x1740, s9  }
0x14a: {  	[tilespmem:s11], [sflag:s0] =	stream.indirect.gather [hbm4b:s4+s17], $0x10, s12, s17, $0xb8;
	[tilespmem:$0x1EE00] =	vst v63  }
0x14b: {  	s13 =	sadd.s32 $0x9200, s3;
	s14 =	sadd.s32 $0x1780, s9  }
0x14c: {  	[tilespmem:s13], [sflag:s0] =	stream.indirect.gather [hbm4b:s4+s17], $0x10, s14, s17, $0xb8;
	[tilespmem:$0x1EE00] =	vst v63  }
0x14d: {  	s16 =	sadd.s32 $0x9600, s3;
	s18 =	sadd.s32 $0x17C0, s9  }
0x14e: {  	[tilespmem:s16], [sflag:s0] =	stream.indirect.gather [hbm4b:s4+s17], $0x10, s18, s17, $0xb8;
	[tilespmem:$0x1EE00] =	vst v63  }
0x14f: {  	s19 =	sadd.s32 $0x9A00, s3;
	s24 =	sadd.s32 $0x1800, s9  }
0x150: {  	[tilespmem:s19], [sflag:s0] =	stream.indirect.gather [hbm4b:s4+s17], $0x10, s24, s17, $0xb8;
	[tilespmem:$0x1EE00] =	vst v63  }
0x151: {  	s25 =	sadd.s32 $0x9E00, s3;
	s26 =	sadd.s32 $0x1840, s9  }
0x152: {  	[tilespmem:s25], [sflag:s0] =	stream.indirect.gather [hbm4b:s4+s17], $0x10, s26, s17, $0xb8;
	[tilespmem:$0x1EE00] =	vst v63  }
0x153: {  	s28 =	sadd.s32 $0xA200, s3;
	s29 =	sadd.s32 $0x1880, s9  }
0x154: {  	[tilespmem:s28], [sflag:s0] =	stream.indirect.gather [hbm4b:s4+s17], $0x10, s29, s17, $0xb8;
	[tilespmem:$0x1EE00] =	vst v63  }
0x155: {  	s30 =	sadd.s32 $0xA600, s3;
	s31 =	sadd.s32 $0x18C0, s9  }
0x156: {  	[tilespmem:s30], [sflag:s0] =	stream.indirect.gather [hbm4b:s4+s17], $0x10, s31, s17, $0xb8;
	[tilespmem:$0x1EE00] =	vst v63  }
0x157: {  	s11 =	sadd.s32 $0xAA00, s3;
	s12 =	sadd.s32 $0x1900, s9  }
0x158: {  	[tilespmem:s11], [sflag:s0] =	stream.indirect.gather [hbm4b:s4+s17], $0x10, s12, s17, $0xb8;
	[tilespmem:$0x1EE00] =	vst v63  }
0x159: {  	s13 =	sadd.s32 $0xAE00, s3;
	s14 =	sadd.s32 $0x1940, s9  }
0x15a: {  	[tilespmem:s13], [sflag:s0] =	stream.indirect.gather [hbm4b:s4+s17], $0x10, s14, s17, $0xb8;
	[tilespmem:$0x1EE00] =	vst v63  }
0x15b: {  	s16 =	sadd.s32 $0xB200, s3;
	s18 =	sadd.s32 $0x1980, s9  }
0x15c: {  	[tilespmem:s16], [sflag:s0] =	stream.indirect.gather [hbm4b:s4+s17], $0x10, s18, s17, $0xb8;
	[tilespmem:$0x1EE00] =	vst v63  }
0x15d: {  	s19 =	sadd.s32 $0xB600, s3;
	s24 =	sadd.s32 $0x19C0, s9  }
0x15e: {  	[tilespmem:s19], [sflag:s0] =	stream.indirect.gather [hbm4b:s4+s17], $0x10, s24, s17, $0xb8;
	[tilespmem:$0x1EE00] =	vst v63  }
0x15f: {  	s25 =	sadd.s32 $0xBA00, s3;
	s26 =	sadd.s32 $0x1A00, s9  }
0x160: {  	[tilespmem:s25], [sflag:s0] =	stream.indirect.gather [hbm4b:s4+s17], $0x10, s26, s17, $0xb8;
	[tilespmem:$0x1EE00] =	vst v63  }
0x161: {  	p2 =	sgt.u32 s22, $0x1;
	s28 =	sadd.s32 $0xBE00, s3;
	s29 =	sadd.s32 $0x1A40, s9  }
0x162: {  	[tilespmem:s28], [sflag:s0] =	stream.indirect.gather [hbm4b:s4+s17], $0x10, s29, s17, $0xb8;
	[tilespmem:$0x1EE00] =	vst v63  }
.Ltmp3:
0x163: {  	_ = 	snop;
	(pc) =	sbr.rel @!p2 .LBB2_9-.Ltmp3, $4  }
0x164: {  	s30 =	sadd.s32 $0xC200, s3;
	s31 =	sadd.s32 $0x1A80, s9  }
0x165: {  	[tilespmem:s30], [sflag:s0] =	stream.indirect.gather [hbm4b:s4+s17], $0x10, s31, s17, $0xb8;
	[tilespmem:$0x1EE00] =	vst v63  }
0x166: {  	s3 =	sadd.s32 $0xC600, s3;
	s9 =	sadd.s32 $0x1AC0, s9  }
0x167: {  	[tilespmem:s3], [sflag:s0] =	stream.indirect.gather [hbm4b:s4+s17], $0x10, s9, s17, $0xb8;
	[tilespmem:$0x1EE00] =	vst v63  }
.LBB2_8:
0x168: {  	s0 =	sadd.s32 $0x5, s23  }
0x169: {  	_ =	swait.ge [sflag:s0], $0x4A00  }
0x16a: {  	[sflag:s0] =	ssyncset.done $0x0  }
0x16b: {  	[sflag:s0] =	ssyncadd.s32 $0xFFFFB600  }
.LBB2_9:
0x16c: {  	_ =	sdelay $0x2  }
0x16d: {  	s19 =	sshll.u32 s23, $0x9  }
0x16e: {  	v33 =	vld.idx.msk [tilespmem:v0+s19+$0x3600], $0xffff;
	_ =	sdelay $0x1  }
0x16f: {  	s0 =	smul.u32 $0x12800, s23;
	_ =	sdelay $0x1  }
0x170: {  	s0 =	sshrl.u32 s0, $0x2  }
0x171: {  	[tilespmem:v1+s0+$0x15A00] =	vst.idx.msk $0xffff, v33  }
0x172: {  	v33 =	vld.idx.msk [tilespmem:v3+s19+$0x3600], $0xffff;
	_ =	sdelay $0x4  }
0x173: {  	[tilespmem:v4+s0+$0x15A00] =	vst.idx.msk $0xffff, v33  }
0x174: {  	v33 =	vld.idx.msk [tilespmem:v5+s19+$0x3600], $0xffff  }
0x175: {  	s3 =	simm.s32 $0x1  }
0x176: {  	s3 =	simm.s32 @!p1 $0x0  }
0x177: {  	s3 =	smul.u32 $0x2400, s3;
	_ =	sdelay $0x1  }
0x178: {  	s14 =	sshrl.u32 s3, $0x2;
	[tilespmem:v6+s0+$0x15A00] =	vst.idx.msk $0xffff, v33  }
0x179: {  	v33 =	vld [tilespmem:s14+$0x0];
	_ =	sdelay $0x3  }
0x17a: {  	s16 =	simm.s32 $0x0  }
0x17b: {  	v35 =	vmov s16;
	v34 =	vshll.u32 v33, $0x2  }
0x17c: {  	v36 =	vshll.u32 v35, $0xA;
	v34 =	vand.u32 $0x4, v34  }
0x17d: {  	v34 =	vor.u32 v34, v36  }
0x17e: {  	v36 =	vor.u32 v2, v34  }
0x17f: {  	s9 =	smul.u32 $0x24000, s23;
	v37 =	vadd.s32 v7, v34;
	_ =	sdelay $0x1  }
0x180: {  	s9 =	sshrl.u32 s9, $0x2;
	s3 =	sadd.s32 $0x2400, s14  }
0x181: {  	s24 =	sadd.s32 $0x3A00, s9;
	v38 =	vld [tilespmem:s3+$0x0]  }
0x182: {  	v39 =	vld.idx.msk [tilespmem:v36+s24+$0x0], $0xffff  }
0x183: {  	v37 =	vld.idx.msk [tilespmem:v37+s24+$0x0], $0xffff  }
0x184: {  	v40 =	vmov s16  }
0x185: {  	v33 =	vsub.s32 v33, v40  }
0x186: {  	v33 =	vcvt.s32.f32 v33;
	_ =	sdelay $0x1  }
0x187: {  	v33 =	vadd.f32 v33, v38;
	v45 =	vunpack.i.l.bf16.f32 v39;
	v41 =	vunpack.i.l.bf16.f32 v37  }
0x188: {  	v39 =	vunpack.i.u.bf16.f32 v39;
	v37 =	vunpack.i.u.bf16.f32 v37;
	v41 =	vsub.f32 v41, v45  }
0x189: {  	v42 =	vadd.s32 $0x3, v35;
	v43 =	vadd.s32 $0x27, v35;
	v37 =	vsub.f32 v37, v39  }
0x18a: {  	v42 =	vand.u32 $0x7F, v42;
	v33 =	vmul.f32 $3.051804380e-05, v33;
	v41 =	vmul.f32 v41, v38  }
0x18b: {  	v43 =	vand.u32 $0x7F, v43;
	v42 =	vadd.s32 v1, v42;
	v37 =	vmul.f32 v37, v38  }
0x18c: {  	v43 =	vadd.s32 v1, v43;
	v33 =	vadd.f32 $-1.000000000e+00, v33;
	v40 =	vadd.f32 v41, v45  }
0x18d: {  	v46 =	vor.u32 v8, v34;
	v37 =	vadd.f32 v37, v39  }
0x18e: {  	v47 =	vadd.s32 $0x5, v36;
	v40 =	vadd.f32 v40, v33  }
0x18f: {  	s25 =	sadd.s32 $0x15A00, s0;
	v37 =	vadd.f32 v37, v33  }
0x190: {  	[tilespmem:v42+s25+$0x0] =	vst.idx.msk $0xffff, v40  }
0x191: {  	[tilespmem:v43+s25+$0x0] =	vst.idx.msk $0xffff, v37  }
0x192: {  	v37 =	vld.idx.msk [tilespmem:v46+s24+$0x0], $0xffff  }
0x193: {  	v48 =	vld.idx.msk [tilespmem:v47+s24+$0x0], $0xffff;
	_ =	sdelay $0x4  }
0x194: {  	v49 =	vunpack.i.l.bf16.f32 v37;
	v41 =	vunpack.i.l.bf16.f32 v48  }
0x195: {  	v37 =	vunpack.i.u.bf16.f32 v37;
	v39 =	vunpack.i.u.bf16.f32 v48;
	v41 =	vsub.f32 v41, v49  }
0x196: {  	v50 =	vadd.s32 $0x4B, v35;
	v39 =	vsub.f32 v39, v37  }
0x197: {  	v51 =	vadd.s32 $0x6F, v35;
	v42 =	vand.u32 $0xFF, v50;
	v41 =	vmul.f32 v41, v38  }
0x198: {  	v43 =	vand.u32 $0xFF, v51;
	v42 =	vadd.s32 v1, v42;
	v39 =	vmul.f32 v39, v38  }
0x199: {  	v43 =	vadd.s32 v1, v43;
	v40 =	vadd.f32 v41, v49  }
0x19a: {  	v52 =	vor.u32 v9, v34;
	v37 =	vadd.f32 v39, v37  }
0x19b: {  	v53 =	vadd.s32 $0x6, v36;
	v40 =	vadd.f32 v40, v33  }
0x19c: {  	v37 =	vadd.f32 v37, v33  }
0x19d: {  	[tilespmem:v42+s25+$0x0] =	vst.idx.msk $0xffff, v40  }
0x19e: {  	[tilespmem:v43+s25+$0x0] =	vst.idx.msk $0xffff, v37  }
0x19f: {  	v37 =	vld.idx.msk [tilespmem:v52+s24+$0x0], $0xffff  }
0x1a0: {  	v54 =	vld.idx.msk [tilespmem:v53+s24+$0x0], $0xffff;
	_ =	sdelay $0x4  }
0x1a1: {  	v55 =	vunpack.i.l.bf16.f32 v37;
	v41 =	vunpack.i.l.bf16.f32 v54  }
0x1a2: {  	v37 =	vunpack.i.u.bf16.f32 v37;
	v39 =	vunpack.i.u.bf16.f32 v54;
	v41 =	vsub.f32 v41, v55  }
0x1a3: {  	v56 =	vadd.s32 $0x93, v35;
	v39 =	vsub.f32 v39, v37  }
0x1a4: {  	v57 =	vadd.s32 $0xB7, v35;
	v42 =	vand.u32 $0xFF, v56;
	v41 =	vmul.f32 v41, v38  }
0x1a5: {  	v43 =	vand.u32 $0xFF, v57;
	v42 =	vadd.s32 v1, v42;
	v39 =	vmul.f32 v39, v38  }
0x1a6: {  	v43 =	vadd.s32 v1, v43;
	v40 =	vadd.f32 v41, v55  }
0x1a7: {  	v34 =	vor.u32 v10, v34;
	v37 =	vadd.f32 v39, v37  }
0x1a8: {  	v36 =	vadd.s32 $0x7, v36;
	v58 =	vadd.f32 v40, v33  }
0x1a9: {  	v37 =	vadd.f32 v37, v33  }
0x1aa: {  	[tilespmem:v42+s25+$0x0] =	vst.idx.msk $0xffff, v58  }
0x1ab: {  	[tilespmem:v43+s25+$0x0] =	vst.idx.msk $0xffff, v37  }
0x1ac: {  	v34 =	vld.idx.msk [tilespmem:v34+s24+$0x0], $0xffff  }
0x1ad: {  	v36 =	vld.idx.msk [tilespmem:v36+s24+$0x0], $0xffff;
	_ =	sdelay $0x3  }
0x1ae: {  	v59 =	vunpack.i.u.bf16.f32 v34  }
0x1af: {  	v34 =	vunpack.i.l.bf16.f32 v34;
	v60 =	vunpack.i.u.bf16.f32 v36;
	v36 =	vunpack.i.l.bf16.f32 v36  }
0x1b0: {  	v36 =	vsub.f32 v36, v34;
	v39 =	vsub.f32 v60, v59  }
0x1b1: {  	s29 =	sshll.u32 s22, $0x6;
	s26 =	sadd.s32 $0x1, s22;
	s30 =	smul.u32 $0x900, s23;
	v61 =	vadd.s32 $0xDB, v35;
	v35 =	vadd.s32 $0xFF, v35  }
0x1b2: {  	s28 =	sadd.s32 $0x3600, s19;
	s9 =	sadd.s32 s8, s29;
	s31 =	sadd.s32 $0x2430, s14;
	v40 =	vand.u32 $0x1FF, v61;
	v62 =	vmul.f32 v36, v38;
	v38 =	vmul.f32 v39, v38  }
0x1b3: {  	v63 =	vand.u32 $0x1FF, v35;
	s10 =	sadd.s32 $0x2420, s14;
	s11 =	sor.u32 $0x20, s14;
	s12 =	sadd.s32 $0x2410, s14;
	v35 =	vadd.s32 v1, v40  }
0x1b4: {  	s13 =	sor.u32 $0x10, s14;
	s19 =	simm.s32 $0x1;
	s0 =	sor.u32 $0x30, s14;
	v36 =	vadd.s32 v1, v63;
	v34 =	vadd.f32 v62, v34;
	v37 =	vadd.f32 v38, v59  }
.LBB2_10:
0x1b5: {  	s16 =	sadd.s32 $0x10000, s16;
	s14 =	sadd.s32 $0x40, s14;
	s3 =	sadd.s32 $0x40, s3  }
0x1b6: {  	p2 =	sne.s32 s19, $0x23;
	s18 =	smov.u32 s19;
	s19 =	sadd.s32 $0x1, s19;
	v34 =	vadd.f32 v34, v33;
	v33 =	vadd.f32 v37, v33  }
0x1b7: {  	_ = 	snop  }
0x1b8: {  	[tilespmem:v35+s25+$0x0] =	vst.idx.msk $0xffff, v34  }
0x1b9: {  	[tilespmem:v36+s25+$0x0] =	vst.idx.msk $0xffff, v33  }
0x1ba: {  	v33 =	vld [tilespmem:s14+$0x0];
	_ =	sdelay $0x2  }
0x1bb: {  	v34 =	vld [tilespmem:s3+$0x0]  }
0x1bc: {  	v35 =	vmov s16  }
0x1bd: {  	v36 =	vmov s18;
	v35 =	vsub.s32 v33, v35;
	v33 =	vshll.u32 v33, $0x2  }
0x1be: {  	v37 =	vcvt.s32.f32 v35;
	v33 =	vand.u32 $0x4, v33;
	v35 =	vshll.u32 v36, $0xA  }
0x1bf: {  	v38 =	vadd.s32 $0x27, v36;
	v35 =	vor.u32 v33, v35;
	v33 =	vadd.s32 $0x3, v36  }
0x1c0: {  	v37 =	vadd.f32 v37, v34;
	v39 =	vor.u32 v2, v35;
	v40 =	vadd.s32 v7, v35  }
0x1c1: {  	v41 =	vadd.s32 $0x4B, v36;
	v38 =	vand.u32 $0x7F, v38;
	v33 =	vand.u32 $0x7F, v33  }
0x1c2: {  	v41 =	vand.u32 $0xFF, v41;
	v42 =	vmul.f32 $3.051804380e-05, v37;
	v37 =	vadd.s32 $0x6F, v36  }
0x1c3: {  	v44 =	vadd.s32 $0xB7, v36;
	v43 =	vand.u32 $0xFF, v37;
	v37 =	vadd.s32 $0x93, v36  }
0x1c4: {  	v44 =	vand.u32 $0xFF, v44;
	v45 =	vand.u32 $0xFF, v37;
	v37 =	vadd.s32 $0xDB, v36  }
0x1c5: {  	v36 =	vadd.s32 $0xFF, v36;
	v46 =	vld.idx.msk [tilespmem:v39+s24+$0x0], $0xffff;
	v37 =	vand.u32 $0x1FF, v37  }
0x1c6: {  	v36 =	vand.u32 $0x1FF, v36;
	v40 =	vld.idx.msk [tilespmem:v40+s24+$0x0], $0xffff;
	_ =	sdelay $0x4  }
0x1c7: {  	v47 =	vunpack.i.l.bf16.f32 v46  }
0x1c8: {  	v46 =	vunpack.i.u.bf16.f32 v46;
	v48 =	vunpack.i.u.bf16.f32 v40;
	v40 =	vunpack.i.l.bf16.f32 v40  }
0x1c9: {  	v40 =	vsub.f32 v40, v47;
	v48 =	vsub.f32 v48, v46;
	_ =	sdelay $0x1  }
0x1ca: {  	v49 =	vadd.s32 v1, v33;
	v40 =	vmul.f32 v40, v34;
	v48 =	vmul.f32 v48, v34  }
0x1cb: {  	v38 =	vadd.s32 v1, v38;
	v33 =	vadd.f32 $-1.000000000e+00, v42  }
0x1cc: {  	v40 =	vadd.f32 v40, v47;
	v42 =	vadd.f32 v48, v46  }
0x1cd: {  	v46 =	vor.u32 v8, v35;
	v47 =	vadd.s32 $0x5, v39  }
0x1ce: {  	v40 =	vadd.f32 v40, v33;
	v42 =	vadd.f32 v42, v33;
	_ =	sdelay $0x1  }
0x1cf: {  	[tilespmem:v49+s25+$0x0] =	vst.idx.msk $0xffff, v40  }
0x1d0: {  	[tilespmem:v38+s25+$0x0] =	vst.idx.msk $0xffff, v42  }
0x1d1: {  	v38 =	vld.idx.msk [tilespmem:v46+s24+$0x0], $0xffff  }
0x1d2: {  	v40 =	vld.idx.msk [tilespmem:v47+s24+$0x0], $0xffff;
	_ =	sdelay $0x4  }
0x1d3: {  	v42 =	vunpack.i.u.bf16.f32 v38;
	v38 =	vunpack.i.l.bf16.f32 v38  }
0x1d4: {  	v46 =	vunpack.i.u.bf16.f32 v40;
	v40 =	vunpack.i.l.bf16.f32 v40  }
0x1d5: {  	v40 =	vsub.f32 v40, v38;
	v46 =	vsub.f32 v46, v42  }
0x1d6: {  	v41 =	vadd.s32 v1, v41  }
0x1d7: {  	v43 =	vadd.s32 v1, v43;
	v40 =	vmul.f32 v40, v34;
	v46 =	vmul.f32 v46, v34;
	_ =	sdelay $0x1  }
0x1d8: {  	v38 =	vadd.f32 v40, v38;
	v40 =	vadd.f32 v46, v42  }
0x1d9: {  	v42 =	vor.u32 v9, v35;
	v46 =	vadd.s32 $0x6, v39  }
0x1da: {  	v38 =	vadd.f32 v38, v33;
	v40 =	vadd.f32 v40, v33;
	_ =	sdelay $0x1  }
0x1db: {  	[tilespmem:v41+s25+$0x0] =	vst.idx.msk $0xffff, v38  }
0x1dc: {  	[tilespmem:v43+s25+$0x0] =	vst.idx.msk $0xffff, v40  }
0x1dd: {  	v38 =	vld.idx.msk [tilespmem:v42+s24+$0x0], $0xffff  }
0x1de: {  	v40 =	vld.idx.msk [tilespmem:v46+s24+$0x0], $0xffff;
	_ =	sdelay $0x4  }
0x1df: {  	v41 =	vunpack.i.u.bf16.f32 v38;
	v38 =	vunpack.i.l.bf16.f32 v38  }
0x1e0: {  	v42 =	vunpack.i.u.bf16.f32 v40;
	v40 =	vunpack.i.l.bf16.f32 v40  }
0x1e1: {  	v43 =	vadd.s32 v1, v45;
	v40 =	vsub.f32 v40, v38;
	v42 =	vsub.f32 v42, v41  }
0x1e2: {  	v44 =	vadd.s32 v1, v44  }
0x1e3: {  	v40 =	vmul.f32 v40, v34;
	v42 =	vmul.f32 v42, v34;
	_ =	sdelay $0x1  }
0x1e4: {  	v38 =	vadd.f32 v40, v38;
	v40 =	vadd.f32 v42, v41  }
0x1e5: {  	v35 =	vor.u32 v10, v35;
	v39 =	vadd.s32 $0x7, v39  }
0x1e6: {  	v38 =	vadd.f32 v38, v33;
	v40 =	vadd.f32 v40, v33;
	_ =	sdelay $0x1  }
0x1e7: {  	[tilespmem:v43+s25+$0x0] =	vst.idx.msk $0xffff, v38  }
0x1e8: {  	[tilespmem:v44+s25+$0x0] =	vst.idx.msk $0xffff, v40  }
0x1e9: {  	v35 =	vld.idx.msk [tilespmem:v35+s24+$0x0], $0xffff  }
0x1ea: {  	v38 =	vld.idx.msk [tilespmem:v39+s24+$0x0], $0xffff;
	_ =	sdelay $0x4  }
0x1eb: {  	v39 =	vunpack.i.u.bf16.f32 v35;
	v40 =	vunpack.i.l.bf16.f32 v35  }
0x1ec: {  	v35 =	vadd.s32 v1, v37;
	v41 =	vunpack.i.u.bf16.f32 v38;
	v38 =	vunpack.i.l.bf16.f32 v38  }
.Ltmp4:
0x1ed: {  	v36 =	vadd.s32 v1, v36;
	v37 =	vsub.f32 v38, v40;
	v38 =	vsub.f32 v41, v39;
	(pc) =	sbr.rel @p2 .LBB2_10-.Ltmp4, $3  }
0x1ee: {  	_ = 	snop  }
0x1ef: {  	v37 =	vmul.f32 v37, v34;
	v38 =	vmul.f32 v38, v34;
	_ =	sdelay $0x1  }
0x1f0: {  	v34 =	vadd.f32 v37, v40;
	v37 =	vadd.f32 v38, v39  }
0x1f1: {  	_ =	sdelay $0x1  }
0x1f2: {  	v34 =	vadd.f32 v34, v33  }
0x1f3: {  	v61 =	vadd.f32 v37, v33  }
0x1f4: {  	[tilespmem:v35+s25+$0x0] =	vst.idx.msk $0xffff, v34  }
0x1f5: {  	[tilespmem:v36+s25+$0x0] =	vst.idx.msk $0xffff, v61  }
0x1f6: {  	v33 =	vld.idx.msk [tilespmem:v11+s28+$0x0], $0xffff;
	_ =	sdelay $0x4  }
0x1f7: {  	[tilespmem:v12+s25+$0x0] =	vst.idx.msk $0xffff, v33  }
0x1f8: {  	v33 =	vld.idx.msk [tilespmem:v13+s28+$0x0], $0xffff;
	_ =	sdelay $0x4  }
0x1f9: {  	[tilespmem:v14+s25+$0x0] =	vst.idx.msk $0xffff, v33  }
0x1fa: {  	v33 =	vld.idx.msk [tilespmem:v15+s28+$0x0], $0xffff;
	_ =	sdelay $0x4  }
0x1fb: {  	[tilespmem:v16+s25+$0x0] =	vst.idx.msk $0xffff, v33  }
0x1fc: {  	v33 =	vld [tilespmem:s13+$0x0];
	_ =	sdelay $0x3  }
0x1fd: {  	s3 =	simm.s32 $0x0  }
0x1fe: {  	v63 =	vmov s3;
	v62 =	vshll.u32 v33, $0x2  }
0x1ff: {  	v43 =	vshll.u32 v63, $0xA;
	v34 =	vand.u32 $0x4, v62  }
0x200: {  	v34 =	vor.u32 v34, v43  }
0x201: {  	v36 =	vor.u32 v17, v34  }
0x202: {  	v44 =	vadd.s32 v18, v34;
	_ =	sdelay $0x2  }
0x203: {  	v38 =	vld [tilespmem:s12+$0x0]  }
0x204: {  	v39 =	vld.idx.msk [tilespmem:v36+s24+$0x0], $0xffff  }
0x205: {  	v37 =	vld.idx.msk [tilespmem:v44+s24+$0x0], $0xffff  }
0x206: {  	v40 =	vmov s3  }
0x207: {  	v33 =	vsub.s32 v33, v40  }
0x208: {  	v33 =	vcvt.s32.f32 v33  }
0x209: {  	v42 =	vadd.s32 $0x3, v63  }
0x20a: {  	v33 =	vadd.f32 v33, v38;
	v45 =	vunpack.i.l.bf16.f32 v39;
	v41 =	vunpack.i.l.bf16.f32 v37  }
0x20b: {  	v39 =	vunpack.i.u.bf16.f32 v39;
	v37 =	vunpack.i.u.bf16.f32 v37;
	v41 =	vsub.f32 v41, v45  }
0x20c: {  	v42 =	vand.u32 $0x7F, v42;
	v37 =	vsub.f32 v37, v39  }
0x20d: {  	v43 =	vadd.s32 $0x27, v63;
	v33 =	vmul.f32 $3.051804380e-05, v33;
	v41 =	vmul.f32 v41, v38  }
0x20e: {  	v42 =	vadd.s32 v12, v42;
	v43 =	vand.u32 $0x7F, v43;
	v37 =	vmul.f32 v37, v38  }
0x20f: {  	v43 =	vadd.s32 v12, v43;
	v33 =	vadd.f32 $-1.000000000e+00, v33;
	v40 =	vadd.f32 v41, v45  }
0x210: {  	v46 =	vor.u32 v19, v34;
	v37 =	vadd.f32 v37, v39  }
0x211: {  	v47 =	vadd.s32 $0x5, v36;
	v40 =	vadd.f32 v40, v33  }
0x212: {  	v37 =	vadd.f32 v37, v33  }
0x213: {  	[tilespmem:v42+s25+$0x0] =	vst.idx.msk $0xffff, v40  }
0x214: {  	[tilespmem:v43+s25+$0x0] =	vst.idx.msk $0xffff, v37  }
0x215: {  	v37 =	vld.idx.msk [tilespmem:v46+s24+$0x0], $0xffff  }
0x216: {  	v48 =	vld.idx.msk [tilespmem:v47+s24+$0x0], $0xffff;
	_ =	sdelay $0x4  }
0x217: {  	v49 =	vunpack.i.l.bf16.f32 v37;
	v41 =	vunpack.i.l.bf16.f32 v48  }
0x218: {  	v37 =	vunpack.i.u.bf16.f32 v37;
	v39 =	vunpack.i.u.bf16.f32 v48;
	v41 =	vsub.f32 v41, v49  }
0x219: {  	v50 =	vadd.s32 $0x4B, v63;
	v39 =	vsub.f32 v39, v37  }
0x21a: {  	v51 =	vadd.s32 $0x6F, v63;
	v42 =	vand.u32 $0xFF, v50;
	v41 =	vmul.f32 v41, v38  }
0x21b: {  	v43 =	vand.u32 $0xFF, v51;
	v42 =	vadd.s32 v12, v42;
	v39 =	vmul.f32 v39, v38  }
0x21c: {  	v43 =	vadd.s32 v12, v43;
	v40 =	vadd.f32 v41, v49  }
0x21d: {  	v52 =	vor.u32 v20, v34;
	v37 =	vadd.f32 v39, v37  }
0x21e: {  	v53 =	vadd.s32 $0x6, v36;
	v40 =	vadd.f32 v40, v33  }
0x21f: {  	v37 =	vadd.f32 v37, v33  }
0x220: {  	[tilespmem:v42+s25+$0x0] =	vst.idx.msk $0xffff, v40  }
0x221: {  	[tilespmem:v43+s25+$0x0] =	vst.idx.msk $0xffff, v37  }
0x222: {  	v37 =	vld.idx.msk [tilespmem:v52+s24+$0x0], $0xffff  }
0x223: {  	v54 =	vld.idx.msk [tilespmem:v53+s24+$0x0], $0xffff;
	_ =	sdelay $0x4  }
0x224: {  	v55 =	vunpack.i.l.bf16.f32 v37;
	v41 =	vunpack.i.l.bf16.f32 v54  }
0x225: {  	v37 =	vunpack.i.u.bf16.f32 v37;
	v39 =	vunpack.i.u.bf16.f32 v54;
	v41 =	vsub.f32 v41, v55  }
0x226: {  	v56 =	vadd.s32 $0x93, v63;
	v39 =	vsub.f32 v39, v37  }
0x227: {  	v57 =	vadd.s32 $0xB7, v63;
	v42 =	vand.u32 $0xFF, v56;
	v41 =	vmul.f32 v41, v38  }
0x228: {  	v43 =	vand.u32 $0xFF, v57;
	v42 =	vadd.s32 v12, v42;
	v39 =	vmul.f32 v39, v38  }
0x229: {  	v43 =	vadd.s32 v12, v43;
	v40 =	vadd.f32 v41, v55  }
0x22a: {  	v34 =	vor.u32 v21, v34;
	v37 =	vadd.f32 v39, v37  }
0x22b: {  	v36 =	vadd.s32 $0x7, v36;
	v58 =	vadd.f32 v40, v33  }
0x22c: {  	v37 =	vadd.f32 v37, v33  }
0x22d: {  	[tilespmem:v42+s25+$0x0] =	vst.idx.msk $0xffff, v58  }
0x22e: {  	[tilespmem:v43+s25+$0x0] =	vst.idx.msk $0xffff, v37  }
0x22f: {  	v34 =	vld.idx.msk [tilespmem:v34+s24+$0x0], $0xffff  }
0x230: {  	v36 =	vld.idx.msk [tilespmem:v36+s24+$0x0], $0xffff;
	_ =	sdelay $0x3  }
0x231: {  	v59 =	vunpack.i.u.bf16.f32 v34  }
0x232: {  	v34 =	vunpack.i.l.bf16.f32 v34;
	v60 =	vunpack.i.u.bf16.f32 v36;
	v36 =	vunpack.i.l.bf16.f32 v36  }
0x233: {  	v36 =	vsub.f32 v36, v34;
	v39 =	vsub.f32 v60, v59  }
0x234: {  	v35 =	vadd.s32 $0xFF, v63;
	v61 =	vadd.s32 $0xDB, v63  }
0x235: {  	v40 =	vand.u32 $0x1FF, v61;
	v62 =	vmul.f32 v36, v38;
	v38 =	vmul.f32 v39, v38  }
0x236: {  	v63 =	vand.u32 $0x1FF, v35;
	v35 =	vadd.s32 v12, v40  }
0x237: {  	s14 =	simm.s32 $0x1;
	v36 =	vadd.s32 v12, v63;
	v34 =	vadd.f32 v62, v34;
	v37 =	vadd.f32 v38, v59  }
.LBB2_12:
0x238: {  	s12 =	sadd.s32 $0x40, s12;
	s13 =	sadd.s32 $0x40, s13;
	s3 =	sadd.s32 $0x10000, s3  }
0x239: {  	p2 =	sne.s32 s14, $0x23;
	s16 =	smov.u32 s14;
	s14 =	sadd.s32 $0x1, s14;
	v34 =	vadd.f32 v34, v33;
	v33 =	vadd.f32 v37, v33  }
0x23a: {  	_ = 	snop  }
0x23b: {  	[tilespmem:v35+s25+$0x0] =	vst.idx.msk $0xffff, v34  }
0x23c: {  	[tilespmem:v36+s25+$0x0] =	vst.idx.msk $0xffff, v33  }
0x23d: {  	v33 =	vld [tilespmem:s13+$0x0];
	_ =	sdelay $0x2  }
0x23e: {  	v34 =	vld [tilespmem:s12+$0x0]  }
0x23f: {  	v35 =	vmov s3  }
0x240: {  	v36 =	vmov s16;
	v35 =	vsub.s32 v33, v35;
	v33 =	vshll.u32 v33, $0x2  }
0x241: {  	v37 =	vcvt.s32.f32 v35;
	v33 =	vand.u32 $0x4, v33;
	v35 =	vshll.u32 v36, $0xA  }
0x242: {  	v38 =	vadd.s32 $0x27, v36;
	v35 =	vor.u32 v33, v35;
	v33 =	vadd.s32 $0x3, v36  }
0x243: {  	v37 =	vadd.f32 v37, v34;
	v39 =	vor.u32 v17, v35;
	v40 =	vadd.s32 v18, v35  }
0x244: {  	v41 =	vadd.s32 $0x4B, v36;
	v38 =	vand.u32 $0x7F, v38;
	v33 =	vand.u32 $0x7F, v33  }
0x245: {  	v41 =	vand.u32 $0xFF, v41;
	v42 =	vmul.f32 $3.051804380e-05, v37;
	v37 =	vadd.s32 $0x6F, v36  }
0x246: {  	v44 =	vadd.s32 $0xB7, v36;
	v43 =	vand.u32 $0xFF, v37;
	v37 =	vadd.s32 $0x93, v36  }
0x247: {  	v44 =	vand.u32 $0xFF, v44;
	v45 =	vand.u32 $0xFF, v37;
	v37 =	vadd.s32 $0xDB, v36  }
0x248: {  	v36 =	vadd.s32 $0xFF, v36;
	v46 =	vld.idx.msk [tilespmem:v39+s24+$0x0], $0xffff;
	v37 =	vand.u32 $0x1FF, v37  }
0x249: {  	v36 =	vand.u32 $0x1FF, v36;
	v40 =	vld.idx.msk [tilespmem:v40+s24+$0x0], $0xffff;
	_ =	sdelay $0x4  }
0x24a: {  	v47 =	vunpack.i.l.bf16.f32 v46  }
0x24b: {  	v46 =	vunpack.i.u.bf16.f32 v46;
	v48 =	vunpack.i.u.bf16.f32 v40;
	v40 =	vunpack.i.l.bf16.f32 v40  }
0x24c: {  	v40 =	vsub.f32 v40, v47;
	v48 =	vsub.f32 v48, v46;
	_ =	sdelay $0x1  }
0x24d: {  	v49 =	vadd.s32 v12, v33;
	v40 =	vmul.f32 v40, v34;
	v48 =	vmul.f32 v48, v34  }
0x24e: {  	v38 =	vadd.s32 v12, v38;
	v33 =	vadd.f32 $-1.000000000e+00, v42  }
0x24f: {  	v40 =	vadd.f32 v40, v47;
	v42 =	vadd.f32 v48, v46  }
0x250: {  	v46 =	vor.u32 v19, v35;
	v47 =	vadd.s32 $0x5, v39  }
0x251: {  	v40 =	vadd.f32 v40, v33;
	v42 =	vadd.f32 v42, v33;
	_ =	sdelay $0x1  }
0x252: {  	[tilespmem:v49+s25+$0x0] =	vst.idx.msk $0xffff, v40  }
0x253: {  	[tilespmem:v38+s25+$0x0] =	vst.idx.msk $0xffff, v42  }
0x254: {  	v38 =	vld.idx.msk [tilespmem:v46+s24+$0x0], $0xffff  }
0x255: {  	v40 =	vld.idx.msk [tilespmem:v47+s24+$0x0], $0xffff;
	_ =	sdelay $0x4  }
0x256: {  	v42 =	vunpack.i.u.bf16.f32 v38;
	v38 =	vunpack.i.l.bf16.f32 v38  }
0x257: {  	v46 =	vunpack.i.u.bf16.f32 v40;
	v40 =	vunpack.i.l.bf16.f32 v40  }
0x258: {  	v40 =	vsub.f32 v40, v38;
	v46 =	vsub.f32 v46, v42  }
0x259: {  	v41 =	vadd.s32 v12, v41  }
0x25a: {  	v43 =	vadd.s32 v12, v43;
	v40 =	vmul.f32 v40, v34;
	v46 =	vmul.f32 v46, v34;
	_ =	sdelay $0x1  }
0x25b: {  	v38 =	vadd.f32 v40, v38;
	v40 =	vadd.f32 v46, v42  }
0x25c: {  	v42 =	vor.u32 v20, v35;
	v46 =	vadd.s32 $0x6, v39  }
0x25d: {  	v38 =	vadd.f32 v38, v33;
	v40 =	vadd.f32 v40, v33;
	_ =	sdelay $0x1  }
0x25e: {  	[tilespmem:v41+s25+$0x0] =	vst.idx.msk $0xffff, v38  }
0x25f: {  	[tilespmem:v43+s25+$0x0] =	vst.idx.msk $0xffff, v40  }
0x260: {  	v38 =	vld.idx.msk [tilespmem:v42+s24+$0x0], $0xffff  }
0x261: {  	v40 =	vld.idx.msk [tilespmem:v46+s24+$0x0], $0xffff;
	_ =	sdelay $0x4  }
0x262: {  	v41 =	vunpack.i.u.bf16.f32 v38;
	v38 =	vunpack.i.l.bf16.f32 v38  }
0x263: {  	v42 =	vunpack.i.u.bf16.f32 v40;
	v40 =	vunpack.i.l.bf16.f32 v40  }
0x264: {  	v43 =	vadd.s32 v12, v45;
	v40 =	vsub.f32 v40, v38;
	v42 =	vsub.f32 v42, v41  }
0x265: {  	v44 =	vadd.s32 v12, v44  }
0x266: {  	v40 =	vmul.f32 v40, v34;
	v42 =	vmul.f32 v42, v34;
	_ =	sdelay $0x1  }
0x267: {  	v38 =	vadd.f32 v40, v38;
	v40 =	vadd.f32 v42, v41  }
0x268: {  	v35 =	vor.u32 v21, v35;
	v39 =	vadd.s32 $0x7, v39  }
0x269: {  	v38 =	vadd.f32 v38, v33;
	v40 =	vadd.f32 v40, v33;
	_ =	sdelay $0x1  }
0x26a: {  	[tilespmem:v43+s25+$0x0] =	vst.idx.msk $0xffff, v38  }
0x26b: {  	[tilespmem:v44+s25+$0x0] =	vst.idx.msk $0xffff, v40  }
0x26c: {  	v35 =	vld.idx.msk [tilespmem:v35+s24+$0x0], $0xffff  }
0x26d: {  	v38 =	vld.idx.msk [tilespmem:v39+s24+$0x0], $0xffff;
	_ =	sdelay $0x4  }
0x26e: {  	v39 =	vunpack.i.u.bf16.f32 v35;
	v40 =	vunpack.i.l.bf16.f32 v35  }
0x26f: {  	v35 =	vadd.s32 v12, v37;
	v41 =	vunpack.i.u.bf16.f32 v38;
	v38 =	vunpack.i.l.bf16.f32 v38  }
.Ltmp5:
0x270: {  	v36 =	vadd.s32 v12, v36;
	v37 =	vsub.f32 v38, v40;
	v38 =	vsub.f32 v41, v39;
	(pc) =	sbr.rel @p2 .LBB2_12-.Ltmp5, $3  }
0x271: {  	_ = 	snop  }
0x272: {  	v37 =	vmul.f32 v37, v34;
	v38 =	vmul.f32 v38, v34;
	_ =	sdelay $0x1  }
0x273: {  	v34 =	vadd.f32 v37, v40;
	v37 =	vadd.f32 v38, v39  }
0x274: {  	_ =	sdelay $0x1  }
0x275: {  	v34 =	vadd.f32 v34, v33  }
0x276: {  	v61 =	vadd.f32 v37, v33  }
0x277: {  	[tilespmem:v35+s25+$0x0] =	vst.idx.msk $0xffff, v34  }
0x278: {  	[tilespmem:v36+s25+$0x0] =	vst.idx.msk $0xffff, v61  }
0x279: {  	v33 =	vld.idx.msk [tilespmem:v22+s28+$0x0], $0xffff;
	_ =	sdelay $0x4  }
0x27a: {  	[tilespmem:v23+s25+$0x0] =	vst.idx.msk $0xffff, v33  }
0x27b: {  	v33 =	vld.idx.msk [tilespmem:v24+s28+$0x0], $0xffff;
	_ =	sdelay $0x4  }
0x27c: {  	[tilespmem:v25+s25+$0x0] =	vst.idx.msk $0xffff, v33  }
0x27d: {  	v33 =	vld.idx.msk [tilespmem:v26+s28+$0x0], $0xffff;
	_ =	sdelay $0x4  }
0x27e: {  	[tilespmem:v27+s25+$0x0] =	vst.idx.msk $0xffff, v33  }
0x27f: {  	v33 =	vld [tilespmem:s11+$0x0];
	_ =	sdelay $0x3  }
0x280: {  	s3 =	simm.s32 $0x0  }
0x281: {  	v63 =	vmov s3;
	v62 =	vshll.u32 v33, $0x2  }
0x282: {  	v43 =	vshll.u32 v63, $0xA;
	v34 =	vand.u32 $0x4, v62  }
0x283: {  	v34 =	vor.u32 v34, v43  }
0x284: {  	v36 =	vor.u32 v28, v34  }
0x285: {  	v44 =	vadd.s32 v29, v34;
	_ =	sdelay $0x2  }
0x286: {  	v38 =	vld [tilespmem:s10+$0x0]  }
0x287: {  	v39 =	vld.idx.msk [tilespmem:v36+s24+$0x0], $0xffff  }
0x288: {  	v37 =	vld.idx.msk [tilespmem:v44+s24+$0x0], $0xffff  }
0x289: {  	v40 =	vmov s3  }
0x28a: {  	v33 =	vsub.s32 v33, v40  }
0x28b: {  	v33 =	vcvt.s32.f32 v33  }
0x28c: {  	v42 =	vadd.s32 $0x3, v63  }
0x28d: {  	v33 =	vadd.f32 v33, v38;
	v45 =	vunpack.i.l.bf16.f32 v39;
	v41 =	vunpack.i.l.bf16.f32 v37  }
0x28e: {  	v39 =	vunpack.i.u.bf16.f32 v39;
	v37 =	vunpack.i.u.bf16.f32 v37;
	v41 =	vsub.f32 v41, v45  }
0x28f: {  	v42 =	vand.u32 $0x7F, v42;
	v37 =	vsub.f32 v37, v39  }
0x290: {  	v43 =	vadd.s32 $0x27, v63;
	v33 =	vmul.f32 $3.051804380e-05, v33;
	v41 =	vmul.f32 v41, v38  }
0x291: {  	v42 =	vadd.s32 v23, v42;
	v43 =	vand.u32 $0x7F, v43;
	v37 =	vmul.f32 v37, v38  }
0x292: {  	v43 =	vadd.s32 v23, v43;
	v33 =	vadd.f32 $-1.000000000e+00, v33;
	v40 =	vadd.f32 v41, v45  }
0x293: {  	v46 =	vor.u32 v30, v34;
	v37 =	vadd.f32 v37, v39  }
0x294: {  	v47 =	vadd.s32 $0x5, v36;
	v40 =	vadd.f32 v40, v33  }
0x295: {  	v37 =	vadd.f32 v37, v33  }
0x296: {  	[tilespmem:v42+s25+$0x0] =	vst.idx.msk $0xffff, v40  }
0x297: {  	[tilespmem:v43+s25+$0x0] =	vst.idx.msk $0xffff, v37  }
0x298: {  	v37 =	vld.idx.msk [tilespmem:v46+s24+$0x0], $0xffff  }
0x299: {  	v48 =	vld.idx.msk [tilespmem:v47+s24+$0x0], $0xffff;
	_ =	sdelay $0x4  }
0x29a: {  	v49 =	vunpack.i.l.bf16.f32 v37;
	v41 =	vunpack.i.l.bf16.f32 v48  }
0x29b: {  	v37 =	vunpack.i.u.bf16.f32 v37;
	v39 =	vunpack.i.u.bf16.f32 v48;
	v41 =	vsub.f32 v41, v49  }
0x29c: {  	v50 =	vadd.s32 $0x4B, v63;
	v39 =	vsub.f32 v39, v37  }
0x29d: {  	v51 =	vadd.s32 $0x6F, v63;
	v42 =	vand.u32 $0xFF, v50;
	v41 =	vmul.f32 v41, v38  }
0x29e: {  	v43 =	vand.u32 $0xFF, v51;
	v42 =	vadd.s32 v23, v42;
	v39 =	vmul.f32 v39, v38  }
0x29f: {  	v43 =	vadd.s32 v23, v43;
	v40 =	vadd.f32 v41, v49  }
0x2a0: {  	v52 =	vor.u32 v31, v34;
	v37 =	vadd.f32 v39, v37  }
0x2a1: {  	v53 =	vadd.s32 $0x6, v36;
	v40 =	vadd.f32 v40, v33  }
0x2a2: {  	v37 =	vadd.f32 v37, v33  }
0x2a3: {  	[tilespmem:v42+s25+$0x0] =	vst.idx.msk $0xffff, v40  }
0x2a4: {  	[tilespmem:v43+s25+$0x0] =	vst.idx.msk $0xffff, v37  }
0x2a5: {  	v37 =	vld.idx.msk [tilespmem:v52+s24+$0x0], $0xffff  }
0x2a6: {  	v54 =	vld.idx.msk [tilespmem:v53+s24+$0x0], $0xffff;
	_ =	sdelay $0x4  }
0x2a7: {  	v55 =	vunpack.i.l.bf16.f32 v37;
	v41 =	vunpack.i.l.bf16.f32 v54  }
0x2a8: {  	v37 =	vunpack.i.u.bf16.f32 v37;
	v39 =	vunpack.i.u.bf16.f32 v54;
	v41 =	vsub.f32 v41, v55  }
0x2a9: {  	v56 =	vadd.s32 $0x93, v63;
	v39 =	vsub.f32 v39, v37  }
0x2aa: {  	v57 =	vadd.s32 $0xB7, v63;
	v42 =	vand.u32 $0xFF, v56;
	v41 =	vmul.f32 v41, v38  }
0x2ab: {  	v43 =	vand.u32 $0xFF, v57;
	v42 =	vadd.s32 v23, v42;
	v39 =	vmul.f32 v39, v38  }
0x2ac: {  	v43 =	vadd.s32 v23, v43;
	v40 =	vadd.f32 v41, v55  }
0x2ad: {  	v34 =	vor.u32 v32, v34;
	v37 =	vadd.f32 v39, v37  }
0x2ae: {  	v36 =	vadd.s32 $0x7, v36;
	v58 =	vadd.f32 v40, v33  }
0x2af: {  	v37 =	vadd.f32 v37, v33  }
0x2b0: {  	[tilespmem:v42+s25+$0x0] =	vst.idx.msk $0xffff, v58  }
0x2b1: {  	[tilespmem:v43+s25+$0x0] =	vst.idx.msk $0xffff, v37  }
0x2b2: {  	v34 =	vld.idx.msk [tilespmem:v34+s24+$0x0], $0xffff  }
0x2b3: {  	v36 =	vld.idx.msk [tilespmem:v36+s24+$0x0], $0xffff;
	_ =	sdelay $0x3  }
0x2b4: {  	v59 =	vunpack.i.u.bf16.f32 v34  }
0x2b5: {  	v34 =	vunpack.i.l.bf16.f32 v34;
	v60 =	vunpack.i.u.bf16.f32 v36;
	v36 =	vunpack.i.l.bf16.f32 v36  }
0x2b6: {  	v36 =	vsub.f32 v36, v34;
	v39 =	vsub.f32 v60, v59  }
0x2b7: {  	v35 =	vadd.s32 $0xFF, v63;
	v61 =	vadd.s32 $0xDB, v63  }
0x2b8: {  	v40 =	vand.u32 $0x1FF, v61;
	v62 =	vmul.f32 v36, v38;
	v38 =	vmul.f32 v39, v38  }
0x2b9: {  	v63 =	vand.u32 $0x1FF, v35;
	v35 =	vadd.s32 v23, v40  }
0x2ba: {  	s12 =	simm.s32 $0x1;
	v36 =	vadd.s32 v23, v63;
	v34 =	vadd.f32 v62, v34;
	v37 =	vadd.f32 v38, v59  }
.LBB2_14:
0x2bb: {  	s10 =	sadd.s32 $0x40, s10;
	s11 =	sadd.s32 $0x40, s11;
	s3 =	sadd.s32 $0x10000, s3  }
0x2bc: {  	p2 =	sne.s32 s12, $0x23;
	s13 =	smov.u32 s12;
	s12 =	sadd.s32 $0x1, s12;
	v34 =	vadd.f32 v34, v33;
	v33 =	vadd.f32 v37, v33  }
0x2bd: {  	_ = 	snop  }
0x2be: {  	[tilespmem:v35+s25+$0x0] =	vst.idx.msk $0xffff, v34  }
0x2bf: {  	[tilespmem:v36+s25+$0x0] =	vst.idx.msk $0xffff, v33  }
0x2c0: {  	v33 =	vld [tilespmem:s11+$0x0];
	_ =	sdelay $0x2  }
0x2c1: {  	v34 =	vld [tilespmem:s10+$0x0]  }
0x2c2: {  	v35 =	vmov s3  }
0x2c3: {  	v36 =	vmov s13;
	v35 =	vsub.s32 v33, v35;
	v33 =	vshll.u32 v33, $0x2  }
0x2c4: {  	v37 =	vcvt.s32.f32 v35;
	v33 =	vand.u32 $0x4, v33;
	v35 =	vshll.u32 v36, $0xA  }
0x2c5: {  	v38 =	vadd.s32 $0x27, v36;
	v35 =	vor.u32 v33, v35;
	v33 =	vadd.s32 $0x3, v36  }
0x2c6: {  	v37 =	vadd.f32 v37, v34;
	v39 =	vor.u32 v28, v35;
	v40 =	vadd.s32 v29, v35  }
0x2c7: {  	v41 =	vadd.s32 $0x4B, v36;
	v38 =	vand.u32 $0x7F, v38;
	v33 =	vand.u32 $0x7F, v33  }
0x2c8: {  	v41 =	vand.u32 $0xFF, v41;
	v42 =	vmul.f32 $3.051804380e-05, v37;
	v37 =	vadd.s32 $0x6F, v36  }
0x2c9: {  	v44 =	vadd.s32 $0xB7, v36;
	v43 =	vand.u32 $0xFF, v37;
	v37 =	vadd.s32 $0x93, v36  }
0x2ca: {  	v44 =	vand.u32 $0xFF, v44;
	v45 =	vand.u32 $0xFF, v37;
	v37 =	vadd.s32 $0xDB, v36  }
0x2cb: {  	v36 =	vadd.s32 $0xFF, v36;
	v46 =	vld.idx.msk [tilespmem:v39+s24+$0x0], $0xffff;
	v37 =	vand.u32 $0x1FF, v37  }
0x2cc: {  	v36 =	vand.u32 $0x1FF, v36;
	v40 =	vld.idx.msk [tilespmem:v40+s24+$0x0], $0xffff;
	_ =	sdelay $0x4  }
0x2cd: {  	v47 =	vunpack.i.l.bf16.f32 v46  }
0x2ce: {  	v46 =	vunpack.i.u.bf16.f32 v46;
	v48 =	vunpack.i.u.bf16.f32 v40;
	v40 =	vunpack.i.l.bf16.f32 v40  }
0x2cf: {  	v40 =	vsub.f32 v40, v47;
	v48 =	vsub.f32 v48, v46;
	_ =	sdelay $0x1  }
0x2d0: {  	v49 =	vadd.s32 v23, v33;
	v40 =	vmul.f32 v40, v34;
	v48 =	vmul.f32 v48, v34  }
0x2d1: {  	v38 =	vadd.s32 v23, v38;
	v33 =	vadd.f32 $-1.000000000e+00, v42  }
0x2d2: {  	v40 =	vadd.f32 v40, v47;
	v42 =	vadd.f32 v48, v46  }
0x2d3: {  	v46 =	vor.u32 v30, v35;
	v47 =	vadd.s32 $0x5, v39  }
0x2d4: {  	v40 =	vadd.f32 v40, v33;
	v42 =	vadd.f32 v42, v33;
	_ =	sdelay $0x1  }
0x2d5: {  	[tilespmem:v49+s25+$0x0] =	vst.idx.msk $0xffff, v40  }
0x2d6: {  	[tilespmem:v38+s25+$0x0] =	vst.idx.msk $0xffff, v42  }
0x2d7: {  	v38 =	vld.idx.msk [tilespmem:v46+s24+$0x0], $0xffff  }
0x2d8: {  	v40 =	vld.idx.msk [tilespmem:v47+s24+$0x0], $0xffff;
	_ =	sdelay $0x4  }
0x2d9: {  	v42 =	vunpack.i.u.bf16.f32 v38;
	v38 =	vunpack.i.l.bf16.f32 v38  }
0x2da: {  	v46 =	vunpack.i.u.bf16.f32 v40;
	v40 =	vunpack.i.l.bf16.f32 v40  }
0x2db: {  	v40 =	vsub.f32 v40, v38;
	v46 =	vsub.f32 v46, v42  }
0x2dc: {  	v41 =	vadd.s32 v23, v41  }
0x2dd: {  	v43 =	vadd.s32 v23, v43;
	v40 =	vmul.f32 v40, v34;
	v46 =	vmul.f32 v46, v34;
	_ =	sdelay $0x1  }
0x2de: {  	v38 =	vadd.f32 v40, v38;
	v40 =	vadd.f32 v46, v42  }
0x2df: {  	v42 =	vor.u32 v31, v35;
	v46 =	vadd.s32 $0x6, v39  }
0x2e0: {  	v38 =	vadd.f32 v38, v33;
	v40 =	vadd.f32 v40, v33;
	_ =	sdelay $0x1  }
0x2e1: {  	[tilespmem:v41+s25+$0x0] =	vst.idx.msk $0xffff, v38  }
0x2e2: {  	[tilespmem:v43+s25+$0x0] =	vst.idx.msk $0xffff, v40  }
0x2e3: {  	v38 =	vld.idx.msk [tilespmem:v42+s24+$0x0], $0xffff  }
0x2e4: {  	v40 =	vld.idx.msk [tilespmem:v46+s24+$0x0], $0xffff;
	_ =	sdelay $0x4  }
0x2e5: {  	v41 =	vunpack.i.u.bf16.f32 v38;
	v38 =	vunpack.i.l.bf16.f32 v38  }
0x2e6: {  	v42 =	vunpack.i.u.bf16.f32 v40;
	v40 =	vunpack.i.l.bf16.f32 v40  }
0x2e7: {  	v43 =	vadd.s32 v23, v45;
	v40 =	vsub.f32 v40, v38;
	v42 =	vsub.f32 v42, v41  }
0x2e8: {  	v44 =	vadd.s32 v23, v44  }
0x2e9: {  	v40 =	vmul.f32 v40, v34;
	v42 =	vmul.f32 v42, v34;
	_ =	sdelay $0x1  }
0x2ea: {  	v38 =	vadd.f32 v40, v38;
	v40 =	vadd.f32 v42, v41  }
0x2eb: {  	v35 =	vor.u32 v32, v35;
	v39 =	vadd.s32 $0x7, v39  }
0x2ec: {  	v38 =	vadd.f32 v38, v33;
	v40 =	vadd.f32 v40, v33;
	_ =	sdelay $0x1  }
0x2ed: {  	[tilespmem:v43+s25+$0x0] =	vst.idx.msk $0xffff, v38  }
0x2ee: {  	[tilespmem:v44+s25+$0x0] =	vst.idx.msk $0xffff, v40  }
0x2ef: {  	v35 =	vld.idx.msk [tilespmem:v35+s24+$0x0], $0xffff  }
0x2f0: {  	v38 =	vld.idx.msk [tilespmem:v39+s24+$0x0], $0xffff;
	_ =	sdelay $0x4  }
0x2f1: {  	v39 =	vunpack.i.u.bf16.f32 v35;
	v40 =	vunpack.i.l.bf16.f32 v35  }
0x2f2: {  	v35 =	vadd.s32 v23, v37;
	v41 =	vunpack.i.u.bf16.f32 v38;
	v38 =	vunpack.i.l.bf16.f32 v38  }
.Ltmp6:
0x2f3: {  	v36 =	vadd.s32 v23, v36;
	v37 =	vsub.f32 v38, v40;
	v38 =	vsub.f32 v41, v39;
	(pc) =	sbr.rel @p2 .LBB2_14-.Ltmp6, $3  }
0x2f4: {  	_ = 	snop  }
0x2f5: {  	v37 =	vmul.f32 v37, v34;
	v38 =	vmul.f32 v38, v34;
	_ =	sdelay $0x1  }
0x2f6: {  	v34 =	vadd.f32 v37, v40;
	v37 =	vadd.f32 v38, v39  }
0x2f7: {  	_ = 	snop  }
0x2f8: {  	v38 =	vor.u32 $0x180, v0  }
0x2f9: {  	v34 =	vadd.f32 v34, v33  }
0x2fa: {  	v40 =	vadd.f32 v37, v33  }
0x2fb: {  	[tilespmem:v35+s25+$0x0] =	vst.idx.msk $0xffff, v34  }
0x2fc: {  	[tilespmem:v36+s25+$0x0] =	vst.idx.msk $0xffff, v40  }
0x2fd: {  	v33 =	vadd.s32 $0x3780, v1;
	v34 =	vld.idx.msk [tilespmem:v38+s28+$0x0], $0xffff  }
0x2fe: {  	v41 =	vor.u32 $0x181, v0;
	_ =	sdelay $0x3  }
0x2ff: {  	[tilespmem:v33+s25+$0x0] =	vst.idx.msk $0xffff, v34  }
0x300: {  	v42 =	vadd.s32 $0x3781, v1;
	v34 =	vld.idx.msk [tilespmem:v41+s28+$0x0], $0xffff  }
0x301: {  	v43 =	vor.u32 $0x182, v0;
	_ =	sdelay $0x3  }
0x302: {  	[tilespmem:v42+s25+$0x0] =	vst.idx.msk $0xffff, v34  }
0x303: {  	v44 =	vadd.s32 $0x3782, v1;
	v34 =	vld.idx.msk [tilespmem:v43+s28+$0x0], $0xffff;
	_ =	sdelay $0x4  }
0x304: {  	[tilespmem:v44+s25+$0x0] =	vst.idx.msk $0xffff, v34  }
0x305: {  	v45 =	vld [tilespmem:s0+$0x0];
	_ =	sdelay $0x3  }
0x306: {  	s3 =	simm.s32 $0x0  }
0x307: {  	v40 =	vmov s3;
	v46 =	vshll.u32 v45, $0x2  }
0x308: {  	v48 =	vshll.u32 v40, $0xA;
	v47 =	vand.u32 $0x4, v46  }
0x309: {  	v34 =	vor.u32 $0x300, v2;
	v41 =	vor.u32 v47, v48  }
0x30a: {  	v35 =	vor.u32 $0x304, v2;
	v42 =	vor.u32 v34, v41  }
0x30b: {  	v37 =	vadd.s32 v35, v41;
	_ =	sdelay $0x2  }
0x30c: {  	v43 =	vld [tilespmem:s31+$0x0]  }
0x30d: {  	v49 =	vld.idx.msk [tilespmem:v42+s24+$0x0], $0xffff  }
0x30e: {  	v37 =	vld.idx.msk [tilespmem:v37+s24+$0x0], $0xffff  }
0x30f: {  	v39 =	vmov s3  }
0x310: {  	v36 =	vsub.s32 v45, v39  }
0x311: {  	v36 =	vcvt.s32.f32 v36  }
0x312: {  	v50 =	vadd.s32 $0x3, v40  }
0x313: {  	v36 =	vadd.f32 v36, v43;
	v44 =	vunpack.i.l.bf16.f32 v49;
	v45 =	vunpack.i.l.bf16.f32 v37  }
0x314: {  	v38 =	vunpack.i.u.bf16.f32 v49;
	v37 =	vunpack.i.u.bf16.f32 v37;
	v45 =	vsub.f32 v45, v44  }
0x315: {  	v39 =	vand.u32 $0x7F, v50;
	v46 =	vadd.s32 $0x27, v40;
	v37 =	vsub.f32 v37, v38  }
0x316: {  	v46 =	vand.u32 $0x7F, v46;
	v36 =	vmul.f32 $3.051804380e-05, v36;
	v45 =	vmul.f32 v45, v43  }
0x317: {  	v47 =	vadd.s32 v33, v39;
	v46 =	vadd.s32 v33, v46;
	v37 =	vmul.f32 v37, v43  }
0x318: {  	v39 =	vadd.f32 $-1.000000000e+00, v36;
	v36 =	vor.u32 $0x301, v2;
	v44 =	vadd.f32 v45, v44  }
0x319: {  	v51 =	vor.u32 v36, v41;
	v37 =	vadd.f32 v37, v38  }
0x31a: {  	v52 =	vadd.s32 $0x5, v42;
	v44 =	vadd.f32 v44, v39  }
0x31b: {  	v37 =	vadd.f32 v37, v39  }
0x31c: {  	[tilespmem:v47+s25+$0x0] =	vst.idx.msk $0xffff, v44  }
0x31d: {  	[tilespmem:v46+s25+$0x0] =	vst.idx.msk $0xffff, v37  }
0x31e: {  	v37 =	vld.idx.msk [tilespmem:v51+s24+$0x0], $0xffff  }
0x31f: {  	v53 =	vld.idx.msk [tilespmem:v52+s24+$0x0], $0xffff;
	_ =	sdelay $0x4  }
0x320: {  	v54 =	vunpack.i.l.bf16.f32 v37;
	v45 =	vunpack.i.l.bf16.f32 v53  }
0x321: {  	v55 =	vunpack.i.u.bf16.f32 v37;
	v56 =	vunpack.i.u.bf16.f32 v53;
	v57 =	vsub.f32 v45, v54  }
0x322: {  	v58 =	vadd.s32 $0x4B, v40;
	v37 =	vsub.f32 v56, v55  }
0x323: {  	v59 =	vadd.s32 $0x6F, v40;
	v45 =	vand.u32 $0xFF, v58;
	v38 =	vmul.f32 v57, v43  }
0x324: {  	v47 =	vand.u32 $0xFF, v59;
	v45 =	vadd.s32 v33, v45;
	v48 =	vmul.f32 v37, v43  }
0x325: {  	v47 =	vadd.s32 v33, v47;
	v37 =	vor.u32 $0x302, v2;
	v38 =	vadd.f32 v38, v54  }
0x326: {  	v61 =	vor.u32 v37, v41;
	v60 =	vadd.f32 v48, v55  }
0x327: {  	v62 =	vadd.s32 $0x6, v42;
	v38 =	vadd.f32 v38, v39  }
0x328: {  	v44 =	vadd.f32 v60, v39  }
0x329: {  	[tilespmem:v45+s25+$0x0] =	vst.idx.msk $0xffff, v38  }
0x32a: {  	[tilespmem:v47+s25+$0x0] =	vst.idx.msk $0xffff, v44  }
0x32b: {  	v38 =	vld.idx.msk [tilespmem:v61+s24+$0x0], $0xffff  }
0x32c: {  	v44 =	vld.idx.msk [tilespmem:v62+s24+$0x0], $0xffff;
	_ =	sdelay $0x4  }
0x32d: {  	v63 =	vunpack.i.l.bf16.f32 v38;
	v52 =	vunpack.i.l.bf16.f32 v44  }
0x32e: {  	v53 =	vunpack.i.u.bf16.f32 v38;
	v54 =	vunpack.i.u.bf16.f32 v44;
	v55 =	vsub.f32 v52, v63  }
0x32f: {  	v56 =	vadd.s32 $0x93, v40;
	v38 =	vsub.f32 v54, v53  }
0x330: {  	v46 =	vand.u32 $0xFF, v56;
	v57 =	vadd.s32 $0xB7, v40;
	v44 =	vmul.f32 v55, v43  }
0x331: {  	v46 =	vadd.s32 v33, v46;
	v48 =	vand.u32 $0xFF, v57;
	v49 =	vmul.f32 v38, v43  }
0x332: {  	v48 =	vadd.s32 v33, v48;
	v38 =	vor.u32 $0x303, v2;
	v44 =	vadd.f32 v44, v63  }
0x333: {  	v41 =	vor.u32 v38, v41;
	v58 =	vadd.f32 v49, v53  }
0x334: {  	v42 =	vadd.s32 $0x7, v42;
	v44 =	vadd.f32 v44, v39  }
0x335: {  	v45 =	vadd.f32 v58, v39  }
0x336: {  	[tilespmem:v46+s25+$0x0] =	vst.idx.msk $0xffff, v44  }
0x337: {  	[tilespmem:v48+s25+$0x0] =	vst.idx.msk $0xffff, v45  }
0x338: {  	v41 =	vld.idx.msk [tilespmem:v41+s24+$0x0], $0xffff  }
0x339: {  	v42 =	vld.idx.msk [tilespmem:v42+s24+$0x0], $0xffff;
	_ =	sdelay $0x3  }
0x33a: {  	v59 =	vunpack.i.u.bf16.f32 v41  }
0x33b: {  	v60 =	vunpack.i.l.bf16.f32 v41;
	v61 =	vunpack.i.u.bf16.f32 v42;
	v42 =	vunpack.i.l.bf16.f32 v42  }
0x33c: {  	v42 =	vsub.f32 v42, v60;
	v41 =	vsub.f32 v61, v59  }
0x33d: {  	v62 =	vadd.s32 $0xDB, v40;
	v40 =	vadd.s32 $0xFF, v40  }
0x33e: {  	v46 =	vand.u32 $0x1FF, v62;
	v63 =	vmul.f32 v42, v43;
	v43 =	vmul.f32 v41, v43  }
0x33f: {  	v40 =	vand.u32 $0x1FF, v40;
	v41 =	vadd.s32 v33, v46  }
0x340: {  	s10 =	simm.s32 $0x1;
	v42 =	vadd.s32 v33, v40;
	v40 =	vadd.f32 v63, v60;
	v43 =	vadd.f32 v43, v59  }
.LBB2_16:
0x341: {  	s31 =	sadd.s32 $0x40, s31;
	s0 =	sadd.s32 $0x40, s0;
	s3 =	sadd.s32 $0x10000, s3  }
0x342: {  	p2 =	sne.s32 s10, $0x23;
	s11 =	smov.u32 s10;
	s10 =	sadd.s32 $0x1, s10;
	v40 =	vadd.f32 v40, v39;
	v39 =	vadd.f32 v43, v39  }
0x343: {  	_ = 	snop  }
0x344: {  	[tilespmem:v41+s25+$0x0] =	vst.idx.msk $0xffff, v40  }
0x345: {  	[tilespmem:v42+s25+$0x0] =	vst.idx.msk $0xffff, v39  }
0x346: {  	v39 =	vld [tilespmem:s0+$0x0];
	_ =	sdelay $0x2  }
0x347: {  	v40 =	vld [tilespmem:s31+$0x0]  }
0x348: {  	v41 =	vmov s3  }
0x349: {  	v42 =	vmov s11;
	v41 =	vsub.s32 v39, v41;
	v39 =	vshll.u32 v39, $0x2  }
0x34a: {  	v43 =	vcvt.s32.f32 v41;
	v39 =	vand.u32 $0x4, v39;
	v41 =	vshll.u32 v42, $0xA  }
0x34b: {  	v41 =	vor.u32 v39, v41  }
0x34c: {  	v39 =	vadd.f32 v43, v40;
	v43 =	vor.u32 v34, v41;
	v44 =	vadd.s32 v35, v41  }
0x34d: {  	v45 =	vadd.s32 $0x3, v42;
	v46 =	vadd.s32 $0x27, v42;
	v47 =	vadd.s32 $0x4B, v42  }
0x34e: {  	v45 =	vand.u32 $0x7F, v45;
	v47 =	vand.u32 $0xFF, v47;
	v39 =	vmul.f32 $3.051804380e-05, v39  }
0x34f: {  	v48 =	vadd.s32 $0x6F, v42;
	v49 =	vadd.s32 $0x93, v42;
	v50 =	vadd.s32 $0xB7, v42  }
0x350: {  	v48 =	vand.u32 $0xFF, v48;
	v49 =	vand.u32 $0xFF, v49;
	v50 =	vand.u32 $0xFF, v50  }
0x351: {  	v52 =	vadd.s32 $0xDB, v42;
	v42 =	vadd.s32 $0xFF, v42;
	v51 =	vld.idx.msk [tilespmem:v43+s24+$0x0], $0xffff  }
0x352: {  	v52 =	vand.u32 $0x1FF, v52;
	v42 =	vand.u32 $0x1FF, v42;
	v44 =	vld.idx.msk [tilespmem:v44+s24+$0x0], $0xffff;
	_ =	sdelay $0x4  }
0x353: {  	v53 =	vunpack.i.l.bf16.f32 v51  }
0x354: {  	v51 =	vunpack.i.u.bf16.f32 v51;
	v54 =	vunpack.i.u.bf16.f32 v44;
	v44 =	vunpack.i.l.bf16.f32 v44  }
0x355: {  	v44 =	vsub.f32 v44, v53;
	v54 =	vsub.f32 v54, v51  }
0x356: {  	v46 =	vand.u32 $0x7F, v46  }
0x357: {  	v45 =	vadd.s32 v33, v45;
	v44 =	vmul.f32 v44, v40;
	v54 =	vmul.f32 v54, v40  }
0x358: {  	v46 =	vadd.s32 v33, v46;
	v39 =	vadd.f32 $-1.000000000e+00, v39  }
0x359: {  	v44 =	vadd.f32 v44, v53;
	v51 =	vadd.f32 v54, v51  }
0x35a: {  	v53 =	vor.u32 v36, v41;
	v54 =	vadd.s32 $0x5, v43  }
0x35b: {  	v44 =	vadd.f32 v44, v39;
	v51 =	vadd.f32 v51, v39;
	_ =	sdelay $0x1  }
0x35c: {  	[tilespmem:v45+s25+$0x0] =	vst.idx.msk $0xffff, v44  }
0x35d: {  	[tilespmem:v46+s25+$0x0] =	vst.idx.msk $0xffff, v51  }
0x35e: {  	v44 =	vld.idx.msk [tilespmem:v53+s24+$0x0], $0xffff  }
0x35f: {  	v45 =	vld.idx.msk [tilespmem:v54+s24+$0x0], $0xffff;
	_ =	sdelay $0x4  }
0x360: {  	v46 =	vunpack.i.u.bf16.f32 v44;
	v44 =	vunpack.i.l.bf16.f32 v44  }
0x361: {  	v51 =	vunpack.i.u.bf16.f32 v45;
	v45 =	vunpack.i.l.bf16.f32 v45  }
0x362: {  	v45 =	vsub.f32 v45, v44;
	v51 =	vsub.f32 v51, v46  }
0x363: {  	v47 =	vadd.s32 v33, v47  }
0x364: {  	v48 =	vadd.s32 v33, v48;
	v45 =	vmul.f32 v45, v40;
	v51 =	vmul.f32 v51, v40;
	_ =	sdelay $0x1  }
0x365: {  	v44 =	vadd.f32 v45, v44;
	v45 =	vadd.f32 v51, v46  }
0x366: {  	v46 =	vor.u32 v37, v41;
	v51 =	vadd.s32 $0x6, v43  }
0x367: {  	v44 =	vadd.f32 v44, v39;
	v45 =	vadd.f32 v45, v39;
	_ =	sdelay $0x1  }
0x368: {  	[tilespmem:v47+s25+$0x0] =	vst.idx.msk $0xffff, v44  }
0x369: {  	[tilespmem:v48+s25+$0x0] =	vst.idx.msk $0xffff, v45  }
0x36a: {  	v44 =	vld.idx.msk [tilespmem:v46+s24+$0x0], $0xffff  }
0x36b: {  	v45 =	vld.idx.msk [tilespmem:v51+s24+$0x0], $0xffff;
	_ =	sdelay $0x4  }
0x36c: {  	v46 =	vunpack.i.u.bf16.f32 v44;
	v44 =	vunpack.i.l.bf16.f32 v44  }
0x36d: {  	v47 =	vunpack.i.u.bf16.f32 v45;
	v45 =	vunpack.i.l.bf16.f32 v45  }
0x36e: {  	v48 =	vadd.s32 v33, v49;
	v45 =	vsub.f32 v45, v44;
	v47 =	vsub.f32 v47, v46  }
0x36f: {  	v49 =	vadd.s32 v33, v50  }
0x370: {  	v45 =	vmul.f32 v45, v40;
	v47 =	vmul.f32 v47, v40;
	_ =	sdelay $0x1  }
0x371: {  	v44 =	vadd.f32 v45, v44;
	v45 =	vadd.f32 v47, v46  }
0x372: {  	v41 =	vor.u32 v38, v41;
	v43 =	vadd.s32 $0x7, v43  }
0x373: {  	v44 =	vadd.f32 v44, v39;
	v45 =	vadd.f32 v45, v39;
	_ =	sdelay $0x1  }
0x374: {  	[tilespmem:v48+s25+$0x0] =	vst.idx.msk $0xffff, v44  }
0x375: {  	[tilespmem:v49+s25+$0x0] =	vst.idx.msk $0xffff, v45  }
0x376: {  	v41 =	vld.idx.msk [tilespmem:v41+s24+$0x0], $0xffff  }
0x377: {  	v43 =	vld.idx.msk [tilespmem:v43+s24+$0x0], $0xffff;
	_ =	sdelay $0x4  }
0x378: {  	v44 =	vunpack.i.u.bf16.f32 v41;
	v45 =	vunpack.i.l.bf16.f32 v41  }
0x379: {  	v41 =	vadd.s32 v33, v52;
	v46 =	vunpack.i.u.bf16.f32 v43;
	v43 =	vunpack.i.l.bf16.f32 v43  }
.Ltmp7:
0x37a: {  	v42 =	vadd.s32 v33, v42;
	v43 =	vsub.f32 v43, v45;
	v46 =	vsub.f32 v46, v44;
	(pc) =	sbr.rel @p2 .LBB2_16-.Ltmp7, $3  }
0x37b: {  	_ = 	snop  }
0x37c: {  	v43 =	vmul.f32 v43, v40;
	v46 =	vmul.f32 v46, v40;
	_ =	sdelay $0x1  }
0x37d: {  	v40 =	vadd.f32 v43, v45;
	v43 =	vadd.f32 v46, v44  }
0x37e: {  	_ =	sdelay $0x1  }
0x37f: {  	v33 =	vadd.f32 v40, v39  }
0x380: {  	s0 =	smul.u32 $0x25, s9;
	v34 =	vadd.f32 v43, v39  }
0x381: {  	[tilespmem:v41+s25+$0x0] =	vst.idx.msk $0xffff, v33  }
0x382: {  	s3 =	sadd.s32 $0x5, s23;
	p2 =	sgt.u32 s22, $0x3D;
	s0 =	sadd.s32 s1, s0;
	[tilespmem:v42+s25+$0x0] =	vst.idx.msk $0xffff, v34  }
0x383: {  	[hbm4b:s0+s2] =	stream.linear.scatter [tilespmem:s25], [sflag:s3], $0x4A00, $0x38;
	[tilespmem:$0x1EE00] =	vst v63  }
0x384: {  	s0 =	sadd.s32 @!p2 s29, s15  }
0x385: {  	s11 =	simm.s32 @!p2 $0x40;
	s9 =	sshrl.u32 @!p2 s0, $0x3  }
0x386: {  	s12 =	simm.s32 @!p2 $0x20000;
	s3 =	sadd.s32 @!p2 $0x1, s23;
	s10 =	sadd.s32 @!p2 s5, s9  }
0x387: {  	[tilespmem:s30], [sflag:s3] =	stream.strided.gather @!p2 [hbm4b:s10+s11], $0x900, s12, s11, $0x38;
	[tilespmem:$0x1EE00] =	vst v63  }
0x388: {  	s9 =	sadd.s32 @!p2 s6, s9;
	s10 =	sadd.s32 @!p2 $0x2400, s30  }
0x389: {  	[tilespmem:s10], [sflag:s3] =	stream.strided.gather @!p2 [hbm4b:s9+s11], $0x900, s12, s11, $0x38;
	[tilespmem:$0x1EE00] =	vst v63  }
0x38a: {  	s0 =	sadd.s32 @!p2 s7, s0;
	s9 =	simm.s32 @!p2 $0x0  }
0x38b: {  	[tilespmem:s28], [sflag:s3] =	stream.linear.gather @!p2 [hbm4b:s0+s9], $0x200, $0x38;
	[tilespmem:$0x1EE00] =	vst v63  }
0x38c: {  	p2 =	sne.s32 s26, $0x40  }
.Ltmp8:
0x38d: {  	_ = 	snop;
	(pc) =	sbr.rel @p2 .LBB2_4-.Ltmp8, $2  }
0x38e: {  	_ =	sdelay $0x2  }
0x38f: {  	p0 =	por !p0, !p0;
	p1 =	por !p1, !p1;
	s22 =	smov.u32 s26  }
0x390: {  	s0 =	simm.s32 $0x5  }
0x391: {  	_ =	swait.ge [sflag:s0], $0x4A00  }
0x392: {  	[sflag:s0] =	ssyncset.done $0x0  }
0x393: {  	s3 =	simm.s32 $0x6;
	[sflag:s0] =	ssyncadd.s32 $0xFFFFB600  }
0x394: {  	_ =	swait.ge [sflag:s3], $0x4A00  }
0x395: {  	s20 =	sadd.s32 $0x1, s20;
	s31 =	rddreg [dreg:$0x9]  }
0x396: {  	p0 =	sne.s32 s20, s31  }
.Ltmp9:
0x397: {  	_ = 	snop;
	(pc) =	sbr.rel @p0 .LBB2_1-.Ltmp9, $3  }
0x398: {  	_ =	sdelay $0x1  }
0x399: {  	[sflag:s3] =	ssyncset.done $0x0  }
0x39a: {  	s10 =	simm.s32 $0x20000;
	[sflag:s3] =	ssyncadd.s32 $0xFFFFB600  }
0x39b: {  	_ =	sfence.sel $0x180000  }
0x39c: {  	[bflag:$0x0] =	sbarrier.arrive $0xFFFF  }
0x39d: {  	_ =	strace $0x9000004A  }
0x39e: {  	s0 =	stileid.u32;
	[bflag:$0x2] =	sbarrier.arrive $0xFFFF  }
0x39f: {  	p0 =	sne.s32 s0, $0x0;
	s0 =	rddreg [dreg:$0x2]  }
0x3a0: {  	s0 =	sadd.s32 @!p0 $0x100000, s0  }
0x3a1: {  	[sflag:s0] =	ssyncadd.tile.s32 @!p0 $0x1;
	_ =	shalt  }
.Lfunc_end2:
_tile_overlayer_lowered:
.L_overlay_start_2:
0x3a2: {  	(tag) =	ssettag $0x2  }
0x3a3: {  	s0 =	rddreg [dreg:$0x0];
	s2 =	stileid.u32  }
0x3a4: {  	s1 =	rddreg [dreg:$0x1];
	p0 =	sne.s32 s2, $0x0  }
0x3a5: {  	s3 =	rddreg [dreg:$0x2];
	[bflag:$0x3] =	sbarrier.arrive $0xFFFF;
	s2 =	simm.s32 @!p0 $0x1C07  }
0x3a6: {  	[timem:s3], [sflag:s2] =	dma.local @!p0 [hbm:s0], s1  }
0x3a7: {  	s0 =	simm.s32 @!p0 $0x7  }
0x3a8: {  	_ =	swait.ge @!p0 [sflag:s0], s1  }
0x3a9: {  	s1 =	ssub.s32 @!p0 $0x0, s1;
	[sflag:s0] =	ssyncset.done @!p0 $0x0  }
0x3aa: {  	[sflag:s0] =	ssyncadd.s32 @!p0 s1  }
0x3ab: {  	[bflag:$0x3] =	sbarrier.arrive $0xFFFF  }
0x3ac: {  	_ =	shalt  }

// kernel: sparse-core-data-format-call.cloned.1.call-start
scs
called_computation_lowered:
.L_overlay_start_0:
0x0: {  	s2 =	sld [smem:$0x3FD9]  }
0x1: {  	s3 =	sld [smem:$0x3FFE];
	_ =	sdelay $0x1  }
0x2: {  	s1 =	srdreg.scid  }
0x3: {  	s0 =	sand.u32 $0x1, s1  }
0x4: {  	s18 =	sshll.u32 s0, $0xA;
	s2 =	sadd.s32 s3, s2  }
0x5: {  	s2 =	sadd.s32 s2, s18  }
0x6: {  	[smem:$0x3FC5] =	sst s2  }
0x7: {  	_ = 	snop  }
0x8: {  	s2 =	sld [smem:$0x3FD0];
	(tm) =	ssettm $0x1  }
0x9: {  	s19 =	sld [smem:$0x3FFB];
	_ =	sdelay $0x3  }
0xa: {  	_ =	strace s19  }
0xb: {  	s3 =	sld [smem:$0x3FFC];
	_ =	sdelay $0x3  }
0xc: {  	_ =	strace s3  }
0xd: {  	s3 =	sld [smem:$0x3FFD];
	_ =	sdelay $0x3  }
0xe: {  	_ =	strace s3  }
0xf: {  	_ =	strace $0x8FFFFFFF  }
0x10: {  	s20 =	sld [smem:$0x3FDB];
	_ =	sdelay $0x1  }
0x11: {  	s4 =	simm.s32 $_scs_section_size  }
0x12: {  	s5 =	simm.s32 $_size__tile_overlayer_lowered;
	s6 =	simm.s32 $_tile_overlayer_lowered  }
0x13: {  	s23 =	simm.s32 $0x1BFF;
	s22 =	sshll.u32 s6, $0x1;
	s3 =	sadd.s32 s4, s20  }
0x14: {  	s7 =	simm.s32 $0x0;
	s21 =	sshll.u32 s5, $0x1;
	s5 =	sadd.s32 s22, s3  }
0x15: {  	[timem:s7], [sflag:s23] =	dma.local [hbm:s5], s21  }
0x16: {  	_ =	swait.ge [sflag:s23], s21  }
0x17: {  	s4 =	ssub.s32 $0x0, s21;
	[sflag:s23] =	ssyncset.done $0x0  }
0x18: {  	[sflag:s23] =	ssyncadd.s32 s4;
	_ =	sdelay $0x1  }
0x19: {  	s24 =	simm.s32 $0x1B8B  }
0x1a: {  	_ =	swait.ge [sflag:s24], $0x1  }
0x1b: {  	[sflag:s24] =	ssyncset.done $0x0  }
0x1c: {  	s26 =	simm.s32 $0x1B8E;
	s25 =	sld [smem:$0x3FFE];
	[sflag:s24] =	ssyncadd.s32 $0xFFFFFFFF  }
0x1d: {  	s27 =	simm.s32 $execute0_lowered;
	[smem:$0x3FD2] =	sst s26  }
0x1e: {  	s5 =	sshll.u32 s27, $0x1;
	_ =	strace $0x8000004C;
	[dreg:$0x1] =	wrdreg $0xFFFFFFFF  }
0x1f: {  	s28 =	simm.s32 $_size_execute0_lowered;
	s3 =	sadd.s32 s3, s5;
	[dreg:$0x0] =	wrdreg $0x0  }
0x20: {  	s5 =	sshll.u32 s28, $0x1;
	[dreg:$0x2] =	wrdreg s3  }
0x21: {  	[dreg:$0x3] =	wrdreg s5  }
0x22: {  	[dreg:$0x4] =	wrdreg $0xC0  }
0x23: {  	_ =	task [dreg:s7], $0x5FFFF  }
0x24: {  	[dreg:$0x1] =	wrdreg $0xFFFFFFFF  }
0x25: {  	[dreg:$0x0] =	wrdreg $0x60  }
0x26: {  	[dreg:$0x2] =	wrdreg s25  }
0x27: {  	[dreg:$0x3] =	wrdreg s2  }
0x28: {  	[dreg:$0x4] =	wrdreg $0x9  }
0x29: {  	_ =	task.clear_ibuf [dreg:s7], $0x5FFFF;
	_ =	strace $0x9000004C  }
0x2a: {  	s29 =	simm.s32 $0x9;
	_ =	strace $0x8000004E  }
0x2b: {  	_ =	swait.ge [sflag:s29], $0x1  }
0x2c: {  	[sflag:s29] =	ssyncadd.s32 $0xFFFFFFFF  }
0x2d: {  	_ =	strace $0x9000004E  }
0x2e: {  	_ =	sfence  }
0x2f: {  	s30 =	sld [smem:$0x0];
	_ =	sdelay $0x2  }
0x30: {  	s31 =	sshll.u32 s1, $0xD;
	s1 =	sshrl.u32 s1, $0x2  }
0x31: {  	s3 =	sand.u32 $0x4000, s31;
	s1 =	sadd.s32 s1, s30  }
0x32: {  	s0 =	sor.u32 s3, s0;
	s1 =	sshll.u32 s1, $0x11  }
0x33: {  	s0 =	sor.u32 s1, s0  }
0x34: {  	s0 =	sadd.s32 $0x8F2B, s0  }
0x35: {  	[sflag:s0] =	ssyncadd.remote.s32 $0x1  }
0x36: {  	_ =	sfence.sel $0xFFFF  }
0x37: {  	[dreg:$0x0] =	wrdreg $0xFFFFFFFF;
	(pc) =	sbr.abs _section_cstart, $3  }
0x38: {  	[dreg:$0x1] =	wrdreg $0xFFFFFFFF  }
0x39: {  	_ =	task.clear_ibuf [dreg:s7], $0x2FFFF;
	_ =	strace $0x9FFFFFFF  }
0x3a: {  	(tm) =	ssettm $0x7FFFFFFF  }
0x3b: {  	_ =	shalt  }
tec
execute0_lowered:
.L_overlay_start_1:
0x0: {  	(tag) =	ssettag $0x1  }
0x1: {  	s0 =	srdreg.scid  }
0x2: {  	s1 =	sshll.u32 s0, $0x4  }
0x3: {  	s6 =	rddreg [dreg:$0x0];
	s0 =	stileid.u32;
	s1 =	sand.u32 $0x10, s1  }
0x4: {  	s3 =	rddreg [dreg:$0x1];
	s1 =	sor.u32 s0, s1  }
0x5: {  	s5 =	simm.s32 $0x1;
	s31 =	simm.s32 $0x2;
	s2 =	sshll.u32 s1, $0x7  }
0x6: {  	s15 =	simm.s32 $0x0;
	s8 =	simm.s32 $0x100000;
	s4 =	ssub.s32 $0x20000, s2  }
0x7: {  	s14 =	simm.s32 $0x0;
	s9 =	simm.s32 $0x0;
	s30 =	sand.u32 $0xF80, s4  }
0x8: {  	s10 =	simm.s32 $0x0;
	s11 =	simm.s32 $0x0;
	p0 =	sne.s32 s30, $0x0  }
.Ltmp0:
0x9: {  	s7 =	sshrl.u32 s4, $0xC;
	s5 =	simm.s32 @!p0 $0x0;
	(pc) =	sbr.rel .LBB1_1-.Ltmp0, $4  }
0xa: {  	s13 =	simm.s32 $0x0;
	s1 =	rddreg [dreg:$0x2];
	s5 =	sadd.s32 s5, s7  }
0xb: {  	_ =	strace $0x8000004D;
	s4 =	simm.s32 $0x1;
	s5 =	smul.u32 $0x3, s5  }
0xc: {  	s6 =	sadd.s32 $0x1200, s6;
	s12 =	smov.u32 s2;
	[sflag:s4] =	ssyncpa.u1 $0x0  }
0xd: {  	[sflag:s31] =	ssyncpa.u1 $0x0;
	p0 =	por $0x0, $0x0;
	s7 =	sadd.s32 $0x1, s5  }
.LBB1_4:
0xe: {  	s21 =	sshll.u32 s9, $0x11;
	s22 =	sshll.u32 s10, $0x3;
	s20 =	sshra.s32 s20, $0x2  }
0xf: {  	s28 =	sand.u32 $0x78, s10;
	s29 =	sshll.u32 s9, $0x7;
	p1 =	sgt.s32 s9, $0xA8  }
0x10: {  	s25 =	sshra.s32 s9, $0x1F;
	s31 =	sshra.s32 s10, $0x1F;
	s21 =	sand.u32 $0xFFF00000, s21  }
0x11: {  	s23 =	sand.u32 $0xFFFFFC00, s22;
	s19 =	sadd.s32 s20, s19;
	s22 =	sand.u32 $0x1FC00, s22  }
0x12: {  	v5 =	vld [tilespmem:s17+$0xFFFFFFD0];
	[tilespmem:s18+$0x2040 ss:$0x81] =	vst.msk $0xffff, v4;
	s25 =	sand.u32 s25, s9;
	s27 =	sadd.s32 s23, s21;
	s23 =	sand.u32 $0x380, s29  }
0x13: {  	v58 =	vld [tilespmem:s17+$0xFFFFFFE0];
	[tilespmem:s18+$0x2850 ss:$0x81] =	vst.msk $0xffff, v3;
	s21 =	sor.u32 s28, s22;
	s22 =	smov.u32 s9;
	s20 =	sshrl.u32 s27, $0x11  }
0x14: {  	v59 =	vld [tilespmem:s17+$0xFFFFFFF0];
	[tilespmem:s18+$0x3060 ss:$0x81] =	vst.msk $0xffff, v2;
	s22 =	simm.s32 @!p1 $0xA8;
	p1 =	sgt.s32 s10, $0x1FF80;
	s24 =	smul.u32 $0x1BAD, s20  }
0x15: {  	v60 =	vld [tilespmem:s17+$0x0];
	[tilespmem:s18+$0x0 ss:$0x81] =	vst.msk $0xffff, v1;
	s21 =	sor.u32 s23, s21;
	s30 =	ssub.s32 s22, s25;
	s22 =	smov.u32 s10  }
0x16: {  	v61 =	vld [tilespmem:s17+$0x10];
	[tilespmem:s19+$0x3870 ss:$0x81] =	vst.msk $0xffff, v0;
	s25 =	sand.u32 s31, s10;
	s22 =	simm.s32 @!p1 $0x1FF80;
	s24 =	sshrl.u32 s24, $0x15  }
0x17: {  	v62 =	vld [tilespmem:s17+$0x20];
	[tilespmem:s19+$0x810 ss:$0x81] =	vst.msk $0xffff, v5;
	s26 =	sadd.s32 $0xFFFFFF58, s30;
	s22 =	ssub.s32 s22, s25;
	s24 =	smul.u32 $0x128, s24  }
0x18: {  	v63 =	vld [tilespmem:s17+$0xFFFFFFC0];
	[tilespmem:s19+$0x1020 ss:$0x81] =	vst.msk $0xffff, v58;
	s18 =	ssub.s32 $0x128, s30;
	p1 =	sgt.s32 s26, $0x7F;
	s28 =	sadd.s32 $0xFFFE0080, s22  }
0x19: {  	[tilespmem:s19+$0x1830 ss:$0x81] =	vst.msk $0xffff, v59;
	p2 =	sgt.s32 s28, $0x7F;
	s27 =	ssub.s32 s20, s24;
	s20 =	ssub.s32 $0x20000, s22  }
0x1a: {  	s29 =	sshrl.u32 s21, $0x3;
	[tilespmem:s19+$0x2040 ss:$0x81] =	vst.msk $0xffff, v60;
	s18 =	simm.s32 @p1 $0x0;
	s20 =	simm.s32 @p2 $0x0  }
0x1b: {  	[tilespmem:s19+$0x2850 ss:$0x81] =	vst.msk $0xffff, v61;
	s30 =	sand.u32 $0x7, s10;
	s17 =	sand.u32 $0xFFFF, s27;
	s18 =	smul.u32 s20, s18  }
0x1c: {  	[tilespmem:s19+$0x3060 ss:$0x81] =	vst.msk $0xffff, v62;
	s21 =	sshll.u32 s30, $0x12;
	s17 =	sshll.u32 s17, $0xE;
	s20 =	sadd.s32 s3, s29  }
0x1d: {  	[tilespmem:s19+$0x0 ss:$0x81] =	vst.msk $0xffff, v63;
	s31 =	sor.u32 $0x400, s21;
	s17 =	sadd.s32 s17, s20;
	s18 =	sand.u32 $0x3FFFFFFF, s18  }
0x1e: {  	[hbm4b:s17+s31] =	stream.strided.scatter [tilespmem:s16], [sflag:$0x2], s18, s8, s31, $0x20;
	[tilespmem:$0x10100] =	vst v63  }
.LBB1_5:
0x1f: {  	p1 =	slt.u32 s13, $0x2  }
0x20: {  	s17 =	smov.u32 s15;
	p2 =	sgt.s32 @!p1 s15, $0xA8;
	s16 =	sshra.s32 @!p1 s15, $0x1F  }
0x21: {  	p3 =	sgt.s32 @!p1 s14, $0x1FF80;
	s18 =	sshra.s32 @!p1 s14, $0x1F;
	p2 =	por !p2, p1  }
0x22: {  	s15 =	sand.u32 @!p1 s16, s15;
	p3 =	por !p3, p1;
	s16 =	smov.u32 s14  }
0x23: {  	s14 =	sand.u32 @!p1 s18, s14;
	s17 =	simm.s32 @p2 $0xA8;
	s16 =	simm.s32 @p3 $0x1FF80  }
0x24: {  	s15 =	ssub.s32 @!p1 s17, s15;
	s14 =	ssub.s32 @!p1 s16, s14  }
0x25: {  	s18 =	smov.u32 s12;
	s16 =	sadd.s32 @!p1 $0xFFFFFF58, s15;
	s17 =	sadd.s32 @!p1 $0xFFFE0080, s14  }
0x26: {  	s15 =	ssub.s32 @!p1 $0x128, s15;
	p2 =	sgt.s32 @!p1 s16, $0x7F;
	p3 =	sgt.s32 @!p1 s17, $0x7F  }
0x27: {  	s14 =	ssub.s32 @!p1 $0x20000, s14;
	p2 =	por !p2, p1;
	p3 =	por !p3, p1  }
0x28: {  	s16 =	sadd.s32 $0x80, s11;
	s15 =	simm.s32 @!p2 $0x0;
	s14 =	simm.s32 @!p3 $0x0  }
0x29: {  	p2 =	sgt.s32 s16, $0x122;
	s14 =	smul.u32 @!p1 s14, s15;
	s15 =	sadd.s32 $0x1000, s12  }
0x2a: {  	s18 =	smov.u32 @p2 s15  }
0x2b: {  	s16 =	simm.s32 @p2 $0x0;
	p2 =	sgt.s32 s18, $0x1FFFF  }
0x2c: {  	s18 =	smov.u32 @p2 s2;
	p2 =	sne.s32 s13, s7  }
.Ltmp1:
0x2d: {  	p0 =	por !p0, !p0;
	s17 =	simm.s32 @!p1 $0x2;
	(pc) =	sbr.rel @!p2 .LBB1_6-.Ltmp1, $4  }
0x2e: {  	s15 =	smov.u32 s9;
	s9 =	smov.u32 s11;
	s14 =	sand.u32 @!p1 $0x3FFFFFFF, s14  }
0x2f: {  	s11 =	smov.u32 s16;
	_ =	swait.ge @!p1 [sflag:s17], s14;
	s19 =	ssub.s32 @!p1 $0x0, s14  }
0x30: {  	s14 =	smov.u32 s10;
	s13 =	sadd.s32 $0x1, s13;
	[sflag:s17] =	ssyncset.done @!p1 $0x0  }
0x31: {  	s10 =	smov.u32 s12;
	s12 =	smov.u32 s18;
	[sflag:s17] =	ssyncadd.s32 @!p1 s19  }
.LBB1_1:
0x32: {  	p1 =	sge.u32 s13, s5  }
0x33: {  	s16 =	sshrl.u32 @!p1 s12, $0x3  }
0x34: {  	s17 =	sshll.u32 @!p1 s11, $0x3;
	s16 =	smul.u32 @!p1 $0xC00, s16  }
0x35: {  	s18 =	sshll.u32 @!p1 s12, $0x7;
	s17 =	sand.u32 @!p1 $0xFFFFFC00, s17  }
0x36: {  	s16 =	sadd.s32 @!p1 s16, s17;
	s17 =	sand.u32 @!p1 $0x380, s18  }
0x37: {  	s18 =	sand.u32 @!p1 $0x7F, s11;
	s16 =	sor.u32 @!p1 s17, s16  }
0x38: {  	s17 =	sor.u32 @!p1 s18, s16  }
0x39: {  	s18 =	smulhi.u32 @!p1 $0xAAAAAAAB, s17;
	_ =	sdelay $0x1  }
0x3a: {  	s16 =	smulhi.u32 @!p1 $0xAAAAAAAB, s16;
	s18 =	sshrl.u32 @!p1 s18, $0x8  }
0x3b: {  	s18 =	smul.u32 @!p1 $0x180, s18  }
0x3c: {  	s31 =	sadd.s32 $0xFFFFFFFF, s13;
	s19 =	sxor.u32 @!p1 $0xFFFFFFFF, s13;
	s16 =	sshrl.u32 @!p1 s16, $0x8  }
0x3d: {  	s19 =	sshll.u32 @!p1 s19, $0xE;
	s16 =	sand.u32 @!p1 $0x1FFFF, s16;
	s17 =	ssub.s32 @!p1 s17, s18  }
0x3e: {  	s16 =	smul.u32 @!p1 $0x30, s16;
	s18 =	sshrl.u32 @!p1 s17, $0x3;
	s17 =	sand.u32 @!p1 $0x7, s17  }
0x3f: {  	s19 =	sand.u32 @!p1 $0x4000, s19;
	s18 =	sadd.s32 @!p1 s6, s18;
	s17 =	sshll.u32 @!p1 s17, $0x12  }
0x40: {  	s16 =	sadd.s32 @!p1 s16, s18;
	s17 =	sor.u32 @!p1 $0x400, s17;
	s18 =	simm.s32 @!p1 $0xC00  }
0x41: {  	[tilespmem:s19], [sflag:$0x1] =	stream.strided.gather @!p1 [hbm4b:s16+s17], $0x4000, s18, s17, $0x38;
	[tilespmem:$0x10100] =	vst v63  }
0x42: {  	p1 =	sge.u32 s31, s5  }
.Ltmp2:
0x43: {  	_ = 	snop;
	(pc) =	sbr.rel @p1 .LBB1_5-.Ltmp2, $1  }
0x44: {  	_ =	sdelay $0x3  }
0x45: {  	s16 =	simm.s32 $0x1  }
0x46: {  	_ =	swait.ge [sflag:s4], $0x4000;
	s16 =	simm.s32 @!p0 $0x0  }
0x47: {  	[sflag:s4] =	ssyncset.done $0x0;
	s17 =	sshll.u32 s16, $0xE  }
0x48: {  	[sflag:s4] =	ssyncadd.s32 $0xFFFFC000;
	s17 =	sor.u32 $0x40, s17  }
0x49: {  	s16 =	smul.u32 $0x10200, s16;
	v0 =	vld [tilespmem:s17+$0x30]  }
0x4a: {  	v1 =	vld [tilespmem:s17+$0xFFFFFFD0]  }
0x4b: {  	s16 =	sshrl.u32 s16, $0x2;
	v5 =	vld [tilespmem:s17+$0xFFFFFFE0]  }
0x4c: {  	v6 =	vld [tilespmem:s17+$0xFFFFFFF0];
	s19 =	sor.u32 $0x8000, s16  }
0x4d: {  	s31 =	sand.u32 $0x1, s13;
	v4 =	vld [tilespmem:s17+$0x0];
	s18 =	sadd.s32 $0x0, s19  }
0x4e: {  	v3 =	vld [tilespmem:s17+$0x10];
	s16 =	smul.u32 $0x10200, s31;
	[tilespmem:s18+$0x3870 ss:$0x81] =	vst.msk $0xffff, v0  }
0x4f: {  	v2 =	vld [tilespmem:s17+$0x20];
	[tilespmem:s18+$0x810 ss:$0x81] =	vst.msk $0xffff, v1  }
0x50: {  	s16 =	sshrl.u32 s16, $0x2;
	v1 =	vld [tilespmem:s17+$0xFFFFFFC0];
	[tilespmem:s18+$0x1020 ss:$0x81] =	vst.msk $0xffff, v5;
	s17 =	sadd.s32 $0x80, s17  }
0x51: {  	s20 =	simm.s32 $0x4;
	s21 =	simm.s32 $0x8;
	s16 =	sor.u32 $0x8000, s16;
	[tilespmem:s18+$0x1830 ss:$0x81] =	vst.msk $0xffff, v6;
	v0 =	vld [tilespmem:s17+$0x30]  }
.LBB1_3:
0x52: {  	p1 =	sne.s32 s21, $0x1FC;
	v5 =	vld [tilespmem:s17+$0xFFFFFFD0];
	[tilespmem:s18+$0x2040 ss:$0x81] =	vst.msk $0xffff, v4  }
0x53: {  	v6 =	vld [tilespmem:s17+$0xFFFFFFE0];
	[tilespmem:s18+$0x2850 ss:$0x81] =	vst.msk $0xffff, v3  }
0x54: {  	s22 =	sshra.s32 s20, $0x2;
	s20 =	smov.u32 s21;
	v7 =	vld [tilespmem:s17+$0xFFFFFFF0];
	[tilespmem:s18+$0x3060 ss:$0x81] =	vst.msk $0xffff, v2  }
.Ltmp3:
0x55: {  	v4 =	vld [tilespmem:s17+$0x0];
	[tilespmem:s18+$0x0 ss:$0x81] =	vst.msk $0xffff, v1;
	s18 =	sadd.s32 s22, s19;
	(pc) =	sbr.rel @p1 .LBB1_3-.Ltmp3, $4  }
0x56: {  	v3 =	vld [tilespmem:s17+$0x10];
	[tilespmem:s18+$0x3870 ss:$0x81] =	vst.msk $0xffff, v0  }
0x57: {  	[tilespmem:s18+$0x810 ss:$0x81] =	vst.msk $0xffff, v5;
	v2 =	vld [tilespmem:s17+$0x20]  }
0x58: {  	v1 =	vld [tilespmem:s17+$0xFFFFFFC0];
	[tilespmem:s18+$0x1020 ss:$0x81] =	vst.msk $0xffff, v6;
	s17 =	sadd.s32 $0x80, s17  }
0x59: {  	s21 =	sadd.s32 $0x4, s21;
	v0 =	vld [tilespmem:s17+$0x30];
	[tilespmem:s18+$0x1830 ss:$0x81] =	vst.msk $0xffff, v7  }
.Ltmp4:
0x5a: {  	_ = 	snop;
	(pc) =	sbr.rel .LBB1_4-.Ltmp4, $1  }
0x5b: {  	_ =	sdelay $0x3  }
.LBB1_6:
0x5c: {  	_ =	sfence.sel $0x180000  }
0x5d: {  	s2 =	simm.s32 $0x1;
	[bflag:$0x0] =	sbarrier.arrive $0xFFFF  }
0x5e: {  	s31 =	simm.s32 $0x2;
	[sflag:s2] =	ssyncpa.u1 $0x1  }
0x5f: {  	[sflag:s31] =	ssyncpa.u1 $0x1  }
0x60: {  	p0 =	sne.s32 s0, $0x0;
	_ =	strace $0x9000004D  }
0x61: {  	s0 =	sadd.s32 @!p0 $0x100000, s1;
	[bflag:$0x2] =	sbarrier.arrive $0xFFFF  }
0x62: {  	[sflag:s0] =	ssyncadd.tile.s32 @!p0 $0x1;
	_ =	shalt  }
.Lfunc_end1:
_tile_overlayer_lowered:
.L_overlay_start_2:
0x63: {  	(tag) =	ssettag $0x2  }
0x64: {  	s0 =	rddreg [dreg:$0x0];
	s2 =	stileid.u32  }
0x65: {  	s1 =	rddreg [dreg:$0x1];
	p0 =	sne.s32 s2, $0x0  }
0x66: {  	s3 =	rddreg [dreg:$0x2];
	[bflag:$0x3] =	sbarrier.arrive $0xFFFF;
	s2 =	simm.s32 @!p0 $0x1C01  }
0x67: {  	[timem:s3], [sflag:s2] =	dma.local @!p0 [hbm:s0], s1  }
0x68: {  	s0 =	simm.s32 @!p0 $0x1  }
0x69: {  	_ =	swait.ge @!p0 [sflag:s0], s1  }
0x6a: {  	s1 =	ssub.s32 @!p0 $0x0, s1;
	[sflag:s0] =	ssyncset.done @!p0 $0x0  }
0x6b: {  	[sflag:s0] =	ssyncadd.s32 @!p0 s1  }
0x6c: {  	[bflag:$0x3] =	sbarrier.arrive $0xFFFF  }
0x6d: {  	_ =	shalt  }

</sc_bundles>
